<compile_context>
chip_gen: v7x
topology: tpu7x:2x2x1
jax: 0.10.2.dev20260603
libtpu: 0.0.44.dev20260713+nightly
codegen_flags: <defaults>
</compile_context>

<pallas_src>
import jax
import jax.numpy as jnp
import numpy as np
from jax import lax
from jax.experimental import pallas as pl
from jax.experimental.pallas import tpu as pltpu
from jax.experimental.pallas import tpu_sc as plsc

N = 10000
E = 320000
D_IN = 128
H2 = 256
HID = 128
PROJ = 64

NC = 2
NT = 16
BLK = 128
NBLK = 2592
EP = NBLK * BLK
NPAD = 10016
RPT = NPAD // NT

_mesh = plsc.VectorSubcoreMesh(core_axis_name="c", subcore_axis_name="s")
_sc_params = pltpu.CompilerParams(use_tc_tiling_on_sc=False)
_sc_params_nl = pltpu.CompilerParams(use_tc_tiling_on_sc=False,
                                     needs_layout_passes=False)



def _deg_body(dstidx, ones_hbm, zeros_hbm, out, dstbuf, onesv, acc, _):
    c = lax.axis_index("c")
    s = lax.axis_index("s")
    pltpu.sync_copy(zeros_hbm, acc.at[pl.ds(s * RPT, RPT)])
    pltpu.sync_copy(ones_hbm, onesv)
    blocks = NBLK // (NC * NT)
    base = c * (NBLK // NC) + s * blocks
    pltpu.sync_copy(dstidx.at[pl.ds(base, blocks)], dstbuf)
    plsc.subcore_barrier()

    def body(j, carry):
        pltpu.sync_copy(onesv, acc.at[dstbuf.at[j]], add=True)
        return carry

    lax.fori_loop(0, blocks, body, 0)
    plsc.subcore_barrier()
    pltpu.sync_copy(acc.at[pl.ds(s * RPT, RPT)], out.at[c, pl.ds(s * RPT, RPT)])


_deg_kernel = pl.kernel(
    _deg_body,
    out_type=jax.ShapeDtypeStruct((NC, NPAD, 16), jnp.float32),
    mesh=_mesh,
    scratch_types=[
        pltpu.VMEM((NBLK // (NC * NT), BLK), jnp.int32),
        pltpu.VMEM((BLK, 16), jnp.float32),
        pltpu.VMEM_SHARED((NPAD, 16), jnp.float32),
        pltpu.SemaphoreType.DMA,
    ],
    compiler_params=_sc_params,
)


CHUNK = 18


def _make_edge_scatter(d_half):
    d_words = d_half // 2
    groups = d_half // 32

    def body(y, srcidx, dstidx, zeros_hbm, out,
             srcbuf, dstbuf, gbuf, sbufa, sbufb, acc, gs, ssa, ssb):
        c = lax.axis_index("c")
        s = lax.axis_index("s")
        pltpu.sync_copy(zeros_hbm, acc.at[pl.ds(s * RPT, RPT)])
        blocks = NBLK // NT
        base = s * blocks
        plsc.subcore_barrier()

        mask = jnp.int32(-65536)

        def unpack_block(sbuf):
            def rows(rr, carry):
                for u in range(8):
                    r = rr * 8 + u
                    for g in range(groups):
                        w = gbuf[r, pl.ds(g * 16, 16)]
                        lo = plsc.bitcast(w << 16, jnp.float32)
                        hi = plsc.bitcast(w & mask, jnp.float32)
                        sbuf[r, pl.ds(32 * g, 16)] = lo
                        sbuf[r, pl.ds(32 * g + 16, 16)] = hi
                return carry

            lax.fori_loop(0, BLK // 8, rows, 0)

        def outer(ci, carry):
            pltpu.sync_copy(srcidx.at[c, pl.ds(base + ci * CHUNK, CHUNK)], srcbuf)
            pltpu.sync_copy(dstidx.at[pl.ds(base + ci * CHUNK, CHUNK)], dstbuf)
            pltpu.async_copy(y.at[srcbuf.at[0]], gbuf, gs)

            def inner(jj, carry2):
                j0 = jj * 2
                j1 = j0 + 1
                pltpu.make_async_copy(y.at[srcbuf.at[j0]], gbuf, gs).wait()

                @pl.when(jj > 0)
                def _():
                    pltpu.make_async_copy(sbufa, acc.at[dstbuf.at[j0]], ssa).wait()

                unpack_block(sbufa)
                pltpu.async_copy(y.at[srcbuf.at[j1]], gbuf, gs)
                pltpu.async_copy(sbufa, acc.at[dstbuf.at[j0]], ssa, add=True)
                pltpu.make_async_copy(y.at[srcbuf.at[j1]], gbuf, gs).wait()

                @pl.when(jj > 0)
                def _():
                    pltpu.make_async_copy(sbufb, acc.at[dstbuf.at[j1]], ssb).wait()

                unpack_block(sbufb)

                @pl.when(jj < CHUNK // 2 - 1)
                def _():
                    pltpu.async_copy(y.at[srcbuf.at[j0 + 2]], gbuf, gs)

                pltpu.async_copy(sbufb, acc.at[dstbuf.at[j1]], ssb, add=True)
                return carry2

            lax.fori_loop(0, CHUNK // 2, inner, 0)
            pltpu.make_async_copy(sbufa, acc.at[dstbuf.at[CHUNK - 2]], ssa).wait()
            pltpu.make_async_copy(sbufb, acc.at[dstbuf.at[CHUNK - 1]], ssb).wait()
            return carry

        lax.fori_loop(0, blocks // CHUNK, outer, 0)
        plsc.subcore_barrier()
        pltpu.sync_copy(acc.at[pl.ds(s * RPT, RPT)], out.at[c, pl.ds(s * RPT, RPT)])

    return pl.kernel(
        body,
        out_type=jax.ShapeDtypeStruct((NC, NPAD, d_half), jnp.float32),
        mesh=_mesh,
        scratch_types=[
            pltpu.VMEM((CHUNK, BLK), jnp.int32),
            pltpu.VMEM((CHUNK, BLK), jnp.int32),
            pltpu.VMEM((BLK, d_words), jnp.int32),
            pltpu.VMEM((BLK, d_half), jnp.float32),
            pltpu.VMEM((BLK, d_half), jnp.float32),
            pltpu.VMEM_SHARED((NPAD, d_half), jnp.float32),
            pltpu.SemaphoreType.DMA,
            pltpu.SemaphoreType.DMA,
            pltpu.SemaphoreType.DMA,
        ],
        compiler_params=_sc_params_nl,
    )


_edge_scatter128 = _make_edge_scatter(128)
_edge_scatter64 = _make_edge_scatter(64)



def _dis(degp_ref):
    deg = degp_ref[0, :N, :] + degp_ref[1, :N, :]
    return lax.rsqrt(jnp.maximum(deg[:, 0:1], 1.0))


def _tc0_body(x_ref, w0_ref, degp_ref, out_ref):
    dis = _dis(degp_ref)
    y = jnp.dot(x_ref[...], w0_ref[...], preferred_element_type=jnp.float32) * dis
    out_ref[0, :, :] = y[:, : H2 // 2].astype(jnp.bfloat16)
    out_ref[1, :, :] = y[:, H2 // 2 :].astype(jnp.bfloat16)


_tc0 = pl.pallas_call(
    _tc0_body,
    out_shape=jax.ShapeDtypeStruct((2, N, H2 // 2), jnp.bfloat16),
)


def _make_tc_mid(din, dout):
    dh = din // 2

    def body(acc_ref, degp_ref, b_ref, w_ref, out_ref):
        dis = _dis(degp_ref)
        hl = jnp.maximum(acc_ref[0, :N, :] * dis + b_ref[:dh], 0.0)
        hr = jnp.maximum(acc_ref[1, :N, :] * dis + b_ref[dh:], 0.0)
        y = (jnp.dot(hl, w_ref[:dh, :], preferred_element_type=jnp.float32)
             + jnp.dot(hr, w_ref[dh:, :], preferred_element_type=jnp.float32)) * dis
        out_ref[0, :, :] = y[:, : dout // 2].astype(jnp.bfloat16)
        out_ref[1, :, :] = y[:, dout // 2 :].astype(jnp.bfloat16)

    return pl.pallas_call(
        body,
        out_shape=jax.ShapeDtypeStruct((2, N, dout // 2), jnp.bfloat16),
    )


_tc1 = _make_tc_mid(H2, H2)
_tc2 = _make_tc_mid(H2, HID)


def _tc3_body(acc_ref, degp_ref, b2_ref, wp_ref, bp_ref, out_ref):
    dis = _dis(degp_ref)
    dh = HID // 2
    hl = jnp.maximum(acc_ref[0, :N, :] * dis + b2_ref[:dh], 0.0)
    hr = jnp.maximum(acc_ref[1, :N, :] * dis + b2_ref[dh:], 0.0)
    p = jnp.maximum(
        jnp.dot(hl, wp_ref[:dh, :], preferred_element_type=jnp.float32)
        + jnp.dot(hr, wp_ref[dh:, :], preferred_element_type=jnp.float32)
        + bp_ref[...], 0.0)
    nrm = jnp.sqrt(jnp.sum(p * p, axis=1, keepdims=True))
    out_ref[...] = p / jnp.maximum(nrm, 1e-12)


_tc3 = pl.pallas_call(
    _tc3_body,
    out_shape=jax.ShapeDtypeStruct((N, PROJ), jnp.float32),
)



_PERM128 = np.array([32 * g + 2 * k + h
                     for g in range(4) for h in (0, 1) for k in range(16)])
_PERM64 = np.array([32 * g + 2 * k + h
                    for g in range(2) for h in (0, 1) for k in range(16)])


def _i32_view(y, dh):
    return lax.bitcast_convert_type(y.reshape(2 * N, dh // 2, 2), jnp.int32)


def kernel(x, edge_index1, W0, b0, W1, b1, W2, b2, Wp, bp):
    loop = jnp.arange(N, dtype=jnp.int32)
    npad_e = EP - E - N
    src = jnp.concatenate(
        [edge_index1[0].astype(jnp.int32), loop, jnp.zeros((npad_e,), jnp.int32)])
    dst = jnp.concatenate(
        [edge_index1[1].astype(jnp.int32), loop, jnp.full((npad_e,), N, jnp.int32)])
    srcb = src.reshape(NBLK, BLK)
    srcidx = jnp.stack([srcb, srcb + N])
    dstidx = dst.reshape(NBLK, BLK)
    ones16 = jnp.ones((BLK, 16), jnp.float32)
    z16 = jnp.zeros((RPT, 16), jnp.float32)
    z128 = jnp.zeros((RPT, 128), jnp.float32)
    z64 = jnp.zeros((RPT, 64), jnp.float32)

    b0p = jnp.concatenate([b0[_PERM128], b0[128 + _PERM128]])
    W1p = jnp.concatenate([W1[_PERM128], W1[128 + _PERM128]], axis=0)
    b1p = jnp.concatenate([b1[_PERM128], b1[128 + _PERM128]])
    W2p = jnp.concatenate([W2[_PERM128], W2[128 + _PERM128]], axis=0)
    b2p = jnp.concatenate([b2[_PERM64], b2[64 + _PERM64]])
    Wpp = jnp.concatenate([Wp[_PERM64], Wp[64 + _PERM64]], axis=0)

    degp = _deg_kernel(dstidx, ones16, z16)
    y0 = _tc0(x, W0, degp)
    acc1 = _edge_scatter128(_i32_view(y0, 128), srcidx, dstidx, z128)
    y1 = _tc1(acc1, degp, b0p, W1p)
    acc2 = _edge_scatter128(_i32_view(y1, 128), srcidx, dstidx, z128)
    y2 = _tc2(acc2, degp, b1p, W2p)
    acc3 = _edge_scatter64(_i32_view(y2, 64), srcidx, dstidx, z64)
    return _tc3(acc3, degp, b2p, Wpp, bp)

# --- scband reference (transcript-rebuilt; emitter-appended) ---
"""Pipeline reference for scband-sup-cg-3118146257545 (READ-ONLY COPY).

The authoritative reference and input builder live on the scoring server;
editing this copy changes nothing except your own understanding.
"""

import jax, jax.numpy as jnp
import numpy as np

N = 10000
E = 320000
D_IN = 128
H2 = 256
HID = 128
PROJ = 64


def setup_inputs(seed: int = 0) -> dict:
    key = jax.random.key(seed)
    ks = jax.random.split(key, 12)
    x = jax.random.normal(ks[0], (N, D_IN), dtype=jnp.float32)
    edge_index1 = jax.random.randint(ks[1], (2, E), 0, N, dtype=jnp.int32)
    W0 = jax.random.normal(ks[2], (D_IN, H2), dtype=jnp.float32) * 0.05
    b0 = jnp.zeros((H2,), dtype=jnp.float32)
    W1 = jax.random.normal(ks[3], (H2, H2), dtype=jnp.float32) * 0.05
    b1 = jnp.zeros((H2,), dtype=jnp.float32)
    W2 = jax.random.normal(ks[4], (H2, HID), dtype=jnp.float32) * 0.05
    b2 = jnp.zeros((HID,), dtype=jnp.float32)
    Wp = jax.random.normal(ks[5], (HID, PROJ), dtype=jnp.float32) * 0.05
    bp = jnp.zeros((PROJ,), dtype=jnp.float32)
    return {"x": x, "edge_index1": edge_index1, "W0": W0, "b0": b0, "W1": W1, "b1": b1, "W2": W2, "b2": b2, "Wp": Wp, "bp": bp}


def _gcn_conv(x, src, dst, W, b):
    # PyG GCNConv: x' = D^{-1/2} (A + I) D^{-1/2} X W + b  (self-loops already in src/dst)
    x = x @ W
    deg = jnp.zeros((N,), x.dtype).at[dst].add(1.0)
    dis = 1.0 / jnp.sqrt(jnp.maximum(deg, 1.0))
    norm = dis[src] * dis[dst]
    msg = x[src] * norm[:, None]
    out = jnp.zeros((N, x.shape[1]), x.dtype).at[dst].add(msg)
    return out + b


def reference(x, edge_index1, W0, b0, W1, b1, W2, b2, Wp, bp):
    loop = jnp.arange(N, dtype=edge_index1.dtype)
    src = jnp.concatenate([edge_index1[0], loop])
    dst = jnp.concatenate([edge_index1[1], loop])
    # GCN_Encoder.embed: num_layers GCNConv, each followed by ReLU (no dropout in embed)
    h = jax.nn.relu(_gcn_conv(x, src, dst, W0, b0))
    h = jax.nn.relu(_gcn_conv(h, src, dst, W1, b1))
    h = jax.nn.relu(_gcn_conv(h, src, dst, W2, b2))
    # Projection_Head (type='Linear'): single Linear + ReLU
    p = jax.nn.relu(h @ Wp + bp)
    # F.normalize(dim=1)
    nrm = jnp.linalg.norm(p, axis=1, keepdims=True)
    return p / jnp.maximum(nrm, 1e-12)

if __name__ == "__main__":
    import jax
    _d = setup_inputs()
    print(jax.jit(kernel)(*tuple(_d.values())))

</pallas_src>

<mosaic_0001>
#map = affine_map<(d0, d1) -> (0, 0)>
#map1 = affine_map<(d0, d1) -> (0, 0, 0)>
module attributes {stable_mosaic.version = 14 : i64} {
  func.func @_deg_body(%arg0: i32, %arg1: i32, %arg2: memref<2592x128xi32, #tpu.memory_space<hbm>>, %arg3: memref<128x16xf32, #tpu.memory_space<hbm>>, %arg4: memref<626x16xf32, #tpu.memory_space<hbm>>, %arg5: memref<2x10016x16xf32, #tpu.memory_space<hbm>>, %arg6: memref<81x128xi32, #tpu.memory_space<vmem>>, %arg7: memref<128x16xf32, #tpu.memory_space<vmem>>, %arg8: memref<10016x16xf32, #tpu.memory_space<vmem_shared>>, %arg9: memref<!tpu.dma_semaphore, #tpu.memory_space<semaphore_mem>>) attributes {dimension_semantics = [#tpu.dimension_semantics<core_parallel>, #tpu.dimension_semantics<subcore_parallel>], iteration_bounds = array<i64: 2, 16>, scalar_prefetch = 0 : i64, scratch_operands = 4 : i64, tpu.core_type = #tpu.core_type<sc_vector_subcore>, window_params = [{transform_indices = #map}, {transform_indices = #map}, {transform_indices = #map}, {transform_indices = #map1}]} {
    %mul3A = arith.constant 626 : i32
    %mul3A_0 = arith.muli %arg1, %mul3A : i32
    "tpu.region"() ({
      %run_scoped3A = tpu.sem_alloc : memref<!tpu.dma_semaphore, #tpu.memory_space<semaphore_mem>>
      %dma_start3A = arith.constant 0 : i32
      %dma_start3A_15 = tpu.memref_slice %arg8[%mul3A_0, %dma_start3A] : memref<10016x16xf32, #tpu.memory_space<vmem_shared>> -> memref<626x16xf32, #tpu.memory_space<vmem_shared>>
      tpu.enqueue_dma source(%arg4 : memref<626x16xf32, #tpu.memory_space<hbm>>) target(%dma_start3A_15 : memref<626x16xf32, #tpu.memory_space<vmem_shared>>) target_semaphore(%run_scoped3A : memref<!tpu.dma_semaphore, #tpu.memory_space<semaphore_mem>>)
      %dma_wait3A = arith.constant 0 : i32
      %dma_wait3A_16 = tpu.memref_slice %arg8[%mul3A_0, %dma_wait3A] : memref<10016x16xf32, #tpu.memory_space<vmem_shared>> -> memref<626x16xf32, #tpu.memory_space<vmem_shared>>
      tpu.wait_dma2 semaphore(%run_scoped3A : memref<!tpu.dma_semaphore, #tpu.memory_space<semaphore_mem>>) src(%arg4 : memref<626x16xf32, #tpu.memory_space<hbm>>) dst(%dma_wait3A_16 : memref<626x16xf32, #tpu.memory_space<vmem_shared>>)
      tpu.yield
    }) : () -> ()
    "tpu.region"() ({
      %run_scoped3A = tpu.sem_alloc : memref<!tpu.dma_semaphore, #tpu.memory_space<semaphore_mem>>
      tpu.enqueue_dma source(%arg3 : memref<128x16xf32, #tpu.memory_space<hbm>>) target(%arg7 : memref<128x16xf32, #tpu.memory_space<vmem>>) target_semaphore(%run_scoped3A : memref<!tpu.dma_semaphore, #tpu.memory_space<semaphore_mem>>)
      tpu.wait_dma2 semaphore(%run_scoped3A : memref<!tpu.dma_semaphore, #tpu.memory_space<semaphore_mem>>) src(%arg3 : memref<128x16xf32, #tpu.memory_space<hbm>>) dst(%arg7 : memref<128x16xf32, #tpu.memory_space<vmem>>)
      tpu.yield
    }) : () -> ()
    %mul3A_1 = arith.constant 1296 : i32
    %mul3A_2 = arith.muli %arg0, %mul3A_1 : i32
    %mul3A_3 = arith.constant 81 : i32
    %mul3A_4 = arith.muli %arg1, %mul3A_3 : i32
    %add3A = arith.addi %mul3A_2, %mul3A_4 : i32
    "tpu.region"() ({
      %run_scoped3A = tpu.sem_alloc : memref<!tpu.dma_semaphore, #tpu.memory_space<semaphore_mem>>
      %dma_start3A = arith.constant 0 : i32
      %dma_start3A_15 = tpu.memref_slice %arg2[%add3A, %dma_start3A] : memref<2592x128xi32, #tpu.memory_space<hbm>> -> memref<81x128xi32, #tpu.memory_space<hbm>>
      %dma_start3A_16 = arith.constant 0 : i32
      %dma_start3A_17 = tpu.memref_slice %arg2[%add3A, %dma_start3A_16] : memref<2592x128xi32, #tpu.memory_space<hbm>> -> memref<81x128xi32, #tpu.memory_space<hbm>>
      tpu.enqueue_dma source(%dma_start3A_17 : memref<81x128xi32, #tpu.memory_space<hbm>>) target(%arg6 : memref<81x128xi32, #tpu.memory_space<vmem>>) target_semaphore(%run_scoped3A : memref<!tpu.dma_semaphore, #tpu.memory_space<semaphore_mem>>)
      %dma_wait3A = arith.constant 0 : i32
      %dma_wait3A_18 = tpu.memref_slice %arg2[%add3A, %dma_wait3A] : memref<2592x128xi32, #tpu.memory_space<hbm>> -> memref<81x128xi32, #tpu.memory_space<hbm>>
      %dma_wait3A_19 = arith.constant 0 : i32
      %dma_wait3A_20 = tpu.memref_slice %arg2[%add3A, %dma_wait3A_19] : memref<2592x128xi32, #tpu.memory_space<hbm>> -> memref<81x128xi32, #tpu.memory_space<hbm>>
      tpu.wait_dma2 semaphore(%run_scoped3A : memref<!tpu.dma_semaphore, #tpu.memory_space<semaphore_mem>>) src(%dma_wait3A_20 : memref<81x128xi32, #tpu.memory_space<hbm>>) dst(%arg6 : memref<81x128xi32, #tpu.memory_space<vmem>>)
      tpu.yield
    }) : () -> ()
    %barrier3A = arith.constant 0 : index
    tpu.barrier barrier_id(%barrier3A)
    %scan3A = arith.constant 0 : i32
    %scan3A_5 = arith.constant 0 : i32
    %scan3A_6 = arith.constant 81 : i32
    %scan3A_7 = arith.addi %scan3A_5, %scan3A_6 : i32
    %scan3A_8 = arith.constant 1 : i32
    scf.for %scan3A_15 = %scan3A_5 to %scan3A_7 step %scan3A_8  : i32 {
      "tpu.region"() ({
        %run_scoped3A = tpu.sem_alloc : memref<!tpu.dma_semaphore, #tpu.memory_space<semaphore_mem>>
        %dma_start3A = arith.constant 0 : i32
        %dma_start3A_16 = tpu.memref_slice %arg6[%scan3A_15, %dma_start3A] : memref<81x128xi32, #tpu.memory_space<vmem>> -> memref<1x128xi32, #tpu.memory_space<vmem>>
        %dma_start3A_17 = tpu.memref_squeeze %dma_start3A_16 : memref<1x128xi32, #tpu.memory_space<vmem>> -> memref<128xi32, #tpu.memory_space<vmem>>
        %dma_start3A_18 = arith.constant 0 : i32
        %dma_start3A_19 = arith.constant 0 : i32
        %dma_start3A_20 = tpu.memref_slice %arg8[%dma_start3A_18, %dma_start3A_19] : memref<10016x16xf32, #tpu.memory_space<vmem_shared>> -> memref<10016x16xf32, #tpu.memory_space<vmem_shared>>
        tpu.enqueue_indirect_dma source(%arg7 : memref<128x16xf32, #tpu.memory_space<vmem>>) target(%dma_start3A_20 : memref<10016x16xf32, #tpu.memory_space<vmem_shared>>) offsets(%dma_start3A_17 : memref<128xi32, #tpu.memory_space<vmem>>) semaphore(%run_scoped3A : memref<!tpu.dma_semaphore, #tpu.memory_space<semaphore_mem>>) {add = true}
        %dma_wait3A = arith.constant 0 : i32
        %dma_wait3A_21 = tpu.memref_slice %arg6[%scan3A_15, %dma_wait3A] : memref<81x128xi32, #tpu.memory_space<vmem>> -> memref<1x128xi32, #tpu.memory_space<vmem>>
        %dma_wait3A_22 = tpu.memref_squeeze %dma_wait3A_21 : memref<1x128xi32, #tpu.memory_space<vmem>> -> memref<128xi32, #tpu.memory_space<vmem>>
        %dma_wait3A_23 = arith.constant 0 : i32
        %dma_wait3A_24 = arith.constant 0 : i32
        %dma_wait3A_25 = tpu.memref_slice %arg8[%dma_wait3A_23, %dma_wait3A_24] : memref<10016x16xf32, #tpu.memory_space<vmem_shared>> -> memref<10016x16xf32, #tpu.memory_space<vmem_shared>>
        tpu.wait_indirect_dma semaphore(%run_scoped3A : memref<!tpu.dma_semaphore, #tpu.memory_space<semaphore_mem>>) src(%arg7 : memref<128x16xf32, #tpu.memory_space<vmem>>) dst(%dma_wait3A_25 : memref<10016x16xf32, #tpu.memory_space<vmem_shared>>)
        tpu.yield
      }) : () -> ()
    }
    %scan3A_9 = arith.constant 81 : i32
    %barrier3A_10 = arith.constant 0 : index
    tpu.barrier barrier_id(%barrier3A_10)
    %mul3A_11 = arith.constant 626 : i32
    %mul3A_12 = arith.muli %arg1, %mul3A_11 : i32
    %mul3A_13 = arith.constant 626 : i32
    %mul3A_14 = arith.muli %arg1, %mul3A_13 : i32
    "tpu.region"() ({
      %run_scoped3A = tpu.sem_alloc : memref<!tpu.dma_semaphore, #tpu.memory_space<semaphore_mem>>
      %dma_start3A = arith.constant 0 : i32
      %dma_start3A_15 = tpu.memref_slice %arg5[%arg0, %mul3A_14, %dma_start3A] : memref<2x10016x16xf32, #tpu.memory_space<hbm>> -> memref<1x626x16xf32, #tpu.memory_space<hbm>>
      %dma_start3A_16 = tpu.memref_squeeze %dma_start3A_15 : memref<1x626x16xf32, #tpu.memory_space<hbm>> -> memref<626x16xf32, #tpu.memory_space<hbm>>
      %dma_start3A_17 = arith.constant 0 : i32
      %dma_start3A_18 = tpu.memref_slice %arg8[%mul3A_12, %dma_start3A_17] : memref<10016x16xf32, #tpu.memory_space<vmem_shared>> -> memref<626x16xf32, #tpu.memory_space<vmem_shared>>
      tpu.enqueue_dma source(%dma_start3A_18 : memref<626x16xf32, #tpu.memory_space<vmem_shared>>) target(%dma_start3A_16 : memref<626x16xf32, #tpu.memory_space<hbm>>) target_semaphore(%run_scoped3A : memref<!tpu.dma_semaphore, #tpu.memory_space<semaphore_mem>>)
      %dma_wait3A = arith.constant 0 : i32
      %dma_wait3A_19 = tpu.memref_slice %arg5[%arg0, %mul3A_14, %dma_wait3A] : memref<2x10016x16xf32, #tpu.memory_space<hbm>> -> memref<1x626x16xf32, #tpu.memory_space<hbm>>
      %dma_wait3A_20 = tpu.memref_squeeze %dma_wait3A_19 : memref<1x626x16xf32, #tpu.memory_space<hbm>> -> memref<626x16xf32, #tpu.memory_space<hbm>>
      %dma_wait3A_21 = arith.constant 0 : i32
      %dma_wait3A_22 = tpu.memref_slice %arg8[%mul3A_12, %dma_wait3A_21] : memref<10016x16xf32, #tpu.memory_space<vmem_shared>> -> memref<626x16xf32, #tpu.memory_space<vmem_shared>>
      tpu.wait_dma2 semaphore(%run_scoped3A : memref<!tpu.dma_semaphore, #tpu.memory_space<semaphore_mem>>) src(%dma_wait3A_22 : memref<626x16xf32, #tpu.memory_space<vmem_shared>>) dst(%dma_wait3A_20 : memref<626x16xf32, #tpu.memory_space<hbm>>)
      tpu.yield
    }) : () -> ()
    return
  }
}

#map = affine_map<(d0, d1) -> (0, 0)>
#map1 = affine_map<(d0, d1) -> (0, 0, 0)>
module attributes {stable_mosaic.version = 14 : i64} {
  func.func @body(%arg0: i32, %arg1: i32, %arg2: memref<20000x32xi32, #tpu.memory_space<hbm>>, %arg3: memref<2x2592x128xi32, #tpu.memory_space<hbm>>, %arg4: memref<2592x128xi32, #tpu.memory_space<hbm>>, %arg5: memref<626x64xf32, #tpu.memory_space<hbm>>, %arg6: memref<2x10016x64xf32, #tpu.memory_space<hbm>>, %arg7: memref<18x128xi32, #tpu.memory_space<vmem>>, %arg8: memref<18x128xi32, #tpu.memory_space<vmem>>, %arg9: memref<128x32xi32, #tpu.memory_space<vmem>>, %arg10: memref<128x64xf32, #tpu.memory_space<vmem>>, %arg11: memref<128x64xf32, #tpu.memory_space<vmem>>, %arg12: memref<10016x64xf32, #tpu.memory_space<vmem_shared>>, %arg13: memref<!tpu.dma_semaphore, #tpu.memory_space<semaphore_mem>>, %arg14: memref<!tpu.dma_semaphore, #tpu.memory_space<semaphore_mem>>, %arg15: memref<!tpu.dma_semaphore, #tpu.memory_space<semaphore_mem>>) attributes {dimension_semantics = [#tpu.dimension_semantics<core_parallel>, #tpu.dimension_semantics<subcore_parallel>], iteration_bounds = array<i64: 2, 16>, scalar_prefetch = 0 : i64, scratch_operands = 9 : i64, tpu.core_type = #tpu.core_type<sc_vector_subcore>, window_params = [{transform_indices = #map}, {transform_indices = #map1}, {transform_indices = #map}, {transform_indices = #map}, {transform_indices = #map1}]} {
    %mul3A = arith.constant 626 : i32
    %mul3A_0 = arith.muli %arg1, %mul3A : i32
    "tpu.region"() ({
      %run_scoped3A = tpu.sem_alloc : memref<!tpu.dma_semaphore, #tpu.memory_space<semaphore_mem>>
      %dma_start3A = arith.constant 0 : i32
      %dma_start3A_14 = tpu.memref_slice %arg12[%mul3A_0, %dma_start3A] : memref<10016x64xf32, #tpu.memory_space<vmem_shared>> -> memref<626x64xf32, #tpu.memory_space<vmem_shared>>
      tpu.enqueue_dma source(%arg5 : memref<626x64xf32, #tpu.memory_space<hbm>>) target(%dma_start3A_14 : memref<626x64xf32, #tpu.memory_space<vmem_shared>>) target_semaphore(%run_scoped3A : memref<!tpu.dma_semaphore, #tpu.memory_space<semaphore_mem>>)
      %dma_wait3A = arith.constant 0 : i32
      %dma_wait3A_15 = tpu.memref_slice %arg12[%mul3A_0, %dma_wait3A] : memref<10016x64xf32, #tpu.memory_space<vmem_shared>> -> memref<626x64xf32, #tpu.memory_space<vmem_shared>>
      tpu.wait_dma2 semaphore(%run_scoped3A : memref<!tpu.dma_semaphore, #tpu.memory_space<semaphore_mem>>) src(%arg5 : memref<626x64xf32, #tpu.memory_space<hbm>>) dst(%dma_wait3A_15 : memref<626x64xf32, #tpu.memory_space<vmem_shared>>)
      tpu.yield
    }) : () -> ()
    %mul3A_1 = arith.constant 162 : i32
    %mul3A_2 = arith.muli %arg1, %mul3A_1 : i32
    %barrier3A = arith.constant 0 : index
    tpu.barrier barrier_id(%barrier3A)
    %scan3A = arith.constant 0 : i32
    %scan3A_3 = arith.constant -65536 : i32
    %scan3A_4 = arith.constant 0 : i32
    %scan3A_5 = arith.constant 9 : i32
    %scan3A_6 = arith.addi %scan3A_4, %scan3A_5 : i32
    %scan3A_7 = arith.constant 1 : i32
    scf.for %scan3A_14 = %scan3A_4 to %scan3A_6 step %scan3A_7  : i32 {
      %mul3A_15 = arith.constant 18 : i32
      %mul3A_16 = arith.muli %scan3A_14, %mul3A_15 : i32
      %add3A = arith.addi %mul3A_2, %mul3A_16 : i32
      "tpu.region"() ({
        %run_scoped3A = tpu.sem_alloc : memref<!tpu.dma_semaphore, #tpu.memory_space<semaphore_mem>>
        %dma_start3A_45 = arith.constant 0 : i32
        %dma_start3A_46 = tpu.memref_slice %arg3[%arg0, %add3A, %dma_start3A_45] : memref<2x2592x128xi32, #tpu.memory_space<hbm>> -> memref<1x18x128xi32, #tpu.memory_space<hbm>>
        %dma_start3A_47 = tpu.memref_squeeze %dma_start3A_46 : memref<1x18x128xi32, #tpu.memory_space<hbm>> -> memref<18x128xi32, #tpu.memory_space<hbm>>
        %dma_start3A_48 = arith.constant 0 : i32
        %dma_start3A_49 = tpu.memref_slice %arg3[%arg0, %add3A, %dma_start3A_48] : memref<2x2592x128xi32, #tpu.memory_space<hbm>> -> memref<1x18x128xi32, #tpu.memory_space<hbm>>
        %dma_start3A_50 = tpu.memref_squeeze %dma_start3A_49 : memref<1x18x128xi32, #tpu.memory_space<hbm>> -> memref<18x128xi32, #tpu.memory_space<hbm>>
        tpu.enqueue_dma source(%dma_start3A_50 : memref<18x128xi32, #tpu.memory_space<hbm>>) target(%arg7 : memref<18x128xi32, #tpu.memory_space<vmem>>) target_semaphore(%run_scoped3A : memref<!tpu.dma_semaphore, #tpu.memory_space<semaphore_mem>>)
        %dma_wait3A_51 = arith.constant 0 : i32
        %dma_wait3A_52 = tpu.memref_slice %arg3[%arg0, %add3A, %dma_wait3A_51] : memref<2x2592x128xi32, #tpu.memory_space<hbm>> -> memref<1x18x128xi32, #tpu.memory_space<hbm>>
        %dma_wait3A_53 = tpu.memref_squeeze %dma_wait3A_52 : memref<1x18x128xi32, #tpu.memory_space<hbm>> -> memref<18x128xi32, #tpu.memory_space<hbm>>
        %dma_wait3A_54 = arith.constant 0 : i32
        %dma_wait3A_55 = tpu.memref_slice %arg3[%arg0, %add3A, %dma_wait3A_54] : memref<2x2592x128xi32, #tpu.memory_space<hbm>> -> memref<1x18x128xi32, #tpu.memory_space<hbm>>
        %dma_wait3A_56 = tpu.memref_squeeze %dma_wait3A_55 : memref<1x18x128xi32, #tpu.memory_space<hbm>> -> memref<18x128xi32, #tpu.memory_space<hbm>>
        tpu.wait_dma2 semaphore(%run_scoped3A : memref<!tpu.dma_semaphore, #tpu.memory_space<semaphore_mem>>) src(%dma_wait3A_56 : memref<18x128xi32, #tpu.memory_space<hbm>>) dst(%arg7 : memref<18x128xi32, #tpu.memory_space<vmem>>)
        tpu.yield
      }) : () -> ()
      %mul3A_17 = arith.constant 18 : i32
      %mul3A_18 = arith.muli %scan3A_14, %mul3A_17 : i32
      %add3A_19 = arith.addi %mul3A_2, %mul3A_18 : i32
      "tpu.region"() ({
        %run_scoped3A = tpu.sem_alloc : memref<!tpu.dma_semaphore, #tpu.memory_space<semaphore_mem>>
        %dma_start3A_45 = arith.constant 0 : i32
        %dma_start3A_46 = tpu.memref_slice %arg4[%add3A_19, %dma_start3A_45] : memref<2592x128xi32, #tpu.memory_space<hbm>> -> memref<18x128xi32, #tpu.memory_space<hbm>>
        %dma_start3A_47 = arith.constant 0 : i32
        %dma_start3A_48 = tpu.memref_slice %arg4[%add3A_19, %dma_start3A_47] : memref<2592x128xi32, #tpu.memory_space<hbm>> -> memref<18x128xi32, #tpu.memory_space<hbm>>
        tpu.enqueue_dma source(%dma_start3A_48 : memref<18x128xi32, #tpu.memory_space<hbm>>) target(%arg8 : memref<18x128xi32, #tpu.memory_space<vmem>>) target_semaphore(%run_scoped3A : memref<!tpu.dma_semaphore, #tpu.memory_space<semaphore_mem>>)
        %dma_wait3A_49 = arith.constant 0 : i32
        %dma_wait3A_50 = tpu.memref_slice %arg4[%add3A_19, %dma_wait3A_49] : memref<2592x128xi32, #tpu.memory_space<hbm>> -> memref<18x128xi32, #tpu.memory_space<hbm>>
        %dma_wait3A_51 = arith.constant 0 : i32
        %dma_wait3A_52 = tpu.memref_slice %arg4[%add3A_19, %dma_wait3A_51] : memref<2592x128xi32, #tpu.memory_space<hbm>> -> memref<18x128xi32, #tpu.memory_space<hbm>>
        tpu.wait_dma2 semaphore(%run_scoped3A : memref<!tpu.dma_semaphore, #tpu.memory_space<semaphore_mem>>) src(%dma_wait3A_52 : memref<18x128xi32, #tpu.memory_space<hbm>>) dst(%arg8 : memref<18x128xi32, #tpu.memory_space<vmem>>)
        tpu.yield
      }) : () -> ()
      %dma_start3A = arith.constant 0 : i32
      %dma_start3A_20 = arith.constant 0 : i32
      %dma_start3A_21 = tpu.memref_slice %arg7[%dma_start3A, %dma_start3A_20] : memref<18x128xi32, #tpu.memory_space<vmem>> -> memref<1x128xi32, #tpu.memory_space<vmem>>
      %dma_start3A_22 = tpu.memref_squeeze %dma_start3A_21 : memref<1x128xi32, #tpu.memory_space<vmem>> -> memref<128xi32, #tpu.memory_space<vmem>>
      %dma_start3A_23 = arith.constant 0 : i32
      %dma_start3A_24 = arith.constant 0 : i32
      %dma_start3A_25 = tpu.memref_slice %arg2[%dma_start3A_23, %dma_start3A_24] : memref<20000x32xi32, #tpu.memory_space<hbm>> -> memref<20000x32xi32, #tpu.memory_space<hbm>>
      tpu.enqueue_indirect_dma source(%dma_start3A_25 : memref<20000x32xi32, #tpu.memory_space<hbm>>) target(%arg9 : memref<128x32xi32, #tpu.memory_space<vmem>>) offsets(%dma_start3A_22 : memref<128xi32, #tpu.memory_space<vmem>>) semaphore(%arg13 : memref<!tpu.dma_semaphore, #tpu.memory_space<semaphore_mem>>)
      %scan3A_26 = arith.constant 0 : i32
      %scan3A_27 = arith.constant 0 : i32
      %scan3A_28 = arith.constant 9 : i32
      %scan3A_29 = arith.addi %scan3A_27, %scan3A_28 : i32
      %scan3A_30 = arith.constant 1 : i32
      scf.for %scan3A_45 = %scan3A_27 to %scan3A_29 step %scan3A_30  : i32 {
        %mul3A_46 = arith.constant 2 : i32
        %mul3A_47 = arith.muli %scan3A_45, %mul3A_46 : i32
        %add3A_48 = arith.constant 1 : i32
        %add3A_49 = arith.addi %mul3A_47, %add3A_48 : i32
        %dma_wait3A_50 = arith.constant 0 : i32
        %dma_wait3A_51 = tpu.memref_slice %arg7[%mul3A_47, %dma_wait3A_50] : memref<18x128xi32, #tpu.memory_space<vmem>> -> memref<1x128xi32, #tpu.memory_space<vmem>>
        %dma_wait3A_52 = tpu.memref_squeeze %dma_wait3A_51 : memref<1x128xi32, #tpu.memory_space<vmem>> -> memref<128xi32, #tpu.memory_space<vmem>>
        %dma_wait3A_53 = arith.constant 0 : i32
        %dma_wait3A_54 = arith.constant 0 : i32
        %dma_wait3A_55 = tpu.memref_slice %arg2[%dma_wait3A_53, %dma_wait3A_54] : memref<20000x32xi32, #tpu.memory_space<hbm>> -> memref<20000x32xi32, #tpu.memory_space<hbm>>
        tpu.wait_indirect_dma semaphore(%arg13 : memref<!tpu.dma_semaphore, #tpu.memory_space<semaphore_mem>>) src(%dma_wait3A_55 : memref<20000x32xi32, #tpu.memory_space<hbm>>) dst(%arg9 : memref<128x32xi32, #tpu.memory_space<vmem>>)
        %gt3A = arith.constant 0 : i32
        %gt3A_56 = arith.cmpi sgt, %scan3A_45, %gt3A : i32
        %convert_element_type3A = arith.extui %gt3A_56 : i1 to i32
        %cond3A = arith.constant 0 : i32
        %cond3A_57 = arith.cmpi ne, %convert_element_type3A, %cond3A : i32
        scf.if %cond3A_57 {
          %dma_wait3A_103 = arith.constant 0 : i32
          %dma_wait3A_104 = tpu.memref_slice %arg8[%mul3A_47, %dma_wait3A_103] : memref<18x128xi32, #tpu.memory_space<vmem>> -> memref<1x128xi32, #tpu.memory_space<vmem>>
          %dma_wait3A_105 = tpu.memref_squeeze %dma_wait3A_104 : memref<1x128xi32, #tpu.memory_space<vmem>> -> memref<128xi32, #tpu.memory_space<vmem>>
          %dma_wait3A_106 = arith.constant 0 : i32
          %dma_wait3A_107 = arith.constant 0 : i32
          %dma_wait3A_108 = tpu.memref_slice %arg12[%dma_wait3A_106, %dma_wait3A_107] : memref<10016x64xf32, #tpu.memory_space<vmem_shared>> -> memref<10016x64xf32, #tpu.memory_space<vmem_shared>>
          tpu.wait_indirect_dma semaphore(%arg14 : memref<!tpu.dma_semaphore, #tpu.memory_space<semaphore_mem>>) src(%arg10 : memref<128x64xf32, #tpu.memory_space<vmem>>) dst(%dma_wait3A_108 : memref<10016x64xf32, #tpu.memory_space<vmem_shared>>)
        } else {
        }
        %scan3A_58 = arith.constant 0 : i32
        %scan3A_59 = arith.constant 0 : i32
        %scan3A_60 = arith.constant 16 : i32
        %scan3A_61 = arith.addi %scan3A_59, %scan3A_60 : i32
        %scan3A_62 = arith.constant 1 : i32
        scf.for %scan3A_103 = %scan3A_59 to %scan3A_61 step %scan3A_62  : i32 {
          %mul3A_104 = arith.constant 8 : i32
          %mul3A_105 = arith.muli %scan3A_103, %mul3A_104 : i32
          %add3A_106 = arith.constant 0 : i32
          %add3A_107 = arith.addi %mul3A_105, %add3A_106 : i32
          %get3A = arith.index_cast %add3A_107 : i32 to index
          %get3A_108 = arith.constant 0 : index
          %get3A_109 = tpu.vector_load %arg9[%get3A, %get3A_108] {strides = array<i32>} : memref<128x32xi32, #tpu.memory_space<vmem>>, vector<16xi32>,
          %shift_left3A = arith.constant 16 : i32
          %shift_left3A_110 = vector.broadcast %shift_left3A : i32 to vector<16xi32>
          %shift_left3A_111 = arith.shli %get3A_109, %shift_left3A_110 : vector<16xi32>
          %bitcast3A = vector.bitcast %shift_left3A_111 : vector<16xi32> to vector<16xf32>
          %and3A = vector.broadcast %scan3A_3 : i32 to vector<16xi32>
          %and3A_112 = arith.andi %get3A_109, %and3A : vector<16xi32>
          %bitcast3A_113 = vector.bitcast %and3A_112 : vector<16xi32> to vector<16xf32>
          %swap3A = arith.index_cast %add3A_107 : i32 to index
          %swap3A_114 = arith.constant 0 : index
          %swap3A_115 = tpu.vector_load %arg10[%swap3A, %swap3A_114] {strides = array<i32>} : memref<128x64xf32, #tpu.memory_space<vmem>>, vector<16xf32>,
          tpu.vector_store %arg10[%swap3A, %swap3A_114], %bitcast3A {strides = array<i32>} : memref<128x64xf32, #tpu.memory_space<vmem>>, vector<16xf32>,
          %swap3A_116 = arith.index_cast %add3A_107 : i32 to index
          %swap3A_117 = arith.constant 16 : index
          %swap3A_118 = tpu.vector_load %arg10[%swap3A_116, %swap3A_117] {strides = array<i32>} : memref<128x64xf32, #tpu.memory_space<vmem>>, vector<16xf32>,
          tpu.vector_store %arg10[%swap3A_116, %swap3A_117], %bitcast3A_113 {strides = array<i32>} : memref<128x64xf32, #tpu.memory_space<vmem>>, vector<16xf32>,
          %get3A_119 = arith.index_cast %add3A_107 : i32 to index
          %get3A_120 = arith.constant 16 : index
          %get3A_121 = tpu.vector_load %arg9[%get3A_119, %get3A_120] {strides = array<i32>} : memref<128x32xi32, #tpu.memory_space<vmem>>, vector<16xi32>,
          %shift_left3A_122 = arith.constant 16 : i32
          %shift_left3A_123 = vector.broadcast %shift_left3A_122 : i32 to vector<16xi32>
          %shift_left3A_124 = arith.shli %get3A_121, %shift_left3A_123 : vector<16xi32>
          %bitcast3A_125 = vector.bitcast %shift_left3A_124 : vector<16xi32> to vector<16xf32>
          %and3A_126 = vector.broadcast %scan3A_3 : i32 to vector<16xi32>
          %and3A_127 = arith.andi %get3A_121, %and3A_126 : vector<16xi32>
          %bitcast3A_128 = vector.bitcast %and3A_127 : vector<16xi32> to vector<16xf32>
          %swap3A_129 = arith.index_cast %add3A_107 : i32 to index
          %swap3A_130 = arith.constant 32 : index
          %swap3A_131 = tpu.vector_load %arg10[%swap3A_129, %swap3A_130] {strides = array<i32>} : memref<128x64xf32, #tpu.memory_space<vmem>>, vector<16xf32>,
          tpu.vector_store %arg10[%swap3A_129, %swap3A_130], %bitcast3A_125 {strides = array<i32>} : memref<128x64xf32, #tpu.memory_space<vmem>>, vector<16xf32>,
          %swap3A_132 = arith.index_cast %add3A_107 : i32 to index
          %swap3A_133 = arith.constant 48 : index
          %swap3A_134 = tpu.vector_load %arg10[%swap3A_132, %swap3A_133] {strides = array<i32>} : memref<128x64xf32, #tpu.memory_space<vmem>>, vector<16xf32>,
          tpu.vector_store %arg10[%swap3A_132, %swap3A_133], %bitcast3A_128 {strides = array<i32>} : memref<128x64xf32, #tpu.memory_space<vmem>>, vector<16xf32>,
          %mul3A_135 = arith.constant 8 : i32
          %mul3A_136 = arith.muli %scan3A_103, %mul3A_135 : i32
          %add3A_137 = arith.constant 1 : i32
          %add3A_138 = arith.addi %mul3A_136, %add3A_137 : i32
          %get3A_139 = arith.index_cast %add3A_138 : i32 to index
          %get3A_140 = arith.constant 0 : index
          %get3A_141 = tpu.vector_load %arg9[%get3A_139, %get3A_140] {strides = array<i32>} : memref<128x32xi32, #tpu.memory_space<vmem>>, vector<16xi32>,
          %shift_left3A_142 = arith.constant 16 : i32
          %shift_left3A_143 = vector.broadcast %shift_left3A_142 : i32 to vector<16xi32>
          %shift_left3A_144 = arith.shli %get3A_141, %shift_left3A_143 : vector<16xi32>
          %bitcast3A_145 = vector.bitcast %shift_left3A_144 : vector<16xi32> to vector<16xf32>
          %and3A_146 = vector.broadcast %scan3A_3 : i32 to vector<16xi32>
          %and3A_147 = arith.andi %get3A_141, %and3A_146 : vector<16xi32>
          %bitcast3A_148 = vector.bitcast %and3A_147 : vector<16xi32> to vector<16xf32>
          %swap3A_149 = arith.index_cast %add3A_138 : i32 to index
          %swap3A_150 = arith.constant 0 : index
          %swap3A_151 = tpu.vector_load %arg10[%swap3A_149, %swap3A_150] {strides = array<i32>} : memref<128x64xf32, #tpu.memory_space<vmem>>, vector<16xf32>,
          tpu.vector_store %arg10[%swap3A_149, %swap3A_150], %bitcast3A_145 {strides = array<i32>} : memref<128x64xf32, #tpu.memory_space<vmem>>, vector<16xf32>,
          %swap3A_152 = arith.index_cast %add3A_138 : i32 to index
          %swap3A_153 = arith.constant 16 : index
          %swap3A_154 = tpu.vector_load %arg10[%swap3A_152, %swap3A_153] {strides = array<i32>} : memref<128x64xf32, #tpu.memory_space<vmem>>, vector<16xf32>,
          tpu.vector_store %arg10[%swap3A_152, %swap3A_153], %bitcast3A_148 {strides = array<i32>} : memref<128x64xf32, #tpu.memory_space<vmem>>, vector<16xf32>,
          %get3A_155 = arith.index_cast %add3A_138 : i32 to index
          %get3A_156 = arith.constant 16 : index
          %get3A_157 = tpu.vector_load %arg9[%get3A_155, %get3A_156] {strides = array<i32>} : memref<128x32xi32, #tpu.memory_space<vmem>>, vector<16xi32>,
          %shift_left3A_158 = arith.constant 16 : i32
          %shift_left3A_159 = vector.broadcast %shift_left3A_158 : i32 to vector<16xi32>
          %shift_left3A_160 = arith.shli %get3A_157, %shift_left3A_159 : vector<16xi32>
          %bitcast3A_161 = vector.bitcast %shift_left3A_160 : vector<16xi32> to vector<16xf32>
          %and3A_162 = vector.broadcast %scan3A_3 : i32 to vector<16xi32>
          %and3A_163 = arith.andi %get3A_157, %and3A_162 : vector<16xi32>
          %bitcast3A_164 = vector.bitcast %and3A_163 : vector<16xi32> to vector<16xf32>
          %swap3A_165 = arith.index_cast %add3A_138 : i32 to index
          %swap3A_166 = arith.constant 32 : index
          %swap3A_167 = tpu.vector_load %arg10[%swap3A_165, %swap3A_166] {strides = array<i32>} : memref<128x64xf32, #tpu.memory_space<vmem>>, vector<16xf32>,
          tpu.vector_store %arg10[%swap3A_165, %swap3A_166], %bitcast3A_161 {strides = array<i32>} : memref<128x64xf32, #tpu.memory_space<vmem>>, vector<16xf32>,
          %swap3A_168 = arith.index_cast %add3A_138 : i32 to index
          %swap3A_169 = arith.constant 48 : index
          %swap3A_170 = tpu.vector_load %arg10[%swap3A_168, %swap3A_169] {strides = array<i32>} : memref<128x64xf32, #tpu.memory_space<vmem>>, vector<16xf32>,
          tpu.vector_store %arg10[%swap3A_168, %swap3A_169], %bitcast3A_164 {strides = array<i32>} : memref<128x64xf32, #tpu.memory_space<vmem>>, vector<16xf32>,
          %mul3A_171 = arith.constant 8 : i32
          %mul3A_172 = arith.muli %scan3A_103, %mul3A_171 : i32
          %add3A_173 = arith.constant 2 : i32
          %add3A_174 = arith.addi %mul3A_172, %add3A_173 : i32
          %get3A_175 = arith.index_cast %add3A_174 : i32 to index
          %get3A_176 = arith.constant 0 : index
          %get3A_177 = tpu.vector_load %arg9[%get3A_175, %get3A_176] {strides = array<i32>} : memref<128x32xi32, #tpu.memory_space<vmem>>, vector<16xi32>,
          %shift_left3A_178 = arith.constant 16 : i32
          %shift_left3A_179 = vector.broadcast %shift_left3A_178 : i32 to vector<16xi32>
          %shift_left3A_180 = arith.shli %get3A_177, %shift_left3A_179 : vector<16xi32>
          %bitcast3A_181 = vector.bitcast %shift_left3A_180 : vector<16xi32> to vector<16xf32>
          %and3A_182 = vector.broadcast %scan3A_3 : i32 to vector<16xi32>
          %and3A_183 = arith.andi %get3A_177, %and3A_182 : vector<16xi32>
          %bitcast3A_184 = vector.bitcast %and3A_183 : vector<16xi32> to vector<16xf32>
          %swap3A_185 = arith.index_cast %add3A_174 : i32 to index
          %swap3A_186 = arith.constant 0 : index
          %swap3A_187 = tpu.vector_load %arg10[%swap3A_185, %swap3A_186] {strides = array<i32>} : memref<128x64xf32, #tpu.memory_space<vmem>>, vector<16xf32>,
          tpu.vector_store %arg10[%swap3A_185, %swap3A_186], %bitcast3A_181 {strides = array<i32>} : memref<128x64xf32, #tpu.memory_space<vmem>>, vector<16xf32>,
          %swap3A_188 = arith.index_cast %add3A_174 : i32 to index
          %swap3A_189 = arith.constant 16 : index
          %swap3A_190 = tpu.vector_load %arg10[%swap3A_188, %swap3A_189] {strides = array<i32>} : memref<128x64xf32, #tpu.memory_space<vmem>>, vector<16xf32>,
          tpu.vector_store %arg10[%swap3A_188, %swap3A_189], %bitcast3A_184 {strides = array<i32>} : memref<128x64xf32, #tpu.memory_space<vmem>>, vector<16xf32>,
          %get3A_191 = arith.index_cast %add3A_174 : i32 to index
          %get3A_192 = arith.constant 16 : index
          %get3A_193 = tpu.vector_load %arg9[%get3A_191, %get3A_192] {strides = array<i32>} : memref<128x32xi32, #tpu.memory_space<vmem>>, vector<16xi32>,
          %shift_left3A_194 = arith.constant 16 : i32
          %shift_left3A_195 = vector.broadcast %shift_left3A_194 : i32 to vector<16xi32>
          %shift_left3A_196 = arith.shli %get3A_193, %shift_left3A_195 : vector<16xi32>
          %bitcast3A_197 = vector.bitcast %shift_left3A_196 : vector<16xi32> to vector<16xf32>
          %and3A_198 = vector.broadcast %scan3A_3 : i32 to vector<16xi32>
          %and3A_199 = arith.andi %get3A_193, %and3A_198 : vector<16xi32>
          %bitcast3A_200 = vector.bitcast %and3A_199 : vector<16xi32> to vector<16xf32>
          %swap3A_201 = arith.index_cast %add3A_174 : i32 to index
          %swap3A_202 = arith.constant 32 : index
          %swap3A_203 = tpu.vector_load %arg10[%swap3A_201, %swap3A_202] {strides = array<i32>} : memref<128x64xf32, #tpu.memory_space<vmem>>, vector<16xf32>,
          tpu.vector_store %arg10[%swap3A_201, %swap3A_202], %bitcast3A_197 {strides = array<i32>} : memref<128x64xf32, #tpu.memory_space<vmem>>, vector<16xf32>,
          %swap3A_204 = arith.index_cast %add3A_174 : i32 to index
          %swap3A_205 = arith.constant 48 : index
          %swap3A_206 = tpu.vector_load %arg10[%swap3A_204, %swap3A_205] {strides = array<i32>} : memref<128x64xf32, #tpu.memory_space<vmem>>, vector<16xf32>,
          tpu.vector_store %arg10[%swap3A_204, %swap3A_205], %bitcast3A_200 {strides = array<i32>} : memref<128x64xf32, #tpu.memory_space<vmem>>, vector<16xf32>,
          %mul3A_207 = arith.constant 8 : i32
          %mul3A_208 = arith.muli %scan3A_103, %mul3A_207 : i32
          %add3A_209 = arith.constant 3 : i32
          %add3A_210 = arith.addi %mul3A_208, %add3A_209 : i32
          %get3A_211 = arith.index_cast %add3A_210 : i32 to index
          %get3A_212 = arith.constant 0 : index
          %get3A_213 = tpu.vector_load %arg9[%get3A_211, %get3A_212] {strides = array<i32>} : memref<128x32xi32, #tpu.memory_space<vmem>>, vector<16xi32>,
          %shift_left3A_214 = arith.constant 16 : i32
          %shift_left3A_215 = vector.broadcast %shift_left3A_214 : i32 to vector<16xi32>
          %shift_left3A_216 = arith.shli %get3A_213, %shift_left3A_215 : vector<16xi32>
          %bitcast3A_217 = vector.bitcast %shift_left3A_216 : vector<16xi32> to vector<16xf32>
          %and3A_218 = vector.broadcast %scan3A_3 : i32 to vector<16xi32>
          %and3A_219 = arith.andi %get3A_213, %and3A_218 : vector<16xi32>
          %bitcast3A_220 = vector.bitcast %and3A_219 : vector<16xi32> to vector<16xf32>
          %swap3A_221 = arith.index_cast %add3A_210 : i32 to index
          %swap3A_222 = arith.constant 0 : index
          %swap3A_223 = tpu.vector_load %arg10[%swap3A_221, %swap3A_222] {strides = array<i32>} : memref<128x64xf32, #tpu.memory_space<vmem>>, vector<16xf32>,
          tpu.vector_store %arg10[%swap3A_221, %swap3A_222], %bitcast3A_217 {strides = array<i32>} : memref<128x64xf32, #tpu.memory_space<vmem>>, vector<16xf32>,
          %swap3A_224 = arith.index_cast %add3A_210 : i32 to index
          %swap3A_225 = arith.constant 16 : index
          %swap3A_226 = tpu.vector_load %arg10[%swap3A_224, %swap3A_225] {strides = array<i32>} : memref<128x64xf32, #tpu.memory_space<vmem>>, vector<16xf32>,
          tpu.vector_store %arg10[%swap3A_224, %swap3A_225], %bitcast3A_220 {strides = array<i32>} : memref<128x64xf32, #tpu.memory_space<vmem>>, vector<16xf32>,
          %get3A_227 = arith.index_cast %add3A_210 : i32 to index
          %get3A_228 = arith.constant 16 : index
          %get3A_229 = tpu.vector_load %arg9[%get3A_227, %get3A_228] {strides = array<i32>} : memref<128x32xi32, #tpu.memory_space<vmem>>, vector<16xi32>,
          %shift_left3A_230 = arith.constant 16 : i32
          %shift_left3A_231 = vector.broadcast %shift_left3A_230 : i32 to vector<16xi32>
          %shift_left3A_232 = arith.shli %get3A_229, %shift_left3A_231 : vector<16xi32>
          %bitcast3A_233 = vector.bitcast %shift_left3A_232 : vector<16xi32> to vector<16xf32>
          %and3A_234 = vector.broadcast %scan3A_3 : i32 to vector<16xi32>
          %and3A_235 = arith.andi %get3A_229, %and3A_234 : vector<16xi32>
          %bitcast3A_236 = vector.bitcast %and3A_235 : vector<16xi32> to vector<16xf32>
          %swap3A_237 = arith.index_cast %add3A_210 : i32 to index
          %swap3A_238 = arith.constant 32 : index
          %swap3A_239 = tpu.vector_load %arg10[%swap3A_237, %swap3A_238] {strides = array<i32>} : memref<128x64xf32, #tpu.memory_space<vmem>>, vector<16xf32>,
          tpu.vector_store %arg10[%swap3A_237, %swap3A_238], %bitcast3A_233 {strides = array<i32>} : memref<128x64xf32, #tpu.memory_space<vmem>>, vector<16xf32>,
          %swap3A_240 = arith.index_cast %add3A_210 : i32 to index
          %swap3A_241 = arith.constant 48 : index
          %swap3A_242 = tpu.vector_load %arg10[%swap3A_240, %swap3A_241] {strides = array<i32>} : memref<128x64xf32, #tpu.memory_space<vmem>>, vector<16xf32>,
          tpu.vector_store %arg10[%swap3A_240, %swap3A_241], %bitcast3A_236 {strides = array<i32>} : memref<128x64xf32, #tpu.memory_space<vmem>>, vector<16xf32>,
          %mul3A_243 = arith.constant 8 : i32
          %mul3A_244 = arith.muli %scan3A_103, %mul3A_243 : i32
          %add3A_245 = arith.constant 4 : i32
          %add3A_246 = arith.addi %mul3A_244, %add3A_245 : i32
          %get3A_247 = arith.index_cast %add3A_246 : i32 to index
          %get3A_248 = arith.constant 0 : index
          %get3A_249 = tpu.vector_load %arg9[%get3A_247, %get3A_248] {strides = array<i32>} : memref<128x32xi32, #tpu.memory_space<vmem>>, vector<16xi32>,
          %shift_left3A_250 = arith.constant 16 : i32
          %shift_left3A_251 = vector.broadcast %shift_left3A_250 : i32 to vector<16xi32>
          %shift_left3A_252 = arith.shli %get3A_249, %shift_left3A_251 : vector<16xi32>
          %bitcast3A_253 = vector.bitcast %shift_left3A_252 : vector<16xi32> to vector<16xf32>
          %and3A_254 = vector.broadcast %scan3A_3 : i32 to vector<16xi32>
          %and3A_255 = arith.andi %get3A_249, %and3A_254 : vector<16xi32>
          %bitcast3A_256 = vector.bitcast %and3A_255 : vector<16xi32> to vector<16xf32>
          %swap3A_257 = arith.index_cast %add3A_246 : i32 to index
          %swap3A_258 = arith.constant 0 : index
          %swap3A_259 = tpu.vector_load %arg10[%swap3A_257, %swap3A_258] {strides = array<i32>} : memref<128x64xf32, #tpu.memory_space<vmem>>, vector<16xf32>,
          tpu.vector_store %arg10[%swap3A_257, %swap3A_258], %bitcast3A_253 {strides = array<i32>} : memref<128x64xf32, #tpu.memory_space<vmem>>, vector<16xf32>,
          %swap3A_260 = arith.index_cast %add3A_246 : i32 to index
          %swap3A_261 = arith.constant 16 : index
          %swap3A_262 = tpu.vector_load %arg10[%swap3A_260, %swap3A_261] {strides = array<i32>} : memref<128x64xf32, #tpu.memory_space<vmem>>, vector<16xf32>,
          tpu.vector_store %arg10[%swap3A_260, %swap3A_261], %bitcast3A_256 {strides = array<i32>} : memref<128x64xf32, #tpu.memory_space<vmem>>, vector<16xf32>,
          %get3A_263 = arith.index_cast %add3A_246 : i32 to index
          %get3A_264 = arith.constant 16 : index
          %get3A_265 = tpu.vector_load %arg9[%get3A_263, %get3A_264] {strides = array<i32>} : memref<128x32xi32, #tpu.memory_space<vmem>>, vector<16xi32>,
          %shift_left3A_266 = arith.constant 16 : i32
          %shift_left3A_267 = vector.broadcast %shift_left3A_266 : i32 to vector<16xi32>
          %shift_left3A_268 = arith.shli %get3A_265, %shift_left3A_267 : vector<16xi32>
          %bitcast3A_269 = vector.bitcast %shift_left3A_268 : vector<16xi32> to vector<16xf32>
          %and3A_270 = vector.broadcast %scan3A_3 : i32 to vector<16xi32>
          %and3A_271 = arith.andi %get3A_265, %and3A_270 : vector<16xi32>
          %bitcast3A_272 = vector.bitcast %and3A_271 : vector<16xi32> to vector<16xf32>
          %swap3A_273 = arith.index_cast %add3A_246 : i32 to index
          %swap3A_274 = arith.constant 32 : index
          %swap3A_275 = tpu.vector_load %arg10[%swap3A_273, %swap3A_274] {strides = array<i32>} : memref<128x64xf32, #tpu.memory_space<vmem>>, vector<16xf32>,
          tpu.vector_store %arg10[%swap3A_273, %swap3A_274], %bitcast3A_269 {strides = array<i32>} : memref<128x64xf32, #tpu.memory_space<vmem>>, vector<16xf32>,
          %swap3A_276 = arith.index_cast %add3A_246 : i32 to index
          %swap3A_277 = arith.constant 48 : index
          %swap3A_278 = tpu.vector_load %arg10[%swap3A_276, %swap3A_277] {strides = array<i32>} : memref<128x64xf32, #tpu.memory_space<vmem>>, vector<16xf32>,
          tpu.vector_store %arg10[%swap3A_276, %swap3A_277], %bitcast3A_272 {strides = array<i32>} : memref<128x64xf32, #tpu.memory_space<vmem>>, vector<16xf32>,
          %mul3A_279 = arith.constant 8 : i32
          %mul3A_280 = arith.muli %scan3A_103, %mul3A_279 : i32
          %add3A_281 = arith.constant 5 : i32
          %add3A_282 = arith.addi %mul3A_280, %add3A_281 : i32
          %get3A_283 = arith.index_cast %add3A_282 : i32 to index
          %get3A_284 = arith.constant 0 : index
          %get3A_285 = tpu.vector_load %arg9[%get3A_283, %get3A_284] {strides = array<i32>} : memref<128x32xi32, #tpu.memory_space<vmem>>, vector<16xi32>,
          %shift_left3A_286 = arith.constant 16 : i32
          %shift_left3A_287 = vector.broadcast %shift_left3A_286 : i32 to vector<16xi32>
          %shift_left3A_288 = arith.shli %get3A_285, %shift_left3A_287 : vector<16xi32>
          %bitcast3A_289 = vector.bitcast %shift_left3A_288 : vector<16xi32> to vector<16xf32>
          %and3A_290 = vector.broadcast %scan3A_3 : i32 to vector<16xi32>
          %and3A_291 = arith.andi %get3A_285, %and3A_290 : vector<16xi32>
          %bitcast3A_292 = vector.bitcast %and3A_291 : vector<16xi32> to vector<16xf32>
          %swap3A_293 = arith.index_cast %add3A_282 : i32 to index
          %swap3A_294 = arith.constant 0 : index
          %swap3A_295 = tpu.vector_load %arg10[%swap3A_293, %swap3A_294] {strides = array<i32>} : memref<128x64xf32, #tpu.memory_space<vmem>>, vector<16xf32>,
          tpu.vector_store %arg10[%swap3A_293, %swap3A_294], %bitcast3A_289 {strides = array<i32>} : memref<128x64xf32, #tpu.memory_space<vmem>>, vector<16xf32>,
          %swap3A_296 = arith.index_cast %add3A_282 : i32 to index
          %swap3A_297 = arith.constant 16 : index
          %swap3A_298 = tpu.vector_load %arg10[%swap3A_296, %swap3A_297] {strides = array<i32>} : memref<128x64xf32, #tpu.memory_space<vmem>>, vector<16xf32>,
          tpu.vector_store %arg10[%swap3A_296, %swap3A_297], %bitcast3A_292 {strides = array<i32>} : memref<128x64xf32, #tpu.memory_space<vmem>>, vector<16xf32>,
          %get3A_299 = arith.index_cast %add3A_282 : i32 to index
          %get3A_300 = arith.constant 16 : index
          %get3A_301 = tpu.vector_load %arg9[%get3A_299, %get3A_300] {strides = array<i32>} : memref<128x32xi32, #tpu.memory_space<vmem>>, vector<16xi32>,
          %shift_left3A_302 = arith.constant 16 : i32
          %shift_left3A_303 = vector.broadcast %shift_left3A_302 : i32 to vector<16xi32>
          %shift_left3A_304 = arith.shli %get3A_301, %shift_left3A_303 : vector<16xi32>
          %bitcast3A_305 = vector.bitcast %shift_left3A_304 : vector<16xi32> to vector<16xf32>
          %and3A_306 = vector.broadcast %scan3A_3 : i32 to vector<16xi32>
          %and3A_307 = arith.andi %get3A_301, %and3A_306 : vector<16xi32>
          %bitcast3A_308 = vector.bitcast %and3A_307 : vector<16xi32> to vector<16xf32>
          %swap3A_309 = arith.index_cast %add3A_282 : i32 to index
          %swap3A_310 = arith.constant 32 : index
          %swap3A_311 = tpu.vector_load %arg10[%swap3A_309, %swap3A_310] {strides = array<i32>} : memref<128x64xf32, #tpu.memory_space<vmem>>, vector<16xf32>,
          tpu.vector_store %arg10[%swap3A_309, %swap3A_310], %bitcast3A_305 {strides = array<i32>} : memref<128x64xf32, #tpu.memory_space<vmem>>, vector<16xf32>,
          %swap3A_312 = arith.index_cast %add3A_282 : i32 to index
          %swap3A_313 = arith.constant 48 : index
          %swap3A_314 = tpu.vector_load %arg10[%swap3A_312, %swap3A_313] {strides = array<i32>} : memref<128x64xf32, #tpu.memory_space<vmem>>, vector<16xf32>,
          tpu.vector_store %arg10[%swap3A_312, %swap3A_313], %bitcast3A_308 {strides = array<i32>} : memref<128x64xf32, #tpu.memory_space<vmem>>, vector<16xf32>,
          %mul3A_315 = arith.constant 8 : i32
          %mul3A_316 = arith.muli %scan3A_103, %mul3A_315 : i32
          %add3A_317 = arith.constant 6 : i32
          %add3A_318 = arith.addi %mul3A_316, %add3A_317 : i32
          %get3A_319 = arith.index_cast %add3A_318 : i32 to index
          %get3A_320 = arith.constant 0 : index
          %get3A_321 = tpu.vector_load %arg9[%get3A_319, %get3A_320] {strides = array<i32>} : memref<128x32xi32, #tpu.memory_space<vmem>>, vector<16xi32>,
          %shift_left3A_322 = arith.constant 16 : i32
          %shift_left3A_323 = vector.broadcast %shift_left3A_322 : i32 to vector<16xi32>
          %shift_left3A_324 = arith.shli %get3A_321, %shift_left3A_323 : vector<16xi32>
          %bitcast3A_325 = vector.bitcast %shift_left3A_324 : vector<16xi32> to vector<16xf32>
          %and3A_326 = vector.broadcast %scan3A_3 : i32 to vector<16xi32>
          %and3A_327 = arith.andi %get3A_321, %and3A_326 : vector<16xi32>
          %bitcast3A_328 = vector.bitcast %and3A_327 : vector<16xi32> to vector<16xf32>
          %swap3A_329 = arith.index_cast %add3A_318 : i32 to index
          %swap3A_330 = arith.constant 0 : index
          %swap3A_331 = tpu.vector_load %arg10[%swap3A_329, %swap3A_330] {strides = array<i32>} : memref<128x64xf32, #tpu.memory_space<vmem>>, vector<16xf32>,
          tpu.vector_store %arg10[%swap3A_329, %swap3A_330], %bitcast3A_325 {strides = array<i32>} : memref<128x64xf32, #tpu.memory_space<vmem>>, vector<16xf32>,
          %swap3A_332 = arith.index_cast %add3A_318 : i32 to index
          %swap3A_333 = arith.constant 16 : index
          %swap3A_334 = tpu.vector_load %arg10[%swap3A_332, %swap3A_333] {strides = array<i32>} : memref<128x64xf32, #tpu.memory_space<vmem>>, vector<16xf32>,
          tpu.vector_store %arg10[%swap3A_332, %swap3A_333], %bitcast3A_328 {strides = array<i32>} : memref<128x64xf32, #tpu.memory_space<vmem>>, vector<16xf32>,
          %get3A_335 = arith.index_cast %add3A_318 : i32 to index
          %get3A_336 = arith.constant 16 : index
          %get3A_337 = tpu.vector_load %arg9[%get3A_335, %get3A_336] {strides = array<i32>} : memref<128x32xi32, #tpu.memory_space<vmem>>, vector<16xi32>,
          %shift_left3A_338 = arith.constant 16 : i32
          %shift_left3A_339 = vector.broadcast %shift_left3A_338 : i32 to vector<16xi32>
          %shift_left3A_340 = arith.shli %get3A_337, %shift_left3A_339 : vector<16xi32>
          %bitcast3A_341 = vector.bitcast %shift_left3A_340 : vector<16xi32> to vector<16xf32>
          %and3A_342 = vector.broadcast %scan3A_3 : i32 to vector<16xi32>
          %and3A_343 = arith.andi %get3A_337, %and3A_342 : vector<16xi32>
          %bitcast3A_344 = vector.bitcast %and3A_343 : vector<16xi32> to vector<16xf32>
          %swap3A_345 = arith.index_cast %add3A_318 : i32 to index
          %swap3A_346 = arith.constant 32 : index
          %swap3A_347 = tpu.vector_load %arg10[%swap3A_345, %swap3A_346] {strides = array<i32>} : memref<128x64xf32, #tpu.memory_space<vmem>>, vector<16xf32>,
          tpu.vector_store %arg10[%swap3A_345, %swap3A_346], %bitcast3A_341 {strides = array<i32>} : memref<128x64xf32, #tpu.memory_space<vmem>>, vector<16xf32>,
          %swap3A_348 = arith.index_cast %add3A_318 : i32 to index
          %swap3A_349 = arith.constant 48 : index
          %swap3A_350 = tpu.vector_load %arg10[%swap3A_348, %swap3A_349] {strides = array<i32>} : memref<128x64xf32, #tpu.memory_space<vmem>>, vector<16xf32>,
          tpu.vector_store %arg10[%swap3A_348, %swap3A_349], %bitcast3A_344 {strides = array<i32>} : memref<128x64xf32, #tpu.memory_space<vmem>>, vector<16xf32>,
          %mul3A_351 = arith.constant 8 : i32
          %mul3A_352 = arith.muli %scan3A_103, %mul3A_351 : i32
          %add3A_353 = arith.constant 7 : i32
          %add3A_354 = arith.addi %mul3A_352, %add3A_353 : i32
          %get3A_355 = arith.index_cast %add3A_354 : i32 to index
          %get3A_356 = arith.constant 0 : index
          %get3A_357 = tpu.vector_load %arg9[%get3A_355, %get3A_356] {strides = array<i32>} : memref<128x32xi32, #tpu.memory_space<vmem>>, vector<16xi32>,
          %shift_left3A_358 = arith.constant 16 : i32
          %shift_left3A_359 = vector.broadcast %shift_left3A_358 : i32 to vector<16xi32>
          %shift_left3A_360 = arith.shli %get3A_357, %shift_left3A_359 : vector<16xi32>
          %bitcast3A_361 = vector.bitcast %shift_left3A_360 : vector<16xi32> to vector<16xf32>
          %and3A_362 = vector.broadcast %scan3A_3 : i32 to vector<16xi32>
          %and3A_363 = arith.andi %get3A_357, %and3A_362 : vector<16xi32>
          %bitcast3A_364 = vector.bitcast %and3A_363 : vector<16xi32> to vector<16xf32>
          %swap3A_365 = arith.index_cast %add3A_354 : i32 to index
          %swap3A_366 = arith.constant 0 : index
          %swap3A_367 = tpu.vector_load %arg10[%swap3A_365, %swap3A_366] {strides = array<i32>} : memref<128x64xf32, #tpu.memory_space<vmem>>, vector<16xf32>,
          tpu.vector_store %arg10[%swap3A_365, %swap3A_366], %bitcast3A_361 {strides = array<i32>} : memref<128x64xf32, #tpu.memory_space<vmem>>, vector<16xf32>,
          %swap3A_368 = arith.index_cast %add3A_354 : i32 to index
          %swap3A_369 = arith.constant 16 : index
          %swap3A_370 = tpu.vector_load %arg10[%swap3A_368, %swap3A_369] {strides = array<i32>} : memref<128x64xf32, #tpu.memory_space<vmem>>, vector<16xf32>,
          tpu.vector_store %arg10[%swap3A_368, %swap3A_369], %bitcast3A_364 {strides = array<i32>} : memref<128x64xf32, #tpu.memory_space<vmem>>, vector<16xf32>,
          %get3A_371 = arith.index_cast %add3A_354 : i32 to index
          %get3A_372 = arith.constant 16 : index
          %get3A_373 = tpu.vector_load %arg9[%get3A_371, %get3A_372] {strides = array<i32>} : memref<128x32xi32, #tpu.memory_space<vmem>>, vector<16xi32>,
          %shift_left3A_374 = arith.constant 16 : i32
          %shift_left3A_375 = vector.broadcast %shift_left3A_374 : i32 to vector<16xi32>
          %shift_left3A_376 = arith.shli %get3A_373, %shift_left3A_375 : vector<16xi32>
          %bitcast3A_377 = vector.bitcast %shift_left3A_376 : vector<16xi32> to vector<16xf32>
          %and3A_378 = vector.broadcast %scan3A_3 : i32 to vector<16xi32>
          %and3A_379 = arith.andi %get3A_373, %and3A_378 : vector<16xi32>
          %bitcast3A_380 = vector.bitcast %and3A_379 : vector<16xi32> to vector<16xf32>
          %swap3A_381 = arith.index_cast %add3A_354 : i32 to index
          %swap3A_382 = arith.constant 32 : index
          %swap3A_383 = tpu.vector_load %arg10[%swap3A_381, %swap3A_382] {strides = array<i32>} : memref<128x64xf32, #tpu.memory_space<vmem>>, vector<16xf32>,
          tpu.vector_store %arg10[%swap3A_381, %swap3A_382], %bitcast3A_377 {strides = array<i32>} : memref<128x64xf32, #tpu.memory_space<vmem>>, vector<16xf32>,
          %swap3A_384 = arith.index_cast %add3A_354 : i32 to index
          %swap3A_385 = arith.constant 48 : index
          %swap3A_386 = tpu.vector_load %arg10[%swap3A_384, %swap3A_385] {strides = array<i32>} : memref<128x64xf32, #tpu.memory_space<vmem>>, vector<16xf32>,
          tpu.vector_store %arg10[%swap3A_384, %swap3A_385], %bitcast3A_380 {strides = array<i32>} : memref<128x64xf32, #tpu.memory_space<vmem>>, vector<16xf32>,
        }
        %scan3A_63 = arith.constant 16 : i32
        %dma_start3A_64 = arith.constant 0 : i32
        %dma_start3A_65 = tpu.memref_slice %arg7[%add3A_49, %dma_start3A_64] : memref<18x128xi32, #tpu.memory_space<vmem>> -> memref<1x128xi32, #tpu.memory_space<vmem>>
        %dma_start3A_66 = tpu.memref_squeeze %dma_start3A_65 : memref<1x128xi32, #tpu.memory_space<vmem>> -> memref<128xi32, #tpu.memory_space<vmem>>
        %dma_start3A_67 = arith.constant 0 : i32
        %dma_start3A_68 = arith.constant 0 : i32
        %dma_start3A_69 = tpu.memref_slice %arg2[%dma_start3A_67, %dma_start3A_68] : memref<20000x32xi32, #tpu.memory_space<hbm>> -> memref<20000x32xi32, #tpu.memory_space<hbm>>
        tpu.enqueue_indirect_dma source(%dma_start3A_69 : memref<20000x32xi32, #tpu.memory_space<hbm>>) target(%arg9 : memref<128x32xi32, #tpu.memory_space<vmem>>) offsets(%dma_start3A_66 : memref<128xi32, #tpu.memory_space<vmem>>) semaphore(%arg13 : memref<!tpu.dma_semaphore, #tpu.memory_space<semaphore_mem>>)
        %dma_start3A_70 = arith.constant 0 : i32
        %dma_start3A_71 = tpu.memref_slice %arg8[%mul3A_47, %dma_start3A_70] : memref<18x128xi32, #tpu.memory_space<vmem>> -> memref<1x128xi32, #tpu.memory_space<vmem>>
        %dma_start3A_72 = tpu.memref_squeeze %dma_start3A_71 : memref<1x128xi32, #tpu.memory_space<vmem>> -> memref<128xi32, #tpu.memory_space<vmem>>
        %dma_start3A_73 = arith.constant 0 : i32
        %dma_start3A_74 = arith.constant 0 : i32
        %dma_start3A_75 = tpu.memref_slice %arg12[%dma_start3A_73, %dma_start3A_74] : memref<10016x64xf32, #tpu.memory_space<vmem_shared>> -> memref<10016x64xf32, #tpu.memory_space<vmem_shared>>
        tpu.enqueue_indirect_dma source(%arg10 : memref<128x64xf32, #tpu.memory_space<vmem>>) target(%dma_start3A_75 : memref<10016x64xf32, #tpu.memory_space<vmem_shared>>) offsets(%dma_start3A_72 : memref<128xi32, #tpu.memory_space<vmem>>) semaphore(%arg14 : memref<!tpu.dma_semaphore, #tpu.memory_space<semaphore_mem>>) {add = true}
        %dma_wait3A_76 = arith.constant 0 : i32
        %dma_wait3A_77 = tpu.memref_slice %arg7[%add3A_49, %dma_wait3A_76] : memref<18x128xi32, #tpu.memory_space<vmem>> -> memref<1x128xi32, #tpu.memory_space<vmem>>
        %dma_wait3A_78 = tpu.memref_squeeze %dma_wait3A_77 : memref<1x128xi32, #tpu.memory_space<vmem>> -> memref<128xi32, #tpu.memory_space<vmem>>
        %dma_wait3A_79 = arith.constant 0 : i32
        %dma_wait3A_80 = arith.constant 0 : i32
        %dma_wait3A_81 = tpu.memref_slice %arg2[%dma_wait3A_79, %dma_wait3A_80] : memref<20000x32xi32, #tpu.memory_space<hbm>> -> memref<20000x32xi32, #tpu.memory_space<hbm>>
        tpu.wait_indirect_dma semaphore(%arg13 : memref<!tpu.dma_semaphore, #tpu.memory_space<semaphore_mem>>) src(%dma_wait3A_81 : memref<20000x32xi32, #tpu.memory_space<hbm>>) dst(%arg9 : memref<128x32xi32, #tpu.memory_space<vmem>>)
        %gt3A_82 = arith.constant 0 : i32
        %gt3A_83 = arith.cmpi sgt, %scan3A_45, %gt3A_82 : i32
        %convert_element_type3A_84 = arith.extui %gt3A_83 : i1 to i32
        %cond3A_85 = arith.constant 0 : i32
        %cond3A_86 = arith.cmpi ne, %convert_element_type3A_84, %cond3A_85 : i32
        scf.if %cond3A_86 {
          %dma_wait3A_103 = arith.constant 0 : i32
          %dma_wait3A_104 = tpu.memref_slice %arg8[%add3A_49, %dma_wait3A_103] : memref<18x128xi32, #tpu.memory_space<vmem>> -> memref<1x128xi32, #tpu.memory_space<vmem>>
          %dma_wait3A_105 = tpu.memref_squeeze %dma_wait3A_104 : memref<1x128xi32, #tpu.memory_space<vmem>> -> memref<128xi32, #tpu.memory_space<vmem>>
          %dma_wait3A_106 = arith.constant 0 : i32
          %dma_wait3A_107 = arith.constant 0 : i32
          %dma_wait3A_108 = tpu.memref_slice %arg12[%dma_wait3A_106, %dma_wait3A_107] : memref<10016x64xf32, #tpu.memory_space<vmem_shared>> -> memref<10016x64xf32, #tpu.memory_space<vmem_shared>>
          tpu.wait_indirect_dma semaphore(%arg15 : memref<!tpu.dma_semaphore, #tpu.memory_space<semaphore_mem>>) src(%arg11 : memref<128x64xf32, #tpu.memory_space<vmem>>) dst(%dma_wait3A_108 : memref<10016x64xf32, #tpu.memory_space<vmem_shared>>)
        } else {
        }
        %scan3A_87 = arith.constant 0 : i32
        %scan3A_88 = arith.constant 0 : i32
        %scan3A_89 = arith.constant 16 : i32
        %scan3A_90 = arith.addi %scan3A_88, %scan3A_89 : i32
        %scan3A_91 = arith.constant 1 : i32
        scf.for %scan3A_103 = %scan3A_88 to %scan3A_90 step %scan3A_91  : i32 {
          %mul3A_104 = arith.constant 8 : i32
          %mul3A_105 = arith.muli %scan3A_103, %mul3A_104 : i32
          %add3A_106 = arith.constant 0 : i32
          %add3A_107 = arith.addi %mul3A_105, %add3A_106 : i32
          %get3A = arith.index_cast %add3A_107 : i32 to index
          %get3A_108 = arith.constant 0 : index
          %get3A_109 = tpu.vector_load %arg9[%get3A, %get3A_108] {strides = array<i32>} : memref<128x32xi32, #tpu.memory_space<vmem>>, vector<16xi32>,
          %shift_left3A = arith.constant 16 : i32
          %shift_left3A_110 = vector.broadcast %shift_left3A : i32 to vector<16xi32>
          %shift_left3A_111 = arith.shli %get3A_109, %shift_left3A_110 : vector<16xi32>
          %bitcast3A = vector.bitcast %shift_left3A_111 : vector<16xi32> to vector<16xf32>
          %and3A = vector.broadcast %scan3A_3 : i32 to vector<16xi32>
          %and3A_112 = arith.andi %get3A_109, %and3A : vector<16xi32>
          %bitcast3A_113 = vector.bitcast %and3A_112 : vector<16xi32> to vector<16xf32>
          %swap3A = arith.index_cast %add3A_107 : i32 to index
          %swap3A_114 = arith.constant 0 : index
          %swap3A_115 = tpu.vector_load %arg11[%swap3A, %swap3A_114] {strides = array<i32>} : memref<128x64xf32, #tpu.memory_space<vmem>>, vector<16xf32>,
          tpu.vector_store %arg11[%swap3A, %swap3A_114], %bitcast3A {strides = array<i32>} : memref<128x64xf32, #tpu.memory_space<vmem>>, vector<16xf32>,
          %swap3A_116 = arith.index_cast %add3A_107 : i32 to index
          %swap3A_117 = arith.constant 16 : index
          %swap3A_118 = tpu.vector_load %arg11[%swap3A_116, %swap3A_117] {strides = array<i32>} : memref<128x64xf32, #tpu.memory_space<vmem>>, vector<16xf32>,
          tpu.vector_store %arg11[%swap3A_116, %swap3A_117], %bitcast3A_113 {strides = array<i32>} : memref<128x64xf32, #tpu.memory_space<vmem>>, vector<16xf32>,
          %get3A_119 = arith.index_cast %add3A_107 : i32 to index
          %get3A_120 = arith.constant 16 : index
          %get3A_121 = tpu.vector_load %arg9[%get3A_119, %get3A_120] {strides = array<i32>} : memref<128x32xi32, #tpu.memory_space<vmem>>, vector<16xi32>,
          %shift_left3A_122 = arith.constant 16 : i32
          %shift_left3A_123 = vector.broadcast %shift_left3A_122 : i32 to vector<16xi32>
          %shift_left3A_124 = arith.shli %get3A_121, %shift_left3A_123 : vector<16xi32>
          %bitcast3A_125 = vector.bitcast %shift_left3A_124 : vector<16xi32> to vector<16xf32>
          %and3A_126 = vector.broadcast %scan3A_3 : i32 to vector<16xi32>
          %and3A_127 = arith.andi %get3A_121, %and3A_126 : vector<16xi32>
          %bitcast3A_128 = vector.bitcast %and3A_127 : vector<16xi32> to vector<16xf32>
          %swap3A_129 = arith.index_cast %add3A_107 : i32 to index
          %swap3A_130 = arith.constant 32 : index
          %swap3A_131 = tpu.vector_load %arg11[%swap3A_129, %swap3A_130] {strides = array<i32>} : memref<128x64xf32, #tpu.memory_space<vmem>>, vector<16xf32>,
          tpu.vector_store %arg11[%swap3A_129, %swap3A_130], %bitcast3A_125 {strides = array<i32>} : memref<128x64xf32, #tpu.memory_space<vmem>>, vector<16xf32>,
          %swap3A_132 = arith.index_cast %add3A_107 : i32 to index
          %swap3A_133 = arith.constant 48 : index
          %swap3A_134 = tpu.vector_load %arg11[%swap3A_132, %swap3A_133] {strides = array<i32>} : memref<128x64xf32, #tpu.memory_space<vmem>>, vector<16xf32>,
          tpu.vector_store %arg11[%swap3A_132, %swap3A_133], %bitcast3A_128 {strides = array<i32>} : memref<128x64xf32, #tpu.memory_space<vmem>>, vector<16xf32>,
          %mul3A_135 = arith.constant 8 : i32
          %mul3A_136 = arith.muli %scan3A_103, %mul3A_135 : i32
          %add3A_137 = arith.constant 1 : i32
          %add3A_138 = arith.addi %mul3A_136, %add3A_137 : i32
          %get3A_139 = arith.index_cast %add3A_138 : i32 to index
          %get3A_140 = arith.constant 0 : index
          %get3A_141 = tpu.vector_load %arg9[%get3A_139, %get3A_140] {strides = array<i32>} : memref<128x32xi32, #tpu.memory_space<vmem>>, vector<16xi32>,
          %shift_left3A_142 = arith.constant 16 : i32
          %shift_left3A_143 = vector.broadcast %shift_left3A_142 : i32 to vector<16xi32>
          %shift_left3A_144 = arith.shli %get3A_141, %shift_left3A_143 : vector<16xi32>
          %bitcast3A_145 = vector.bitcast %shift_left3A_144 : vector<16xi32> to vector<16xf32>
          %and3A_146 = vector.broadcast %scan3A_3 : i32 to vector<16xi32>
          %and3A_147 = arith.andi %get3A_141, %and3A_146 : vector<16xi32>
          %bitcast3A_148 = vector.bitcast %and3A_147 : vector<16xi32> to vector<16xf32>
          %swap3A_149 = arith.index_cast %add3A_138 : i32 to index
          %swap3A_150 = arith.constant 0 : index
          %swap3A_151 = tpu.vector_load %arg11[%swap3A_149, %swap3A_150] {strides = array<i32>} : memref<128x64xf32, #tpu.memory_space<vmem>>, vector<16xf32>,
          tpu.vector_store %arg11[%swap3A_149, %swap3A_150], %bitcast3A_145 {strides = array<i32>} : memref<128x64xf32, #tpu.memory_space<vmem>>, vector<16xf32>,
          %swap3A_152 = arith.index_cast %add3A_138 : i32 to index
          %swap3A_153 = arith.constant 16 : index
          %swap3A_154 = tpu.vector_load %arg11[%swap3A_152, %swap3A_153] {strides = array<i32>} : memref<128x64xf32, #tpu.memory_space<vmem>>, vector<16xf32>,
          tpu.vector_store %arg11[%swap3A_152, %swap3A_153], %bitcast3A_148 {strides = array<i32>} : memref<128x64xf32, #tpu.memory_space<vmem>>, vector<16xf32>,
          %get3A_155 = arith.index_cast %add3A_138 : i32 to index
          %get3A_156 = arith.constant 16 : index
          %get3A_157 = tpu.vector_load %arg9[%get3A_155, %get3A_156] {strides = array<i32>} : memref<128x32xi32, #tpu.memory_space<vmem>>, vector<16xi32>,
          %shift_left3A_158 = arith.constant 16 : i32
          %shift_left3A_159 = vector.broadcast %shift_left3A_158 : i32 to vector<16xi32>
          %shift_left3A_160 = arith.shli %get3A_157, %shift_left3A_159 : vector<16xi32>
          %bitcast3A_161 = vector.bitcast %shift_left3A_160 : vector<16xi32> to vector<16xf32>
          %and3A_162 = vector.broadcast %scan3A_3 : i32 to vector<16xi32>
          %and3A_163 = arith.andi %get3A_157, %and3A_162 : vector<16xi32>
          %bitcast3A_164 = vector.bitcast %and3A_163 : vector<16xi32> to vector<16xf32>
          %swap3A_165 = arith.index_cast %add3A_138 : i32 to index
          %swap3A_166 = arith.constant 32 : index
          %swap3A_167 = tpu.vector_load %arg11[%swap3A_165, %swap3A_166] {strides = array<i32>} : memref<128x64xf32, #tpu.memory_space<vmem>>, vector<16xf32>,
          tpu.vector_store %arg11[%swap3A_165, %swap3A_166], %bitcast3A_161 {strides = array<i32>} : memref<128x64xf32, #tpu.memory_space<vmem>>, vector<16xf32>,
          %swap3A_168 = arith.index_cast %add3A_138 : i32 to index
          %swap3A_169 = arith.constant 48 : index
          %swap3A_170 = tpu.vector_load %arg11[%swap3A_168, %swap3A_169] {strides = array<i32>} : memref<128x64xf32, #tpu.memory_space<vmem>>, vector<16xf32>,
          tpu.vector_store %arg11[%swap3A_168, %swap3A_169], %bitcast3A_164 {strides = array<i32>} : memref<128x64xf32, #tpu.memory_space<vmem>>, vector<16xf32>,
          %mul3A_171 = arith.constant 8 : i32
          %mul3A_172 = arith.muli %scan3A_103, %mul3A_171 : i32
          %add3A_173 = arith.constant 2 : i32
          %add3A_174 = arith.addi %mul3A_172, %add3A_173 : i32
          %get3A_175 = arith.index_cast %add3A_174 : i32 to index
          %get3A_176 = arith.constant 0 : index
          %get3A_177 = tpu.vector_load %arg9[%get3A_175, %get3A_176] {strides = array<i32>} : memref<128x32xi32, #tpu.memory_space<vmem>>, vector<16xi32>,
          %shift_left3A_178 = arith.constant 16 : i32
          %shift_left3A_179 = vector.broadcast %shift_left3A_178 : i32 to vector<16xi32>
          %shift_left3A_180 = arith.shli %get3A_177, %shift_left3A_179 : vector<16xi32>
          %bitcast3A_181 = vector.bitcast %shift_left3A_180 : vector<16xi32> to vector<16xf32>
          %and3A_182 = vector.broadcast %scan3A_3 : i32 to vector<16xi32>
          %and3A_183 = arith.andi %get3A_177, %and3A_182 : vector<16xi32>
          %bitcast3A_184 = vector.bitcast %and3A_183 : vector<16xi32> to vector<16xf32>
          %swap3A_185 = arith.index_cast %add3A_174 : i32 to index
          %swap3A_186 = arith.constant 0 : index
          %swap3A_187 = tpu.vector_load %arg11[%swap3A_185, %swap3A_186] {strides = array<i32>} : memref<128x64xf32, #tpu.memory_space<vmem>>, vector<16xf32>,
          tpu.vector_store %arg11[%swap3A_185, %swap3A_186], %bitcast3A_181 {strides = array<i32>} : memref<128x64xf32, #tpu.memory_space<vmem>>, vector<16xf32>,
          %swap3A_188 = arith.index_cast %add3A_174 : i32 to index
          %swap3A_189 = arith.constant 16 : index
          %swap3A_190 = tpu.vector_load %arg11[%swap3A_188, %swap3A_189] {strides = array<i32>} : memref<128x64xf32, #tpu.memory_space<vmem>>, vector<16xf32>,
          tpu.vector_store %arg11[%swap3A_188, %swap3A_189], %bitcast3A_184 {strides = array<i32>} : memref<128x64xf32, #tpu.memory_space<vmem>>, vector<16xf32>,
          %get3A_191 = arith.index_cast %add3A_174 : i32 to index
          %get3A_192 = arith.constant 16 : index
          %get3A_193 = tpu.vector_load %arg9[%get3A_191, %get3A_192] {strides = array<i32>} : memref<128x32xi32, #tpu.memory_space<vmem>>, vector<16xi32>,
          %shift_left3A_194 = arith.constant 16 : i32
          %shift_left3A_195 = vector.broadcast %shift_left3A_194 : i32 to vector<16xi32>
          %shift_left3A_196 = arith.shli %get3A_193, %shift_left3A_195 : vector<16xi32>
          %bitcast3A_197 = vector.bitcast %shift_left3A_196 : vector<16xi32> to vector<16xf32>
          %and3A_198 = vector.broadcast %scan3A_3 : i32 to vector<16xi32>
          %and3A_199 = arith.andi %get3A_193, %and3A_198 : vector<16xi32>
          %bitcast3A_200 = vector.bitcast %and3A_199 : vector<16xi32> to vector<16xf32>
          %swap3A_201 = arith.index_cast %add3A_174 : i32 to index
          %swap3A_202 = arith.constant 32 : index
          %swap3A_203 = tpu.vector_load %arg11[%swap3A_201, %swap3A_202] {strides = array<i32>} : memref<128x64xf32, #tpu.memory_space<vmem>>, vector<16xf32>,
          tpu.vector_store %arg11[%swap3A_201, %swap3A_202], %bitcast3A_197 {strides = array<i32>} : memref<128x64xf32, #tpu.memory_space<vmem>>, vector<16xf32>,
          %swap3A_204 = arith.index_cast %add3A_174 : i32 to index
          %swap3A_205 = arith.constant 48 : index
          %swap3A_206 = tpu.vector_load %arg11[%swap3A_204, %swap3A_205] {strides = array<i32>} : memref<128x64xf32, #tpu.memory_space<vmem>>, vector<16xf32>,
          tpu.vector_store %arg11[%swap3A_204, %swap3A_205], %bitcast3A_200 {strides = array<i32>} : memref<128x64xf32, #tpu.memory_space<vmem>>, vector<16xf32>,
          %mul3A_207 = arith.constant 8 : i32
          %mul3A_208 = arith.muli %scan3A_103, %mul3A_207 : i32
          %add3A_209 = arith.constant 3 : i32
          %add3A_210 = arith.addi %mul3A_208, %add3A_209 : i32
          %get3A_211 = arith.index_cast %add3A_210 : i32 to index
          %get3A_212 = arith.constant 0 : index
          %get3A_213 = tpu.vector_load %arg9[%get3A_211, %get3A_212] {strides = array<i32>} : memref<128x32xi32, #tpu.memory_space<vmem>>, vector<16xi32>,
          %shift_left3A_214 = arith.constant 16 : i32
          %shift_left3A_215 = vector.broadcast %shift_left3A_214 : i32 to vector<16xi32>
          %shift_left3A_216 = arith.shli %get3A_213, %shift_left3A_215 : vector<16xi32>
          %bitcast3A_217 = vector.bitcast %shift_left3A_216 : vector<16xi32> to vector<16xf32>
          %and3A_218 = vector.broadcast %scan3A_3 : i32 to vector<16xi32>
          %and3A_219 = arith.andi %get3A_213, %and3A_218 : vector<16xi32>
          %bitcast3A_220 = vector.bitcast %and3A_219 : vector<16xi32> to vector<16xf32>
          %swap3A_221 = arith.index_cast %add3A_210 : i32 to index
          %swap3A_222 = arith.constant 0 : index
          %swap3A_223 = tpu.vector_load %arg11[%swap3A_221, %swap3A_222] {strides = array<i32>} : memref<128x64xf32, #tpu.memory_space<vmem>>, vector<16xf32>,
          tpu.vector_store %arg11[%swap3A_221, %swap3A_222], %bitcast3A_217 {strides = array<i32>} : memref<128x64xf32, #tpu.memory_space<vmem>>, vector<16xf32>,
          %swap3A_224 = arith.index_cast %add3A_210 : i32 to index
          %swap3A_225 = arith.constant 16 : index
          %swap3A_226 = tpu.vector_load %arg11[%swap3A_224, %swap3A_225] {strides = array<i32>} : memref<128x64xf32, #tpu.memory_space<vmem>>, vector<16xf32>,
          tpu.vector_store %arg11[%swap3A_224, %swap3A_225], %bitcast3A_220 {strides = array<i32>} : memref<128x64xf32, #tpu.memory_space<vmem>>, vector<16xf32>,
          %get3A_227 = arith.index_cast %add3A_210 : i32 to index
          %get3A_228 = arith.constant 16 : index
          %get3A_229 = tpu.vector_load %arg9[%get3A_227, %get3A_228] {strides = array<i32>} : memref<128x32xi32, #tpu.memory_space<vmem>>, vector<16xi32>,
          %shift_left3A_230 = arith.constant 16 : i32
          %shift_left3A_231 = vector.broadcast %shift_left3A_230 : i32 to vector<16xi32>
          %shift_left3A_232 = arith.shli %get3A_229, %shift_left3A_231 : vector<16xi32>
          %bitcast3A_233 = vector.bitcast %shift_left3A_232 : vector<16xi32> to vector<16xf32>
          %and3A_234 = vector.broadcast %scan3A_3 : i32 to vector<16xi32>
          %and3A_235 = arith.andi %get3A_229, %and3A_234 : vector<16xi32>
          %bitcast3A_236 = vector.bitcast %and3A_235 : vector<16xi32> to vector<16xf32>
          %swap3A_237 = arith.index_cast %add3A_210 : i32 to index
          %swap3A_238 = arith.constant 32 : index
          %swap3A_239 = tpu.vector_load %arg11[%swap3A_237, %swap3A_238] {strides = array<i32>} : memref<128x64xf32, #tpu.memory_space<vmem>>, vector<16xf32>,
          tpu.vector_store %arg11[%swap3A_237, %swap3A_238], %bitcast3A_233 {strides = array<i32>} : memref<128x64xf32, #tpu.memory_space<vmem>>, vector<16xf32>,
          %swap3A_240 = arith.index_cast %add3A_210 : i32 to index
          %swap3A_241 = arith.constant 48 : index
          %swap3A_242 = tpu.vector_load %arg11[%swap3A_240, %swap3A_241] {strides = array<i32>} : memref<128x64xf32, #tpu.memory_space<vmem>>, vector<16xf32>,
          tpu.vector_store %arg11[%swap3A_240, %swap3A_241], %bitcast3A_236 {strides = array<i32>} : memref<128x64xf32, #tpu.memory_space<vmem>>, vector<16xf32>,
          %mul3A_243 = arith.constant 8 : i32
          %mul3A_244 = arith.muli %scan3A_103, %mul3A_243 : i32
          %add3A_245 = arith.constant 4 : i32
          %add3A_246 = arith.addi %mul3A_244, %add3A_245 : i32
          %get3A_247 = arith.index_cast %add3A_246 : i32 to index
          %get3A_248 = arith.constant 0 : index
          %get3A_249 = tpu.vector_load %arg9[%get3A_247, %get3A_248] {strides = array<i32>} : memref<128x32xi32, #tpu.memory_space<vmem>>, vector<16xi32>,
          %shift_left3A_250 = arith.constant 16 : i32
          %shift_left3A_251 = vector.broadcast %shift_left3A_250 : i32 to vector<16xi32>
          %shift_left3A_252 = arith.shli %get3A_249, %shift_left3A_251 : vector<16xi32>
          %bitcast3A_253 = vector.bitcast %shift_left3A_252 : vector<16xi32> to vector<16xf32>
          %and3A_254 = vector.broadcast %scan3A_3 : i32 to vector<16xi32>
          %and3A_255 = arith.andi %get3A_249, %and3A_254 : vector<16xi32>
          %bitcast3A_256 = vector.bitcast %and3A_255 : vector<16xi32> to vector<16xf32>
          %swap3A_257 = arith.index_cast %add3A_246 : i32 to index
          %swap3A_258 = arith.constant 0 : index
          %swap3A_259 = tpu.vector_load %arg11[%swap3A_257, %swap3A_258] {strides = array<i32>} : memref<128x64xf32, #tpu.memory_space<vmem>>, vector<16xf32>,
          tpu.vector_store %arg11[%swap3A_257, %swap3A_258], %bitcast3A_253 {strides = array<i32>} : memref<128x64xf32, #tpu.memory_space<vmem>>, vector<16xf32>,
          %swap3A_260 = arith.index_cast %add3A_246 : i32 to index
          %swap3A_261 = arith.constant 16 : index
          %swap3A_262 = tpu.vector_load %arg11[%swap3A_260, %swap3A_261] {strides = array<i32>} : memref<128x64xf32, #tpu.memory_space<vmem>>, vector<16xf32>,
          tpu.vector_store %arg11[%swap3A_260, %swap3A_261], %bitcast3A_256 {strides = array<i32>} : memref<128x64xf32, #tpu.memory_space<vmem>>, vector<16xf32>,
          %get3A_263 = arith.index_cast %add3A_246 : i32 to index
          %get3A_264 = arith.constant 16 : index
          %get3A_265 = tpu.vector_load %arg9[%get3A_263, %get3A_264] {strides = array<i32>} : memref<128x32xi32, #tpu.memory_space<vmem>>, vector<16xi32>,
          %shift_left3A_266 = arith.constant 16 : i32
          %shift_left3A_267 = vector.broadcast %shift_left3A_266 : i32 to vector<16xi32>
          %shift_left3A_268 = arith.shli %get3A_265, %shift_left3A_267 : vector<16xi32>
          %bitcast3A_269 = vector.bitcast %shift_left3A_268 : vector<16xi32> to vector<16xf32>
          %and3A_270 = vector.broadcast %scan3A_3 : i32 to vector<16xi32>
          %and3A_271 = arith.andi %get3A_265, %and3A_270 : vector<16xi32>
          %bitcast3A_272 = vector.bitcast %and3A_271 : vector<16xi32> to vector<16xf32>
          %swap3A_273 = arith.index_cast %add3A_246 : i32 to index
          %swap3A_274 = arith.constant 32 : index
          %swap3A_275 = tpu.vector_load %arg11[%swap3A_273, %swap3A_274] {strides = array<i32>} : memref<128x64xf32, #tpu.memory_space<vmem>>, vector<16xf32>,
          tpu.vector_store %arg11[%swap3A_273, %swap3A_274], %bitcast3A_269 {strides = array<i32>} : memref<128x64xf32, #tpu.memory_space<vmem>>, vector<16xf32>,
          %swap3A_276 = arith.index_cast %add3A_246 : i32 to index
          %swap3A_277 = arith.constant 48 : index
          %swap3A_278 = tpu.vector_load %arg11[%swap3A_276, %swap3A_277] {strides = array<i32>} : memref<128x64xf32, #tpu.memory_space<vmem>>, vector<16xf32>,
          tpu.vector_store %arg11[%swap3A_276, %swap3A_277], %bitcast3A_272 {strides = array<i32>} : memref<128x64xf32, #tpu.memory_space<vmem>>, vector<16xf32>,
          %mul3A_279 = arith.constant 8 : i32
          %mul3A_280 = arith.muli %scan3A_103, %mul3A_279 : i32
          %add3A_281 = arith.constant 5 : i32
          %add3A_282 = arith.addi %mul3A_280, %add3A_281 : i32
          %get3A_283 = arith.index_cast %add3A_282 : i32 to index
          %get3A_284 = arith.constant 0 : index
          %get3A_285 = tpu.vector_load %arg9[%get3A_283, %get3A_284] {strides = array<i32>} : memref<128x32xi32, #tpu.memory_space<vmem>>, vector<16xi32>,
          %shift_left3A_286 = arith.constant 16 : i32
          %shift_left3A_287 = vector.broadcast %shift_left3A_286 : i32 to vector<16xi32>
          %shift_left3A_288 = arith.shli %get3A_285, %shift_left3A_287 : vector<16xi32>
          %bitcast3A_289 = vector.bitcast %shift_left3A_288 : vector<16xi32> to vector<16xf32>
          %and3A_290 = vector.broadcast %scan3A_3 : i32 to vector<16xi32>
          %and3A_291 = arith.andi %get3A_285, %and3A_290 : vector<16xi32>
          %bitcast3A_292 = vector.bitcast %and3A_291 : vector<16xi32> to vector<16xf32>
          %swap3A_293 = arith.index_cast %add3A_282 : i32 to index
          %swap3A_294 = arith.constant 0 : index
          %swap3A_295 = tpu.vector_load %arg11[%swap3A_293, %swap3A_294] {strides = array<i32>} : memref<128x64xf32, #tpu.memory_space<vmem>>, vector<16xf32>,
          tpu.vector_store %arg11[%swap3A_293, %swap3A_294], %bitcast3A_289 {strides = array<i32>} : memref<128x64xf32, #tpu.memory_space<vmem>>, vector<16xf32>,
          %swap3A_296 = arith.index_cast %add3A_282 : i32 to index
          %swap3A_297 = arith.constant 16 : index
          %swap3A_298 = tpu.vector_load %arg11[%swap3A_296, %swap3A_297] {strides = array<i32>} : memref<128x64xf32, #tpu.memory_space<vmem>>, vector<16xf32>,
          tpu.vector_store %arg11[%swap3A_296, %swap3A_297], %bitcast3A_292 {strides = array<i32>} : memref<128x64xf32, #tpu.memory_space<vmem>>, vector<16xf32>,
          %get3A_299 = arith.index_cast %add3A_282 : i32 to index
          %get3A_300 = arith.constant 16 : index
          %get3A_301 = tpu.vector_load %arg9[%get3A_299, %get3A_300] {strides = array<i32>} : memref<128x32xi32, #tpu.memory_space<vmem>>, vector<16xi32>,
          %shift_left3A_302 = arith.constant 16 : i32
          %shift_left3A_303 = vector.broadcast %shift_left3A_302 : i32 to vector<16xi32>
          %shift_left3A_304 = arith.shli %get3A_301, %shift_left3A_303 : vector<16xi32>
          %bitcast3A_305 = vector.bitcast %shift_left3A_304 : vector<16xi32> to vector<16xf32>
          %and3A_306 = vector.broadcast %scan3A_3 : i32 to vector<16xi32>
          %and3A_307 = arith.andi %get3A_301, %and3A_306 : vector<16xi32>
          %bitcast3A_308 = vector.bitcast %and3A_307 : vector<16xi32> to vector<16xf32>
          %swap3A_309 = arith.index_cast %add3A_282 : i32 to index
          %swap3A_310 = arith.constant 32 : index
          %swap3A_311 = tpu.vector_load %arg11[%swap3A_309, %swap3A_310] {strides = array<i32>} : memref<128x64xf32, #tpu.memory_space<vmem>>, vector<16xf32>,
          tpu.vector_store %arg11[%swap3A_309, %swap3A_310], %bitcast3A_305 {strides = array<i32>} : memref<128x64xf32, #tpu.memory_space<vmem>>, vector<16xf32>,
          %swap3A_312 = arith.index_cast %add3A_282 : i32 to index
          %swap3A_313 = arith.constant 48 : index
          %swap3A_314 = tpu.vector_load %arg11[%swap3A_312, %swap3A_313] {strides = array<i32>} : memref<128x64xf32, #tpu.memory_space<vmem>>, vector<16xf32>,
          tpu.vector_store %arg11[%swap3A_312, %swap3A_313], %bitcast3A_308 {strides = array<i32>} : memref<128x64xf32, #tpu.memory_space<vmem>>, vector<16xf32>,
          %mul3A_315 = arith.constant 8 : i32
          %mul3A_316 = arith.muli %scan3A_103, %mul3A_315 : i32
          %add3A_317 = arith.constant 6 : i32
          %add3A_318 = arith.addi %mul3A_316, %add3A_317 : i32
          %get3A_319 = arith.index_cast %add3A_318 : i32 to index
          %get3A_320 = arith.constant 0 : index
          %get3A_321 = tpu.vector_load %arg9[%get3A_319, %get3A_320] {strides = array<i32>} : memref<128x32xi32, #tpu.memory_space<vmem>>, vector<16xi32>,
          %shift_left3A_322 = arith.constant 16 : i32
          %shift_left3A_323 = vector.broadcast %shift_left3A_322 : i32 to vector<16xi32>
          %shift_left3A_324 = arith.shli %get3A_321, %shift_left3A_323 : vector<16xi32>
          %bitcast3A_325 = vector.bitcast %shift_left3A_324 : vector<16xi32> to vector<16xf32>
          %and3A_326 = vector.broadcast %scan3A_3 : i32 to vector<16xi32>
          %and3A_327 = arith.andi %get3A_321, %and3A_326 : vector<16xi32>
          %bitcast3A_328 = vector.bitcast %and3A_327 : vector<16xi32> to vector<16xf32>
          %swap3A_329 = arith.index_cast %add3A_318 : i32 to index
          %swap3A_330 = arith.constant 0 : index
          %swap3A_331 = tpu.vector_load %arg11[%swap3A_329, %swap3A_330] {strides = array<i32>} : memref<128x64xf32, #tpu.memory_space<vmem>>, vector<16xf32>,
          tpu.vector_store %arg11[%swap3A_329, %swap3A_330], %bitcast3A_325 {strides = array<i32>} : memref<128x64xf32, #tpu.memory_space<vmem>>, vector<16xf32>,
          %swap3A_332 = arith.index_cast %add3A_318 : i32 to index
          %swap3A_333 = arith.constant 16 : index
          %swap3A_334 = tpu.vector_load %arg11[%swap3A_332, %swap3A_333] {strides = array<i32>} : memref<128x64xf32, #tpu.memory_space<vmem>>, vector<16xf32>,
          tpu.vector_store %arg11[%swap3A_332, %swap3A_333], %bitcast3A_328 {strides = array<i32>} : memref<128x64xf32, #tpu.memory_space<vmem>>, vector<16xf32>,
          %get3A_335 = arith.index_cast %add3A_318 : i32 to index
          %get3A_336 = arith.constant 16 : index
          %get3A_337 = tpu.vector_load %arg9[%get3A_335, %get3A_336] {strides = array<i32>} : memref<128x32xi32, #tpu.memory_space<vmem>>, vector<16xi32>,
          %shift_left3A_338 = arith.constant 16 : i32
          %shift_left3A_339 = vector.broadcast %shift_left3A_338 : i32 to vector<16xi32>
          %shift_left3A_340 = arith.shli %get3A_337, %shift_left3A_339 : vector<16xi32>
          %bitcast3A_341 = vector.bitcast %shift_left3A_340 : vector<16xi32> to vector<16xf32>
          %and3A_342 = vector.broadcast %scan3A_3 : i32 to vector<16xi32>
          %and3A_343 = arith.andi %get3A_337, %and3A_342 : vector<16xi32>
          %bitcast3A_344 = vector.bitcast %and3A_343 : vector<16xi32> to vector<16xf32>
          %swap3A_345 = arith.index_cast %add3A_318 : i32 to index
          %swap3A_346 = arith.constant 32 : index
          %swap3A_347 = tpu.vector_load %arg11[%swap3A_345, %swap3A_346] {strides = array<i32>} : memref<128x64xf32, #tpu.memory_space<vmem>>, vector<16xf32>,
          tpu.vector_store %arg11[%swap3A_345, %swap3A_346], %bitcast3A_341 {strides = array<i32>} : memref<128x64xf32, #tpu.memory_space<vmem>>, vector<16xf32>,
          %swap3A_348 = arith.index_cast %add3A_318 : i32 to index
          %swap3A_349 = arith.constant 48 : index
          %swap3A_350 = tpu.vector_load %arg11[%swap3A_348, %swap3A_349] {strides = array<i32>} : memref<128x64xf32, #tpu.memory_space<vmem>>, vector<16xf32>,
          tpu.vector_store %arg11[%swap3A_348, %swap3A_349], %bitcast3A_344 {strides = array<i32>} : memref<128x64xf32, #tpu.memory_space<vmem>>, vector<16xf32>,
          %mul3A_351 = arith.constant 8 : i32
          %mul3A_352 = arith.muli %scan3A_103, %mul3A_351 : i32
          %add3A_353 = arith.constant 7 : i32
          %add3A_354 = arith.addi %mul3A_352, %add3A_353 : i32
          %get3A_355 = arith.index_cast %add3A_354 : i32 to index
          %get3A_356 = arith.constant 0 : index
          %get3A_357 = tpu.vector_load %arg9[%get3A_355, %get3A_356] {strides = array<i32>} : memref<128x32xi32, #tpu.memory_space<vmem>>, vector<16xi32>,
          %shift_left3A_358 = arith.constant 16 : i32
          %shift_left3A_359 = vector.broadcast %shift_left3A_358 : i32 to vector<16xi32>
          %shift_left3A_360 = arith.shli %get3A_357, %shift_left3A_359 : vector<16xi32>
          %bitcast3A_361 = vector.bitcast %shift_left3A_360 : vector<16xi32> to vector<16xf32>
          %and3A_362 = vector.broadcast %scan3A_3 : i32 to vector<16xi32>
          %and3A_363 = arith.andi %get3A_357, %and3A_362 : vector<16xi32>
          %bitcast3A_364 = vector.bitcast %and3A_363 : vector<16xi32> to vector<16xf32>
          %swap3A_365 = arith.index_cast %add3A_354 : i32 to index
          %swap3A_366 = arith.constant 0 : index
          %swap3A_367 = tpu.vector_load %arg11[%swap3A_365, %swap3A_366] {strides = array<i32>} : memref<128x64xf32, #tpu.memory_space<vmem>>, vector<16xf32>,
          tpu.vector_store %arg11[%swap3A_365, %swap3A_366], %bitcast3A_361 {strides = array<i32>} : memref<128x64xf32, #tpu.memory_space<vmem>>, vector<16xf32>,
          %swap3A_368 = arith.index_cast %add3A_354 : i32 to index
          %swap3A_369 = arith.constant 16 : index
          %swap3A_370 = tpu.vector_load %arg11[%swap3A_368, %swap3A_369] {strides = array<i32>} : memref<128x64xf32, #tpu.memory_space<vmem>>, vector<16xf32>,
          tpu.vector_store %arg11[%swap3A_368, %swap3A_369], %bitcast3A_364 {strides = array<i32>} : memref<128x64xf32, #tpu.memory_space<vmem>>, vector<16xf32>,
          %get3A_371 = arith.index_cast %add3A_354 : i32 to index
          %get3A_372 = arith.constant 16 : index
          %get3A_373 = tpu.vector_load %arg9[%get3A_371, %get3A_372] {strides = array<i32>} : memref<128x32xi32, #tpu.memory_space<vmem>>, vector<16xi32>,
          %shift_left3A_374 = arith.constant 16 : i32
          %shift_left3A_375 = vector.broadcast %shift_left3A_374 : i32 to vector<16xi32>
          %shift_left3A_376 = arith.shli %get3A_373, %shift_left3A_375 : vector<16xi32>
          %bitcast3A_377 = vector.bitcast %shift_left3A_376 : vector<16xi32> to vector<16xf32>
          %and3A_378 = vector.broadcast %scan3A_3 : i32 to vector<16xi32>
          %and3A_379 = arith.andi %get3A_373, %and3A_378 : vector<16xi32>
          %bitcast3A_380 = vector.bitcast %and3A_379 : vector<16xi32> to vector<16xf32>
          %swap3A_381 = arith.index_cast %add3A_354 : i32 to index
          %swap3A_382 = arith.constant 32 : index
          %swap3A_383 = tpu.vector_load %arg11[%swap3A_381, %swap3A_382] {strides = array<i32>} : memref<128x64xf32, #tpu.memory_space<vmem>>, vector<16xf32>,
          tpu.vector_store %arg11[%swap3A_381, %swap3A_382], %bitcast3A_377 {strides = array<i32>} : memref<128x64xf32, #tpu.memory_space<vmem>>, vector<16xf32>,
          %swap3A_384 = arith.index_cast %add3A_354 : i32 to index
          %swap3A_385 = arith.constant 48 : index
          %swap3A_386 = tpu.vector_load %arg11[%swap3A_384, %swap3A_385] {strides = array<i32>} : memref<128x64xf32, #tpu.memory_space<vmem>>, vector<16xf32>,
          tpu.vector_store %arg11[%swap3A_384, %swap3A_385], %bitcast3A_380 {strides = array<i32>} : memref<128x64xf32, #tpu.memory_space<vmem>>, vector<16xf32>,
        }
        %scan3A_92 = arith.constant 16 : i32
        %lt3A = arith.constant 8 : i32
        %lt3A_93 = arith.cmpi slt, %scan3A_45, %lt3A : i32
        %convert_element_type3A_94 = arith.extui %lt3A_93 : i1 to i32
        %cond3A_95 = arith.constant 0 : i32
        %cond3A_96 = arith.cmpi ne, %convert_element_type3A_94, %cond3A_95 : i32
        scf.if %cond3A_96 {
          %add3A_103 = arith.constant 2 : i32
          %add3A_104 = arith.addi %mul3A_47, %add3A_103 : i32
          %dma_start3A_105 = arith.constant 0 : i32
          %dma_start3A_106 = tpu.memref_slice %arg7[%add3A_104, %dma_start3A_105] : memref<18x128xi32, #tpu.memory_space<vmem>> -> memref<1x128xi32, #tpu.memory_space<vmem>>
          %dma_start3A_107 = tpu.memref_squeeze %dma_start3A_106 : memref<1x128xi32, #tpu.memory_space<vmem>> -> memref<128xi32, #tpu.memory_space<vmem>>
          %dma_start3A_108 = arith.constant 0 : i32
          %dma_start3A_109 = arith.constant 0 : i32
          %dma_start3A_110 = tpu.memref_slice %arg2[%dma_start3A_108, %dma_start3A_109] : memref<20000x32xi32, #tpu.memory_space<hbm>> -> memref<20000x32xi32, #tpu.memory_space<hbm>>
          tpu.enqueue_indirect_dma source(%dma_start3A_110 : memref<20000x32xi32, #tpu.memory_space<hbm>>) target(%arg9 : memref<128x32xi32, #tpu.memory_space<vmem>>) offsets(%dma_start3A_107 : memref<128xi32, #tpu.memory_space<vmem>>) semaphore(%arg13 : memref<!tpu.dma_semaphore, #tpu.memory_space<semaphore_mem>>)
        } else {
        }
        %dma_start3A_97 = arith.constant 0 : i32
        %dma_start3A_98 = tpu.memref_slice %arg8[%add3A_49, %dma_start3A_97] : memref<18x128xi32, #tpu.memory_space<vmem>> -> memref<1x128xi32, #tpu.memory_space<vmem>>
        %dma_start3A_99 = tpu.memref_squeeze %dma_start3A_98 : memref<1x128xi32, #tpu.memory_space<vmem>> -> memref<128xi32, #tpu.memory_space<vmem>>
        %dma_start3A_100 = arith.constant 0 : i32
        %dma_start3A_101 = arith.constant 0 : i32
        %dma_start3A_102 = tpu.memref_slice %arg12[%dma_start3A_100, %dma_start3A_101] : memref<10016x64xf32, #tpu.memory_space<vmem_shared>> -> memref<10016x64xf32, #tpu.memory_space<vmem_shared>>
        tpu.enqueue_indirect_dma source(%arg11 : memref<128x64xf32, #tpu.memory_space<vmem>>) target(%dma_start3A_102 : memref<10016x64xf32, #tpu.memory_space<vmem_shared>>) offsets(%dma_start3A_99 : memref<128xi32, #tpu.memory_space<vmem>>) semaphore(%arg15 : memref<!tpu.dma_semaphore, #tpu.memory_space<semaphore_mem>>) {add = true}
      }
      %scan3A_31 = arith.constant 9 : i32
      %dma_wait3A = arith.constant 16 : i32
      %dma_wait3A_32 = arith.constant 0 : i32
      %dma_wait3A_33 = tpu.memref_slice %arg8[%dma_wait3A, %dma_wait3A_32] : memref<18x128xi32, #tpu.memory_space<vmem>> -> memref<1x128xi32, #tpu.memory_space<vmem>>
      %dma_wait3A_34 = tpu.memref_squeeze %dma_wait3A_33 : memref<1x128xi32, #tpu.memory_space<vmem>> -> memref<128xi32, #tpu.memory_space<vmem>>
      %dma_wait3A_35 = arith.constant 0 : i32
      %dma_wait3A_36 = arith.constant 0 : i32
      %dma_wait3A_37 = tpu.memref_slice %arg12[%dma_wait3A_35, %dma_wait3A_36] : memref<10016x64xf32, #tpu.memory_space<vmem_shared>> -> memref<10016x64xf32, #tpu.memory_space<vmem_shared>>
      tpu.wait_indirect_dma semaphore(%arg14 : memref<!tpu.dma_semaphore, #tpu.memory_space<semaphore_mem>>) src(%arg10 : memref<128x64xf32, #tpu.memory_space<vmem>>) dst(%dma_wait3A_37 : memref<10016x64xf32, #tpu.memory_space<vmem_shared>>)
      %dma_wait3A_38 = arith.constant 17 : i32
      %dma_wait3A_39 = arith.constant 0 : i32
      %dma_wait3A_40 = tpu.memref_slice %arg8[%dma_wait3A_38, %dma_wait3A_39] : memref<18x128xi32, #tpu.memory_space<vmem>> -> memref<1x128xi32, #tpu.memory_space<vmem>>
      %dma_wait3A_41 = tpu.memref_squeeze %dma_wait3A_40 : memref<1x128xi32, #tpu.memory_space<vmem>> -> memref<128xi32, #tpu.memory_space<vmem>>
      %dma_wait3A_42 = arith.constant 0 : i32
      %dma_wait3A_43 = arith.constant 0 : i32
      %dma_wait3A_44 = tpu.memref_slice %arg12[%dma_wait3A_42, %dma_wait3A_43] : memref<10016x64xf32, #tpu.memory_space<vmem_shared>> -> memref<10016x64xf32, #tpu.memory_space<vmem_shared>>
      tpu.wait_indirect_dma semaphore(%arg15 : memref<!tpu.dma_semaphore, #tpu.memory_space<semaphore_mem>>) src(%arg11 : memref<128x64xf32, #tpu.memory_space<vmem>>) dst(%dma_wait3A_44 : memref<10016x64xf32, #tpu.memory_space<vmem_shared>>)
    }
    %scan3A_8 = arith.constant 9 : i32
    %barrier3A_9 = arith.constant 0 : index
    tpu.barrier barrier_id(%barrier3A_9)
    %mul3A_10 = arith.constant 626 : i32
    %mul3A_11 = arith.muli %arg1, %mul3A_10 : i32
    %mul3A_12 = arith.constant 626 : i32
    %mul3A_13 = arith.muli %arg1, %mul3A_12 : i32
    "tpu.region"() ({
      %run_scoped3A = tpu.sem_alloc : memref<!tpu.dma_semaphore, #tpu.memory_space<semaphore_mem>>
      %dma_start3A = arith.constant 0 : i32
      %dma_start3A_14 = tpu.memref_slice %arg6[%arg0, %mul3A_13, %dma_start3A] : memref<2x10016x64xf32, #tpu.memory_space<hbm>> -> memref<1x626x64xf32, #tpu.memory_space<hbm>>
      %dma_start3A_15 = tpu.memref_squeeze %dma_start3A_14 : memref<1x626x64xf32, #tpu.memory_space<hbm>> -> memref<626x64xf32, #tpu.memory_space<hbm>>
      %dma_start3A_16 = arith.constant 0 : i32
      %dma_start3A_17 = tpu.memref_slice %arg12[%mul3A_11, %dma_start3A_16] : memref<10016x64xf32, #tpu.memory_space<vmem_shared>> -> memref<626x64xf32, #tpu.memory_space<vmem_shared>>
      tpu.enqueue_dma source(%dma_start3A_17 : memref<626x64xf32, #tpu.memory_space<vmem_shared>>) target(%dma_start3A_15 : memref<626x64xf32, #tpu.memory_space<hbm>>) target_semaphore(%run_scoped3A : memref<!tpu.dma_semaphore, #tpu.memory_space<semaphore_mem>>)
      %dma_wait3A = arith.constant 0 : i32
      %dma_wait3A_18 = tpu.memref_slice %arg6[%arg0, %mul3A_13, %dma_wait3A] : memref<2x10016x64xf32, #tpu.memory_space<hbm>> -> memref<1x626x64xf32, #tpu.memory_space<hbm>>
      %dma_wait3A_19 = tpu.memref_squeeze %dma_wait3A_18 : memref<1x626x64xf32, #tpu.memory_space<hbm>> -> memref<626x64xf32, #tpu.memory_space<hbm>>
      %dma_wait3A_20 = arith.constant 0 : i32
      %dma_wait3A_21 = tpu.memref_slice %arg12[%mul3A_11, %dma_wait3A_20] : memref<10016x64xf32, #tpu.memory_space<vmem_shared>> -> memref<626x64xf32, #tpu.memory_space<vmem_shared>>
      tpu.wait_dma2 semaphore(%run_scoped3A : memref<!tpu.dma_semaphore, #tpu.memory_space<semaphore_mem>>) src(%dma_wait3A_21 : memref<626x64xf32, #tpu.memory_space<vmem_shared>>) dst(%dma_wait3A_19 : memref<626x64xf32, #tpu.memory_space<hbm>>)
      tpu.yield
    }) : () -> ()
    return
  }
}

#map = affine_map<(d0, d1) -> (0, 0)>
#map1 = affine_map<(d0, d1) -> (0, 0, 0)>
module attributes {stable_mosaic.version = 14 : i64} {
  func.func @body(%arg0: i32, %arg1: i32, %arg2: memref<20000x64xi32, #tpu.memory_space<hbm>>, %arg3: memref<2x2592x128xi32, #tpu.memory_space<hbm>>, %arg4: memref<2592x128xi32, #tpu.memory_space<hbm>>, %arg5: memref<626x128xf32, #tpu.memory_space<hbm>>, %arg6: memref<2x10016x128xf32, #tpu.memory_space<hbm>>, %arg7: memref<18x128xi32, #tpu.memory_space<vmem>>, %arg8: memref<18x128xi32, #tpu.memory_space<vmem>>, %arg9: memref<128x64xi32, #tpu.memory_space<vmem>>, %arg10: memref<128x128xf32, #tpu.memory_space<vmem>>, %arg11: memref<128x128xf32, #tpu.memory_space<vmem>>, %arg12: memref<10016x128xf32, #tpu.memory_space<vmem_shared>>, %arg13: memref<!tpu.dma_semaphore, #tpu.memory_space<semaphore_mem>>, %arg14: memref<!tpu.dma_semaphore, #tpu.memory_space<semaphore_mem>>, %arg15: memref<!tpu.dma_semaphore, #tpu.memory_space<semaphore_mem>>) attributes {dimension_semantics = [#tpu.dimension_semantics<core_parallel>, #tpu.dimension_semantics<subcore_parallel>], iteration_bounds = array<i64: 2, 16>, scalar_prefetch = 0 : i64, scratch_operands = 9 : i64, tpu.core_type = #tpu.core_type<sc_vector_subcore>, window_params = [{transform_indices = #map}, {transform_indices = #map1}, {transform_indices = #map}, {transform_indices = #map}, {transform_indices = #map1}]} {
    %mul3A = arith.constant 626 : i32
    %mul3A_0 = arith.muli %arg1, %mul3A : i32
    "tpu.region"() ({
      %run_scoped3A = tpu.sem_alloc : memref<!tpu.dma_semaphore, #tpu.memory_space<semaphore_mem>>
      %dma_start3A = arith.constant 0 : i32
      %dma_start3A_14 = tpu.memref_slice %arg12[%mul3A_0, %dma_start3A] : memref<10016x128xf32, #tpu.memory_space<vmem_shared>> -> memref<626x128xf32, #tpu.memory_space<vmem_shared>>
      tpu.enqueue_dma source(%arg5 : memref<626x128xf32, #tpu.memory_space<hbm>>) target(%dma_start3A_14 : memref<626x128xf32, #tpu.memory_space<vmem_shared>>) target_semaphore(%run_scoped3A : memref<!tpu.dma_semaphore, #tpu.memory_space<semaphore_mem>>)
      %dma_wait3A = arith.constant 0 : i32
      %dma_wait3A_15 = tpu.memref_slice %arg12[%mul3A_0, %dma_wait3A] : memref<10016x128xf32, #tpu.memory_space<vmem_shared>> -> memref<626x128xf32, #tpu.memory_space<vmem_shared>>
      tpu.wait_dma2 semaphore(%run_scoped3A : memref<!tpu.dma_semaphore, #tpu.memory_space<semaphore_mem>>) src(%arg5 : memref<626x128xf32, #tpu.memory_space<hbm>>) dst(%dma_wait3A_15 : memref<626x128xf32, #tpu.memory_space<vmem_shared>>)
      tpu.yield
    }) : () -> ()
    %mul3A_1 = arith.constant 162 : i32
    %mul3A_2 = arith.muli %arg1, %mul3A_1 : i32
    %barrier3A = arith.constant 0 : index
    tpu.barrier barrier_id(%barrier3A)
    %scan3A = arith.constant 0 : i32
    %scan3A_3 = arith.constant -65536 : i32
    %scan3A_4 = arith.constant 0 : i32
    %scan3A_5 = arith.constant 9 : i32
    %scan3A_6 = arith.addi %scan3A_4, %scan3A_5 : i32
    %scan3A_7 = arith.constant 1 : i32
    scf.for %scan3A_14 = %scan3A_4 to %scan3A_6 step %scan3A_7  : i32 {
      %mul3A_15 = arith.constant 18 : i32
      %mul3A_16 = arith.muli %scan3A_14, %mul3A_15 : i32
      %add3A = arith.addi %mul3A_2, %mul3A_16 : i32
      "tpu.region"() ({
        %run_scoped3A = tpu.sem_alloc : memref<!tpu.dma_semaphore, #tpu.memory_space<semaphore_mem>>
        %dma_start3A_45 = arith.constant 0 : i32
        %dma_start3A_46 = tpu.memref_slice %arg3[%arg0, %add3A, %dma_start3A_45] : memref<2x2592x128xi32, #tpu.memory_space<hbm>> -> memref<1x18x128xi32, #tpu.memory_space<hbm>>
        %dma_start3A_47 = tpu.memref_squeeze %dma_start3A_46 : memref<1x18x128xi32, #tpu.memory_space<hbm>> -> memref<18x128xi32, #tpu.memory_space<hbm>>
        %dma_start3A_48 = arith.constant 0 : i32
        %dma_start3A_49 = tpu.memref_slice %arg3[%arg0, %add3A, %dma_start3A_48] : memref<2x2592x128xi32, #tpu.memory_space<hbm>> -> memref<1x18x128xi32, #tpu.memory_space<hbm>>
        %dma_start3A_50 = tpu.memref_squeeze %dma_start3A_49 : memref<1x18x128xi32, #tpu.memory_space<hbm>> -> memref<18x128xi32, #tpu.memory_space<hbm>>
        tpu.enqueue_dma source(%dma_start3A_50 : memref<18x128xi32, #tpu.memory_space<hbm>>) target(%arg7 : memref<18x128xi32, #tpu.memory_space<vmem>>) target_semaphore(%run_scoped3A : memref<!tpu.dma_semaphore, #tpu.memory_space<semaphore_mem>>)
        %dma_wait3A_51 = arith.constant 0 : i32
        %dma_wait3A_52 = tpu.memref_slice %arg3[%arg0, %add3A, %dma_wait3A_51] : memref<2x2592x128xi32, #tpu.memory_space<hbm>> -> memref<1x18x128xi32, #tpu.memory_space<hbm>>
        %dma_wait3A_53 = tpu.memref_squeeze %dma_wait3A_52 : memref<1x18x128xi32, #tpu.memory_space<hbm>> -> memref<18x128xi32, #tpu.memory_space<hbm>>
        %dma_wait3A_54 = arith.constant 0 : i32
        %dma_wait3A_55 = tpu.memref_slice %arg3[%arg0, %add3A, %dma_wait3A_54] : memref<2x2592x128xi32, #tpu.memory_space<hbm>> -> memref<1x18x128xi32, #tpu.memory_space<hbm>>
        %dma_wait3A_56 = tpu.memref_squeeze %dma_wait3A_55 : memref<1x18x128xi32, #tpu.memory_space<hbm>> -> memref<18x128xi32, #tpu.memory_space<hbm>>
        tpu.wait_dma2 semaphore(%run_scoped3A : memref<!tpu.dma_semaphore, #tpu.memory_space<semaphore_mem>>) src(%dma_wait3A_56 : memref<18x128xi32, #tpu.memory_space<hbm>>) dst(%arg7 : memref<18x128xi32, #tpu.memory_space<vmem>>)
        tpu.yield
      }) : () -> ()
      %mul3A_17 = arith.constant 18 : i32
      %mul3A_18 = arith.muli %scan3A_14, %mul3A_17 : i32
      %add3A_19 = arith.addi %mul3A_2, %mul3A_18 : i32
      "tpu.region"() ({
        %run_scoped3A = tpu.sem_alloc : memref<!tpu.dma_semaphore, #tpu.memory_space<semaphore_mem>>
        %dma_start3A_45 = arith.constant 0 : i32
        %dma_start3A_46 = tpu.memref_slice %arg4[%add3A_19, %dma_start3A_45] : memref<2592x128xi32, #tpu.memory_space<hbm>> -> memref<18x128xi32, #tpu.memory_space<hbm>>
        %dma_start3A_47 = arith.constant 0 : i32
        %dma_start3A_48 = tpu.memref_slice %arg4[%add3A_19, %dma_start3A_47] : memref<2592x128xi32, #tpu.memory_space<hbm>> -> memref<18x128xi32, #tpu.memory_space<hbm>>
        tpu.enqueue_dma source(%dma_start3A_48 : memref<18x128xi32, #tpu.memory_space<hbm>>) target(%arg8 : memref<18x128xi32, #tpu.memory_space<vmem>>) target_semaphore(%run_scoped3A : memref<!tpu.dma_semaphore, #tpu.memory_space<semaphore_mem>>)
        %dma_wait3A_49 = arith.constant 0 : i32
        %dma_wait3A_50 = tpu.memref_slice %arg4[%add3A_19, %dma_wait3A_49] : memref<2592x128xi32, #tpu.memory_space<hbm>> -> memref<18x128xi32, #tpu.memory_space<hbm>>
        %dma_wait3A_51 = arith.constant 0 : i32
        %dma_wait3A_52 = tpu.memref_slice %arg4[%add3A_19, %dma_wait3A_51] : memref<2592x128xi32, #tpu.memory_space<hbm>> -> memref<18x128xi32, #tpu.memory_space<hbm>>
        tpu.wait_dma2 semaphore(%run_scoped3A : memref<!tpu.dma_semaphore, #tpu.memory_space<semaphore_mem>>) src(%dma_wait3A_52 : memref<18x128xi32, #tpu.memory_space<hbm>>) dst(%arg8 : memref<18x128xi32, #tpu.memory_space<vmem>>)
        tpu.yield
      }) : () -> ()
      %dma_start3A = arith.constant 0 : i32
      %dma_start3A_20 = arith.constant 0 : i32
      %dma_start3A_21 = tpu.memref_slice %arg7[%dma_start3A, %dma_start3A_20] : memref<18x128xi32, #tpu.memory_space<vmem>> -> memref<1x128xi32, #tpu.memory_space<vmem>>
      %dma_start3A_22 = tpu.memref_squeeze %dma_start3A_21 : memref<1x128xi32, #tpu.memory_space<vmem>> -> memref<128xi32, #tpu.memory_space<vmem>>
      %dma_start3A_23 = arith.constant 0 : i32
      %dma_start3A_24 = arith.constant 0 : i32
      %dma_start3A_25 = tpu.memref_slice %arg2[%dma_start3A_23, %dma_start3A_24] : memref<20000x64xi32, #tpu.memory_space<hbm>> -> memref<20000x64xi32, #tpu.memory_space<hbm>>
      tpu.enqueue_indirect_dma source(%dma_start3A_25 : memref<20000x64xi32, #tpu.memory_space<hbm>>) target(%arg9 : memref<128x64xi32, #tpu.memory_space<vmem>>) offsets(%dma_start3A_22 : memref<128xi32, #tpu.memory_space<vmem>>) semaphore(%arg13 : memref<!tpu.dma_semaphore, #tpu.memory_space<semaphore_mem>>)
      %scan3A_26 = arith.constant 0 : i32
      %scan3A_27 = arith.constant 0 : i32
      %scan3A_28 = arith.constant 9 : i32
      %scan3A_29 = arith.addi %scan3A_27, %scan3A_28 : i32
      %scan3A_30 = arith.constant 1 : i32
      scf.for %scan3A_45 = %scan3A_27 to %scan3A_29 step %scan3A_30  : i32 {
        %mul3A_46 = arith.constant 2 : i32
        %mul3A_47 = arith.muli %scan3A_45, %mul3A_46 : i32
        %add3A_48 = arith.constant 1 : i32
        %add3A_49 = arith.addi %mul3A_47, %add3A_48 : i32
        %dma_wait3A_50 = arith.constant 0 : i32
        %dma_wait3A_51 = tpu.memref_slice %arg7[%mul3A_47, %dma_wait3A_50] : memref<18x128xi32, #tpu.memory_space<vmem>> -> memref<1x128xi32, #tpu.memory_space<vmem>>
        %dma_wait3A_52 = tpu.memref_squeeze %dma_wait3A_51 : memref<1x128xi32, #tpu.memory_space<vmem>> -> memref<128xi32, #tpu.memory_space<vmem>>
        %dma_wait3A_53 = arith.constant 0 : i32
        %dma_wait3A_54 = arith.constant 0 : i32
        %dma_wait3A_55 = tpu.memref_slice %arg2[%dma_wait3A_53, %dma_wait3A_54] : memref<20000x64xi32, #tpu.memory_space<hbm>> -> memref<20000x64xi32, #tpu.memory_space<hbm>>
        tpu.wait_indirect_dma semaphore(%arg13 : memref<!tpu.dma_semaphore, #tpu.memory_space<semaphore_mem>>) src(%dma_wait3A_55 : memref<20000x64xi32, #tpu.memory_space<hbm>>) dst(%arg9 : memref<128x64xi32, #tpu.memory_space<vmem>>)
        %gt3A = arith.constant 0 : i32
        %gt3A_56 = arith.cmpi sgt, %scan3A_45, %gt3A : i32
        %convert_element_type3A = arith.extui %gt3A_56 : i1 to i32
        %cond3A = arith.constant 0 : i32
        %cond3A_57 = arith.cmpi ne, %convert_element_type3A, %cond3A : i32
        scf.if %cond3A_57 {
          %dma_wait3A_103 = arith.constant 0 : i32
          %dma_wait3A_104 = tpu.memref_slice %arg8[%mul3A_47, %dma_wait3A_103] : memref<18x128xi32, #tpu.memory_space<vmem>> -> memref<1x128xi32, #tpu.memory_space<vmem>>
          %dma_wait3A_105 = tpu.memref_squeeze %dma_wait3A_104 : memref<1x128xi32, #tpu.memory_space<vmem>> -> memref<128xi32, #tpu.memory_space<vmem>>
          %dma_wait3A_106 = arith.constant 0 : i32
          %dma_wait3A_107 = arith.constant 0 : i32
          %dma_wait3A_108 = tpu.memref_slice %arg12[%dma_wait3A_106, %dma_wait3A_107] : memref<10016x128xf32, #tpu.memory_space<vmem_shared>> -> memref<10016x128xf32, #tpu.memory_space<vmem_shared>>
          tpu.wait_indirect_dma semaphore(%arg14 : memref<!tpu.dma_semaphore, #tpu.memory_space<semaphore_mem>>) src(%arg10 : memref<128x128xf32, #tpu.memory_space<vmem>>) dst(%dma_wait3A_108 : memref<10016x128xf32, #tpu.memory_space<vmem_shared>>)
        } else {
        }
        %scan3A_58 = arith.constant 0 : i32
        %scan3A_59 = arith.constant 0 : i32
        %scan3A_60 = arith.constant 16 : i32
        %scan3A_61 = arith.addi %scan3A_59, %scan3A_60 : i32
        %scan3A_62 = arith.constant 1 : i32
        scf.for %scan3A_103 = %scan3A_59 to %scan3A_61 step %scan3A_62  : i32 {
          %mul3A_104 = arith.constant 8 : i32
          %mul3A_105 = arith.muli %scan3A_103, %mul3A_104 : i32
          %add3A_106 = arith.constant 0 : i32
          %add3A_107 = arith.addi %mul3A_105, %add3A_106 : i32
          %get3A = arith.index_cast %add3A_107 : i32 to index
          %get3A_108 = arith.constant 0 : index
          %get3A_109 = tpu.vector_load %arg9[%get3A, %get3A_108] {strides = array<i32>} : memref<128x64xi32, #tpu.memory_space<vmem>>, vector<16xi32>,
          %shift_left3A = arith.constant 16 : i32
          %shift_left3A_110 = vector.broadcast %shift_left3A : i32 to vector<16xi32>
          %shift_left3A_111 = arith.shli %get3A_109, %shift_left3A_110 : vector<16xi32>
          %bitcast3A = vector.bitcast %shift_left3A_111 : vector<16xi32> to vector<16xf32>
          %and3A = vector.broadcast %scan3A_3 : i32 to vector<16xi32>
          %and3A_112 = arith.andi %get3A_109, %and3A : vector<16xi32>
          %bitcast3A_113 = vector.bitcast %and3A_112 : vector<16xi32> to vector<16xf32>
          %swap3A = arith.index_cast %add3A_107 : i32 to index
          %swap3A_114 = arith.constant 0 : index
          %swap3A_115 = tpu.vector_load %arg10[%swap3A, %swap3A_114] {strides = array<i32>} : memref<128x128xf32, #tpu.memory_space<vmem>>, vector<16xf32>,
          tpu.vector_store %arg10[%swap3A, %swap3A_114], %bitcast3A {strides = array<i32>} : memref<128x128xf32, #tpu.memory_space<vmem>>, vector<16xf32>,
          %swap3A_116 = arith.index_cast %add3A_107 : i32 to index
          %swap3A_117 = arith.constant 16 : index
          %swap3A_118 = tpu.vector_load %arg10[%swap3A_116, %swap3A_117] {strides = array<i32>} : memref<128x128xf32, #tpu.memory_space<vmem>>, vector<16xf32>,
          tpu.vector_store %arg10[%swap3A_116, %swap3A_117], %bitcast3A_113 {strides = array<i32>} : memref<128x128xf32, #tpu.memory_space<vmem>>, vector<16xf32>,
          %get3A_119 = arith.index_cast %add3A_107 : i32 to index
          %get3A_120 = arith.constant 16 : index
          %get3A_121 = tpu.vector_load %arg9[%get3A_119, %get3A_120] {strides = array<i32>} : memref<128x64xi32, #tpu.memory_space<vmem>>, vector<16xi32>,
          %shift_left3A_122 = arith.constant 16 : i32
          %shift_left3A_123 = vector.broadcast %shift_left3A_122 : i32 to vector<16xi32>
          %shift_left3A_124 = arith.shli %get3A_121, %shift_left3A_123 : vector<16xi32>
          %bitcast3A_125 = vector.bitcast %shift_left3A_124 : vector<16xi32> to vector<16xf32>
          %and3A_126 = vector.broadcast %scan3A_3 : i32 to vector<16xi32>
          %and3A_127 = arith.andi %get3A_121, %and3A_126 : vector<16xi32>
          %bitcast3A_128 = vector.bitcast %and3A_127 : vector<16xi32> to vector<16xf32>
          %swap3A_129 = arith.index_cast %add3A_107 : i32 to index
          %swap3A_130 = arith.constant 32 : index
          %swap3A_131 = tpu.vector_load %arg10[%swap3A_129, %swap3A_130] {strides = array<i32>} : memref<128x128xf32, #tpu.memory_space<vmem>>, vector<16xf32>,
          tpu.vector_store %arg10[%swap3A_129, %swap3A_130], %bitcast3A_125 {strides = array<i32>} : memref<128x128xf32, #tpu.memory_space<vmem>>, vector<16xf32>,
          %swap3A_132 = arith.index_cast %add3A_107 : i32 to index
          %swap3A_133 = arith.constant 48 : index
          %swap3A_134 = tpu.vector_load %arg10[%swap3A_132, %swap3A_133] {strides = array<i32>} : memref<128x128xf32, #tpu.memory_space<vmem>>, vector<16xf32>,
          tpu.vector_store %arg10[%swap3A_132, %swap3A_133], %bitcast3A_128 {strides = array<i32>} : memref<128x128xf32, #tpu.memory_space<vmem>>, vector<16xf32>,
          %get3A_135 = arith.index_cast %add3A_107 : i32 to index
          %get3A_136 = arith.constant 32 : index
          %get3A_137 = tpu.vector_load %arg9[%get3A_135, %get3A_136] {strides = array<i32>} : memref<128x64xi32, #tpu.memory_space<vmem>>, vector<16xi32>,
          %shift_left3A_138 = arith.constant 16 : i32
          %shift_left3A_139 = vector.broadcast %shift_left3A_138 : i32 to vector<16xi32>
          %shift_left3A_140 = arith.shli %get3A_137, %shift_left3A_139 : vector<16xi32>
          %bitcast3A_141 = vector.bitcast %shift_left3A_140 : vector<16xi32> to vector<16xf32>
          %and3A_142 = vector.broadcast %scan3A_3 : i32 to vector<16xi32>
          %and3A_143 = arith.andi %get3A_137, %and3A_142 : vector<16xi32>
          %bitcast3A_144 = vector.bitcast %and3A_143 : vector<16xi32> to vector<16xf32>
          %swap3A_145 = arith.index_cast %add3A_107 : i32 to index
          %swap3A_146 = arith.constant 64 : index
          %swap3A_147 = tpu.vector_load %arg10[%swap3A_145, %swap3A_146] {strides = array<i32>} : memref<128x128xf32, #tpu.memory_space<vmem>>, vector<16xf32>,
          tpu.vector_store %arg10[%swap3A_145, %swap3A_146], %bitcast3A_141 {strides = array<i32>} : memref<128x128xf32, #tpu.memory_space<vmem>>, vector<16xf32>,
          %swap3A_148 = arith.index_cast %add3A_107 : i32 to index
          %swap3A_149 = arith.constant 80 : index
          %swap3A_150 = tpu.vector_load %arg10[%swap3A_148, %swap3A_149] {strides = array<i32>} : memref<128x128xf32, #tpu.memory_space<vmem>>, vector<16xf32>,
          tpu.vector_store %arg10[%swap3A_148, %swap3A_149], %bitcast3A_144 {strides = array<i32>} : memref<128x128xf32, #tpu.memory_space<vmem>>, vector<16xf32>,
          %get3A_151 = arith.index_cast %add3A_107 : i32 to index
          %get3A_152 = arith.constant 48 : index
          %get3A_153 = tpu.vector_load %arg9[%get3A_151, %get3A_152] {strides = array<i32>} : memref<128x64xi32, #tpu.memory_space<vmem>>, vector<16xi32>,
          %shift_left3A_154 = arith.constant 16 : i32
          %shift_left3A_155 = vector.broadcast %shift_left3A_154 : i32 to vector<16xi32>
          %shift_left3A_156 = arith.shli %get3A_153, %shift_left3A_155 : vector<16xi32>
          %bitcast3A_157 = vector.bitcast %shift_left3A_156 : vector<16xi32> to vector<16xf32>
          %and3A_158 = vector.broadcast %scan3A_3 : i32 to vector<16xi32>
          %and3A_159 = arith.andi %get3A_153, %and3A_158 : vector<16xi32>
          %bitcast3A_160 = vector.bitcast %and3A_159 : vector<16xi32> to vector<16xf32>
          %swap3A_161 = arith.index_cast %add3A_107 : i32 to index
          %swap3A_162 = arith.constant 96 : index
          %swap3A_163 = tpu.vector_load %arg10[%swap3A_161, %swap3A_162] {strides = array<i32>} : memref<128x128xf32, #tpu.memory_space<vmem>>, vector<16xf32>,
          tpu.vector_store %arg10[%swap3A_161, %swap3A_162], %bitcast3A_157 {strides = array<i32>} : memref<128x128xf32, #tpu.memory_space<vmem>>, vector<16xf32>,
          %swap3A_164 = arith.index_cast %add3A_107 : i32 to index
          %swap3A_165 = arith.constant 112 : index
          %swap3A_166 = tpu.vector_load %arg10[%swap3A_164, %swap3A_165] {strides = array<i32>} : memref<128x128xf32, #tpu.memory_space<vmem>>, vector<16xf32>,
          tpu.vector_store %arg10[%swap3A_164, %swap3A_165], %bitcast3A_160 {strides = array<i32>} : memref<128x128xf32, #tpu.memory_space<vmem>>, vector<16xf32>,
          %mul3A_167 = arith.constant 8 : i32
          %mul3A_168 = arith.muli %scan3A_103, %mul3A_167 : i32
          %add3A_169 = arith.constant 1 : i32
          %add3A_170 = arith.addi %mul3A_168, %add3A_169 : i32
          %get3A_171 = arith.index_cast %add3A_170 : i32 to index
          %get3A_172 = arith.constant 0 : index
          %get3A_173 = tpu.vector_load %arg9[%get3A_171, %get3A_172] {strides = array<i32>} : memref<128x64xi32, #tpu.memory_space<vmem>>, vector<16xi32>,
          %shift_left3A_174 = arith.constant 16 : i32
          %shift_left3A_175 = vector.broadcast %shift_left3A_174 : i32 to vector<16xi32>
          %shift_left3A_176 = arith.shli %get3A_173, %shift_left3A_175 : vector<16xi32>
          %bitcast3A_177 = vector.bitcast %shift_left3A_176 : vector<16xi32> to vector<16xf32>
          %and3A_178 = vector.broadcast %scan3A_3 : i32 to vector<16xi32>
          %and3A_179 = arith.andi %get3A_173, %and3A_178 : vector<16xi32>
          %bitcast3A_180 = vector.bitcast %and3A_179 : vector<16xi32> to vector<16xf32>
          %swap3A_181 = arith.index_cast %add3A_170 : i32 to index
          %swap3A_182 = arith.constant 0 : index
          %swap3A_183 = tpu.vector_load %arg10[%swap3A_181, %swap3A_182] {strides = array<i32>} : memref<128x128xf32, #tpu.memory_space<vmem>>, vector<16xf32>,
          tpu.vector_store %arg10[%swap3A_181, %swap3A_182], %bitcast3A_177 {strides = array<i32>} : memref<128x128xf32, #tpu.memory_space<vmem>>, vector<16xf32>,
          %swap3A_184 = arith.index_cast %add3A_170 : i32 to index
          %swap3A_185 = arith.constant 16 : index
          %swap3A_186 = tpu.vector_load %arg10[%swap3A_184, %swap3A_185] {strides = array<i32>} : memref<128x128xf32, #tpu.memory_space<vmem>>, vector<16xf32>,
          tpu.vector_store %arg10[%swap3A_184, %swap3A_185], %bitcast3A_180 {strides = array<i32>} : memref<128x128xf32, #tpu.memory_space<vmem>>, vector<16xf32>,
          %get3A_187 = arith.index_cast %add3A_170 : i32 to index
          %get3A_188 = arith.constant 16 : index
          %get3A_189 = tpu.vector_load %arg9[%get3A_187, %get3A_188] {strides = array<i32>} : memref<128x64xi32, #tpu.memory_space<vmem>>, vector<16xi32>,
          %shift_left3A_190 = arith.constant 16 : i32
          %shift_left3A_191 = vector.broadcast %shift_left3A_190 : i32 to vector<16xi32>
          %shift_left3A_192 = arith.shli %get3A_189, %shift_left3A_191 : vector<16xi32>
          %bitcast3A_193 = vector.bitcast %shift_left3A_192 : vector<16xi32> to vector<16xf32>
          %and3A_194 = vector.broadcast %scan3A_3 : i32 to vector<16xi32>
          %and3A_195 = arith.andi %get3A_189, %and3A_194 : vector<16xi32>
          %bitcast3A_196 = vector.bitcast %and3A_195 : vector<16xi32> to vector<16xf32>
          %swap3A_197 = arith.index_cast %add3A_170 : i32 to index
          %swap3A_198 = arith.constant 32 : index
          %swap3A_199 = tpu.vector_load %arg10[%swap3A_197, %swap3A_198] {strides = array<i32>} : memref<128x128xf32, #tpu.memory_space<vmem>>, vector<16xf32>,
          tpu.vector_store %arg10[%swap3A_197, %swap3A_198], %bitcast3A_193 {strides = array<i32>} : memref<128x128xf32, #tpu.memory_space<vmem>>, vector<16xf32>,
          %swap3A_200 = arith.index_cast %add3A_170 : i32 to index
          %swap3A_201 = arith.constant 48 : index
          %swap3A_202 = tpu.vector_load %arg10[%swap3A_200, %swap3A_201] {strides = array<i32>} : memref<128x128xf32, #tpu.memory_space<vmem>>, vector<16xf32>,
          tpu.vector_store %arg10[%swap3A_200, %swap3A_201], %bitcast3A_196 {strides = array<i32>} : memref<128x128xf32, #tpu.memory_space<vmem>>, vector<16xf32>,
          %get3A_203 = arith.index_cast %add3A_170 : i32 to index
          %get3A_204 = arith.constant 32 : index
          %get3A_205 = tpu.vector_load %arg9[%get3A_203, %get3A_204] {strides = array<i32>} : memref<128x64xi32, #tpu.memory_space<vmem>>, vector<16xi32>,
          %shift_left3A_206 = arith.constant 16 : i32
          %shift_left3A_207 = vector.broadcast %shift_left3A_206 : i32 to vector<16xi32>
          %shift_left3A_208 = arith.shli %get3A_205, %shift_left3A_207 : vector<16xi32>
          %bitcast3A_209 = vector.bitcast %shift_left3A_208 : vector<16xi32> to vector<16xf32>
          %and3A_210 = vector.broadcast %scan3A_3 : i32 to vector<16xi32>
          %and3A_211 = arith.andi %get3A_205, %and3A_210 : vector<16xi32>
          %bitcast3A_212 = vector.bitcast %and3A_211 : vector<16xi32> to vector<16xf32>
          %swap3A_213 = arith.index_cast %add3A_170 : i32 to index
          %swap3A_214 = arith.constant 64 : index
          %swap3A_215 = tpu.vector_load %arg10[%swap3A_213, %swap3A_214] {strides = array<i32>} : memref<128x128xf32, #tpu.memory_space<vmem>>, vector<16xf32>,
          tpu.vector_store %arg10[%swap3A_213, %swap3A_214], %bitcast3A_209 {strides = array<i32>} : memref<128x128xf32, #tpu.memory_space<vmem>>, vector<16xf32>,
          %swap3A_216 = arith.index_cast %add3A_170 : i32 to index
          %swap3A_217 = arith.constant 80 : index
          %swap3A_218 = tpu.vector_load %arg10[%swap3A_216, %swap3A_217] {strides = array<i32>} : memref<128x128xf32, #tpu.memory_space<vmem>>, vector<16xf32>,
          tpu.vector_store %arg10[%swap3A_216, %swap3A_217], %bitcast3A_212 {strides = array<i32>} : memref<128x128xf32, #tpu.memory_space<vmem>>, vector<16xf32>,
          %get3A_219 = arith.index_cast %add3A_170 : i32 to index
          %get3A_220 = arith.constant 48 : index
          %get3A_221 = tpu.vector_load %arg9[%get3A_219, %get3A_220] {strides = array<i32>} : memref<128x64xi32, #tpu.memory_space<vmem>>, vector<16xi32>,
          %shift_left3A_222 = arith.constant 16 : i32
          %shift_left3A_223 = vector.broadcast %shift_left3A_222 : i32 to vector<16xi32>
          %shift_left3A_224 = arith.shli %get3A_221, %shift_left3A_223 : vector<16xi32>
          %bitcast3A_225 = vector.bitcast %shift_left3A_224 : vector<16xi32> to vector<16xf32>
          %and3A_226 = vector.broadcast %scan3A_3 : i32 to vector<16xi32>
          %and3A_227 = arith.andi %get3A_221, %and3A_226 : vector<16xi32>
          %bitcast3A_228 = vector.bitcast %and3A_227 : vector<16xi32> to vector<16xf32>
          %swap3A_229 = arith.index_cast %add3A_170 : i32 to index
          %swap3A_230 = arith.constant 96 : index
          %swap3A_231 = tpu.vector_load %arg10[%swap3A_229, %swap3A_230] {strides = array<i32>} : memref<128x128xf32, #tpu.memory_space<vmem>>, vector<16xf32>,
          tpu.vector_store %arg10[%swap3A_229, %swap3A_230], %bitcast3A_225 {strides = array<i32>} : memref<128x128xf32, #tpu.memory_space<vmem>>, vector<16xf32>,
          %swap3A_232 = arith.index_cast %add3A_170 : i32 to index
          %swap3A_233 = arith.constant 112 : index
          %swap3A_234 = tpu.vector_load %arg10[%swap3A_232, %swap3A_233] {strides = array<i32>} : memref<128x128xf32, #tpu.memory_space<vmem>>, vector<16xf32>,
          tpu.vector_store %arg10[%swap3A_232, %swap3A_233], %bitcast3A_228 {strides = array<i32>} : memref<128x128xf32, #tpu.memory_space<vmem>>, vector<16xf32>,
          %mul3A_235 = arith.constant 8 : i32
          %mul3A_236 = arith.muli %scan3A_103, %mul3A_235 : i32
          %add3A_237 = arith.constant 2 : i32
          %add3A_238 = arith.addi %mul3A_236, %add3A_237 : i32
          %get3A_239 = arith.index_cast %add3A_238 : i32 to index
          %get3A_240 = arith.constant 0 : index
          %get3A_241 = tpu.vector_load %arg9[%get3A_239, %get3A_240] {strides = array<i32>} : memref<128x64xi32, #tpu.memory_space<vmem>>, vector<16xi32>,
          %shift_left3A_242 = arith.constant 16 : i32
          %shift_left3A_243 = vector.broadcast %shift_left3A_242 : i32 to vector<16xi32>
          %shift_left3A_244 = arith.shli %get3A_241, %shift_left3A_243 : vector<16xi32>
          %bitcast3A_245 = vector.bitcast %shift_left3A_244 : vector<16xi32> to vector<16xf32>
          %and3A_246 = vector.broadcast %scan3A_3 : i32 to vector<16xi32>
          %and3A_247 = arith.andi %get3A_241, %and3A_246 : vector<16xi32>
          %bitcast3A_248 = vector.bitcast %and3A_247 : vector<16xi32> to vector<16xf32>
          %swap3A_249 = arith.index_cast %add3A_238 : i32 to index
          %swap3A_250 = arith.constant 0 : index
          %swap3A_251 = tpu.vector_load %arg10[%swap3A_249, %swap3A_250] {strides = array<i32>} : memref<128x128xf32, #tpu.memory_space<vmem>>, vector<16xf32>,
          tpu.vector_store %arg10[%swap3A_249, %swap3A_250], %bitcast3A_245 {strides = array<i32>} : memref<128x128xf32, #tpu.memory_space<vmem>>, vector<16xf32>,
          %swap3A_252 = arith.index_cast %add3A_238 : i32 to index
          %swap3A_253 = arith.constant 16 : index
          %swap3A_254 = tpu.vector_load %arg10[%swap3A_252, %swap3A_253] {strides = array<i32>} : memref<128x128xf32, #tpu.memory_space<vmem>>, vector<16xf32>,
          tpu.vector_store %arg10[%swap3A_252, %swap3A_253], %bitcast3A_248 {strides = array<i32>} : memref<128x128xf32, #tpu.memory_space<vmem>>, vector<16xf32>,
          %get3A_255 = arith.index_cast %add3A_238 : i32 to index
          %get3A_256 = arith.constant 16 : index
          %get3A_257 = tpu.vector_load %arg9[%get3A_255, %get3A_256] {strides = array<i32>} : memref<128x64xi32, #tpu.memory_space<vmem>>, vector<16xi32>,
          %shift_left3A_258 = arith.constant 16 : i32
          %shift_left3A_259 = vector.broadcast %shift_left3A_258 : i32 to vector<16xi32>
          %shift_left3A_260 = arith.shli %get3A_257, %shift_left3A_259 : vector<16xi32>
          %bitcast3A_261 = vector.bitcast %shift_left3A_260 : vector<16xi32> to vector<16xf32>
          %and3A_262 = vector.broadcast %scan3A_3 : i32 to vector<16xi32>
          %and3A_263 = arith.andi %get3A_257, %and3A_262 : vector<16xi32>
          %bitcast3A_264 = vector.bitcast %and3A_263 : vector<16xi32> to vector<16xf32>
          %swap3A_265 = arith.index_cast %add3A_238 : i32 to index
          %swap3A_266 = arith.constant 32 : index
          %swap3A_267 = tpu.vector_load %arg10[%swap3A_265, %swap3A_266] {strides = array<i32>} : memref<128x128xf32, #tpu.memory_space<vmem>>, vector<16xf32>,
          tpu.vector_store %arg10[%swap3A_265, %swap3A_266], %bitcast3A_261 {strides = array<i32>} : memref<128x128xf32, #tpu.memory_space<vmem>>, vector<16xf32>,
          %swap3A_268 = arith.index_cast %add3A_238 : i32 to index
          %swap3A_269 = arith.constant 48 : index
          %swap3A_270 = tpu.vector_load %arg10[%swap3A_268, %swap3A_269] {strides = array<i32>} : memref<128x128xf32, #tpu.memory_space<vmem>>, vector<16xf32>,
          tpu.vector_store %arg10[%swap3A_268, %swap3A_269], %bitcast3A_264 {strides = array<i32>} : memref<128x128xf32, #tpu.memory_space<vmem>>, vector<16xf32>,
          %get3A_271 = arith.index_cast %add3A_238 : i32 to index
          %get3A_272 = arith.constant 32 : index
          %get3A_273 = tpu.vector_load %arg9[%get3A_271, %get3A_272] {strides = array<i32>} : memref<128x64xi32, #tpu.memory_space<vmem>>, vector<16xi32>,
          %shift_left3A_274 = arith.constant 16 : i32
          %shift_left3A_275 = vector.broadcast %shift_left3A_274 : i32 to vector<16xi32>
          %shift_left3A_276 = arith.shli %get3A_273, %shift_left3A_275 : vector<16xi32>
          %bitcast3A_277 = vector.bitcast %shift_left3A_276 : vector<16xi32> to vector<16xf32>
          %and3A_278 = vector.broadcast %scan3A_3 : i32 to vector<16xi32>
          %and3A_279 = arith.andi %get3A_273, %and3A_278 : vector<16xi32>
          %bitcast3A_280 = vector.bitcast %and3A_279 : vector<16xi32> to vector<16xf32>
          %swap3A_281 = arith.index_cast %add3A_238 : i32 to index
          %swap3A_282 = arith.constant 64 : index
          %swap3A_283 = tpu.vector_load %arg10[%swap3A_281, %swap3A_282] {strides = array<i32>} : memref<128x128xf32, #tpu.memory_space<vmem>>, vector<16xf32>,
          tpu.vector_store %arg10[%swap3A_281, %swap3A_282], %bitcast3A_277 {strides = array<i32>} : memref<128x128xf32, #tpu.memory_space<vmem>>, vector<16xf32>,
          %swap3A_284 = arith.index_cast %add3A_238 : i32 to index
          %swap3A_285 = arith.constant 80 : index
          %swap3A_286 = tpu.vector_load %arg10[%swap3A_284, %swap3A_285] {strides = array<i32>} : memref<128x128xf32, #tpu.memory_space<vmem>>, vector<16xf32>,
          tpu.vector_store %arg10[%swap3A_284, %swap3A_285], %bitcast3A_280 {strides = array<i32>} : memref<128x128xf32, #tpu.memory_space<vmem>>, vector<16xf32>,
          %get3A_287 = arith.index_cast %add3A_238 : i32 to index
          %get3A_288 = arith.constant 48 : index
          %get3A_289 = tpu.vector_load %arg9[%get3A_287, %get3A_288] {strides = array<i32>} : memref<128x64xi32, #tpu.memory_space<vmem>>, vector<16xi32>,
          %shift_left3A_290 = arith.constant 16 : i32
          %shift_left3A_291 = vector.broadcast %shift_left3A_290 : i32 to vector<16xi32>
          %shift_left3A_292 = arith.shli %get3A_289, %shift_left3A_291 : vector<16xi32>
          %bitcast3A_293 = vector.bitcast %shift_left3A_292 : vector<16xi32> to vector<16xf32>
          %and3A_294 = vector.broadcast %scan3A_3 : i32 to vector<16xi32>
          %and3A_295 = arith.andi %get3A_289, %and3A_294 : vector<16xi32>
          %bitcast3A_296 = vector.bitcast %and3A_295 : vector<16xi32> to vector<16xf32>
          %swap3A_297 = arith.index_cast %add3A_238 : i32 to index
          %swap3A_298 = arith.constant 96 : index
          %swap3A_299 = tpu.vector_load %arg10[%swap3A_297, %swap3A_298] {strides = array<i32>} : memref<128x128xf32, #tpu.memory_space<vmem>>, vector<16xf32>,
          tpu.vector_store %arg10[%swap3A_297, %swap3A_298], %bitcast3A_293 {strides = array<i32>} : memref<128x128xf32, #tpu.memory_space<vmem>>, vector<16xf32>,
          %swap3A_300 = arith.index_cast %add3A_238 : i32 to index
          %swap3A_301 = arith.constant 112 : index
          %swap3A_302 = tpu.vector_load %arg10[%swap3A_300, %swap3A_301] {strides = array<i32>} : memref<128x128xf32, #tpu.memory_space<vmem>>, vector<16xf32>,
          tpu.vector_store %arg10[%swap3A_300, %swap3A_301], %bitcast3A_296 {strides = array<i32>} : memref<128x128xf32, #tpu.memory_space<vmem>>, vector<16xf32>,
          %mul3A_303 = arith.constant 8 : i32
          %mul3A_304 = arith.muli %scan3A_103, %mul3A_303 : i32
          %add3A_305 = arith.constant 3 : i32
          %add3A_306 = arith.addi %mul3A_304, %add3A_305 : i32
          %get3A_307 = arith.index_cast %add3A_306 : i32 to index
          %get3A_308 = arith.constant 0 : index
          %get3A_309 = tpu.vector_load %arg9[%get3A_307, %get3A_308] {strides = array<i32>} : memref<128x64xi32, #tpu.memory_space<vmem>>, vector<16xi32>,
          %shift_left3A_310 = arith.constant 16 : i32
          %shift_left3A_311 = vector.broadcast %shift_left3A_310 : i32 to vector<16xi32>
          %shift_left3A_312 = arith.shli %get3A_309, %shift_left3A_311 : vector<16xi32>
          %bitcast3A_313 = vector.bitcast %shift_left3A_312 : vector<16xi32> to vector<16xf32>
          %and3A_314 = vector.broadcast %scan3A_3 : i32 to vector<16xi32>
          %and3A_315 = arith.andi %get3A_309, %and3A_314 : vector<16xi32>
          %bitcast3A_316 = vector.bitcast %and3A_315 : vector<16xi32> to vector<16xf32>
          %swap3A_317 = arith.index_cast %add3A_306 : i32 to index
          %swap3A_318 = arith.constant 0 : index
          %swap3A_319 = tpu.vector_load %arg10[%swap3A_317, %swap3A_318] {strides = array<i32>} : memref<128x128xf32, #tpu.memory_space<vmem>>, vector<16xf32>,
          tpu.vector_store %arg10[%swap3A_317, %swap3A_318], %bitcast3A_313 {strides = array<i32>} : memref<128x128xf32, #tpu.memory_space<vmem>>, vector<16xf32>,
          %swap3A_320 = arith.index_cast %add3A_306 : i32 to index
          %swap3A_321 = arith.constant 16 : index
          %swap3A_322 = tpu.vector_load %arg10[%swap3A_320, %swap3A_321] {strides = array<i32>} : memref<128x128xf32, #tpu.memory_space<vmem>>, vector<16xf32>,
          tpu.vector_store %arg10[%swap3A_320, %swap3A_321], %bitcast3A_316 {strides = array<i32>} : memref<128x128xf32, #tpu.memory_space<vmem>>, vector<16xf32>,
          %get3A_323 = arith.index_cast %add3A_306 : i32 to index
          %get3A_324 = arith.constant 16 : index
          %get3A_325 = tpu.vector_load %arg9[%get3A_323, %get3A_324] {strides = array<i32>} : memref<128x64xi32, #tpu.memory_space<vmem>>, vector<16xi32>,
          %shift_left3A_326 = arith.constant 16 : i32
          %shift_left3A_327 = vector.broadcast %shift_left3A_326 : i32 to vector<16xi32>
          %shift_left3A_328 = arith.shli %get3A_325, %shift_left3A_327 : vector<16xi32>
          %bitcast3A_329 = vector.bitcast %shift_left3A_328 : vector<16xi32> to vector<16xf32>
          %and3A_330 = vector.broadcast %scan3A_3 : i32 to vector<16xi32>
          %and3A_331 = arith.andi %get3A_325, %and3A_330 : vector<16xi32>
          %bitcast3A_332 = vector.bitcast %and3A_331 : vector<16xi32> to vector<16xf32>
          %swap3A_333 = arith.index_cast %add3A_306 : i32 to index
          %swap3A_334 = arith.constant 32 : index
          %swap3A_335 = tpu.vector_load %arg10[%swap3A_333, %swap3A_334] {strides = array<i32>} : memref<128x128xf32, #tpu.memory_space<vmem>>, vector<16xf32>,
          tpu.vector_store %arg10[%swap3A_333, %swap3A_334], %bitcast3A_329 {strides = array<i32>} : memref<128x128xf32, #tpu.memory_space<vmem>>, vector<16xf32>,
          %swap3A_336 = arith.index_cast %add3A_306 : i32 to index
          %swap3A_337 = arith.constant 48 : index
          %swap3A_338 = tpu.vector_load %arg10[%swap3A_336, %swap3A_337] {strides = array<i32>} : memref<128x128xf32, #tpu.memory_space<vmem>>, vector<16xf32>,
          tpu.vector_store %arg10[%swap3A_336, %swap3A_337], %bitcast3A_332 {strides = array<i32>} : memref<128x128xf32, #tpu.memory_space<vmem>>, vector<16xf32>,
          %get3A_339 = arith.index_cast %add3A_306 : i32 to index
          %get3A_340 = arith.constant 32 : index
          %get3A_341 = tpu.vector_load %arg9[%get3A_339, %get3A_340] {strides = array<i32>} : memref<128x64xi32, #tpu.memory_space<vmem>>, vector<16xi32>,
          %shift_left3A_342 = arith.constant 16 : i32
          %shift_left3A_343 = vector.broadcast %shift_left3A_342 : i32 to vector<16xi32>
          %shift_left3A_344 = arith.shli %get3A_341, %shift_left3A_343 : vector<16xi32>
          %bitcast3A_345 = vector.bitcast %shift_left3A_344 : vector<16xi32> to vector<16xf32>
          %and3A_346 = vector.broadcast %scan3A_3 : i32 to vector<16xi32>
          %and3A_347 = arith.andi %get3A_341, %and3A_346 : vector<16xi32>
          %bitcast3A_348 = vector.bitcast %and3A_347 : vector<16xi32> to vector<16xf32>
          %swap3A_349 = arith.index_cast %add3A_306 : i32 to index
          %swap3A_350 = arith.constant 64 : index
          %swap3A_351 = tpu.vector_load %arg10[%swap3A_349, %swap3A_350] {strides = array<i32>} : memref<128x128xf32, #tpu.memory_space<vmem>>, vector<16xf32>,
          tpu.vector_store %arg10[%swap3A_349, %swap3A_350], %bitcast3A_345 {strides = array<i32>} : memref<128x128xf32, #tpu.memory_space<vmem>>, vector<16xf32>,
          %swap3A_352 = arith.index_cast %add3A_306 : i32 to index
          %swap3A_353 = arith.constant 80 : index
          %swap3A_354 = tpu.vector_load %arg10[%swap3A_352, %swap3A_353] {strides = array<i32>} : memref<128x128xf32, #tpu.memory_space<vmem>>, vector<16xf32>,
          tpu.vector_store %arg10[%swap3A_352, %swap3A_353], %bitcast3A_348 {strides = array<i32>} : memref<128x128xf32, #tpu.memory_space<vmem>>, vector<16xf32>,
          %get3A_355 = arith.index_cast %add3A_306 : i32 to index
          %get3A_356 = arith.constant 48 : index
          %get3A_357 = tpu.vector_load %arg9[%get3A_355, %get3A_356] {strides = array<i32>} : memref<128x64xi32, #tpu.memory_space<vmem>>, vector<16xi32>,
          %shift_left3A_358 = arith.constant 16 : i32
          %shift_left3A_359 = vector.broadcast %shift_left3A_358 : i32 to vector<16xi32>
          %shift_left3A_360 = arith.shli %get3A_357, %shift_left3A_359 : vector<16xi32>
          %bitcast3A_361 = vector.bitcast %shift_left3A_360 : vector<16xi32> to vector<16xf32>
          %and3A_362 = vector.broadcast %scan3A_3 : i32 to vector<16xi32>
          %and3A_363 = arith.andi %get3A_357, %and3A_362 : vector<16xi32>
          %bitcast3A_364 = vector.bitcast %and3A_363 : vector<16xi32> to vector<16xf32>
          %swap3A_365 = arith.index_cast %add3A_306 : i32 to index
          %swap3A_366 = arith.constant 96 : index
          %swap3A_367 = tpu.vector_load %arg10[%swap3A_365, %swap3A_366] {strides = array<i32>} : memref<128x128xf32, #tpu.memory_space<vmem>>, vector<16xf32>,
          tpu.vector_store %arg10[%swap3A_365, %swap3A_366], %bitcast3A_361 {strides = array<i32>} : memref<128x128xf32, #tpu.memory_space<vmem>>, vector<16xf32>,
          %swap3A_368 = arith.index_cast %add3A_306 : i32 to index
          %swap3A_369 = arith.constant 112 : index
          %swap3A_370 = tpu.vector_load %arg10[%swap3A_368, %swap3A_369] {strides = array<i32>} : memref<128x128xf32, #tpu.memory_space<vmem>>, vector<16xf32>,
          tpu.vector_store %arg10[%swap3A_368, %swap3A_369], %bitcast3A_364 {strides = array<i32>} : memref<128x128xf32, #tpu.memory_space<vmem>>, vector<16xf32>,
          %mul3A_371 = arith.constant 8 : i32
          %mul3A_372 = arith.muli %scan3A_103, %mul3A_371 : i32
          %add3A_373 = arith.constant 4 : i32
          %add3A_374 = arith.addi %mul3A_372, %add3A_373 : i32
          %get3A_375 = arith.index_cast %add3A_374 : i32 to index
          %get3A_376 = arith.constant 0 : index
          %get3A_377 = tpu.vector_load %arg9[%get3A_375, %get3A_376] {strides = array<i32>} : memref<128x64xi32, #tpu.memory_space<vmem>>, vector<16xi32>,
          %shift_left3A_378 = arith.constant 16 : i32
          %shift_left3A_379 = vector.broadcast %shift_left3A_378 : i32 to vector<16xi32>
          %shift_left3A_380 = arith.shli %get3A_377, %shift_left3A_379 : vector<16xi32>
          %bitcast3A_381 = vector.bitcast %shift_left3A_380 : vector<16xi32> to vector<16xf32>
          %and3A_382 = vector.broadcast %scan3A_3 : i32 to vector<16xi32>
          %and3A_383 = arith.andi %get3A_377, %and3A_382 : vector<16xi32>
          %bitcast3A_384 = vector.bitcast %and3A_383 : vector<16xi32> to vector<16xf32>
          %swap3A_385 = arith.index_cast %add3A_374 : i32 to index
          %swap3A_386 = arith.constant 0 : index
          %swap3A_387 = tpu.vector_load %arg10[%swap3A_385, %swap3A_386] {strides = array<i32>} : memref<128x128xf32, #tpu.memory_space<vmem>>, vector<16xf32>,
          tpu.vector_store %arg10[%swap3A_385, %swap3A_386], %bitcast3A_381 {strides = array<i32>} : memref<128x128xf32, #tpu.memory_space<vmem>>, vector<16xf32>,
          %swap3A_388 = arith.index_cast %add3A_374 : i32 to index
          %swap3A_389 = arith.constant 16 : index
          %swap3A_390 = tpu.vector_load %arg10[%swap3A_388, %swap3A_389] {strides = array<i32>} : memref<128x128xf32, #tpu.memory_space<vmem>>, vector<16xf32>,
          tpu.vector_store %arg10[%swap3A_388, %swap3A_389], %bitcast3A_384 {strides = array<i32>} : memref<128x128xf32, #tpu.memory_space<vmem>>, vector<16xf32>,
          %get3A_391 = arith.index_cast %add3A_374 : i32 to index
          %get3A_392 = arith.constant 16 : index
          %get3A_393 = tpu.vector_load %arg9[%get3A_391, %get3A_392] {strides = array<i32>} : memref<128x64xi32, #tpu.memory_space<vmem>>, vector<16xi32>,
          %shift_left3A_394 = arith.constant 16 : i32
          %shift_left3A_395 = vector.broadcast %shift_left3A_394 : i32 to vector<16xi32>
          %shift_left3A_396 = arith.shli %get3A_393, %shift_left3A_395 : vector<16xi32>
          %bitcast3A_397 = vector.bitcast %shift_left3A_396 : vector<16xi32> to vector<16xf32>
          %and3A_398 = vector.broadcast %scan3A_3 : i32 to vector<16xi32>
          %and3A_399 = arith.andi %get3A_393, %and3A_398 : vector<16xi32>
          %bitcast3A_400 = vector.bitcast %and3A_399 : vector<16xi32> to vector<16xf32>
          %swap3A_401 = arith.index_cast %add3A_374 : i32 to index
          %swap3A_402 = arith.constant 32 : index
          %swap3A_403 = tpu.vector_load %arg10[%swap3A_401, %swap3A_402] {strides = array<i32>} : memref<128x128xf32, #tpu.memory_space<vmem>>, vector<16xf32>,
          tpu.vector_store %arg10[%swap3A_401, %swap3A_402], %bitcast3A_397 {strides = array<i32>} : memref<128x128xf32, #tpu.memory_space<vmem>>, vector<16xf32>,
          %swap3A_404 = arith.index_cast %add3A_374 : i32 to index
          %swap3A_405 = arith.constant 48 : index
          %swap3A_406 = tpu.vector_load %arg10[%swap3A_404, %swap3A_405] {strides = array<i32>} : memref<128x128xf32, #tpu.memory_space<vmem>>, vector<16xf32>,
          tpu.vector_store %arg10[%swap3A_404, %swap3A_405], %bitcast3A_400 {strides = array<i32>} : memref<128x128xf32, #tpu.memory_space<vmem>>, vector<16xf32>,
          %get3A_407 = arith.index_cast %add3A_374 : i32 to index
          %get3A_408 = arith.constant 32 : index
          %get3A_409 = tpu.vector_load %arg9[%get3A_407, %get3A_408] {strides = array<i32>} : memref<128x64xi32, #tpu.memory_space<vmem>>, vector<16xi32>,
          %shift_left3A_410 = arith.constant 16 : i32
          %shift_left3A_411 = vector.broadcast %shift_left3A_410 : i32 to vector<16xi32>
          %shift_left3A_412 = arith.shli %get3A_409, %shift_left3A_411 : vector<16xi32>
          %bitcast3A_413 = vector.bitcast %shift_left3A_412 : vector<16xi32> to vector<16xf32>
          %and3A_414 = vector.broadcast %scan3A_3 : i32 to vector<16xi32>
          %and3A_415 = arith.andi %get3A_409, %and3A_414 : vector<16xi32>
          %bitcast3A_416 = vector.bitcast %and3A_415 : vector<16xi32> to vector<16xf32>
          %swap3A_417 = arith.index_cast %add3A_374 : i32 to index
          %swap3A_418 = arith.constant 64 : index
          %swap3A_419 = tpu.vector_load %arg10[%swap3A_417, %swap3A_418] {strides = array<i32>} : memref<128x128xf32, #tpu.memory_space<vmem>>, vector<16xf32>,
          tpu.vector_store %arg10[%swap3A_417, %swap3A_418], %bitcast3A_413 {strides = array<i32>} : memref<128x128xf32, #tpu.memory_space<vmem>>, vector<16xf32>,
          %swap3A_420 = arith.index_cast %add3A_374 : i32 to index
          %swap3A_421 = arith.constant 80 : index
          %swap3A_422 = tpu.vector_load %arg10[%swap3A_420, %swap3A_421] {strides = array<i32>} : memref<128x128xf32, #tpu.memory_space<vmem>>, vector<16xf32>,
          tpu.vector_store %arg10[%swap3A_420, %swap3A_421], %bitcast3A_416 {strides = array<i32>} : memref<128x128xf32, #tpu.memory_space<vmem>>, vector<16xf32>,
          %get3A_423 = arith.index_cast %add3A_374 : i32 to index
          %get3A_424 = arith.constant 48 : index
          %get3A_425 = tpu.vector_load %arg9[%get3A_423, %get3A_424] {strides = array<i32>} : memref<128x64xi32, #tpu.memory_space<vmem>>, vector<16xi32>,
          %shift_left3A_426 = arith.constant 16 : i32
          %shift_left3A_427 = vector.broadcast %shift_left3A_426 : i32 to vector<16xi32>
          %shift_left3A_428 = arith.shli %get3A_425, %shift_left3A_427 : vector<16xi32>
          %bitcast3A_429 = vector.bitcast %shift_left3A_428 : vector<16xi32> to vector<16xf32>
          %and3A_430 = vector.broadcast %scan3A_3 : i32 to vector<16xi32>
          %and3A_431 = arith.andi %get3A_425, %and3A_430 : vector<16xi32>
          %bitcast3A_432 = vector.bitcast %and3A_431 : vector<16xi32> to vector<16xf32>
          %swap3A_433 = arith.index_cast %add3A_374 : i32 to index
          %swap3A_434 = arith.constant 96 : index
          %swap3A_435 = tpu.vector_load %arg10[%swap3A_433, %swap3A_434] {strides = array<i32>} : memref<128x128xf32, #tpu.memory_space<vmem>>, vector<16xf32>,
          tpu.vector_store %arg10[%swap3A_433, %swap3A_434], %bitcast3A_429 {strides = array<i32>} : memref<128x128xf32, #tpu.memory_space<vmem>>, vector<16xf32>,
          %swap3A_436 = arith.index_cast %add3A_374 : i32 to index
          %swap3A_437 = arith.constant 112 : index
          %swap3A_438 = tpu.vector_load %arg10[%swap3A_436, %swap3A_437] {strides = array<i32>} : memref<128x128xf32, #tpu.memory_space<vmem>>, vector<16xf32>,
          tpu.vector_store %arg10[%swap3A_436, %swap3A_437], %bitcast3A_432 {strides = array<i32>} : memref<128x128xf32, #tpu.memory_space<vmem>>, vector<16xf32>,
          %mul3A_439 = arith.constant 8 : i32
          %mul3A_440 = arith.muli %scan3A_103, %mul3A_439 : i32
          %add3A_441 = arith.constant 5 : i32
          %add3A_442 = arith.addi %mul3A_440, %add3A_441 : i32
          %get3A_443 = arith.index_cast %add3A_442 : i32 to index
          %get3A_444 = arith.constant 0 : index
          %get3A_445 = tpu.vector_load %arg9[%get3A_443, %get3A_444] {strides = array<i32>} : memref<128x64xi32, #tpu.memory_space<vmem>>, vector<16xi32>,
          %shift_left3A_446 = arith.constant 16 : i32
          %shift_left3A_447 = vector.broadcast %shift_left3A_446 : i32 to vector<16xi32>
          %shift_left3A_448 = arith.shli %get3A_445, %shift_left3A_447 : vector<16xi32>
          %bitcast3A_449 = vector.bitcast %shift_left3A_448 : vector<16xi32> to vector<16xf32>
          %and3A_450 = vector.broadcast %scan3A_3 : i32 to vector<16xi32>
          %and3A_451 = arith.andi %get3A_445, %and3A_450 : vector<16xi32>
          %bitcast3A_452 = vector.bitcast %and3A_451 : vector<16xi32> to vector<16xf32>
          %swap3A_453 = arith.index_cast %add3A_442 : i32 to index
          %swap3A_454 = arith.constant 0 : index
          %swap3A_455 = tpu.vector_load %arg10[%swap3A_453, %swap3A_454] {strides = array<i32>} : memref<128x128xf32, #tpu.memory_space<vmem>>, vector<16xf32>,
          tpu.vector_store %arg10[%swap3A_453, %swap3A_454], %bitcast3A_449 {strides = array<i32>} : memref<128x128xf32, #tpu.memory_space<vmem>>, vector<16xf32>,
          %swap3A_456 = arith.index_cast %add3A_442 : i32 to index
          %swap3A_457 = arith.constant 16 : index
          %swap3A_458 = tpu.vector_load %arg10[%swap3A_456, %swap3A_457] {strides = array<i32>} : memref<128x128xf32, #tpu.memory_space<vmem>>, vector<16xf32>,
          tpu.vector_store %arg10[%swap3A_456, %swap3A_457], %bitcast3A_452 {strides = array<i32>} : memref<128x128xf32, #tpu.memory_space<vmem>>, vector<16xf32>,
          %get3A_459 = arith.index_cast %add3A_442 : i32 to index
          %get3A_460 = arith.constant 16 : index
          %get3A_461 = tpu.vector_load %arg9[%get3A_459, %get3A_460] {strides = array<i32>} : memref<128x64xi32, #tpu.memory_space<vmem>>, vector<16xi32>,
          %shift_left3A_462 = arith.constant 16 : i32
          %shift_left3A_463 = vector.broadcast %shift_left3A_462 : i32 to vector<16xi32>
          %shift_left3A_464 = arith.shli %get3A_461, %shift_left3A_463 : vector<16xi32>
          %bitcast3A_465 = vector.bitcast %shift_left3A_464 : vector<16xi32> to vector<16xf32>
          %and3A_466 = vector.broadcast %scan3A_3 : i32 to vector<16xi32>
          %and3A_467 = arith.andi %get3A_461, %and3A_466 : vector<16xi32>
          %bitcast3A_468 = vector.bitcast %and3A_467 : vector<16xi32> to vector<16xf32>
          %swap3A_469 = arith.index_cast %add3A_442 : i32 to index
          %swap3A_470 = arith.constant 32 : index
          %swap3A_471 = tpu.vector_load %arg10[%swap3A_469, %swap3A_470] {strides = array<i32>} : memref<128x128xf32, #tpu.memory_space<vmem>>, vector<16xf32>,
          tpu.vector_store %arg10[%swap3A_469, %swap3A_470], %bitcast3A_465 {strides = array<i32>} : memref<128x128xf32, #tpu.memory_space<vmem>>, vector<16xf32>,
          %swap3A_472 = arith.index_cast %add3A_442 : i32 to index
          %swap3A_473 = arith.constant 48 : index
          %swap3A_474 = tpu.vector_load %arg10[%swap3A_472, %swap3A_473] {strides = array<i32>} : memref<128x128xf32, #tpu.memory_space<vmem>>, vector<16xf32>,
          tpu.vector_store %arg10[%swap3A_472, %swap3A_473], %bitcast3A_468 {strides = array<i32>} : memref<128x128xf32, #tpu.memory_space<vmem>>, vector<16xf32>,
          %get3A_475 = arith.index_cast %add3A_442 : i32 to index
          %get3A_476 = arith.constant 32 : index
          %get3A_477 = tpu.vector_load %arg9[%get3A_475, %get3A_476] {strides = array<i32>} : memref<128x64xi32, #tpu.memory_space<vmem>>, vector<16xi32>,
          %shift_left3A_478 = arith.constant 16 : i32
          %shift_left3A_479 = vector.broadcast %shift_left3A_478 : i32 to vector<16xi32>
          %shift_left3A_480 = arith.shli %get3A_477, %shift_left3A_479 : vector<16xi32>
          %bitcast3A_481 = vector.bitcast %shift_left3A_480 : vector<16xi32> to vector<16xf32>
          %and3A_482 = vector.broadcast %scan3A_3 : i32 to vector<16xi32>
          %and3A_483 = arith.andi %get3A_477, %and3A_482 : vector<16xi32>
          %bitcast3A_484 = vector.bitcast %and3A_483 : vector<16xi32> to vector<16xf32>
          %swap3A_485 = arith.index_cast %add3A_442 : i32 to index
          %swap3A_486 = arith.constant 64 : index
          %swap3A_487 = tpu.vector_load %arg10[%swap3A_485, %swap3A_486] {strides = array<i32>} : memref<128x128xf32, #tpu.memory_space<vmem>>, vector<16xf32>,
          tpu.vector_store %arg10[%swap3A_485, %swap3A_486], %bitcast3A_481 {strides = array<i32>} : memref<128x128xf32, #tpu.memory_space<vmem>>, vector<16xf32>,
          %swap3A_488 = arith.index_cast %add3A_442 : i32 to index
          %swap3A_489 = arith.constant 80 : index
          %swap3A_490 = tpu.vector_load %arg10[%swap3A_488, %swap3A_489] {strides = array<i32>} : memref<128x128xf32, #tpu.memory_space<vmem>>, vector<16xf32>,
          tpu.vector_store %arg10[%swap3A_488, %swap3A_489], %bitcast3A_484 {strides = array<i32>} : memref<128x128xf32, #tpu.memory_space<vmem>>, vector<16xf32>,
          %get3A_491 = arith.index_cast %add3A_442 : i32 to index
          %get3A_492 = arith.constant 48 : index
          %get3A_493 = tpu.vector_load %arg9[%get3A_491, %get3A_492] {strides = array<i32>} : memref<128x64xi32, #tpu.memory_space<vmem>>, vector<16xi32>,
          %shift_left3A_494 = arith.constant 16 : i32
          %shift_left3A_495 = vector.broadcast %shift_left3A_494 : i32 to vector<16xi32>
          %shift_left3A_496 = arith.shli %get3A_493, %shift_left3A_495 : vector<16xi32>
          %bitcast3A_497 = vector.bitcast %shift_left3A_496 : vector<16xi32> to vector<16xf32>
          %and3A_498 = vector.broadcast %scan3A_3 : i32 to vector<16xi32>
          %and3A_499 = arith.andi %get3A_493, %and3A_498 : vector<16xi32>
          %bitcast3A_500 = vector.bitcast %and3A_499 : vector<16xi32> to vector<16xf32>
          %swap3A_501 = arith.index_cast %add3A_442 : i32 to index
          %swap3A_502 = arith.constant 96 : index
          %swap3A_503 = tpu.vector_load %arg10[%swap3A_501, %swap3A_502] {strides = array<i32>} : memref<128x128xf32, #tpu.memory_space<vmem>>, vector<16xf32>,
          tpu.vector_store %arg10[%swap3A_501, %swap3A_502], %bitcast3A_497 {strides = array<i32>} : memref<128x128xf32, #tpu.memory_space<vmem>>, vector<16xf32>,
          %swap3A_504 = arith.index_cast %add3A_442 : i32 to index
          %swap3A_505 = arith.constant 112 : index
          %swap3A_506 = tpu.vector_load %arg10[%swap3A_504, %swap3A_505] {strides = array<i32>} : memref<128x128xf32, #tpu.memory_space<vmem>>, vector<16xf32>,
          tpu.vector_store %arg10[%swap3A_504, %swap3A_505], %bitcast3A_500 {strides = array<i32>} : memref<128x128xf32, #tpu.memory_space<vmem>>, vector<16xf32>,
          %mul3A_507 = arith.constant 8 : i32
          %mul3A_508 = arith.muli %scan3A_103, %mul3A_507 : i32
          %add3A_509 = arith.constant 6 : i32
          %add3A_510 = arith.addi %mul3A_508, %add3A_509 : i32
          %get3A_511 = arith.index_cast %add3A_510 : i32 to index
          %get3A_512 = arith.constant 0 : index
          %get3A_513 = tpu.vector_load %arg9[%get3A_511, %get3A_512] {strides = array<i32>} : memref<128x64xi32, #tpu.memory_space<vmem>>, vector<16xi32>,
          %shift_left3A_514 = arith.constant 16 : i32
          %shift_left3A_515 = vector.broadcast %shift_left3A_514 : i32 to vector<16xi32>
          %shift_left3A_516 = arith.shli %get3A_513, %shift_left3A_515 : vector<16xi32>
          %bitcast3A_517 = vector.bitcast %shift_left3A_516 : vector<16xi32> to vector<16xf32>
          %and3A_518 = vector.broadcast %scan3A_3 : i32 to vector<16xi32>
          %and3A_519 = arith.andi %get3A_513, %and3A_518 : vector<16xi32>
          %bitcast3A_520 = vector.bitcast %and3A_519 : vector<16xi32> to vector<16xf32>
          %swap3A_521 = arith.index_cast %add3A_510 : i32 to index
          %swap3A_522 = arith.constant 0 : index
          %swap3A_523 = tpu.vector_load %arg10[%swap3A_521, %swap3A_522] {strides = array<i32>} : memref<128x128xf32, #tpu.memory_space<vmem>>, vector<16xf32>,
          tpu.vector_store %arg10[%swap3A_521, %swap3A_522], %bitcast3A_517 {strides = array<i32>} : memref<128x128xf32, #tpu.memory_space<vmem>>, vector<16xf32>,
          %swap3A_524 = arith.index_cast %add3A_510 : i32 to index
          %swap3A_525 = arith.constant 16 : index
          %swap3A_526 = tpu.vector_load %arg10[%swap3A_524, %swap3A_525] {strides = array<i32>} : memref<128x128xf32, #tpu.memory_space<vmem>>, vector<16xf32>,
          tpu.vector_store %arg10[%swap3A_524, %swap3A_525], %bitcast3A_520 {strides = array<i32>} : memref<128x128xf32, #tpu.memory_space<vmem>>, vector<16xf32>,
          %get3A_527 = arith.index_cast %add3A_510 : i32 to index
          %get3A_528 = arith.constant 16 : index
          %get3A_529 = tpu.vector_load %arg9[%get3A_527, %get3A_528] {strides = array<i32>} : memref<128x64xi32, #tpu.memory_space<vmem>>, vector<16xi32>,
          %shift_left3A_530 = arith.constant 16 : i32
          %shift_left3A_531 = vector.broadcast %shift_left3A_530 : i32 to vector<16xi32>
          %shift_left3A_532 = arith.shli %get3A_529, %shift_left3A_531 : vector<16xi32>
          %bitcast3A_533 = vector.bitcast %shift_left3A_532 : vector<16xi32> to vector<16xf32>
          %and3A_534 = vector.broadcast %scan3A_3 : i32 to vector<16xi32>
          %and3A_535 = arith.andi %get3A_529, %and3A_534 : vector<16xi32>
          %bitcast3A_536 = vector.bitcast %and3A_535 : vector<16xi32> to vector<16xf32>
          %swap3A_537 = arith.index_cast %add3A_510 : i32 to index
          %swap3A_538 = arith.constant 32 : index
          %swap3A_539 = tpu.vector_load %arg10[%swap3A_537, %swap3A_538] {strides = array<i32>} : memref<128x128xf32, #tpu.memory_space<vmem>>, vector<16xf32>,
          tpu.vector_store %arg10[%swap3A_537, %swap3A_538], %bitcast3A_533 {strides = array<i32>} : memref<128x128xf32, #tpu.memory_space<vmem>>, vector<16xf32>,
          %swap3A_540 = arith.index_cast %add3A_510 : i32 to index
          %swap3A_541 = arith.constant 48 : index
          %swap3A_542 = tpu.vector_load %arg10[%swap3A_540, %swap3A_541] {strides = array<i32>} : memref<128x128xf32, #tpu.memory_space<vmem>>, vector<16xf32>,
          tpu.vector_store %arg10[%swap3A_540, %swap3A_541], %bitcast3A_536 {strides = array<i32>} : memref<128x128xf32, #tpu.memory_space<vmem>>, vector<16xf32>,
          %get3A_543 = arith.index_cast %add3A_510 : i32 to index
          %get3A_544 = arith.constant 32 : index
          %get3A_545 = tpu.vector_load %arg9[%get3A_543, %get3A_544] {strides = array<i32>} : memref<128x64xi32, #tpu.memory_space<vmem>>, vector<16xi32>,
          %shift_left3A_546 = arith.constant 16 : i32
          %shift_left3A_547 = vector.broadcast %shift_left3A_546 : i32 to vector<16xi32>
          %shift_left3A_548 = arith.shli %get3A_545, %shift_left3A_547 : vector<16xi32>
          %bitcast3A_549 = vector.bitcast %shift_left3A_548 : vector<16xi32> to vector<16xf32>
          %and3A_550 = vector.broadcast %scan3A_3 : i32 to vector<16xi32>
          %and3A_551 = arith.andi %get3A_545, %and3A_550 : vector<16xi32>
          %bitcast3A_552 = vector.bitcast %and3A_551 : vector<16xi32> to vector<16xf32>
          %swap3A_553 = arith.index_cast %add3A_510 : i32 to index
          %swap3A_554 = arith.constant 64 : index
          %swap3A_555 = tpu.vector_load %arg10[%swap3A_553, %swap3A_554] {strides = array<i32>} : memref<128x128xf32, #tpu.memory_space<vmem>>, vector<16xf32>,
          tpu.vector_store %arg10[%swap3A_553, %swap3A_554], %bitcast3A_549 {strides = array<i32>} : memref<128x128xf32, #tpu.memory_space<vmem>>, vector<16xf32>,
          %swap3A_556 = arith.index_cast %add3A_510 : i32 to index
          %swap3A_557 = arith.constant 80 : index
          %swap3A_558 = tpu.vector_load %arg10[%swap3A_556, %swap3A_557] {strides = array<i32>} : memref<128x128xf32, #tpu.memory_space<vmem>>, vector<16xf32>,
          tpu.vector_store %arg10[%swap3A_556, %swap3A_557], %bitcast3A_552 {strides = array<i32>} : memref<128x128xf32, #tpu.memory_space<vmem>>, vector<16xf32>,
          %get3A_559 = arith.index_cast %add3A_510 : i32 to index
          %get3A_560 = arith.constant 48 : index
          %get3A_561 = tpu.vector_load %arg9[%get3A_559, %get3A_560] {strides = array<i32>} : memref<128x64xi32, #tpu.memory_space<vmem>>, vector<16xi32>,
          %shift_left3A_562 = arith.constant 16 : i32
          %shift_left3A_563 = vector.broadcast %shift_left3A_562 : i32 to vector<16xi32>
          %shift_left3A_564 = arith.shli %get3A_561, %shift_left3A_563 : vector<16xi32>
          %bitcast3A_565 = vector.bitcast %shift_left3A_564 : vector<16xi32> to vector<16xf32>
          %and3A_566 = vector.broadcast %scan3A_3 : i32 to vector<16xi32>
          %and3A_567 = arith.andi %get3A_561, %and3A_566 : vector<16xi32>
          %bitcast3A_568 = vector.bitcast %and3A_567 : vector<16xi32> to vector<16xf32>
          %swap3A_569 = arith.index_cast %add3A_510 : i32 to index
          %swap3A_570 = arith.constant 96 : index
          %swap3A_571 = tpu.vector_load %arg10[%swap3A_569, %swap3A_570] {strides = array<i32>} : memref<128x128xf32, #tpu.memory_space<vmem>>, vector<16xf32>,
          tpu.vector_store %arg10[%swap3A_569, %swap3A_570], %bitcast3A_565 {strides = array<i32>} : memref<128x128xf32, #tpu.memory_space<vmem>>, vector<16xf32>,
          %swap3A_572 = arith.index_cast %add3A_510 : i32 to index
          %swap3A_573 = arith.constant 112 : index
          %swap3A_574 = tpu.vector_load %arg10[%swap3A_572, %swap3A_573] {strides = array<i32>} : memref<128x128xf32, #tpu.memory_space<vmem>>, vector<16xf32>,
          tpu.vector_store %arg10[%swap3A_572, %swap3A_573], %bitcast3A_568 {strides = array<i32>} : memref<128x128xf32, #tpu.memory_space<vmem>>, vector<16xf32>,
          %mul3A_575 = arith.constant 8 : i32
          %mul3A_576 = arith.muli %scan3A_103, %mul3A_575 : i32
          %add3A_577 = arith.constant 7 : i32
          %add3A_578 = arith.addi %mul3A_576, %add3A_577 : i32
          %get3A_579 = arith.index_cast %add3A_578 : i32 to index
          %get3A_580 = arith.constant 0 : index
          %get3A_581 = tpu.vector_load %arg9[%get3A_579, %get3A_580] {strides = array<i32>} : memref<128x64xi32, #tpu.memory_space<vmem>>, vector<16xi32>,
          %shift_left3A_582 = arith.constant 16 : i32
          %shift_left3A_583 = vector.broadcast %shift_left3A_582 : i32 to vector<16xi32>
          %shift_left3A_584 = arith.shli %get3A_581, %shift_left3A_583 : vector<16xi32>
          %bitcast3A_585 = vector.bitcast %shift_left3A_584 : vector<16xi32> to vector<16xf32>
          %and3A_586 = vector.broadcast %scan3A_3 : i32 to vector<16xi32>
          %and3A_587 = arith.andi %get3A_581, %and3A_586 : vector<16xi32>
          %bitcast3A_588 = vector.bitcast %and3A_587 : vector<16xi32> to vector<16xf32>
          %swap3A_589 = arith.index_cast %add3A_578 : i32 to index
          %swap3A_590 = arith.constant 0 : index
          %swap3A_591 = tpu.vector_load %arg10[%swap3A_589, %swap3A_590] {strides = array<i32>} : memref<128x128xf32, #tpu.memory_space<vmem>>, vector<16xf32>,
          tpu.vector_store %arg10[%swap3A_589, %swap3A_590], %bitcast3A_585 {strides = array<i32>} : memref<128x128xf32, #tpu.memory_space<vmem>>, vector<16xf32>,
          %swap3A_592 = arith.index_cast %add3A_578 : i32 to index
          %swap3A_593 = arith.constant 16 : index
          %swap3A_594 = tpu.vector_load %arg10[%swap3A_592, %swap3A_593] {strides = array<i32>} : memref<128x128xf32, #tpu.memory_space<vmem>>, vector<16xf32>,
          tpu.vector_store %arg10[%swap3A_592, %swap3A_593], %bitcast3A_588 {strides = array<i32>} : memref<128x128xf32, #tpu.memory_space<vmem>>, vector<16xf32>,
          %get3A_595 = arith.index_cast %add3A_578 : i32 to index
          %get3A_596 = arith.constant 16 : index
          %get3A_597 = tpu.vector_load %arg9[%get3A_595, %get3A_596] {strides = array<i32>} : memref<128x64xi32, #tpu.memory_space<vmem>>, vector<16xi32>,
          %shift_left3A_598 = arith.constant 16 : i32
          %shift_left3A_599 = vector.broadcast %shift_left3A_598 : i32 to vector<16xi32>
          %shift_left3A_600 = arith.shli %get3A_597, %shift_left3A_599 : vector<16xi32>
          %bitcast3A_601 = vector.bitcast %shift_left3A_600 : vector<16xi32> to vector<16xf32>
          %and3A_602 = vector.broadcast %scan3A_3 : i32 to vector<16xi32>
          %and3A_603 = arith.andi %get3A_597, %and3A_602 : vector<16xi32>
          %bitcast3A_604 = vector.bitcast %and3A_603 : vector<16xi32> to vector<16xf32>
          %swap3A_605 = arith.index_cast %add3A_578 : i32 to index
          %swap3A_606 = arith.constant 32 : index
          %swap3A_607 = tpu.vector_load %arg10[%swap3A_605, %swap3A_606] {strides = array<i32>} : memref<128x128xf32, #tpu.memory_space<vmem>>, vector<16xf32>,
          tpu.vector_store %arg10[%swap3A_605, %swap3A_606], %bitcast3A_601 {strides = array<i32>} : memref<128x128xf32, #tpu.memory_space<vmem>>, vector<16xf32>,
          %swap3A_608 = arith.index_cast %add3A_578 : i32 to index
          %swap3A_609 = arith.constant 48 : index
          %swap3A_610 = tpu.vector_load %arg10[%swap3A_608, %swap3A_609] {strides = array<i32>} : memref<128x128xf32, #tpu.memory_space<vmem>>, vector<16xf32>,
          tpu.vector_store %arg10[%swap3A_608, %swap3A_609], %bitcast3A_604 {strides = array<i32>} : memref<128x128xf32, #tpu.memory_space<vmem>>, vector<16xf32>,
          %get3A_611 = arith.index_cast %add3A_578 : i32 to index
          %get3A_612 = arith.constant 32 : index
          %get3A_613 = tpu.vector_load %arg9[%get3A_611, %get3A_612] {strides = array<i32>} : memref<128x64xi32, #tpu.memory_space<vmem>>, vector<16xi32>,
          %shift_left3A_614 = arith.constant 16 : i32
          %shift_left3A_615 = vector.broadcast %shift_left3A_614 : i32 to vector<16xi32>
          %shift_left3A_616 = arith.shli %get3A_613, %shift_left3A_615 : vector<16xi32>
          %bitcast3A_617 = vector.bitcast %shift_left3A_616 : vector<16xi32> to vector<16xf32>
          %and3A_618 = vector.broadcast %scan3A_3 : i32 to vector<16xi32>
          %and3A_619 = arith.andi %get3A_613, %and3A_618 : vector<16xi32>
          %bitcast3A_620 = vector.bitcast %and3A_619 : vector<16xi32> to vector<16xf32>
          %swap3A_621 = arith.index_cast %add3A_578 : i32 to index
          %swap3A_622 = arith.constant 64 : index
          %swap3A_623 = tpu.vector_load %arg10[%swap3A_621, %swap3A_622] {strides = array<i32>} : memref<128x128xf32, #tpu.memory_space<vmem>>, vector<16xf32>,
          tpu.vector_store %arg10[%swap3A_621, %swap3A_622], %bitcast3A_617 {strides = array<i32>} : memref<128x128xf32, #tpu.memory_space<vmem>>, vector<16xf32>,
          %swap3A_624 = arith.index_cast %add3A_578 : i32 to index
          %swap3A_625 = arith.constant 80 : index
          %swap3A_626 = tpu.vector_load %arg10[%swap3A_624, %swap3A_625] {strides = array<i32>} : memref<128x128xf32, #tpu.memory_space<vmem>>, vector<16xf32>,
          tpu.vector_store %arg10[%swap3A_624, %swap3A_625], %bitcast3A_620 {strides = array<i32>} : memref<128x128xf32, #tpu.memory_space<vmem>>, vector<16xf32>,
          %get3A_627 = arith.index_cast %add3A_578 : i32 to index
          %get3A_628 = arith.constant 48 : index
          %get3A_629 = tpu.vector_load %arg9[%get3A_627, %get3A_628] {strides = array<i32>} : memref<128x64xi32, #tpu.memory_space<vmem>>, vector<16xi32>,
          %shift_left3A_630 = arith.constant 16 : i32
          %shift_left3A_631 = vector.broadcast %shift_left3A_630 : i32 to vector<16xi32>
          %shift_left3A_632 = arith.shli %get3A_629, %shift_left3A_631 : vector<16xi32>
          %bitcast3A_633 = vector.bitcast %shift_left3A_632 : vector<16xi32> to vector<16xf32>
          %and3A_634 = vector.broadcast %scan3A_3 : i32 to vector<16xi32>
          %and3A_635 = arith.andi %get3A_629, %and3A_634 : vector<16xi32>
          %bitcast3A_636 = vector.bitcast %and3A_635 : vector<16xi32> to vector<16xf32>
          %swap3A_637 = arith.index_cast %add3A_578 : i32 to index
          %swap3A_638 = arith.constant 96 : index
          %swap3A_639 = tpu.vector_load %arg10[%swap3A_637, %swap3A_638] {strides = array<i32>} : memref<128x128xf32, #tpu.memory_space<vmem>>, vector<16xf32>,
          tpu.vector_store %arg10[%swap3A_637, %swap3A_638], %bitcast3A_633 {strides = array<i32>} : memref<128x128xf32, #tpu.memory_space<vmem>>, vector<16xf32>,
          %swap3A_640 = arith.index_cast %add3A_578 : i32 to index
          %swap3A_641 = arith.constant 112 : index
          %swap3A_642 = tpu.vector_load %arg10[%swap3A_640, %swap3A_641] {strides = array<i32>} : memref<128x128xf32, #tpu.memory_space<vmem>>, vector<16xf32>,
          tpu.vector_store %arg10[%swap3A_640, %swap3A_641], %bitcast3A_636 {strides = array<i32>} : memref<128x128xf32, #tpu.memory_space<vmem>>, vector<16xf32>,
        }
        %scan3A_63 = arith.constant 16 : i32
        %dma_start3A_64 = arith.constant 0 : i32
        %dma_start3A_65 = tpu.memref_slice %arg7[%add3A_49, %dma_start3A_64] : memref<18x128xi32, #tpu.memory_space<vmem>> -> memref<1x128xi32, #tpu.memory_space<vmem>>
        %dma_start3A_66 = tpu.memref_squeeze %dma_start3A_65 : memref<1x128xi32, #tpu.memory_space<vmem>> -> memref<128xi32, #tpu.memory_space<vmem>>
        %dma_start3A_67 = arith.constant 0 : i32
        %dma_start3A_68 = arith.constant 0 : i32
        %dma_start3A_69 = tpu.memref_slice %arg2[%dma_start3A_67, %dma_start3A_68] : memref<20000x64xi32, #tpu.memory_space<hbm>> -> memref<20000x64xi32, #tpu.memory_space<hbm>>
        tpu.enqueue_indirect_dma source(%dma_start3A_69 : memref<20000x64xi32, #tpu.memory_space<hbm>>) target(%arg9 : memref<128x64xi32, #tpu.memory_space<vmem>>) offsets(%dma_start3A_66 : memref<128xi32, #tpu.memory_space<vmem>>) semaphore(%arg13 : memref<!tpu.dma_semaphore, #tpu.memory_space<semaphore_mem>>)
        %dma_start3A_70 = arith.constant 0 : i32
        %dma_start3A_71 = tpu.memref_slice %arg8[%mul3A_47, %dma_start3A_70] : memref<18x128xi32, #tpu.memory_space<vmem>> -> memref<1x128xi32, #tpu.memory_space<vmem>>
        %dma_start3A_72 = tpu.memref_squeeze %dma_start3A_71 : memref<1x128xi32, #tpu.memory_space<vmem>> -> memref<128xi32, #tpu.memory_space<vmem>>
        %dma_start3A_73 = arith.constant 0 : i32
        %dma_start3A_74 = arith.constant 0 : i32
        %dma_start3A_75 = tpu.memref_slice %arg12[%dma_start3A_73, %dma_start3A_74] : memref<10016x128xf32, #tpu.memory_space<vmem_shared>> -> memref<10016x128xf32, #tpu.memory_space<vmem_shared>>
        tpu.enqueue_indirect_dma source(%arg10 : memref<128x128xf32, #tpu.memory_space<vmem>>) target(%dma_start3A_75 : memref<10016x128xf32, #tpu.memory_space<vmem_shared>>) offsets(%dma_start3A_72 : memref<128xi32, #tpu.memory_space<vmem>>) semaphore(%arg14 : memref<!tpu.dma_semaphore, #tpu.memory_space<semaphore_mem>>) {add = true}
        %dma_wait3A_76 = arith.constant 0 : i32
        %dma_wait3A_77 = tpu.memref_slice %arg7[%add3A_49, %dma_wait3A_76] : memref<18x128xi32, #tpu.memory_space<vmem>> -> memref<1x128xi32, #tpu.memory_space<vmem>>
        %dma_wait3A_78 = tpu.memref_squeeze %dma_wait3A_77 : memref<1x128xi32, #tpu.memory_space<vmem>> -> memref<128xi32, #tpu.memory_space<vmem>>
        %dma_wait3A_79 = arith.constant 0 : i32
        %dma_wait3A_80 = arith.constant 0 : i32
        %dma_wait3A_81 = tpu.memref_slice %arg2[%dma_wait3A_79, %dma_wait3A_80] : memref<20000x64xi32, #tpu.memory_space<hbm>> -> memref<20000x64xi32, #tpu.memory_space<hbm>>
        tpu.wait_indirect_dma semaphore(%arg13 : memref<!tpu.dma_semaphore, #tpu.memory_space<semaphore_mem>>) src(%dma_wait3A_81 : memref<20000x64xi32, #tpu.memory_space<hbm>>) dst(%arg9 : memref<128x64xi32, #tpu.memory_space<vmem>>)
        %gt3A_82 = arith.constant 0 : i32
        %gt3A_83 = arith.cmpi sgt, %scan3A_45, %gt3A_82 : i32
        %convert_element_type3A_84 = arith.extui %gt3A_83 : i1 to i32
        %cond3A_85 = arith.constant 0 : i32
        %cond3A_86 = arith.cmpi ne, %convert_element_type3A_84, %cond3A_85 : i32
        scf.if %cond3A_86 {
          %dma_wait3A_103 = arith.constant 0 : i32
          %dma_wait3A_104 = tpu.memref_slice %arg8[%add3A_49, %dma_wait3A_103] : memref<18x128xi32, #tpu.memory_space<vmem>> -> memref<1x128xi32, #tpu.memory_space<vmem>>
          %dma_wait3A_105 = tpu.memref_squeeze %dma_wait3A_104 : memref<1x128xi32, #tpu.memory_space<vmem>> -> memref<128xi32, #tpu.memory_space<vmem>>
          %dma_wait3A_106 = arith.constant 0 : i32
          %dma_wait3A_107 = arith.constant 0 : i32
          %dma_wait3A_108 = tpu.memref_slice %arg12[%dma_wait3A_106, %dma_wait3A_107] : memref<10016x128xf32, #tpu.memory_space<vmem_shared>> -> memref<10016x128xf32, #tpu.memory_space<vmem_shared>>
          tpu.wait_indirect_dma semaphore(%arg15 : memref<!tpu.dma_semaphore, #tpu.memory_space<semaphore_mem>>) src(%arg11 : memref<128x128xf32, #tpu.memory_space<vmem>>) dst(%dma_wait3A_108 : memref<10016x128xf32, #tpu.memory_space<vmem_shared>>)
        } else {
        }
        %scan3A_87 = arith.constant 0 : i32
        %scan3A_88 = arith.constant 0 : i32
        %scan3A_89 = arith.constant 16 : i32
        %scan3A_90 = arith.addi %scan3A_88, %scan3A_89 : i32
        %scan3A_91 = arith.constant 1 : i32
        scf.for %scan3A_103 = %scan3A_88 to %scan3A_90 step %scan3A_91  : i32 {
          %mul3A_104 = arith.constant 8 : i32
          %mul3A_105 = arith.muli %scan3A_103, %mul3A_104 : i32
          %add3A_106 = arith.constant 0 : i32
          %add3A_107 = arith.addi %mul3A_105, %add3A_106 : i32
          %get3A = arith.index_cast %add3A_107 : i32 to index
          %get3A_108 = arith.constant 0 : index
          %get3A_109 = tpu.vector_load %arg9[%get3A, %get3A_108] {strides = array<i32>} : memref<128x64xi32, #tpu.memory_space<vmem>>, vector<16xi32>,
          %shift_left3A = arith.constant 16 : i32
          %shift_left3A_110 = vector.broadcast %shift_left3A : i32 to vector<16xi32>
          %shift_left3A_111 = arith.shli %get3A_109, %shift_left3A_110 : vector<16xi32>
          %bitcast3A = vector.bitcast %shift_left3A_111 : vector<16xi32> to vector<16xf32>
          %and3A = vector.broadcast %scan3A_3 : i32 to vector<16xi32>
          %and3A_112 = arith.andi %get3A_109, %and3A : vector<16xi32>
          %bitcast3A_113 = vector.bitcast %and3A_112 : vector<16xi32> to vector<16xf32>
          %swap3A = arith.index_cast %add3A_107 : i32 to index
          %swap3A_114 = arith.constant 0 : index
          %swap3A_115 = tpu.vector_load %arg11[%swap3A, %swap3A_114] {strides = array<i32>} : memref<128x128xf32, #tpu.memory_space<vmem>>, vector<16xf32>,
          tpu.vector_store %arg11[%swap3A, %swap3A_114], %bitcast3A {strides = array<i32>} : memref<128x128xf32, #tpu.memory_space<vmem>>, vector<16xf32>,
          %swap3A_116 = arith.index_cast %add3A_107 : i32 to index
          %swap3A_117 = arith.constant 16 : index
          %swap3A_118 = tpu.vector_load %arg11[%swap3A_116, %swap3A_117] {strides = array<i32>} : memref<128x128xf32, #tpu.memory_space<vmem>>, vector<16xf32>,
          tpu.vector_store %arg11[%swap3A_116, %swap3A_117], %bitcast3A_113 {strides = array<i32>} : memref<128x128xf32, #tpu.memory_space<vmem>>, vector<16xf32>,
          %get3A_119 = arith.index_cast %add3A_107 : i32 to index
          %get3A_120 = arith.constant 16 : index
          %get3A_121 = tpu.vector_load %arg9[%get3A_119, %get3A_120] {strides = array<i32>} : memref<128x64xi32, #tpu.memory_space<vmem>>, vector<16xi32>,
          %shift_left3A_122 = arith.constant 16 : i32
          %shift_left3A_123 = vector.broadcast %shift_left3A_122 : i32 to vector<16xi32>
          %shift_left3A_124 = arith.shli %get3A_121, %shift_left3A_123 : vector<16xi32>
          %bitcast3A_125 = vector.bitcast %shift_left3A_124 : vector<16xi32> to vector<16xf32>
          %and3A_126 = vector.broadcast %scan3A_3 : i32 to vector<16xi32>
          %and3A_127 = arith.andi %get3A_121, %and3A_126 : vector<16xi32>
          %bitcast3A_128 = vector.bitcast %and3A_127 : vector<16xi32> to vector<16xf32>
          %swap3A_129 = arith.index_cast %add3A_107 : i32 to index
          %swap3A_130 = arith.constant 32 : index
          %swap3A_131 = tpu.vector_load %arg11[%swap3A_129, %swap3A_130] {strides = array<i32>} : memref<128x128xf32, #tpu.memory_space<vmem>>, vector<16xf32>,
          tpu.vector_store %arg11[%swap3A_129, %swap3A_130], %bitcast3A_125 {strides = array<i32>} : memref<128x128xf32, #tpu.memory_space<vmem>>, vector<16xf32>,
          %swap3A_132 = arith.index_cast %add3A_107 : i32 to index
          %swap3A_133 = arith.constant 48 : index
          %swap3A_134 = tpu.vector_load %arg11[%swap3A_132, %swap3A_133] {strides = array<i32>} : memref<128x128xf32, #tpu.memory_space<vmem>>, vector<16xf32>,
          tpu.vector_store %arg11[%swap3A_132, %swap3A_133], %bitcast3A_128 {strides = array<i32>} : memref<128x128xf32, #tpu.memory_space<vmem>>, vector<16xf32>,
          %get3A_135 = arith.index_cast %add3A_107 : i32 to index
          %get3A_136 = arith.constant 32 : index
          %get3A_137 = tpu.vector_load %arg9[%get3A_135, %get3A_136] {strides = array<i32>} : memref<128x64xi32, #tpu.memory_space<vmem>>, vector<16xi32>,
          %shift_left3A_138 = arith.constant 16 : i32
          %shift_left3A_139 = vector.broadcast %shift_left3A_138 : i32 to vector<16xi32>
          %shift_left3A_140 = arith.shli %get3A_137, %shift_left3A_139 : vector<16xi32>
          %bitcast3A_141 = vector.bitcast %shift_left3A_140 : vector<16xi32> to vector<16xf32>
          %and3A_142 = vector.broadcast %scan3A_3 : i32 to vector<16xi32>
          %and3A_143 = arith.andi %get3A_137, %and3A_142 : vector<16xi32>
          %bitcast3A_144 = vector.bitcast %and3A_143 : vector<16xi32> to vector<16xf32>
          %swap3A_145 = arith.index_cast %add3A_107 : i32 to index
          %swap3A_146 = arith.constant 64 : index
          %swap3A_147 = tpu.vector_load %arg11[%swap3A_145, %swap3A_146] {strides = array<i32>} : memref<128x128xf32, #tpu.memory_space<vmem>>, vector<16xf32>,
          tpu.vector_store %arg11[%swap3A_145, %swap3A_146], %bitcast3A_141 {strides = array<i32>} : memref<128x128xf32, #tpu.memory_space<vmem>>, vector<16xf32>,
          %swap3A_148 = arith.index_cast %add3A_107 : i32 to index
          %swap3A_149 = arith.constant 80 : index
          %swap3A_150 = tpu.vector_load %arg11[%swap3A_148, %swap3A_149] {strides = array<i32>} : memref<128x128xf32, #tpu.memory_space<vmem>>, vector<16xf32>,
          tpu.vector_store %arg11[%swap3A_148, %swap3A_149], %bitcast3A_144 {strides = array<i32>} : memref<128x128xf32, #tpu.memory_space<vmem>>, vector<16xf32>,
          %get3A_151 = arith.index_cast %add3A_107 : i32 to index
          %get3A_152 = arith.constant 48 : index
          %get3A_153 = tpu.vector_load %arg9[%get3A_151, %get3A_152] {strides = array<i32>} : memref<128x64xi32, #tpu.memory_space<vmem>>, vector<16xi32>,
          %shift_left3A_154 = arith.constant 16 : i32
          %shift_left3A_155 = vector.broadcast %shift_left3A_154 : i32 to vector<16xi32>
          %shift_left3A_156 = arith.shli %get3A_153, %shift_left3A_155 : vector<16xi32>
          %bitcast3A_157 = vector.bitcast %shift_left3A_156 : vector<16xi32> to vector<16xf32>
          %and3A_158 = vector.broadcast %scan3A_3 : i32 to vector<16xi32>
          %and3A_159 = arith.andi %get3A_153, %and3A_158 : vector<16xi32>
          %bitcast3A_160 = vector.bitcast %and3A_159 : vector<16xi32> to vector<16xf32>
          %swap3A_161 = arith.index_cast %add3A_107 : i32 to index
          %swap3A_162 = arith.constant 96 : index
          %swap3A_163 = tpu.vector_load %arg11[%swap3A_161, %swap3A_162] {strides = array<i32>} : memref<128x128xf32, #tpu.memory_space<vmem>>, vector<16xf32>,
          tpu.vector_store %arg11[%swap3A_161, %swap3A_162], %bitcast3A_157 {strides = array<i32>} : memref<128x128xf32, #tpu.memory_space<vmem>>, vector<16xf32>,
          %swap3A_164 = arith.index_cast %add3A_107 : i32 to index
          %swap3A_165 = arith.constant 112 : index
          %swap3A_166 = tpu.vector_load %arg11[%swap3A_164, %swap3A_165] {strides = array<i32>} : memref<128x128xf32, #tpu.memory_space<vmem>>, vector<16xf32>,
          tpu.vector_store %arg11[%swap3A_164, %swap3A_165], %bitcast3A_160 {strides = array<i32>} : memref<128x128xf32, #tpu.memory_space<vmem>>, vector<16xf32>,
          %mul3A_167 = arith.constant 8 : i32
          %mul3A_168 = arith.muli %scan3A_103, %mul3A_167 : i32
          %add3A_169 = arith.constant 1 : i32
          %add3A_170 = arith.addi %mul3A_168, %add3A_169 : i32
          %get3A_171 = arith.index_cast %add3A_170 : i32 to index
          %get3A_172 = arith.constant 0 : index
          %get3A_173 = tpu.vector_load %arg9[%get3A_171, %get3A_172] {strides = array<i32>} : memref<128x64xi32, #tpu.memory_space<vmem>>, vector<16xi32>,
          %shift_left3A_174 = arith.constant 16 : i32
          %shift_left3A_175 = vector.broadcast %shift_left3A_174 : i32 to vector<16xi32>
          %shift_left3A_176 = arith.shli %get3A_173, %shift_left3A_175 : vector<16xi32>
          %bitcast3A_177 = vector.bitcast %shift_left3A_176 : vector<16xi32> to vector<16xf32>
          %and3A_178 = vector.broadcast %scan3A_3 : i32 to vector<16xi32>
          %and3A_179 = arith.andi %get3A_173, %and3A_178 : vector<16xi32>
          %bitcast3A_180 = vector.bitcast %and3A_179 : vector<16xi32> to vector<16xf32>
          %swap3A_181 = arith.index_cast %add3A_170 : i32 to index
          %swap3A_182 = arith.constant 0 : index
          %swap3A_183 = tpu.vector_load %arg11[%swap3A_181, %swap3A_182] {strides = array<i32>} : memref<128x128xf32, #tpu.memory_space<vmem>>, vector<16xf32>,
          tpu.vector_store %arg11[%swap3A_181, %swap3A_182], %bitcast3A_177 {strides = array<i32>} : memref<128x128xf32, #tpu.memory_space<vmem>>, vector<16xf32>,
          %swap3A_184 = arith.index_cast %add3A_170 : i32 to index
          %swap3A_185 = arith.constant 16 : index
          %swap3A_186 = tpu.vector_load %arg11[%swap3A_184, %swap3A_185] {strides = array<i32>} : memref<128x128xf32, #tpu.memory_space<vmem>>, vector<16xf32>,
          tpu.vector_store %arg11[%swap3A_184, %swap3A_185], %bitcast3A_180 {strides = array<i32>} : memref<128x128xf32, #tpu.memory_space<vmem>>, vector<16xf32>,
          %get3A_187 = arith.index_cast %add3A_170 : i32 to index
          %get3A_188 = arith.constant 16 : index
          %get3A_189 = tpu.vector_load %arg9[%get3A_187, %get3A_188] {strides = array<i32>} : memref<128x64xi32, #tpu.memory_space<vmem>>, vector<16xi32>,
          %shift_left3A_190 = arith.constant 16 : i32
          %shift_left3A_191 = vector.broadcast %shift_left3A_190 : i32 to vector<16xi32>
          %shift_left3A_192 = arith.shli %get3A_189, %shift_left3A_191 : vector<16xi32>
          %bitcast3A_193 = vector.bitcast %shift_left3A_192 : vector<16xi32> to vector<16xf32>
          %and3A_194 = vector.broadcast %scan3A_3 : i32 to vector<16xi32>
          %and3A_195 = arith.andi %get3A_189, %and3A_194 : vector<16xi32>
          %bitcast3A_196 = vector.bitcast %and3A_195 : vector<16xi32> to vector<16xf32>
          %swap3A_197 = arith.index_cast %add3A_170 : i32 to index
          %swap3A_198 = arith.constant 32 : index
          %swap3A_199 = tpu.vector_load %arg11[%swap3A_197, %swap3A_198] {strides = array<i32>} : memref<128x128xf32, #tpu.memory_space<vmem>>, vector<16xf32>,
          tpu.vector_store %arg11[%swap3A_197, %swap3A_198], %bitcast3A_193 {strides = array<i32>} : memref<128x128xf32, #tpu.memory_space<vmem>>, vector<16xf32>,
          %swap3A_200 = arith.index_cast %add3A_170 : i32 to index
          %swap3A_201 = arith.constant 48 : index
          %swap3A_202 = tpu.vector_load %arg11[%swap3A_200, %swap3A_201] {strides = array<i32>} : memref<128x128xf32, #tpu.memory_space<vmem>>, vector<16xf32>,
          tpu.vector_store %arg11[%swap3A_200, %swap3A_201], %bitcast3A_196 {strides = array<i32>} : memref<128x128xf32, #tpu.memory_space<vmem>>, vector<16xf32>,
          %get3A_203 = arith.index_cast %add3A_170 : i32 to index
          %get3A_204 = arith.constant 32 : index
          %get3A_205 = tpu.vector_load %arg9[%get3A_203, %get3A_204] {strides = array<i32>} : memref<128x64xi32, #tpu.memory_space<vmem>>, vector<16xi32>,
          %shift_left3A_206 = arith.constant 16 : i32
          %shift_left3A_207 = vector.broadcast %shift_left3A_206 : i32 to vector<16xi32>
          %shift_left3A_208 = arith.shli %get3A_205, %shift_left3A_207 : vector<16xi32>
          %bitcast3A_209 = vector.bitcast %shift_left3A_208 : vector<16xi32> to vector<16xf32>
          %and3A_210 = vector.broadcast %scan3A_3 : i32 to vector<16xi32>
          %and3A_211 = arith.andi %get3A_205, %and3A_210 : vector<16xi32>
          %bitcast3A_212 = vector.bitcast %and3A_211 : vector<16xi32> to vector<16xf32>
          %swap3A_213 = arith.index_cast %add3A_170 : i32 to index
          %swap3A_214 = arith.constant 64 : index
          %swap3A_215 = tpu.vector_load %arg11[%swap3A_213, %swap3A_214] {strides = array<i32>} : memref<128x128xf32, #tpu.memory_space<vmem>>, vector<16xf32>,
          tpu.vector_store %arg11[%swap3A_213, %swap3A_214], %bitcast3A_209 {strides = array<i32>} : memref<128x128xf32, #tpu.memory_space<vmem>>, vector<16xf32>,
          %swap3A_216 = arith.index_cast %add3A_170 : i32 to index
          %swap3A_217 = arith.constant 80 : index
          %swap3A_218 = tpu.vector_load %arg11[%swap3A_216, %swap3A_217] {strides = array<i32>} : memref<128x128xf32, #tpu.memory_space<vmem>>, vector<16xf32>,
          tpu.vector_store %arg11[%swap3A_216, %swap3A_217], %bitcast3A_212 {strides = array<i32>} : memref<128x128xf32, #tpu.memory_space<vmem>>, vector<16xf32>,
          %get3A_219 = arith.index_cast %add3A_170 : i32 to index
          %get3A_220 = arith.constant 48 : index
          %get3A_221 = tpu.vector_load %arg9[%get3A_219, %get3A_220] {strides = array<i32>} : memref<128x64xi32, #tpu.memory_space<vmem>>, vector<16xi32>,
          %shift_left3A_222 = arith.constant 16 : i32
          %shift_left3A_223 = vector.broadcast %shift_left3A_222 : i32 to vector<16xi32>
          %shift_left3A_224 = arith.shli %get3A_221, %shift_left3A_223 : vector<16xi32>
          %bitcast3A_225 = vector.bitcast %shift_left3A_224 : vector<16xi32> to vector<16xf32>
          %and3A_226 = vector.broadcast %scan3A_3 : i32 to vector<16xi32>
          %and3A_227 = arith.andi %get3A_221, %and3A_226 : vector<16xi32>
          %bitcast3A_228 = vector.bitcast %and3A_227 : vector<16xi32> to vector<16xf32>
          %swap3A_229 = arith.index_cast %add3A_170 : i32 to index
          %swap3A_230 = arith.constant 96 : index
          %swap3A_231 = tpu.vector_load %arg11[%swap3A_229, %swap3A_230] {strides = array<i32>} : memref<128x128xf32, #tpu.memory_space<vmem>>, vector<16xf32>,
          tpu.vector_store %arg11[%swap3A_229, %swap3A_230], %bitcast3A_225 {strides = array<i32>} : memref<128x128xf32, #tpu.memory_space<vmem>>, vector<16xf32>,
          %swap3A_232 = arith.index_cast %add3A_170 : i32 to index
          %swap3A_233 = arith.constant 112 : index
          %swap3A_234 = tpu.vector_load %arg11[%swap3A_232, %swap3A_233] {strides = array<i32>} : memref<128x128xf32, #tpu.memory_space<vmem>>, vector<16xf32>,
          tpu.vector_store %arg11[%swap3A_232, %swap3A_233], %bitcast3A_228 {strides = array<i32>} : memref<128x128xf32, #tpu.memory_space<vmem>>, vector<16xf32>,
          %mul3A_235 = arith.constant 8 : i32
          %mul3A_236 = arith.muli %scan3A_103, %mul3A_235 : i32
          %add3A_237 = arith.constant 2 : i32
          %add3A_238 = arith.addi %mul3A_236, %add3A_237 : i32
          %get3A_239 = arith.index_cast %add3A_238 : i32 to index
          %get3A_240 = arith.constant 0 : index
          %get3A_241 = tpu.vector_load %arg9[%get3A_239, %get3A_240] {strides = array<i32>} : memref<128x64xi32, #tpu.memory_space<vmem>>, vector<16xi32>,
          %shift_left3A_242 = arith.constant 16 : i32
          %shift_left3A_243 = vector.broadcast %shift_left3A_242 : i32 to vector<16xi32>
          %shift_left3A_244 = arith.shli %get3A_241, %shift_left3A_243 : vector<16xi32>
          %bitcast3A_245 = vector.bitcast %shift_left3A_244 : vector<16xi32> to vector<16xf32>
          %and3A_246 = vector.broadcast %scan3A_3 : i32 to vector<16xi32>
          %and3A_247 = arith.andi %get3A_241, %and3A_246 : vector<16xi32>
          %bitcast3A_248 = vector.bitcast %and3A_247 : vector<16xi32> to vector<16xf32>
          %swap3A_249 = arith.index_cast %add3A_238 : i32 to index
          %swap3A_250 = arith.constant 0 : index
          %swap3A_251 = tpu.vector_load %arg11[%swap3A_249, %swap3A_250] {strides = array<i32>} : memref<128x128xf32, #tpu.memory_space<vmem>>, vector<16xf32>,
          tpu.vector_store %arg11[%swap3A_249, %swap3A_250], %bitcast3A_245 {strides = array<i32>} : memref<128x128xf32, #tpu.memory_space<vmem>>, vector<16xf32>,
          %swap3A_252 = arith.index_cast %add3A_238 : i32 to index
          %swap3A_253 = arith.constant 16 : index
          %swap3A_254 = tpu.vector_load %arg11[%swap3A_252, %swap3A_253] {strides = array<i32>} : memref<128x128xf32, #tpu.memory_space<vmem>>, vector<16xf32>,
          tpu.vector_store %arg11[%swap3A_252, %swap3A_253], %bitcast3A_248 {strides = array<i32>} : memref<128x128xf32, #tpu.memory_space<vmem>>, vector<16xf32>,
          %get3A_255 = arith.index_cast %add3A_238 : i32 to index
          %get3A_256 = arith.constant 16 : index
          %get3A_257 = tpu.vector_load %arg9[%get3A_255, %get3A_256] {strides = array<i32>} : memref<128x64xi32, #tpu.memory_space<vmem>>, vector<16xi32>,
          %shift_left3A_258 = arith.constant 16 : i32
          %shift_left3A_259 = vector.broadcast %shift_left3A_258 : i32 to vector<16xi32>
          %shift_left3A_260 = arith.shli %get3A_257, %shift_left3A_259 : vector<16xi32>
          %bitcast3A_261 = vector.bitcast %shift_left3A_260 : vector<16xi32> to vector<16xf32>
          %and3A_262 = vector.broadcast %scan3A_3 : i32 to vector<16xi32>
          %and3A_263 = arith.andi %get3A_257, %and3A_262 : vector<16xi32>
          %bitcast3A_264 = vector.bitcast %and3A_263 : vector<16xi32> to vector<16xf32>
          %swap3A_265 = arith.index_cast %add3A_238 : i32 to index
          %swap3A_266 = arith.constant 32 : index
          %swap3A_267 = tpu.vector_load %arg11[%swap3A_265, %swap3A_266] {strides = array<i32>} : memref<128x128xf32, #tpu.memory_space<vmem>>, vector<16xf32>,
          tpu.vector_store %arg11[%swap3A_265, %swap3A_266], %bitcast3A_261 {strides = array<i32>} : memref<128x128xf32, #tpu.memory_space<vmem>>, vector<16xf32>,
          %swap3A_268 = arith.index_cast %add3A_238 : i32 to index
          %swap3A_269 = arith.constant 48 : index
          %swap3A_270 = tpu.vector_load %arg11[%swap3A_268, %swap3A_269] {strides = array<i32>} : memref<128x128xf32, #tpu.memory_space<vmem>>, vector<16xf32>,
          tpu.vector_store %arg11[%swap3A_268, %swap3A_269], %bitcast3A_264 {strides = array<i32>} : memref<128x128xf32, #tpu.memory_space<vmem>>, vector<16xf32>,
          %get3A_271 = arith.index_cast %add3A_238 : i32 to index
          %get3A_272 = arith.constant 32 : index
          %get3A_273 = tpu.vector_load %arg9[%get3A_271, %get3A_272] {strides = array<i32>} : memref<128x64xi32, #tpu.memory_space<vmem>>, vector<16xi32>,
          %shift_left3A_274 = arith.constant 16 : i32
          %shift_left3A_275 = vector.broadcast %shift_left3A_274 : i32 to vector<16xi32>
          %shift_left3A_276 = arith.shli %get3A_273, %shift_left3A_275 : vector<16xi32>
          %bitcast3A_277 = vector.bitcast %shift_left3A_276 : vector<16xi32> to vector<16xf32>
          %and3A_278 = vector.broadcast %scan3A_3 : i32 to vector<16xi32>
          %and3A_279 = arith.andi %get3A_273, %and3A_278 : vector<16xi32>
          %bitcast3A_280 = vector.bitcast %and3A_279 : vector<16xi32> to vector<16xf32>
          %swap3A_281 = arith.index_cast %add3A_238 : i32 to index
          %swap3A_282 = arith.constant 64 : index
          %swap3A_283 = tpu.vector_load %arg11[%swap3A_281, %swap3A_282] {strides = array<i32>} : memref<128x128xf32, #tpu.memory_space<vmem>>, vector<16xf32>,
          tpu.vector_store %arg11[%swap3A_281, %swap3A_282], %bitcast3A_277 {strides = array<i32>} : memref<128x128xf32, #tpu.memory_space<vmem>>, vector<16xf32>,
          %swap3A_284 = arith.index_cast %add3A_238 : i32 to index
          %swap3A_285 = arith.constant 80 : index
          %swap3A_286 = tpu.vector_load %arg11[%swap3A_284, %swap3A_285] {strides = array<i32>} : memref<128x128xf32, #tpu.memory_space<vmem>>, vector<16xf32>,
          tpu.vector_store %arg11[%swap3A_284, %swap3A_285], %bitcast3A_280 {strides = array<i32>} : memref<128x128xf32, #tpu.memory_space<vmem>>, vector<16xf32>,
          %get3A_287 = arith.index_cast %add3A_238 : i32 to index
          %get3A_288 = arith.constant 48 : index
          %get3A_289 = tpu.vector_load %arg9[%get3A_287, %get3A_288] {strides = array<i32>} : memref<128x64xi32, #tpu.memory_space<vmem>>, vector<16xi32>,
          %shift_left3A_290 = arith.constant 16 : i32
          %shift_left3A_291 = vector.broadcast %shift_left3A_290 : i32 to vector<16xi32>
          %shift_left3A_292 = arith.shli %get3A_289, %shift_left3A_291 : vector<16xi32>
          %bitcast3A_293 = vector.bitcast %shift_left3A_292 : vector<16xi32> to vector<16xf32>
          %and3A_294 = vector.broadcast %scan3A_3 : i32 to vector<16xi32>
          %and3A_295 = arith.andi %get3A_289, %and3A_294 : vector<16xi32>
          %bitcast3A_296 = vector.bitcast %and3A_295 : vector<16xi32> to vector<16xf32>
          %swap3A_297 = arith.index_cast %add3A_238 : i32 to index
          %swap3A_298 = arith.constant 96 : index
          %swap3A_299 = tpu.vector_load %arg11[%swap3A_297, %swap3A_298] {strides = array<i32>} : memref<128x128xf32, #tpu.memory_space<vmem>>, vector<16xf32>,
          tpu.vector_store %arg11[%swap3A_297, %swap3A_298], %bitcast3A_293 {strides = array<i32>} : memref<128x128xf32, #tpu.memory_space<vmem>>, vector<16xf32>,
          %swap3A_300 = arith.index_cast %add3A_238 : i32 to index
          %swap3A_301 = arith.constant 112 : index
          %swap3A_302 = tpu.vector_load %arg11[%swap3A_300, %swap3A_301] {strides = array<i32>} : memref<128x128xf32, #tpu.memory_space<vmem>>, vector<16xf32>,
          tpu.vector_store %arg11[%swap3A_300, %swap3A_301], %bitcast3A_296 {strides = array<i32>} : memref<128x128xf32, #tpu.memory_space<vmem>>, vector<16xf32>,
          %mul3A_303 = arith.constant 8 : i32
          %mul3A_304 = arith.muli %scan3A_103, %mul3A_303 : i32
          %add3A_305 = arith.constant 3 : i32
          %add3A_306 = arith.addi %mul3A_304, %add3A_305 : i32
          %get3A_307 = arith.index_cast %add3A_306 : i32 to index
          %get3A_308 = arith.constant 0 : index
          %get3A_309 = tpu.vector_load %arg9[%get3A_307, %get3A_308] {strides = array<i32>} : memref<128x64xi32, #tpu.memory_space<vmem>>, vector<16xi32>,
          %shift_left3A_310 = arith.constant 16 : i32
          %shift_left3A_311 = vector.broadcast %shift_left3A_310 : i32 to vector<16xi32>
          %shift_left3A_312 = arith.shli %get3A_309, %shift_left3A_311 : vector<16xi32>
          %bitcast3A_313 = vector.bitcast %shift_left3A_312 : vector<16xi32> to vector<16xf32>
          %and3A_314 = vector.broadcast %scan3A_3 : i32 to vector<16xi32>
          %and3A_315 = arith.andi %get3A_309, %and3A_314 : vector<16xi32>
          %bitcast3A_316 = vector.bitcast %and3A_315 : vector<16xi32> to vector<16xf32>
          %swap3A_317 = arith.index_cast %add3A_306 : i32 to index
          %swap3A_318 = arith.constant 0 : index
          %swap3A_319 = tpu.vector_load %arg11[%swap3A_317, %swap3A_318] {strides = array<i32>} : memref<128x128xf32, #tpu.memory_space<vmem>>, vector<16xf32>,
          tpu.vector_store %arg11[%swap3A_317, %swap3A_318], %bitcast3A_313 {strides = array<i32>} : memref<128x128xf32, #tpu.memory_space<vmem>>, vector<16xf32>,
          %swap3A_320 = arith.index_cast %add3A_306 : i32 to index
          %swap3A_321 = arith.constant 16 : index
          %swap3A_322 = tpu.vector_load %arg11[%swap3A_320, %swap3A_321] {strides = array<i32>} : memref<128x128xf32, #tpu.memory_space<vmem>>, vector<16xf32>,
          tpu.vector_store %arg11[%swap3A_320, %swap3A_321], %bitcast3A_316 {strides = array<i32>} : memref<128x128xf32, #tpu.memory_space<vmem>>, vector<16xf32>,
          %get3A_323 = arith.index_cast %add3A_306 : i32 to index
          %get3A_324 = arith.constant 16 : index
          %get3A_325 = tpu.vector_load %arg9[%get3A_323, %get3A_324] {strides = array<i32>} : memref<128x64xi32, #tpu.memory_space<vmem>>, vector<16xi32>,
          %shift_left3A_326 = arith.constant 16 : i32
          %shift_left3A_327 = vector.broadcast %shift_left3A_326 : i32 to vector<16xi32>
          %shift_left3A_328 = arith.shli %get3A_325, %shift_left3A_327 : vector<16xi32>
          %bitcast3A_329 = vector.bitcast %shift_left3A_328 : vector<16xi32> to vector<16xf32>
          %and3A_330 = vector.broadcast %scan3A_3 : i32 to vector<16xi32>
          %and3A_331 = arith.andi %get3A_325, %and3A_330 : vector<16xi32>
          %bitcast3A_332 = vector.bitcast %and3A_331 : vector<16xi32> to vector<16xf32>
          %swap3A_333 = arith.index_cast %add3A_306 : i32 to index
          %swap3A_334 = arith.constant 32 : index
          %swap3A_335 = tpu.vector_load %arg11[%swap3A_333, %swap3A_334] {strides = array<i32>} : memref<128x128xf32, #tpu.memory_space<vmem>>, vector<16xf32>,
          tpu.vector_store %arg11[%swap3A_333, %swap3A_334], %bitcast3A_329 {strides = array<i32>} : memref<128x128xf32, #tpu.memory_space<vmem>>, vector<16xf32>,
          %swap3A_336 = arith.index_cast %add3A_306 : i32 to index
          %swap3A_337 = arith.constant 48 : index
          %swap3A_338 = tpu.vector_load %arg11[%swap3A_336, %swap3A_337] {strides = array<i32>} : memref<128x128xf32, #tpu.memory_space<vmem>>, vector<16xf32>,
          tpu.vector_store %arg11[%swap3A_336, %swap3A_337], %bitcast3A_332 {strides = array<i32>} : memref<128x128xf32, #tpu.memory_space<vmem>>, vector<16xf32>,
          %get3A_339 = arith.index_cast %add3A_306 : i32 to index
          %get3A_340 = arith.constant 32 : index
          %get3A_341 = tpu.vector_load %arg9[%get3A_339, %get3A_340] {strides = array<i32>} : memref<128x64xi32, #tpu.memory_space<vmem>>, vector<16xi32>,
          %shift_left3A_342 = arith.constant 16 : i32
          %shift_left3A_343 = vector.broadcast %shift_left3A_342 : i32 to vector<16xi32>
          %shift_left3A_344 = arith.shli %get3A_341, %shift_left3A_343 : vector<16xi32>
          %bitcast3A_345 = vector.bitcast %shift_left3A_344 : vector<16xi32> to vector<16xf32>
          %and3A_346 = vector.broadcast %scan3A_3 : i32 to vector<16xi32>
          %and3A_347 = arith.andi %get3A_341, %and3A_346 : vector<16xi32>
          %bitcast3A_348 = vector.bitcast %and3A_347 : vector<16xi32> to vector<16xf32>
          %swap3A_349 = arith.index_cast %add3A_306 : i32 to index
          %swap3A_350 = arith.constant 64 : index
          %swap3A_351 = tpu.vector_load %arg11[%swap3A_349, %swap3A_350] {strides = array<i32>} : memref<128x128xf32, #tpu.memory_space<vmem>>, vector<16xf32>,
          tpu.vector_store %arg11[%swap3A_349, %swap3A_350], %bitcast3A_345 {strides = array<i32>} : memref<128x128xf32, #tpu.memory_space<vmem>>, vector<16xf32>,
          %swap3A_352 = arith.index_cast %add3A_306 : i32 to index
          %swap3A_353 = arith.constant 80 : index
          %swap3A_354 = tpu.vector_load %arg11[%swap3A_352, %swap3A_353] {strides = array<i32>} : memref<128x128xf32, #tpu.memory_space<vmem>>, vector<16xf32>,
          tpu.vector_store %arg11[%swap3A_352, %swap3A_353], %bitcast3A_348 {strides = array<i32>} : memref<128x128xf32, #tpu.memory_space<vmem>>, vector<16xf32>,
          %get3A_355 = arith.index_cast %add3A_306 : i32 to index
          %get3A_356 = arith.constant 48 : index
          %get3A_357 = tpu.vector_load %arg9[%get3A_355, %get3A_356] {strides = array<i32>} : memref<128x64xi32, #tpu.memory_space<vmem>>, vector<16xi32>,
          %shift_left3A_358 = arith.constant 16 : i32
          %shift_left3A_359 = vector.broadcast %shift_left3A_358 : i32 to vector<16xi32>
          %shift_left3A_360 = arith.shli %get3A_357, %shift_left3A_359 : vector<16xi32>
          %bitcast3A_361 = vector.bitcast %shift_left3A_360 : vector<16xi32> to vector<16xf32>
          %and3A_362 = vector.broadcast %scan3A_3 : i32 to vector<16xi32>
          %and3A_363 = arith.andi %get3A_357, %and3A_362 : vector<16xi32>
          %bitcast3A_364 = vector.bitcast %and3A_363 : vector<16xi32> to vector<16xf32>
          %swap3A_365 = arith.index_cast %add3A_306 : i32 to index
          %swap3A_366 = arith.constant 96 : index
          %swap3A_367 = tpu.vector_load %arg11[%swap3A_365, %swap3A_366] {strides = array<i32>} : memref<128x128xf32, #tpu.memory_space<vmem>>, vector<16xf32>,
          tpu.vector_store %arg11[%swap3A_365, %swap3A_366], %bitcast3A_361 {strides = array<i32>} : memref<128x128xf32, #tpu.memory_space<vmem>>, vector<16xf32>,
          %swap3A_368 = arith.index_cast %add3A_306 : i32 to index
          %swap3A_369 = arith.constant 112 : index
          %swap3A_370 = tpu.vector_load %arg11[%swap3A_368, %swap3A_369] {strides = array<i32>} : memref<128x128xf32, #tpu.memory_space<vmem>>, vector<16xf32>,
          tpu.vector_store %arg11[%swap3A_368, %swap3A_369], %bitcast3A_364 {strides = array<i32>} : memref<128x128xf32, #tpu.memory_space<vmem>>, vector<16xf32>,
          %mul3A_371 = arith.constant 8 : i32
          %mul3A_372 = arith.muli %scan3A_103, %mul3A_371 : i32
          %add3A_373 = arith.constant 4 : i32
          %add3A_374 = arith.addi %mul3A_372, %add3A_373 : i32
          %get3A_375 = arith.index_cast %add3A_374 : i32 to index
          %get3A_376 = arith.constant 0 : index
          %get3A_377 = tpu.vector_load %arg9[%get3A_375, %get3A_376] {strides = array<i32>} : memref<128x64xi32, #tpu.memory_space<vmem>>, vector<16xi32>,
          %shift_left3A_378 = arith.constant 16 : i32
          %shift_left3A_379 = vector.broadcast %shift_left3A_378 : i32 to vector<16xi32>
          %shift_left3A_380 = arith.shli %get3A_377, %shift_left3A_379 : vector<16xi32>
          %bitcast3A_381 = vector.bitcast %shift_left3A_380 : vector<16xi32> to vector<16xf32>
          %and3A_382 = vector.broadcast %scan3A_3 : i32 to vector<16xi32>
          %and3A_383 = arith.andi %get3A_377, %and3A_382 : vector<16xi32>
          %bitcast3A_384 = vector.bitcast %and3A_383 : vector<16xi32> to vector<16xf32>
          %swap3A_385 = arith.index_cast %add3A_374 : i32 to index
          %swap3A_386 = arith.constant 0 : index
          %swap3A_387 = tpu.vector_load %arg11[%swap3A_385, %swap3A_386] {strides = array<i32>} : memref<128x128xf32, #tpu.memory_space<vmem>>, vector<16xf32>,
          tpu.vector_store %arg11[%swap3A_385, %swap3A_386], %bitcast3A_381 {strides = array<i32>} : memref<128x128xf32, #tpu.memory_space<vmem>>, vector<16xf32>,
          %swap3A_388 = arith.index_cast %add3A_374 : i32 to index
          %swap3A_389 = arith.constant 16 : index
          %swap3A_390 = tpu.vector_load %arg11[%swap3A_388, %swap3A_389] {strides = array<i32>} : memref<128x128xf32, #tpu.memory_space<vmem>>, vector<16xf32>,
          tpu.vector_store %arg11[%swap3A_388, %swap3A_389], %bitcast3A_384 {strides = array<i32>} : memref<128x128xf32, #tpu.memory_space<vmem>>, vector<16xf32>,
          %get3A_391 = arith.index_cast %add3A_374 : i32 to index
          %get3A_392 = arith.constant 16 : index
          %get3A_393 = tpu.vector_load %arg9[%get3A_391, %get3A_392] {strides = array<i32>} : memref<128x64xi32, #tpu.memory_space<vmem>>, vector<16xi32>,
          %shift_left3A_394 = arith.constant 16 : i32
          %shift_left3A_395 = vector.broadcast %shift_left3A_394 : i32 to vector<16xi32>
          %shift_left3A_396 = arith.shli %get3A_393, %shift_left3A_395 : vector<16xi32>
          %bitcast3A_397 = vector.bitcast %shift_left3A_396 : vector<16xi32> to vector<16xf32>
          %and3A_398 = vector.broadcast %scan3A_3 : i32 to vector<16xi32>
          %and3A_399 = arith.andi %get3A_393, %and3A_398 : vector<16xi32>
          %bitcast3A_400 = vector.bitcast %and3A_399 : vector<16xi32> to vector<16xf32>
          %swap3A_401 = arith.index_cast %add3A_374 : i32 to index
          %swap3A_402 = arith.constant 32 : index
          %swap3A_403 = tpu.vector_load %arg11[%swap3A_401, %swap3A_402] {strides = array<i32>} : memref<128x128xf32, #tpu.memory_space<vmem>>, vector<16xf32>,
          tpu.vector_store %arg11[%swap3A_401, %swap3A_402], %bitcast3A_397 {strides = array<i32>} : memref<128x128xf32, #tpu.memory_space<vmem>>, vector<16xf32>,
          %swap3A_404 = arith.index_cast %add3A_374 : i32 to index
          %swap3A_405 = arith.constant 48 : index
          %swap3A_406 = tpu.vector_load %arg11[%swap3A_404, %swap3A_405] {strides = array<i32>} : memref<128x128xf32, #tpu.memory_space<vmem>>, vector<16xf32>,
          tpu.vector_store %arg11[%swap3A_404, %swap3A_405], %bitcast3A_400 {strides = array<i32>} : memref<128x128xf32, #tpu.memory_space<vmem>>, vector<16xf32>,
          %get3A_407 = arith.index_cast %add3A_374 : i32 to index
          %get3A_408 = arith.constant 32 : index
          %get3A_409 = tpu.vector_load %arg9[%get3A_407, %get3A_408] {strides = array<i32>} : memref<128x64xi32, #tpu.memory_space<vmem>>, vector<16xi32>,
          %shift_left3A_410 = arith.constant 16 : i32
          %shift_left3A_411 = vector.broadcast %shift_left3A_410 : i32 to vector<16xi32>
          %shift_left3A_412 = arith.shli %get3A_409, %shift_left3A_411 : vector<16xi32>
          %bitcast3A_413 = vector.bitcast %shift_left3A_412 : vector<16xi32> to vector<16xf32>
          %and3A_414 = vector.broadcast %scan3A_3 : i32 to vector<16xi32>
          %and3A_415 = arith.andi %get3A_409, %and3A_414 : vector<16xi32>
          %bitcast3A_416 = vector.bitcast %and3A_415 : vector<16xi32> to vector<16xf32>
          %swap3A_417 = arith.index_cast %add3A_374 : i32 to index
          %swap3A_418 = arith.constant 64 : index
          %swap3A_419 = tpu.vector_load %arg11[%swap3A_417, %swap3A_418] {strides = array<i32>} : memref<128x128xf32, #tpu.memory_space<vmem>>, vector<16xf32>,
          tpu.vector_store %arg11[%swap3A_417, %swap3A_418], %bitcast3A_413 {strides = array<i32>} : memref<128x128xf32, #tpu.memory_space<vmem>>, vector<16xf32>,
          %swap3A_420 = arith.index_cast %add3A_374 : i32 to index
          %swap3A_421 = arith.constant 80 : index
          %swap3A_422 = tpu.vector_load %arg11[%swap3A_420, %swap3A_421] {strides = array<i32>} : memref<128x128xf32, #tpu.memory_space<vmem>>, vector<16xf32>,
          tpu.vector_store %arg11[%swap3A_420, %swap3A_421], %bitcast3A_416 {strides = array<i32>} : memref<128x128xf32, #tpu.memory_space<vmem>>, vector<16xf32>,
          %get3A_423 = arith.index_cast %add3A_374 : i32 to index
          %get3A_424 = arith.constant 48 : index
          %get3A_425 = tpu.vector_load %arg9[%get3A_423, %get3A_424] {strides = array<i32>} : memref<128x64xi32, #tpu.memory_space<vmem>>, vector<16xi32>,
          %shift_left3A_426 = arith.constant 16 : i32
          %shift_left3A_427 = vector.broadcast %shift_left3A_426 : i32 to vector<16xi32>
          %shift_left3A_428 = arith.shli %get3A_425, %shift_left3A_427 : vector<16xi32>
          %bitcast3A_429 = vector.bitcast %shift_left3A_428 : vector<16xi32> to vector<16xf32>
          %and3A_430 = vector.broadcast %scan3A_3 : i32 to vector<16xi32>
          %and3A_431 = arith.andi %get3A_425, %and3A_430 : vector<16xi32>
          %bitcast3A_432 = vector.bitcast %and3A_431 : vector<16xi32> to vector<16xf32>
          %swap3A_433 = arith.index_cast %add3A_374 : i32 to index
          %swap3A_434 = arith.constant 96 : index
          %swap3A_435 = tpu.vector_load %arg11[%swap3A_433, %swap3A_434] {strides = array<i32>} : memref<128x128xf32, #tpu.memory_space<vmem>>, vector<16xf32>,
          tpu.vector_store %arg11[%swap3A_433, %swap3A_434], %bitcast3A_429 {strides = array<i32>} : memref<128x128xf32, #tpu.memory_space<vmem>>, vector<16xf32>,
          %swap3A_436 = arith.index_cast %add3A_374 : i32 to index
          %swap3A_437 = arith.constant 112 : index
          %swap3A_438 = tpu.vector_load %arg11[%swap3A_436, %swap3A_437] {strides = array<i32>} : memref<128x128xf32, #tpu.memory_space<vmem>>, vector<16xf32>,
          tpu.vector_store %arg11[%swap3A_436, %swap3A_437], %bitcast3A_432 {strides = array<i32>} : memref<128x128xf32, #tpu.memory_space<vmem>>, vector<16xf32>,
          %mul3A_439 = arith.constant 8 : i32
          %mul3A_440 = arith.muli %scan3A_103, %mul3A_439 : i32
          %add3A_441 = arith.constant 5 : i32
          %add3A_442 = arith.addi %mul3A_440, %add3A_441 : i32
          %get3A_443 = arith.index_cast %add3A_442 : i32 to index
          %get3A_444 = arith.constant 0 : index
          %get3A_445 = tpu.vector_load %arg9[%get3A_443, %get3A_444] {strides = array<i32>} : memref<128x64xi32, #tpu.memory_space<vmem>>, vector<16xi32>,
          %shift_left3A_446 = arith.constant 16 : i32
          %shift_left3A_447 = vector.broadcast %shift_left3A_446 : i32 to vector<16xi32>
          %shift_left3A_448 = arith.shli %get3A_445, %shift_left3A_447 : vector<16xi32>
          %bitcast3A_449 = vector.bitcast %shift_left3A_448 : vector<16xi32> to vector<16xf32>
          %and3A_450 = vector.broadcast %scan3A_3 : i32 to vector<16xi32>
          %and3A_451 = arith.andi %get3A_445, %and3A_450 : vector<16xi32>
          %bitcast3A_452 = vector.bitcast %and3A_451 : vector<16xi32> to vector<16xf32>
          %swap3A_453 = arith.index_cast %add3A_442 : i32 to index
          %swap3A_454 = arith.constant 0 : index
          %swap3A_455 = tpu.vector_load %arg11[%swap3A_453, %swap3A_454] {strides = array<i32>} : memref<128x128xf32, #tpu.memory_space<vmem>>, vector<16xf32>,
          tpu.vector_store %arg11[%swap3A_453, %swap3A_454], %bitcast3A_449 {strides = array<i32>} : memref<128x128xf32, #tpu.memory_space<vmem>>, vector<16xf32>,
          %swap3A_456 = arith.index_cast %add3A_442 : i32 to index
          %swap3A_457 = arith.constant 16 : index
          %swap3A_458 = tpu.vector_load %arg11[%swap3A_456, %swap3A_457] {strides = array<i32>} : memref<128x128xf32, #tpu.memory_space<vmem>>, vector<16xf32>,
          tpu.vector_store %arg11[%swap3A_456, %swap3A_457], %bitcast3A_452 {strides = array<i32>} : memref<128x128xf32, #tpu.memory_space<vmem>>, vector<16xf32>,
          %get3A_459 = arith.index_cast %add3A_442 : i32 to index
          %get3A_460 = arith.constant 16 : index
          %get3A_461 = tpu.vector_load %arg9[%get3A_459, %get3A_460] {strides = array<i32>} : memref<128x64xi32, #tpu.memory_space<vmem>>, vector<16xi32>,
          %shift_left3A_462 = arith.constant 16 : i32
          %shift_left3A_463 = vector.broadcast %shift_left3A_462 : i32 to vector<16xi32>
          %shift_left3A_464 = arith.shli %get3A_461, %shift_left3A_463 : vector<16xi32>
          %bitcast3A_465 = vector.bitcast %shift_left3A_464 : vector<16xi32> to vector<16xf32>
          %and3A_466 = vector.broadcast %scan3A_3 : i32 to vector<16xi32>
          %and3A_467 = arith.andi %get3A_461, %and3A_466 : vector<16xi32>
          %bitcast3A_468 = vector.bitcast %and3A_467 : vector<16xi32> to vector<16xf32>
          %swap3A_469 = arith.index_cast %add3A_442 : i32 to index
          %swap3A_470 = arith.constant 32 : index
          %swap3A_471 = tpu.vector_load %arg11[%swap3A_469, %swap3A_470] {strides = array<i32>} : memref<128x128xf32, #tpu.memory_space<vmem>>, vector<16xf32>,
          tpu.vector_store %arg11[%swap3A_469, %swap3A_470], %bitcast3A_465 {strides = array<i32>} : memref<128x128xf32, #tpu.memory_space<vmem>>, vector<16xf32>,
          %swap3A_472 = arith.index_cast %add3A_442 : i32 to index
          %swap3A_473 = arith.constant 48 : index
          %swap3A_474 = tpu.vector_load %arg11[%swap3A_472, %swap3A_473] {strides = array<i32>} : memref<128x128xf32, #tpu.memory_space<vmem>>, vector<16xf32>,
          tpu.vector_store %arg11[%swap3A_472, %swap3A_473], %bitcast3A_468 {strides = array<i32>} : memref<128x128xf32, #tpu.memory_space<vmem>>, vector<16xf32>,
          %get3A_475 = arith.index_cast %add3A_442 : i32 to index
          %get3A_476 = arith.constant 32 : index
          %get3A_477 = tpu.vector_load %arg9[%get3A_475, %get3A_476] {strides = array<i32>} : memref<128x64xi32, #tpu.memory_space<vmem>>, vector<16xi32>,
          %shift_left3A_478 = arith.constant 16 : i32
          %shift_left3A_479 = vector.broadcast %shift_left3A_478 : i32 to vector<16xi32>
          %shift_left3A_480 = arith.shli %get3A_477, %shift_left3A_479 : vector<16xi32>
          %bitcast3A_481 = vector.bitcast %shift_left3A_480 : vector<16xi32> to vector<16xf32>
          %and3A_482 = vector.broadcast %scan3A_3 : i32 to vector<16xi32>
          %and3A_483 = arith.andi %get3A_477, %and3A_482 : vector<16xi32>
          %bitcast3A_484 = vector.bitcast %and3A_483 : vector<16xi32> to vector<16xf32>
          %swap3A_485 = arith.index_cast %add3A_442 : i32 to index
          %swap3A_486 = arith.constant 64 : index
          %swap3A_487 = tpu.vector_load %arg11[%swap3A_485, %swap3A_486] {strides = array<i32>} : memref<128x128xf32, #tpu.memory_space<vmem>>, vector<16xf32>,
          tpu.vector_store %arg11[%swap3A_485, %swap3A_486], %bitcast3A_481 {strides = array<i32>} : memref<128x128xf32, #tpu.memory_space<vmem>>, vector<16xf32>,
          %swap3A_488 = arith.index_cast %add3A_442 : i32 to index
          %swap3A_489 = arith.constant 80 : index
          %swap3A_490 = tpu.vector_load %arg11[%swap3A_488, %swap3A_489] {strides = array<i32>} : memref<128x128xf32, #tpu.memory_space<vmem>>, vector<16xf32>,
          tpu.vector_store %arg11[%swap3A_488, %swap3A_489], %bitcast3A_484 {strides = array<i32>} : memref<128x128xf32, #tpu.memory_space<vmem>>, vector<16xf32>,
          %get3A_491 = arith.index_cast %add3A_442 : i32 to index
          %get3A_492 = arith.constant 48 : index
          %get3A_493 = tpu.vector_load %arg9[%get3A_491, %get3A_492] {strides = array<i32>} : memref<128x64xi32, #tpu.memory_space<vmem>>, vector<16xi32>,
          %shift_left3A_494 = arith.constant 16 : i32
          %shift_left3A_495 = vector.broadcast %shift_left3A_494 : i32 to vector<16xi32>
          %shift_left3A_496 = arith.shli %get3A_493, %shift_left3A_495 : vector<16xi32>
          %bitcast3A_497 = vector.bitcast %shift_left3A_496 : vector<16xi32> to vector<16xf32>
          %and3A_498 = vector.broadcast %scan3A_3 : i32 to vector<16xi32>
          %and3A_499 = arith.andi %get3A_493, %and3A_498 : vector<16xi32>
          %bitcast3A_500 = vector.bitcast %and3A_499 : vector<16xi32> to vector<16xf32>
          %swap3A_501 = arith.index_cast %add3A_442 : i32 to index
          %swap3A_502 = arith.constant 96 : index
          %swap3A_503 = tpu.vector_load %arg11[%swap3A_501, %swap3A_502] {strides = array<i32>} : memref<128x128xf32, #tpu.memory_space<vmem>>, vector<16xf32>,
          tpu.vector_store %arg11[%swap3A_501, %swap3A_502], %bitcast3A_497 {strides = array<i32>} : memref<128x128xf32, #tpu.memory_space<vmem>>, vector<16xf32>,
          %swap3A_504 = arith.index_cast %add3A_442 : i32 to index
          %swap3A_505 = arith.constant 112 : index
          %swap3A_506 = tpu.vector_load %arg11[%swap3A_504, %swap3A_505] {strides = array<i32>} : memref<128x128xf32, #tpu.memory_space<vmem>>, vector<16xf32>,
          tpu.vector_store %arg11[%swap3A_504, %swap3A_505], %bitcast3A_500 {strides = array<i32>} : memref<128x128xf32, #tpu.memory_space<vmem>>, vector<16xf32>,
          %mul3A_507 = arith.constant 8 : i32
          %mul3A_508 = arith.muli %scan3A_103, %mul3A_507 : i32
          %add3A_509 = arith.constant 6 : i32
          %add3A_510 = arith.addi %mul3A_508, %add3A_509 : i32
          %get3A_511 = arith.index_cast %add3A_510 : i32 to index
          %get3A_512 = arith.constant 0 : index
          %get3A_513 = tpu.vector_load %arg9[%get3A_511, %get3A_512] {strides = array<i32>} : memref<128x64xi32, #tpu.memory_space<vmem>>, vector<16xi32>,
          %shift_left3A_514 = arith.constant 16 : i32
          %shift_left3A_515 = vector.broadcast %shift_left3A_514 : i32 to vector<16xi32>
          %shift_left3A_516 = arith.shli %get3A_513, %shift_left3A_515 : vector<16xi32>
          %bitcast3A_517 = vector.bitcast %shift_left3A_516 : vector<16xi32> to vector<16xf32>
          %and3A_518 = vector.broadcast %scan3A_3 : i32 to vector<16xi32>
          %and3A_519 = arith.andi %get3A_513, %and3A_518 : vector<16xi32>
          %bitcast3A_520 = vector.bitcast %and3A_519 : vector<16xi32> to vector<16xf32>
          %swap3A_521 = arith.index_cast %add3A_510 : i32 to index
          %swap3A_522 = arith.constant 0 : index
          %swap3A_523 = tpu.vector_load %arg11[%swap3A_521, %swap3A_522] {strides = array<i32>} : memref<128x128xf32, #tpu.memory_space<vmem>>, vector<16xf32>,
          tpu.vector_store %arg11[%swap3A_521, %swap3A_522], %bitcast3A_517 {strides = array<i32>} : memref<128x128xf32, #tpu.memory_space<vmem>>, vector<16xf32>,
          %swap3A_524 = arith.index_cast %add3A_510 : i32 to index
          %swap3A_525 = arith.constant 16 : index
          %swap3A_526 = tpu.vector_load %arg11[%swap3A_524, %swap3A_525] {strides = array<i32>} : memref<128x128xf32, #tpu.memory_space<vmem>>, vector<16xf32>,
          tpu.vector_store %arg11[%swap3A_524, %swap3A_525], %bitcast3A_520 {strides = array<i32>} : memref<128x128xf32, #tpu.memory_space<vmem>>, vector<16xf32>,
          %get3A_527 = arith.index_cast %add3A_510 : i32 to index
          %get3A_528 = arith.constant 16 : index
          %get3A_529 = tpu.vector_load %arg9[%get3A_527, %get3A_528] {strides = array<i32>} : memref<128x64xi32, #tpu.memory_space<vmem>>, vector<16xi32>,
          %shift_left3A_530 = arith.constant 16 : i32
          %shift_left3A_531 = vector.broadcast %shift_left3A_530 : i32 to vector<16xi32>
          %shift_left3A_532 = arith.shli %get3A_529, %shift_left3A_531 : vector<16xi32>
          %bitcast3A_533 = vector.bitcast %shift_left3A_532 : vector<16xi32> to vector<16xf32>
          %and3A_534 = vector.broadcast %scan3A_3 : i32 to vector<16xi32>
          %and3A_535 = arith.andi %get3A_529, %and3A_534 : vector<16xi32>
          %bitcast3A_536 = vector.bitcast %and3A_535 : vector<16xi32> to vector<16xf32>
          %swap3A_537 = arith.index_cast %add3A_510 : i32 to index
          %swap3A_538 = arith.constant 32 : index
          %swap3A_539 = tpu.vector_load %arg11[%swap3A_537, %swap3A_538] {strides = array<i32>} : memref<128x128xf32, #tpu.memory_space<vmem>>, vector<16xf32>,
          tpu.vector_store %arg11[%swap3A_537, %swap3A_538], %bitcast3A_533 {strides = array<i32>} : memref<128x128xf32, #tpu.memory_space<vmem>>, vector<16xf32>,
          %swap3A_540 = arith.index_cast %add3A_510 : i32 to index
          %swap3A_541 = arith.constant 48 : index
          %swap3A_542 = tpu.vector_load %arg11[%swap3A_540, %swap3A_541] {strides = array<i32>} : memref<128x128xf32, #tpu.memory_space<vmem>>, vector<16xf32>,
          tpu.vector_store %arg11[%swap3A_540, %swap3A_541], %bitcast3A_536 {strides = array<i32>} : memref<128x128xf32, #tpu.memory_space<vmem>>, vector<16xf32>,
          %get3A_543 = arith.index_cast %add3A_510 : i32 to index
          %get3A_544 = arith.constant 32 : index
          %get3A_545 = tpu.vector_load %arg9[%get3A_543, %get3A_544] {strides = array<i32>} : memref<128x64xi32, #tpu.memory_space<vmem>>, vector<16xi32>,
          %shift_left3A_546 = arith.constant 16 : i32
          %shift_left3A_547 = vector.broadcast %shift_left3A_546 : i32 to vector<16xi32>
          %shift_left3A_548 = arith.shli %get3A_545, %shift_left3A_547 : vector<16xi32>
          %bitcast3A_549 = vector.bitcast %shift_left3A_548 : vector<16xi32> to vector<16xf32>
          %and3A_550 = vector.broadcast %scan3A_3 : i32 to vector<16xi32>
          %and3A_551 = arith.andi %get3A_545, %and3A_550 : vector<16xi32>
          %bitcast3A_552 = vector.bitcast %and3A_551 : vector<16xi32> to vector<16xf32>
          %swap3A_553 = arith.index_cast %add3A_510 : i32 to index
          %swap3A_554 = arith.constant 64 : index
          %swap3A_555 = tpu.vector_load %arg11[%swap3A_553, %swap3A_554] {strides = array<i32>} : memref<128x128xf32, #tpu.memory_space<vmem>>, vector<16xf32>,
          tpu.vector_store %arg11[%swap3A_553, %swap3A_554], %bitcast3A_549 {strides = array<i32>} : memref<128x128xf32, #tpu.memory_space<vmem>>, vector<16xf32>,
          %swap3A_556 = arith.index_cast %add3A_510 : i32 to index
          %swap3A_557 = arith.constant 80 : index
          %swap3A_558 = tpu.vector_load %arg11[%swap3A_556, %swap3A_557] {strides = array<i32>} : memref<128x128xf32, #tpu.memory_space<vmem>>, vector<16xf32>,
          tpu.vector_store %arg11[%swap3A_556, %swap3A_557], %bitcast3A_552 {strides = array<i32>} : memref<128x128xf32, #tpu.memory_space<vmem>>, vector<16xf32>,
          %get3A_559 = arith.index_cast %add3A_510 : i32 to index
          %get3A_560 = arith.constant 48 : index
          %get3A_561 = tpu.vector_load %arg9[%get3A_559, %get3A_560] {strides = array<i32>} : memref<128x64xi32, #tpu.memory_space<vmem>>, vector<16xi32>,
          %shift_left3A_562 = arith.constant 16 : i32
          %shift_left3A_563 = vector.broadcast %shift_left3A_562 : i32 to vector<16xi32>
          %shift_left3A_564 = arith.shli %get3A_561, %shift_left3A_563 : vector<16xi32>
          %bitcast3A_565 = vector.bitcast %shift_left3A_564 : vector<16xi32> to vector<16xf32>
          %and3A_566 = vector.broadcast %scan3A_3 : i32 to vector<16xi32>
          %and3A_567 = arith.andi %get3A_561, %and3A_566 : vector<16xi32>
          %bitcast3A_568 = vector.bitcast %and3A_567 : vector<16xi32> to vector<16xf32>
          %swap3A_569 = arith.index_cast %add3A_510 : i32 to index
          %swap3A_570 = arith.constant 96 : index
          %swap3A_571 = tpu.vector_load %arg11[%swap3A_569, %swap3A_570] {strides = array<i32>} : memref<128x128xf32, #tpu.memory_space<vmem>>, vector<16xf32>,
          tpu.vector_store %arg11[%swap3A_569, %swap3A_570], %bitcast3A_565 {strides = array<i32>} : memref<128x128xf32, #tpu.memory_space<vmem>>, vector<16xf32>,
          %swap3A_572 = arith.index_cast %add3A_510 : i32 to index
          %swap3A_573 = arith.constant 112 : index
          %swap3A_574 = tpu.vector_load %arg11[%swap3A_572, %swap3A_573] {strides = array<i32>} : memref<128x128xf32, #tpu.memory_space<vmem>>, vector<16xf32>,
          tpu.vector_store %arg11[%swap3A_572, %swap3A_573], %bitcast3A_568 {strides = array<i32>} : memref<128x128xf32, #tpu.memory_space<vmem>>, vector<16xf32>,
          %mul3A_575 = arith.constant 8 : i32
          %mul3A_576 = arith.muli %scan3A_103, %mul3A_575 : i32
          %add3A_577 = arith.constant 7 : i32
          %add3A_578 = arith.addi %mul3A_576, %add3A_577 : i32
          %get3A_579 = arith.index_cast %add3A_578 : i32 to index
          %get3A_580 = arith.constant 0 : index
          %get3A_581 = tpu.vector_load %arg9[%get3A_579, %get3A_580] {strides = array<i32>} : memref<128x64xi32, #tpu.memory_space<vmem>>, vector<16xi32>,
          %shift_left3A_582 = arith.constant 16 : i32
          %shift_left3A_583 = vector.broadcast %shift_left3A_582 : i32 to vector<16xi32>
          %shift_left3A_584 = arith.shli %get3A_581, %shift_left3A_583 : vector<16xi32>
          %bitcast3A_585 = vector.bitcast %shift_left3A_584 : vector<16xi32> to vector<16xf32>
          %and3A_586 = vector.broadcast %scan3A_3 : i32 to vector<16xi32>
          %and3A_587 = arith.andi %get3A_581, %and3A_586 : vector<16xi32>
          %bitcast3A_588 = vector.bitcast %and3A_587 : vector<16xi32> to vector<16xf32>
          %swap3A_589 = arith.index_cast %add3A_578 : i32 to index
          %swap3A_590 = arith.constant 0 : index
          %swap3A_591 = tpu.vector_load %arg11[%swap3A_589, %swap3A_590] {strides = array<i32>} : memref<128x128xf32, #tpu.memory_space<vmem>>, vector<16xf32>,
          tpu.vector_store %arg11[%swap3A_589, %swap3A_590], %bitcast3A_585 {strides = array<i32>} : memref<128x128xf32, #tpu.memory_space<vmem>>, vector<16xf32>,
          %swap3A_592 = arith.index_cast %add3A_578 : i32 to index
          %swap3A_593 = arith.constant 16 : index
          %swap3A_594 = tpu.vector_load %arg11[%swap3A_592, %swap3A_593] {strides = array<i32>} : memref<128x128xf32, #tpu.memory_space<vmem>>, vector<16xf32>,
          tpu.vector_store %arg11[%swap3A_592, %swap3A_593], %bitcast3A_588 {strides = array<i32>} : memref<128x128xf32, #tpu.memory_space<vmem>>, vector<16xf32>,
          %get3A_595 = arith.index_cast %add3A_578 : i32 to index
          %get3A_596 = arith.constant 16 : index
          %get3A_597 = tpu.vector_load %arg9[%get3A_595, %get3A_596] {strides = array<i32>} : memref<128x64xi32, #tpu.memory_space<vmem>>, vector<16xi32>,
          %shift_left3A_598 = arith.constant 16 : i32
          %shift_left3A_599 = vector.broadcast %shift_left3A_598 : i32 to vector<16xi32>
          %shift_left3A_600 = arith.shli %get3A_597, %shift_left3A_599 : vector<16xi32>
          %bitcast3A_601 = vector.bitcast %shift_left3A_600 : vector<16xi32> to vector<16xf32>
          %and3A_602 = vector.broadcast %scan3A_3 : i32 to vector<16xi32>
          %and3A_603 = arith.andi %get3A_597, %and3A_602 : vector<16xi32>
          %bitcast3A_604 = vector.bitcast %and3A_603 : vector<16xi32> to vector<16xf32>
          %swap3A_605 = arith.index_cast %add3A_578 : i32 to index
          %swap3A_606 = arith.constant 32 : index
          %swap3A_607 = tpu.vector_load %arg11[%swap3A_605, %swap3A_606] {strides = array<i32>} : memref<128x128xf32, #tpu.memory_space<vmem>>, vector<16xf32>,
          tpu.vector_store %arg11[%swap3A_605, %swap3A_606], %bitcast3A_601 {strides = array<i32>} : memref<128x128xf32, #tpu.memory_space<vmem>>, vector<16xf32>,
          %swap3A_608 = arith.index_cast %add3A_578 : i32 to index
          %swap3A_609 = arith.constant 48 : index
          %swap3A_610 = tpu.vector_load %arg11[%swap3A_608, %swap3A_609] {strides = array<i32>} : memref<128x128xf32, #tpu.memory_space<vmem>>, vector<16xf32>,
          tpu.vector_store %arg11[%swap3A_608, %swap3A_609], %bitcast3A_604 {strides = array<i32>} : memref<128x128xf32, #tpu.memory_space<vmem>>, vector<16xf32>,
          %get3A_611 = arith.index_cast %add3A_578 : i32 to index
          %get3A_612 = arith.constant 32 : index
          %get3A_613 = tpu.vector_load %arg9[%get3A_611, %get3A_612] {strides = array<i32>} : memref<128x64xi32, #tpu.memory_space<vmem>>, vector<16xi32>,
          %shift_left3A_614 = arith.constant 16 : i32
          %shift_left3A_615 = vector.broadcast %shift_left3A_614 : i32 to vector<16xi32>
          %shift_left3A_616 = arith.shli %get3A_613, %shift_left3A_615 : vector<16xi32>
          %bitcast3A_617 = vector.bitcast %shift_left3A_616 : vector<16xi32> to vector<16xf32>
          %and3A_618 = vector.broadcast %scan3A_3 : i32 to vector<16xi32>
          %and3A_619 = arith.andi %get3A_613, %and3A_618 : vector<16xi32>
          %bitcast3A_620 = vector.bitcast %and3A_619 : vector<16xi32> to vector<16xf32>
          %swap3A_621 = arith.index_cast %add3A_578 : i32 to index
          %swap3A_622 = arith.constant 64 : index
          %swap3A_623 = tpu.vector_load %arg11[%swap3A_621, %swap3A_622] {strides = array<i32>} : memref<128x128xf32, #tpu.memory_space<vmem>>, vector<16xf32>,
          tpu.vector_store %arg11[%swap3A_621, %swap3A_622], %bitcast3A_617 {strides = array<i32>} : memref<128x128xf32, #tpu.memory_space<vmem>>, vector<16xf32>,
          %swap3A_624 = arith.index_cast %add3A_578 : i32 to index
          %swap3A_625 = arith.constant 80 : index
          %swap3A_626 = tpu.vector_load %arg11[%swap3A_624, %swap3A_625] {strides = array<i32>} : memref<128x128xf32, #tpu.memory_space<vmem>>, vector<16xf32>,
          tpu.vector_store %arg11[%swap3A_624, %swap3A_625], %bitcast3A_620 {strides = array<i32>} : memref<128x128xf32, #tpu.memory_space<vmem>>, vector<16xf32>,
          %get3A_627 = arith.index_cast %add3A_578 : i32 to index
          %get3A_628 = arith.constant 48 : index
          %get3A_629 = tpu.vector_load %arg9[%get3A_627, %get3A_628] {strides = array<i32>} : memref<128x64xi32, #tpu.memory_space<vmem>>, vector<16xi32>,
          %shift_left3A_630 = arith.constant 16 : i32
          %shift_left3A_631 = vector.broadcast %shift_left3A_630 : i32 to vector<16xi32>
          %shift_left3A_632 = arith.shli %get3A_629, %shift_left3A_631 : vector<16xi32>
          %bitcast3A_633 = vector.bitcast %shift_left3A_632 : vector<16xi32> to vector<16xf32>
          %and3A_634 = vector.broadcast %scan3A_3 : i32 to vector<16xi32>
          %and3A_635 = arith.andi %get3A_629, %and3A_634 : vector<16xi32>
          %bitcast3A_636 = vector.bitcast %and3A_635 : vector<16xi32> to vector<16xf32>
          %swap3A_637 = arith.index_cast %add3A_578 : i32 to index
          %swap3A_638 = arith.constant 96 : index
          %swap3A_639 = tpu.vector_load %arg11[%swap3A_637, %swap3A_638] {strides = array<i32>} : memref<128x128xf32, #tpu.memory_space<vmem>>, vector<16xf32>,
          tpu.vector_store %arg11[%swap3A_637, %swap3A_638], %bitcast3A_633 {strides = array<i32>} : memref<128x128xf32, #tpu.memory_space<vmem>>, vector<16xf32>,
          %swap3A_640 = arith.index_cast %add3A_578 : i32 to index
          %swap3A_641 = arith.constant 112 : index
          %swap3A_642 = tpu.vector_load %arg11[%swap3A_640, %swap3A_641] {strides = array<i32>} : memref<128x128xf32, #tpu.memory_space<vmem>>, vector<16xf32>,
          tpu.vector_store %arg11[%swap3A_640, %swap3A_641], %bitcast3A_636 {strides = array<i32>} : memref<128x128xf32, #tpu.memory_space<vmem>>, vector<16xf32>,
        }
        %scan3A_92 = arith.constant 16 : i32
        %lt3A = arith.constant 8 : i32
        %lt3A_93 = arith.cmpi slt, %scan3A_45, %lt3A : i32
        %convert_element_type3A_94 = arith.extui %lt3A_93 : i1 to i32
        %cond3A_95 = arith.constant 0 : i32
        %cond3A_96 = arith.cmpi ne, %convert_element_type3A_94, %cond3A_95 : i32
        scf.if %cond3A_96 {
          %add3A_103 = arith.constant 2 : i32
          %add3A_104 = arith.addi %mul3A_47, %add3A_103 : i32
          %dma_start3A_105 = arith.constant 0 : i32
          %dma_start3A_106 = tpu.memref_slice %arg7[%add3A_104, %dma_start3A_105] : memref<18x128xi32, #tpu.memory_space<vmem>> -> memref<1x128xi32, #tpu.memory_space<vmem>>
          %dma_start3A_107 = tpu.memref_squeeze %dma_start3A_106 : memref<1x128xi32, #tpu.memory_space<vmem>> -> memref<128xi32, #tpu.memory_space<vmem>>
          %dma_start3A_108 = arith.constant 0 : i32
          %dma_start3A_109 = arith.constant 0 : i32
          %dma_start3A_110 = tpu.memref_slice %arg2[%dma_start3A_108, %dma_start3A_109] : memref<20000x64xi32, #tpu.memory_space<hbm>> -> memref<20000x64xi32, #tpu.memory_space<hbm>>
          tpu.enqueue_indirect_dma source(%dma_start3A_110 : memref<20000x64xi32, #tpu.memory_space<hbm>>) target(%arg9 : memref<128x64xi32, #tpu.memory_space<vmem>>) offsets(%dma_start3A_107 : memref<128xi32, #tpu.memory_space<vmem>>) semaphore(%arg13 : memref<!tpu.dma_semaphore, #tpu.memory_space<semaphore_mem>>)
        } else {
        }
        %dma_start3A_97 = arith.constant 0 : i32
        %dma_start3A_98 = tpu.memref_slice %arg8[%add3A_49, %dma_start3A_97] : memref<18x128xi32, #tpu.memory_space<vmem>> -> memref<1x128xi32, #tpu.memory_space<vmem>>
        %dma_start3A_99 = tpu.memref_squeeze %dma_start3A_98 : memref<1x128xi32, #tpu.memory_space<vmem>> -> memref<128xi32, #tpu.memory_space<vmem>>
        %dma_start3A_100 = arith.constant 0 : i32
        %dma_start3A_101 = arith.constant 0 : i32
        %dma_start3A_102 = tpu.memref_slice %arg12[%dma_start3A_100, %dma_start3A_101] : memref<10016x128xf32, #tpu.memory_space<vmem_shared>> -> memref<10016x128xf32, #tpu.memory_space<vmem_shared>>
        tpu.enqueue_indirect_dma source(%arg11 : memref<128x128xf32, #tpu.memory_space<vmem>>) target(%dma_start3A_102 : memref<10016x128xf32, #tpu.memory_space<vmem_shared>>) offsets(%dma_start3A_99 : memref<128xi32, #tpu.memory_space<vmem>>) semaphore(%arg15 : memref<!tpu.dma_semaphore, #tpu.memory_space<semaphore_mem>>) {add = true}
      }
      %scan3A_31 = arith.constant 9 : i32
      %dma_wait3A = arith.constant 16 : i32
      %dma_wait3A_32 = arith.constant 0 : i32
      %dma_wait3A_33 = tpu.memref_slice %arg8[%dma_wait3A, %dma_wait3A_32] : memref<18x128xi32, #tpu.memory_space<vmem>> -> memref<1x128xi32, #tpu.memory_space<vmem>>
      %dma_wait3A_34 = tpu.memref_squeeze %dma_wait3A_33 : memref<1x128xi32, #tpu.memory_space<vmem>> -> memref<128xi32, #tpu.memory_space<vmem>>
      %dma_wait3A_35 = arith.constant 0 : i32
      %dma_wait3A_36 = arith.constant 0 : i32
      %dma_wait3A_37 = tpu.memref_slice %arg12[%dma_wait3A_35, %dma_wait3A_36] : memref<10016x128xf32, #tpu.memory_space<vmem_shared>> -> memref<10016x128xf32, #tpu.memory_space<vmem_shared>>
      tpu.wait_indirect_dma semaphore(%arg14 : memref<!tpu.dma_semaphore, #tpu.memory_space<semaphore_mem>>) src(%arg10 : memref<128x128xf32, #tpu.memory_space<vmem>>) dst(%dma_wait3A_37 : memref<10016x128xf32, #tpu.memory_space<vmem_shared>>)
      %dma_wait3A_38 = arith.constant 17 : i32
      %dma_wait3A_39 = arith.constant 0 : i32
      %dma_wait3A_40 = tpu.memref_slice %arg8[%dma_wait3A_38, %dma_wait3A_39] : memref<18x128xi32, #tpu.memory_space<vmem>> -> memref<1x128xi32, #tpu.memory_space<vmem>>
      %dma_wait3A_41 = tpu.memref_squeeze %dma_wait3A_40 : memref<1x128xi32, #tpu.memory_space<vmem>> -> memref<128xi32, #tpu.memory_space<vmem>>
      %dma_wait3A_42 = arith.constant 0 : i32
      %dma_wait3A_43 = arith.constant 0 : i32
      %dma_wait3A_44 = tpu.memref_slice %arg12[%dma_wait3A_42, %dma_wait3A_43] : memref<10016x128xf32, #tpu.memory_space<vmem_shared>> -> memref<10016x128xf32, #tpu.memory_space<vmem_shared>>
      tpu.wait_indirect_dma semaphore(%arg15 : memref<!tpu.dma_semaphore, #tpu.memory_space<semaphore_mem>>) src(%arg11 : memref<128x128xf32, #tpu.memory_space<vmem>>) dst(%dma_wait3A_44 : memref<10016x128xf32, #tpu.memory_space<vmem_shared>>)
    }
    %scan3A_8 = arith.constant 9 : i32
    %barrier3A_9 = arith.constant 0 : index
    tpu.barrier barrier_id(%barrier3A_9)
    %mul3A_10 = arith.constant 626 : i32
    %mul3A_11 = arith.muli %arg1, %mul3A_10 : i32
    %mul3A_12 = arith.constant 626 : i32
    %mul3A_13 = arith.muli %arg1, %mul3A_12 : i32
    "tpu.region"() ({
      %run_scoped3A = tpu.sem_alloc : memref<!tpu.dma_semaphore, #tpu.memory_space<semaphore_mem>>
      %dma_start3A = arith.constant 0 : i32
      %dma_start3A_14 = tpu.memref_slice %arg6[%arg0, %mul3A_13, %dma_start3A] : memref<2x10016x128xf32, #tpu.memory_space<hbm>> -> memref<1x626x128xf32, #tpu.memory_space<hbm>>
      %dma_start3A_15 = tpu.memref_squeeze %dma_start3A_14 : memref<1x626x128xf32, #tpu.memory_space<hbm>> -> memref<626x128xf32, #tpu.memory_space<hbm>>
      %dma_start3A_16 = arith.constant 0 : i32
      %dma_start3A_17 = tpu.memref_slice %arg12[%mul3A_11, %dma_start3A_16] : memref<10016x128xf32, #tpu.memory_space<vmem_shared>> -> memref<626x128xf32, #tpu.memory_space<vmem_shared>>
      tpu.enqueue_dma source(%dma_start3A_17 : memref<626x128xf32, #tpu.memory_space<vmem_shared>>) target(%dma_start3A_15 : memref<626x128xf32, #tpu.memory_space<hbm>>) target_semaphore(%run_scoped3A : memref<!tpu.dma_semaphore, #tpu.memory_space<semaphore_mem>>)
      %dma_wait3A = arith.constant 0 : i32
      %dma_wait3A_18 = tpu.memref_slice %arg6[%arg0, %mul3A_13, %dma_wait3A] : memref<2x10016x128xf32, #tpu.memory_space<hbm>> -> memref<1x626x128xf32, #tpu.memory_space<hbm>>
      %dma_wait3A_19 = tpu.memref_squeeze %dma_wait3A_18 : memref<1x626x128xf32, #tpu.memory_space<hbm>> -> memref<626x128xf32, #tpu.memory_space<hbm>>
      %dma_wait3A_20 = arith.constant 0 : i32
      %dma_wait3A_21 = tpu.memref_slice %arg12[%mul3A_11, %dma_wait3A_20] : memref<10016x128xf32, #tpu.memory_space<vmem_shared>> -> memref<626x128xf32, #tpu.memory_space<vmem_shared>>
      tpu.wait_dma2 semaphore(%run_scoped3A : memref<!tpu.dma_semaphore, #tpu.memory_space<semaphore_mem>>) src(%dma_wait3A_21 : memref<626x128xf32, #tpu.memory_space<vmem_shared>>) dst(%dma_wait3A_19 : memref<626x128xf32, #tpu.memory_space<hbm>>)
      tpu.yield
    }) : () -> ()
    return
  }
}

#map = affine_map<(d0, d1) -> (0, 0)>
#map1 = affine_map<(d0, d1) -> (0, 0, 0)>
module attributes {stable_mosaic.version = 14 : i64} {
  func.func @body(%arg0: i32, %arg1: i32, %arg2: memref<20000x64xi32, #tpu.memory_space<hbm>>, %arg3: memref<2x2592x128xi32, #tpu.memory_space<hbm>>, %arg4: memref<2592x128xi32, #tpu.memory_space<hbm>>, %arg5: memref<626x128xf32, #tpu.memory_space<hbm>>, %arg6: memref<2x10016x128xf32, #tpu.memory_space<hbm>>, %arg7: memref<18x128xi32, #tpu.memory_space<vmem>>, %arg8: memref<18x128xi32, #tpu.memory_space<vmem>>, %arg9: memref<128x64xi32, #tpu.memory_space<vmem>>, %arg10: memref<128x128xf32, #tpu.memory_space<vmem>>, %arg11: memref<128x128xf32, #tpu.memory_space<vmem>>, %arg12: memref<10016x128xf32, #tpu.memory_space<vmem_shared>>, %arg13: memref<!tpu.dma_semaphore, #tpu.memory_space<semaphore_mem>>, %arg14: memref<!tpu.dma_semaphore, #tpu.memory_space<semaphore_mem>>, %arg15: memref<!tpu.dma_semaphore, #tpu.memory_space<semaphore_mem>>) attributes {dimension_semantics = [#tpu.dimension_semantics<core_parallel>, #tpu.dimension_semantics<subcore_parallel>], iteration_bounds = array<i64: 2, 16>, scalar_prefetch = 0 : i64, scratch_operands = 9 : i64, tpu.core_type = #tpu.core_type<sc_vector_subcore>, window_params = [{transform_indices = #map}, {transform_indices = #map1}, {transform_indices = #map}, {transform_indices = #map}, {transform_indices = #map1}]} {
    %mul3A = arith.constant 626 : i32
    %mul3A_0 = arith.muli %arg1, %mul3A : i32
    "tpu.region"() ({
      %run_scoped3A = tpu.sem_alloc : memref<!tpu.dma_semaphore, #tpu.memory_space<semaphore_mem>>
      %dma_start3A = arith.constant 0 : i32
      %dma_start3A_14 = tpu.memref_slice %arg12[%mul3A_0, %dma_start3A] : memref<10016x128xf32, #tpu.memory_space<vmem_shared>> -> memref<626x128xf32, #tpu.memory_space<vmem_shared>>
      tpu.enqueue_dma source(%arg5 : memref<626x128xf32, #tpu.memory_space<hbm>>) target(%dma_start3A_14 : memref<626x128xf32, #tpu.memory_space<vmem_shared>>) target_semaphore(%run_scoped3A : memref<!tpu.dma_semaphore, #tpu.memory_space<semaphore_mem>>)
      %dma_wait3A = arith.constant 0 : i32
      %dma_wait3A_15 = tpu.memref_slice %arg12[%mul3A_0, %dma_wait3A] : memref<10016x128xf32, #tpu.memory_space<vmem_shared>> -> memref<626x128xf32, #tpu.memory_space<vmem_shared>>
      tpu.wait_dma2 semaphore(%run_scoped3A : memref<!tpu.dma_semaphore, #tpu.memory_space<semaphore_mem>>) src(%arg5 : memref<626x128xf32, #tpu.memory_space<hbm>>) dst(%dma_wait3A_15 : memref<626x128xf32, #tpu.memory_space<vmem_shared>>)
      tpu.yield
    }) : () -> ()
    %mul3A_1 = arith.constant 162 : i32
    %mul3A_2 = arith.muli %arg1, %mul3A_1 : i32
    %barrier3A = arith.constant 0 : index
    tpu.barrier barrier_id(%barrier3A)
    %scan3A = arith.constant 0 : i32
    %scan3A_3 = arith.constant -65536 : i32
    %scan3A_4 = arith.constant 0 : i32
    %scan3A_5 = arith.constant 9 : i32
    %scan3A_6 = arith.addi %scan3A_4, %scan3A_5 : i32
    %scan3A_7 = arith.constant 1 : i32
    scf.for %scan3A_14 = %scan3A_4 to %scan3A_6 step %scan3A_7  : i32 {
      %mul3A_15 = arith.constant 18 : i32
      %mul3A_16 = arith.muli %scan3A_14, %mul3A_15 : i32
      %add3A = arith.addi %mul3A_2, %mul3A_16 : i32
      "tpu.region"() ({
        %run_scoped3A = tpu.sem_alloc : memref<!tpu.dma_semaphore, #tpu.memory_space<semaphore_mem>>
        %dma_start3A_45 = arith.constant 0 : i32
        %dma_start3A_46 = tpu.memref_slice %arg3[%arg0, %add3A, %dma_start3A_45] : memref<2x2592x128xi32, #tpu.memory_space<hbm>> -> memref<1x18x128xi32, #tpu.memory_space<hbm>>
        %dma_start3A_47 = tpu.memref_squeeze %dma_start3A_46 : memref<1x18x128xi32, #tpu.memory_space<hbm>> -> memref<18x128xi32, #tpu.memory_space<hbm>>
        %dma_start3A_48 = arith.constant 0 : i32
        %dma_start3A_49 = tpu.memref_slice %arg3[%arg0, %add3A, %dma_start3A_48] : memref<2x2592x128xi32, #tpu.memory_space<hbm>> -> memref<1x18x128xi32, #tpu.memory_space<hbm>>
        %dma_start3A_50 = tpu.memref_squeeze %dma_start3A_49 : memref<1x18x128xi32, #tpu.memory_space<hbm>> -> memref<18x128xi32, #tpu.memory_space<hbm>>
        tpu.enqueue_dma source(%dma_start3A_50 : memref<18x128xi32, #tpu.memory_space<hbm>>) target(%arg7 : memref<18x128xi32, #tpu.memory_space<vmem>>) target_semaphore(%run_scoped3A : memref<!tpu.dma_semaphore, #tpu.memory_space<semaphore_mem>>)
        %dma_wait3A_51 = arith.constant 0 : i32
        %dma_wait3A_52 = tpu.memref_slice %arg3[%arg0, %add3A, %dma_wait3A_51] : memref<2x2592x128xi32, #tpu.memory_space<hbm>> -> memref<1x18x128xi32, #tpu.memory_space<hbm>>
        %dma_wait3A_53 = tpu.memref_squeeze %dma_wait3A_52 : memref<1x18x128xi32, #tpu.memory_space<hbm>> -> memref<18x128xi32, #tpu.memory_space<hbm>>
        %dma_wait3A_54 = arith.constant 0 : i32
        %dma_wait3A_55 = tpu.memref_slice %arg3[%arg0, %add3A, %dma_wait3A_54] : memref<2x2592x128xi32, #tpu.memory_space<hbm>> -> memref<1x18x128xi32, #tpu.memory_space<hbm>>
        %dma_wait3A_56 = tpu.memref_squeeze %dma_wait3A_55 : memref<1x18x128xi32, #tpu.memory_space<hbm>> -> memref<18x128xi32, #tpu.memory_space<hbm>>
        tpu.wait_dma2 semaphore(%run_scoped3A : memref<!tpu.dma_semaphore, #tpu.memory_space<semaphore_mem>>) src(%dma_wait3A_56 : memref<18x128xi32, #tpu.memory_space<hbm>>) dst(%arg7 : memref<18x128xi32, #tpu.memory_space<vmem>>)
        tpu.yield
      }) : () -> ()
      %mul3A_17 = arith.constant 18 : i32
      %mul3A_18 = arith.muli %scan3A_14, %mul3A_17 : i32
      %add3A_19 = arith.addi %mul3A_2, %mul3A_18 : i32
      "tpu.region"() ({
        %run_scoped3A = tpu.sem_alloc : memref<!tpu.dma_semaphore, #tpu.memory_space<semaphore_mem>>
        %dma_start3A_45 = arith.constant 0 : i32
        %dma_start3A_46 = tpu.memref_slice %arg4[%add3A_19, %dma_start3A_45] : memref<2592x128xi32, #tpu.memory_space<hbm>> -> memref<18x128xi32, #tpu.memory_space<hbm>>
        %dma_start3A_47 = arith.constant 0 : i32
        %dma_start3A_48 = tpu.memref_slice %arg4[%add3A_19, %dma_start3A_47] : memref<2592x128xi32, #tpu.memory_space<hbm>> -> memref<18x128xi32, #tpu.memory_space<hbm>>
        tpu.enqueue_dma source(%dma_start3A_48 : memref<18x128xi32, #tpu.memory_space<hbm>>) target(%arg8 : memref<18x128xi32, #tpu.memory_space<vmem>>) target_semaphore(%run_scoped3A : memref<!tpu.dma_semaphore, #tpu.memory_space<semaphore_mem>>)
        %dma_wait3A_49 = arith.constant 0 : i32
        %dma_wait3A_50 = tpu.memref_slice %arg4[%add3A_19, %dma_wait3A_49] : memref<2592x128xi32, #tpu.memory_space<hbm>> -> memref<18x128xi32, #tpu.memory_space<hbm>>
        %dma_wait3A_51 = arith.constant 0 : i32
        %dma_wait3A_52 = tpu.memref_slice %arg4[%add3A_19, %dma_wait3A_51] : memref<2592x128xi32, #tpu.memory_space<hbm>> -> memref<18x128xi32, #tpu.memory_space<hbm>>
        tpu.wait_dma2 semaphore(%run_scoped3A : memref<!tpu.dma_semaphore, #tpu.memory_space<semaphore_mem>>) src(%dma_wait3A_52 : memref<18x128xi32, #tpu.memory_space<hbm>>) dst(%arg8 : memref<18x128xi32, #tpu.memory_space<vmem>>)
        tpu.yield
      }) : () -> ()
      %dma_start3A = arith.constant 0 : i32
      %dma_start3A_20 = arith.constant 0 : i32
      %dma_start3A_21 = tpu.memref_slice %arg7[%dma_start3A, %dma_start3A_20] : memref<18x128xi32, #tpu.memory_space<vmem>> -> memref<1x128xi32, #tpu.memory_space<vmem>>
      %dma_start3A_22 = tpu.memref_squeeze %dma_start3A_21 : memref<1x128xi32, #tpu.memory_space<vmem>> -> memref<128xi32, #tpu.memory_space<vmem>>
      %dma_start3A_23 = arith.constant 0 : i32
      %dma_start3A_24 = arith.constant 0 : i32
      %dma_start3A_25 = tpu.memref_slice %arg2[%dma_start3A_23, %dma_start3A_24] : memref<20000x64xi32, #tpu.memory_space<hbm>> -> memref<20000x64xi32, #tpu.memory_space<hbm>>
      tpu.enqueue_indirect_dma source(%dma_start3A_25 : memref<20000x64xi32, #tpu.memory_space<hbm>>) target(%arg9 : memref<128x64xi32, #tpu.memory_space<vmem>>) offsets(%dma_start3A_22 : memref<128xi32, #tpu.memory_space<vmem>>) semaphore(%arg13 : memref<!tpu.dma_semaphore, #tpu.memory_space<semaphore_mem>>)
      %scan3A_26 = arith.constant 0 : i32
      %scan3A_27 = arith.constant 0 : i32
      %scan3A_28 = arith.constant 9 : i32
      %scan3A_29 = arith.addi %scan3A_27, %scan3A_28 : i32
      %scan3A_30 = arith.constant 1 : i32
      scf.for %scan3A_45 = %scan3A_27 to %scan3A_29 step %scan3A_30  : i32 {
        %mul3A_46 = arith.constant 2 : i32
        %mul3A_47 = arith.muli %scan3A_45, %mul3A_46 : i32
        %add3A_48 = arith.constant 1 : i32
        %add3A_49 = arith.addi %mul3A_47, %add3A_48 : i32
        %dma_wait3A_50 = arith.constant 0 : i32
        %dma_wait3A_51 = tpu.memref_slice %arg7[%mul3A_47, %dma_wait3A_50] : memref<18x128xi32, #tpu.memory_space<vmem>> -> memref<1x128xi32, #tpu.memory_space<vmem>>
        %dma_wait3A_52 = tpu.memref_squeeze %dma_wait3A_51 : memref<1x128xi32, #tpu.memory_space<vmem>> -> memref<128xi32, #tpu.memory_space<vmem>>
        %dma_wait3A_53 = arith.constant 0 : i32
        %dma_wait3A_54 = arith.constant 0 : i32
        %dma_wait3A_55 = tpu.memref_slice %arg2[%dma_wait3A_53, %dma_wait3A_54] : memref<20000x64xi32, #tpu.memory_space<hbm>> -> memref<20000x64xi32, #tpu.memory_space<hbm>>
        tpu.wait_indirect_dma semaphore(%arg13 : memref<!tpu.dma_semaphore, #tpu.memory_space<semaphore_mem>>) src(%dma_wait3A_55 : memref<20000x64xi32, #tpu.memory_space<hbm>>) dst(%arg9 : memref<128x64xi32, #tpu.memory_space<vmem>>)
        %gt3A = arith.constant 0 : i32
        %gt3A_56 = arith.cmpi sgt, %scan3A_45, %gt3A : i32
        %convert_element_type3A = arith.extui %gt3A_56 : i1 to i32
        %cond3A = arith.constant 0 : i32
        %cond3A_57 = arith.cmpi ne, %convert_element_type3A, %cond3A : i32
        scf.if %cond3A_57 {
          %dma_wait3A_103 = arith.constant 0 : i32
          %dma_wait3A_104 = tpu.memref_slice %arg8[%mul3A_47, %dma_wait3A_103] : memref<18x128xi32, #tpu.memory_space<vmem>> -> memref<1x128xi32, #tpu.memory_space<vmem>>
          %dma_wait3A_105 = tpu.memref_squeeze %dma_wait3A_104 : memref<1x128xi32, #tpu.memory_space<vmem>> -> memref<128xi32, #tpu.memory_space<vmem>>
          %dma_wait3A_106 = arith.constant 0 : i32
          %dma_wait3A_107 = arith.constant 0 : i32
          %dma_wait3A_108 = tpu.memref_slice %arg12[%dma_wait3A_106, %dma_wait3A_107] : memref<10016x128xf32, #tpu.memory_space<vmem_shared>> -> memref<10016x128xf32, #tpu.memory_space<vmem_shared>>
          tpu.wait_indirect_dma semaphore(%arg14 : memref<!tpu.dma_semaphore, #tpu.memory_space<semaphore_mem>>) src(%arg10 : memref<128x128xf32, #tpu.memory_space<vmem>>) dst(%dma_wait3A_108 : memref<10016x128xf32, #tpu.memory_space<vmem_shared>>)
        } else {
        }
        %scan3A_58 = arith.constant 0 : i32
        %scan3A_59 = arith.constant 0 : i32
        %scan3A_60 = arith.constant 16 : i32
        %scan3A_61 = arith.addi %scan3A_59, %scan3A_60 : i32
        %scan3A_62 = arith.constant 1 : i32
        scf.for %scan3A_103 = %scan3A_59 to %scan3A_61 step %scan3A_62  : i32 {
          %mul3A_104 = arith.constant 8 : i32
          %mul3A_105 = arith.muli %scan3A_103, %mul3A_104 : i32
          %add3A_106 = arith.constant 0 : i32
          %add3A_107 = arith.addi %mul3A_105, %add3A_106 : i32
          %get3A = arith.index_cast %add3A_107 : i32 to index
          %get3A_108 = arith.constant 0 : index
          %get3A_109 = tpu.vector_load %arg9[%get3A, %get3A_108] {strides = array<i32>} : memref<128x64xi32, #tpu.memory_space<vmem>>, vector<16xi32>,
          %shift_left3A = arith.constant 16 : i32
          %shift_left3A_110 = vector.broadcast %shift_left3A : i32 to vector<16xi32>
          %shift_left3A_111 = arith.shli %get3A_109, %shift_left3A_110 : vector<16xi32>
          %bitcast3A = vector.bitcast %shift_left3A_111 : vector<16xi32> to vector<16xf32>
          %and3A = vector.broadcast %scan3A_3 : i32 to vector<16xi32>
          %and3A_112 = arith.andi %get3A_109, %and3A : vector<16xi32>
          %bitcast3A_113 = vector.bitcast %and3A_112 : vector<16xi32> to vector<16xf32>
          %swap3A = arith.index_cast %add3A_107 : i32 to index
          %swap3A_114 = arith.constant 0 : index
          %swap3A_115 = tpu.vector_load %arg10[%swap3A, %swap3A_114] {strides = array<i32>} : memref<128x128xf32, #tpu.memory_space<vmem>>, vector<16xf32>,
          tpu.vector_store %arg10[%swap3A, %swap3A_114], %bitcast3A {strides = array<i32>} : memref<128x128xf32, #tpu.memory_space<vmem>>, vector<16xf32>,
          %swap3A_116 = arith.index_cast %add3A_107 : i32 to index
          %swap3A_117 = arith.constant 16 : index
          %swap3A_118 = tpu.vector_load %arg10[%swap3A_116, %swap3A_117] {strides = array<i32>} : memref<128x128xf32, #tpu.memory_space<vmem>>, vector<16xf32>,
          tpu.vector_store %arg10[%swap3A_116, %swap3A_117], %bitcast3A_113 {strides = array<i32>} : memref<128x128xf32, #tpu.memory_space<vmem>>, vector<16xf32>,
          %get3A_119 = arith.index_cast %add3A_107 : i32 to index
          %get3A_120 = arith.constant 16 : index
          %get3A_121 = tpu.vector_load %arg9[%get3A_119, %get3A_120] {strides = array<i32>} : memref<128x64xi32, #tpu.memory_space<vmem>>, vector<16xi32>,
          %shift_left3A_122 = arith.constant 16 : i32
          %shift_left3A_123 = vector.broadcast %shift_left3A_122 : i32 to vector<16xi32>
          %shift_left3A_124 = arith.shli %get3A_121, %shift_left3A_123 : vector<16xi32>
          %bitcast3A_125 = vector.bitcast %shift_left3A_124 : vector<16xi32> to vector<16xf32>
          %and3A_126 = vector.broadcast %scan3A_3 : i32 to vector<16xi32>
          %and3A_127 = arith.andi %get3A_121, %and3A_126 : vector<16xi32>
          %bitcast3A_128 = vector.bitcast %and3A_127 : vector<16xi32> to vector<16xf32>
          %swap3A_129 = arith.index_cast %add3A_107 : i32 to index
          %swap3A_130 = arith.constant 32 : index
          %swap3A_131 = tpu.vector_load %arg10[%swap3A_129, %swap3A_130] {strides = array<i32>} : memref<128x128xf32, #tpu.memory_space<vmem>>, vector<16xf32>,
          tpu.vector_store %arg10[%swap3A_129, %swap3A_130], %bitcast3A_125 {strides = array<i32>} : memref<128x128xf32, #tpu.memory_space<vmem>>, vector<16xf32>,
          %swap3A_132 = arith.index_cast %add3A_107 : i32 to index
          %swap3A_133 = arith.constant 48 : index
          %swap3A_134 = tpu.vector_load %arg10[%swap3A_132, %swap3A_133] {strides = array<i32>} : memref<128x128xf32, #tpu.memory_space<vmem>>, vector<16xf32>,
          tpu.vector_store %arg10[%swap3A_132, %swap3A_133], %bitcast3A_128 {strides = array<i32>} : memref<128x128xf32, #tpu.memory_space<vmem>>, vector<16xf32>,
          %get3A_135 = arith.index_cast %add3A_107 : i32 to index
          %get3A_136 = arith.constant 32 : index
          %get3A_137 = tpu.vector_load %arg9[%get3A_135, %get3A_136] {strides = array<i32>} : memref<128x64xi32, #tpu.memory_space<vmem>>, vector<16xi32>,
          %shift_left3A_138 = arith.constant 16 : i32
          %shift_left3A_139 = vector.broadcast %shift_left3A_138 : i32 to vector<16xi32>
          %shift_left3A_140 = arith.shli %get3A_137, %shift_left3A_139 : vector<16xi32>
          %bitcast3A_141 = vector.bitcast %shift_left3A_140 : vector<16xi32> to vector<16xf32>
          %and3A_142 = vector.broadcast %scan3A_3 : i32 to vector<16xi32>
          %and3A_143 = arith.andi %get3A_137, %and3A_142 : vector<16xi32>
          %bitcast3A_144 = vector.bitcast %and3A_143 : vector<16xi32> to vector<16xf32>
          %swap3A_145 = arith.index_cast %add3A_107 : i32 to index
          %swap3A_146 = arith.constant 64 : index
          %swap3A_147 = tpu.vector_load %arg10[%swap3A_145, %swap3A_146] {strides = array<i32>} : memref<128x128xf32, #tpu.memory_space<vmem>>, vector<16xf32>,
          tpu.vector_store %arg10[%swap3A_145, %swap3A_146], %bitcast3A_141 {strides = array<i32>} : memref<128x128xf32, #tpu.memory_space<vmem>>, vector<16xf32>,
          %swap3A_148 = arith.index_cast %add3A_107 : i32 to index
          %swap3A_149 = arith.constant 80 : index
          %swap3A_150 = tpu.vector_load %arg10[%swap3A_148, %swap3A_149] {strides = array<i32>} : memref<128x128xf32, #tpu.memory_space<vmem>>, vector<16xf32>,
          tpu.vector_store %arg10[%swap3A_148, %swap3A_149], %bitcast3A_144 {strides = array<i32>} : memref<128x128xf32, #tpu.memory_space<vmem>>, vector<16xf32>,
          %get3A_151 = arith.index_cast %add3A_107 : i32 to index
          %get3A_152 = arith.constant 48 : index
          %get3A_153 = tpu.vector_load %arg9[%get3A_151, %get3A_152] {strides = array<i32>} : memref<128x64xi32, #tpu.memory_space<vmem>>, vector<16xi32>,
          %shift_left3A_154 = arith.constant 16 : i32
          %shift_left3A_155 = vector.broadcast %shift_left3A_154 : i32 to vector<16xi32>
          %shift_left3A_156 = arith.shli %get3A_153, %shift_left3A_155 : vector<16xi32>
          %bitcast3A_157 = vector.bitcast %shift_left3A_156 : vector<16xi32> to vector<16xf32>
          %and3A_158 = vector.broadcast %scan3A_3 : i32 to vector<16xi32>
          %and3A_159 = arith.andi %get3A_153, %and3A_158 : vector<16xi32>
          %bitcast3A_160 = vector.bitcast %and3A_159 : vector<16xi32> to vector<16xf32>
          %swap3A_161 = arith.index_cast %add3A_107 : i32 to index
          %swap3A_162 = arith.constant 96 : index
          %swap3A_163 = tpu.vector_load %arg10[%swap3A_161, %swap3A_162] {strides = array<i32>} : memref<128x128xf32, #tpu.memory_space<vmem>>, vector<16xf32>,
          tpu.vector_store %arg10[%swap3A_161, %swap3A_162], %bitcast3A_157 {strides = array<i32>} : memref<128x128xf32, #tpu.memory_space<vmem>>, vector<16xf32>,
          %swap3A_164 = arith.index_cast %add3A_107 : i32 to index
          %swap3A_165 = arith.constant 112 : index
          %swap3A_166 = tpu.vector_load %arg10[%swap3A_164, %swap3A_165] {strides = array<i32>} : memref<128x128xf32, #tpu.memory_space<vmem>>, vector<16xf32>,
          tpu.vector_store %arg10[%swap3A_164, %swap3A_165], %bitcast3A_160 {strides = array<i32>} : memref<128x128xf32, #tpu.memory_space<vmem>>, vector<16xf32>,
          %mul3A_167 = arith.constant 8 : i32
          %mul3A_168 = arith.muli %scan3A_103, %mul3A_167 : i32
          %add3A_169 = arith.constant 1 : i32
          %add3A_170 = arith.addi %mul3A_168, %add3A_169 : i32
          %get3A_171 = arith.index_cast %add3A_170 : i32 to index
          %get3A_172 = arith.constant 0 : index
          %get3A_173 = tpu.vector_load %arg9[%get3A_171, %get3A_172] {strides = array<i32>} : memref<128x64xi32, #tpu.memory_space<vmem>>, vector<16xi32>,
          %shift_left3A_174 = arith.constant 16 : i32
          %shift_left3A_175 = vector.broadcast %shift_left3A_174 : i32 to vector<16xi32>
          %shift_left3A_176 = arith.shli %get3A_173, %shift_left3A_175 : vector<16xi32>
          %bitcast3A_177 = vector.bitcast %shift_left3A_176 : vector<16xi32> to vector<16xf32>
          %and3A_178 = vector.broadcast %scan3A_3 : i32 to vector<16xi32>
          %and3A_179 = arith.andi %get3A_173, %and3A_178 : vector<16xi32>
          %bitcast3A_180 = vector.bitcast %and3A_179 : vector<16xi32> to vector<16xf32>
          %swap3A_181 = arith.index_cast %add3A_170 : i32 to index
          %swap3A_182 = arith.constant 0 : index
          %swap3A_183 = tpu.vector_load %arg10[%swap3A_181, %swap3A_182] {strides = array<i32>} : memref<128x128xf32, #tpu.memory_space<vmem>>, vector<16xf32>,
          tpu.vector_store %arg10[%swap3A_181, %swap3A_182], %bitcast3A_177 {strides = array<i32>} : memref<128x128xf32, #tpu.memory_space<vmem>>, vector<16xf32>,
          %swap3A_184 = arith.index_cast %add3A_170 : i32 to index
          %swap3A_185 = arith.constant 16 : index
          %swap3A_186 = tpu.vector_load %arg10[%swap3A_184, %swap3A_185] {strides = array<i32>} : memref<128x128xf32, #tpu.memory_space<vmem>>, vector<16xf32>,
          tpu.vector_store %arg10[%swap3A_184, %swap3A_185], %bitcast3A_180 {strides = array<i32>} : memref<128x128xf32, #tpu.memory_space<vmem>>, vector<16xf32>,
          %get3A_187 = arith.index_cast %add3A_170 : i32 to index
          %get3A_188 = arith.constant 16 : index
          %get3A_189 = tpu.vector_load %arg9[%get3A_187, %get3A_188] {strides = array<i32>} : memref<128x64xi32, #tpu.memory_space<vmem>>, vector<16xi32>,
          %shift_left3A_190 = arith.constant 16 : i32
          %shift_left3A_191 = vector.broadcast %shift_left3A_190 : i32 to vector<16xi32>
          %shift_left3A_192 = arith.shli %get3A_189, %shift_left3A_191 : vector<16xi32>
          %bitcast3A_193 = vector.bitcast %shift_left3A_192 : vector<16xi32> to vector<16xf32>
          %and3A_194 = vector.broadcast %scan3A_3 : i32 to vector<16xi32>
          %and3A_195 = arith.andi %get3A_189, %and3A_194 : vector<16xi32>
          %bitcast3A_196 = vector.bitcast %and3A_195 : vector<16xi32> to vector<16xf32>
          %swap3A_197 = arith.index_cast %add3A_170 : i32 to index
          %swap3A_198 = arith.constant 32 : index
          %swap3A_199 = tpu.vector_load %arg10[%swap3A_197, %swap3A_198] {strides = array<i32>} : memref<128x128xf32, #tpu.memory_space<vmem>>, vector<16xf32>,
          tpu.vector_store %arg10[%swap3A_197, %swap3A_198], %bitcast3A_193 {strides = array<i32>} : memref<128x128xf32, #tpu.memory_space<vmem>>, vector<16xf32>,
          %swap3A_200 = arith.index_cast %add3A_170 : i32 to index
          %swap3A_201 = arith.constant 48 : index
          %swap3A_202 = tpu.vector_load %arg10[%swap3A_200, %swap3A_201] {strides = array<i32>} : memref<128x128xf32, #tpu.memory_space<vmem>>, vector<16xf32>,
          tpu.vector_store %arg10[%swap3A_200, %swap3A_201], %bitcast3A_196 {strides = array<i32>} : memref<128x128xf32, #tpu.memory_space<vmem>>, vector<16xf32>,
          %get3A_203 = arith.index_cast %add3A_170 : i32 to index
          %get3A_204 = arith.constant 32 : index
          %get3A_205 = tpu.vector_load %arg9[%get3A_203, %get3A_204] {strides = array<i32>} : memref<128x64xi32, #tpu.memory_space<vmem>>, vector<16xi32>,
          %shift_left3A_206 = arith.constant 16 : i32
          %shift_left3A_207 = vector.broadcast %shift_left3A_206 : i32 to vector<16xi32>
          %shift_left3A_208 = arith.shli %get3A_205, %shift_left3A_207 : vector<16xi32>
          %bitcast3A_209 = vector.bitcast %shift_left3A_208 : vector<16xi32> to vector<16xf32>
          %and3A_210 = vector.broadcast %scan3A_3 : i32 to vector<16xi32>
          %and3A_211 = arith.andi %get3A_205, %and3A_210 : vector<16xi32>
          %bitcast3A_212 = vector.bitcast %and3A_211 : vector<16xi32> to vector<16xf32>
          %swap3A_213 = arith.index_cast %add3A_170 : i32 to index
          %swap3A_214 = arith.constant 64 : index
          %swap3A_215 = tpu.vector_load %arg10[%swap3A_213, %swap3A_214] {strides = array<i32>} : memref<128x128xf32, #tpu.memory_space<vmem>>, vector<16xf32>,
          tpu.vector_store %arg10[%swap3A_213, %swap3A_214], %bitcast3A_209 {strides = array<i32>} : memref<128x128xf32, #tpu.memory_space<vmem>>, vector<16xf32>,
          %swap3A_216 = arith.index_cast %add3A_170 : i32 to index
          %swap3A_217 = arith.constant 80 : index
          %swap3A_218 = tpu.vector_load %arg10[%swap3A_216, %swap3A_217] {strides = array<i32>} : memref<128x128xf32, #tpu.memory_space<vmem>>, vector<16xf32>,
          tpu.vector_store %arg10[%swap3A_216, %swap3A_217], %bitcast3A_212 {strides = array<i32>} : memref<128x128xf32, #tpu.memory_space<vmem>>, vector<16xf32>,
          %get3A_219 = arith.index_cast %add3A_170 : i32 to index
          %get3A_220 = arith.constant 48 : index
          %get3A_221 = tpu.vector_load %arg9[%get3A_219, %get3A_220] {strides = array<i32>} : memref<128x64xi32, #tpu.memory_space<vmem>>, vector<16xi32>,
          %shift_left3A_222 = arith.constant 16 : i32
          %shift_left3A_223 = vector.broadcast %shift_left3A_222 : i32 to vector<16xi32>
          %shift_left3A_224 = arith.shli %get3A_221, %shift_left3A_223 : vector<16xi32>
          %bitcast3A_225 = vector.bitcast %shift_left3A_224 : vector<16xi32> to vector<16xf32>
          %and3A_226 = vector.broadcast %scan3A_3 : i32 to vector<16xi32>
          %and3A_227 = arith.andi %get3A_221, %and3A_226 : vector<16xi32>
          %bitcast3A_228 = vector.bitcast %and3A_227 : vector<16xi32> to vector<16xf32>
          %swap3A_229 = arith.index_cast %add3A_170 : i32 to index
          %swap3A_230 = arith.constant 96 : index
          %swap3A_231 = tpu.vector_load %arg10[%swap3A_229, %swap3A_230] {strides = array<i32>} : memref<128x128xf32, #tpu.memory_space<vmem>>, vector<16xf32>,
          tpu.vector_store %arg10[%swap3A_229, %swap3A_230], %bitcast3A_225 {strides = array<i32>} : memref<128x128xf32, #tpu.memory_space<vmem>>, vector<16xf32>,
          %swap3A_232 = arith.index_cast %add3A_170 : i32 to index
          %swap3A_233 = arith.constant 112 : index
          %swap3A_234 = tpu.vector_load %arg10[%swap3A_232, %swap3A_233] {strides = array<i32>} : memref<128x128xf32, #tpu.memory_space<vmem>>, vector<16xf32>,
          tpu.vector_store %arg10[%swap3A_232, %swap3A_233], %bitcast3A_228 {strides = array<i32>} : memref<128x128xf32, #tpu.memory_space<vmem>>, vector<16xf32>,
          %mul3A_235 = arith.constant 8 : i32
          %mul3A_236 = arith.muli %scan3A_103, %mul3A_235 : i32
          %add3A_237 = arith.constant 2 : i32
          %add3A_238 = arith.addi %mul3A_236, %add3A_237 : i32
          %get3A_239 = arith.index_cast %add3A_238 : i32 to index
          %get3A_240 = arith.constant 0 : index
          %get3A_241 = tpu.vector_load %arg9[%get3A_239, %get3A_240] {strides = array<i32>} : memref<128x64xi32, #tpu.memory_space<vmem>>, vector<16xi32>,
          %shift_left3A_242 = arith.constant 16 : i32
          %shift_left3A_243 = vector.broadcast %shift_left3A_242 : i32 to vector<16xi32>
          %shift_left3A_244 = arith.shli %get3A_241, %shift_left3A_243 : vector<16xi32>
          %bitcast3A_245 = vector.bitcast %shift_left3A_244 : vector<16xi32> to vector<16xf32>
          %and3A_246 = vector.broadcast %scan3A_3 : i32 to vector<16xi32>
          %and3A_247 = arith.andi %get3A_241, %and3A_246 : vector<16xi32>
          %bitcast3A_248 = vector.bitcast %and3A_247 : vector<16xi32> to vector<16xf32>
          %swap3A_249 = arith.index_cast %add3A_238 : i32 to index
          %swap3A_250 = arith.constant 0 : index
          %swap3A_251 = tpu.vector_load %arg10[%swap3A_249, %swap3A_250] {strides = array<i32>} : memref<128x128xf32, #tpu.memory_space<vmem>>, vector<16xf32>,
          tpu.vector_store %arg10[%swap3A_249, %swap3A_250], %bitcast3A_245 {strides = array<i32>} : memref<128x128xf32, #tpu.memory_space<vmem>>, vector<16xf32>,
          %swap3A_252 = arith.index_cast %add3A_238 : i32 to index
          %swap3A_253 = arith.constant 16 : index
          %swap3A_254 = tpu.vector_load %arg10[%swap3A_252, %swap3A_253] {strides = array<i32>} : memref<128x128xf32, #tpu.memory_space<vmem>>, vector<16xf32>,
          tpu.vector_store %arg10[%swap3A_252, %swap3A_253], %bitcast3A_248 {strides = array<i32>} : memref<128x128xf32, #tpu.memory_space<vmem>>, vector<16xf32>,
          %get3A_255 = arith.index_cast %add3A_238 : i32 to index
          %get3A_256 = arith.constant 16 : index
          %get3A_257 = tpu.vector_load %arg9[%get3A_255, %get3A_256] {strides = array<i32>} : memref<128x64xi32, #tpu.memory_space<vmem>>, vector<16xi32>,
          %shift_left3A_258 = arith.constant 16 : i32
          %shift_left3A_259 = vector.broadcast %shift_left3A_258 : i32 to vector<16xi32>
          %shift_left3A_260 = arith.shli %get3A_257, %shift_left3A_259 : vector<16xi32>
          %bitcast3A_261 = vector.bitcast %shift_left3A_260 : vector<16xi32> to vector<16xf32>
          %and3A_262 = vector.broadcast %scan3A_3 : i32 to vector<16xi32>
          %and3A_263 = arith.andi %get3A_257, %and3A_262 : vector<16xi32>
          %bitcast3A_264 = vector.bitcast %and3A_263 : vector<16xi32> to vector<16xf32>
          %swap3A_265 = arith.index_cast %add3A_238 : i32 to index
          %swap3A_266 = arith.constant 32 : index
          %swap3A_267 = tpu.vector_load %arg10[%swap3A_265, %swap3A_266] {strides = array<i32>} : memref<128x128xf32, #tpu.memory_space<vmem>>, vector<16xf32>,
          tpu.vector_store %arg10[%swap3A_265, %swap3A_266], %bitcast3A_261 {strides = array<i32>} : memref<128x128xf32, #tpu.memory_space<vmem>>, vector<16xf32>,
          %swap3A_268 = arith.index_cast %add3A_238 : i32 to index
          %swap3A_269 = arith.constant 48 : index
          %swap3A_270 = tpu.vector_load %arg10[%swap3A_268, %swap3A_269] {strides = array<i32>} : memref<128x128xf32, #tpu.memory_space<vmem>>, vector<16xf32>,
          tpu.vector_store %arg10[%swap3A_268, %swap3A_269], %bitcast3A_264 {strides = array<i32>} : memref<128x128xf32, #tpu.memory_space<vmem>>, vector<16xf32>,
          %get3A_271 = arith.index_cast %add3A_238 : i32 to index
          %get3A_272 = arith.constant 32 : index
          %get3A_273 = tpu.vector_load %arg9[%get3A_271, %get3A_272] {strides = array<i32>} : memref<128x64xi32, #tpu.memory_space<vmem>>, vector<16xi32>,
          %shift_left3A_274 = arith.constant 16 : i32
          %shift_left3A_275 = vector.broadcast %shift_left3A_274 : i32 to vector<16xi32>
          %shift_left3A_276 = arith.shli %get3A_273, %shift_left3A_275 : vector<16xi32>
          %bitcast3A_277 = vector.bitcast %shift_left3A_276 : vector<16xi32> to vector<16xf32>
          %and3A_278 = vector.broadcast %scan3A_3 : i32 to vector<16xi32>
          %and3A_279 = arith.andi %get3A_273, %and3A_278 : vector<16xi32>
          %bitcast3A_280 = vector.bitcast %and3A_279 : vector<16xi32> to vector<16xf32>
          %swap3A_281 = arith.index_cast %add3A_238 : i32 to index
          %swap3A_282 = arith.constant 64 : index
          %swap3A_283 = tpu.vector_load %arg10[%swap3A_281, %swap3A_282] {strides = array<i32>} : memref<128x128xf32, #tpu.memory_space<vmem>>, vector<16xf32>,
          tpu.vector_store %arg10[%swap3A_281, %swap3A_282], %bitcast3A_277 {strides = array<i32>} : memref<128x128xf32, #tpu.memory_space<vmem>>, vector<16xf32>,
          %swap3A_284 = arith.index_cast %add3A_238 : i32 to index
          %swap3A_285 = arith.constant 80 : index
          %swap3A_286 = tpu.vector_load %arg10[%swap3A_284, %swap3A_285] {strides = array<i32>} : memref<128x128xf32, #tpu.memory_space<vmem>>, vector<16xf32>,
          tpu.vector_store %arg10[%swap3A_284, %swap3A_285], %bitcast3A_280 {strides = array<i32>} : memref<128x128xf32, #tpu.memory_space<vmem>>, vector<16xf32>,
          %get3A_287 = arith.index_cast %add3A_238 : i32 to index
          %get3A_288 = arith.constant 48 : index
          %get3A_289 = tpu.vector_load %arg9[%get3A_287, %get3A_288] {strides = array<i32>} : memref<128x64xi32, #tpu.memory_space<vmem>>, vector<16xi32>,
          %shift_left3A_290 = arith.constant 16 : i32
          %shift_left3A_291 = vector.broadcast %shift_left3A_290 : i32 to vector<16xi32>
          %shift_left3A_292 = arith.shli %get3A_289, %shift_left3A_291 : vector<16xi32>
          %bitcast3A_293 = vector.bitcast %shift_left3A_292 : vector<16xi32> to vector<16xf32>
          %and3A_294 = vector.broadcast %scan3A_3 : i32 to vector<16xi32>
          %and3A_295 = arith.andi %get3A_289, %and3A_294 : vector<16xi32>
          %bitcast3A_296 = vector.bitcast %and3A_295 : vector<16xi32> to vector<16xf32>
          %swap3A_297 = arith.index_cast %add3A_238 : i32 to index
          %swap3A_298 = arith.constant 96 : index
          %swap3A_299 = tpu.vector_load %arg10[%swap3A_297, %swap3A_298] {strides = array<i32>} : memref<128x128xf32, #tpu.memory_space<vmem>>, vector<16xf32>,
          tpu.vector_store %arg10[%swap3A_297, %swap3A_298], %bitcast3A_293 {strides = array<i32>} : memref<128x128xf32, #tpu.memory_space<vmem>>, vector<16xf32>,
          %swap3A_300 = arith.index_cast %add3A_238 : i32 to index
          %swap3A_301 = arith.constant 112 : index
          %swap3A_302 = tpu.vector_load %arg10[%swap3A_300, %swap3A_301] {strides = array<i32>} : memref<128x128xf32, #tpu.memory_space<vmem>>, vector<16xf32>,
          tpu.vector_store %arg10[%swap3A_300, %swap3A_301], %bitcast3A_296 {strides = array<i32>} : memref<128x128xf32, #tpu.memory_space<vmem>>, vector<16xf32>,
          %mul3A_303 = arith.constant 8 : i32
          %mul3A_304 = arith.muli %scan3A_103, %mul3A_303 : i32
          %add3A_305 = arith.constant 3 : i32
          %add3A_306 = arith.addi %mul3A_304, %add3A_305 : i32
          %get3A_307 = arith.index_cast %add3A_306 : i32 to index
          %get3A_308 = arith.constant 0 : index
          %get3A_309 = tpu.vector_load %arg9[%get3A_307, %get3A_308] {strides = array<i32>} : memref<128x64xi32, #tpu.memory_space<vmem>>, vector<16xi32>,
          %shift_left3A_310 = arith.constant 16 : i32
          %shift_left3A_311 = vector.broadcast %shift_left3A_310 : i32 to vector<16xi32>
          %shift_left3A_312 = arith.shli %get3A_309, %shift_left3A_311 : vector<16xi32>
          %bitcast3A_313 = vector.bitcast %shift_left3A_312 : vector<16xi32> to vector<16xf32>
          %and3A_314 = vector.broadcast %scan3A_3 : i32 to vector<16xi32>
          %and3A_315 = arith.andi %get3A_309, %and3A_314 : vector<16xi32>
          %bitcast3A_316 = vector.bitcast %and3A_315 : vector<16xi32> to vector<16xf32>
          %swap3A_317 = arith.index_cast %add3A_306 : i32 to index
          %swap3A_318 = arith.constant 0 : index
          %swap3A_319 = tpu.vector_load %arg10[%swap3A_317, %swap3A_318] {strides = array<i32>} : memref<128x128xf32, #tpu.memory_space<vmem>>, vector<16xf32>,
          tpu.vector_store %arg10[%swap3A_317, %swap3A_318], %bitcast3A_313 {strides = array<i32>} : memref<128x128xf32, #tpu.memory_space<vmem>>, vector<16xf32>,
          %swap3A_320 = arith.index_cast %add3A_306 : i32 to index
          %swap3A_321 = arith.constant 16 : index
          %swap3A_322 = tpu.vector_load %arg10[%swap3A_320, %swap3A_321] {strides = array<i32>} : memref<128x128xf32, #tpu.memory_space<vmem>>, vector<16xf32>,
          tpu.vector_store %arg10[%swap3A_320, %swap3A_321], %bitcast3A_316 {strides = array<i32>} : memref<128x128xf32, #tpu.memory_space<vmem>>, vector<16xf32>,
          %get3A_323 = arith.index_cast %add3A_306 : i32 to index
          %get3A_324 = arith.constant 16 : index
          %get3A_325 = tpu.vector_load %arg9[%get3A_323, %get3A_324] {strides = array<i32>} : memref<128x64xi32, #tpu.memory_space<vmem>>, vector<16xi32>,
          %shift_left3A_326 = arith.constant 16 : i32
          %shift_left3A_327 = vector.broadcast %shift_left3A_326 : i32 to vector<16xi32>
          %shift_left3A_328 = arith.shli %get3A_325, %shift_left3A_327 : vector<16xi32>
          %bitcast3A_329 = vector.bitcast %shift_left3A_328 : vector<16xi32> to vector<16xf32>
          %and3A_330 = vector.broadcast %scan3A_3 : i32 to vector<16xi32>
          %and3A_331 = arith.andi %get3A_325, %and3A_330 : vector<16xi32>
          %bitcast3A_332 = vector.bitcast %and3A_331 : vector<16xi32> to vector<16xf32>
          %swap3A_333 = arith.index_cast %add3A_306 : i32 to index
          %swap3A_334 = arith.constant 32 : index
          %swap3A_335 = tpu.vector_load %arg10[%swap3A_333, %swap3A_334] {strides = array<i32>} : memref<128x128xf32, #tpu.memory_space<vmem>>, vector<16xf32>,
          tpu.vector_store %arg10[%swap3A_333, %swap3A_334], %bitcast3A_329 {strides = array<i32>} : memref<128x128xf32, #tpu.memory_space<vmem>>, vector<16xf32>,
          %swap3A_336 = arith.index_cast %add3A_306 : i32 to index
          %swap3A_337 = arith.constant 48 : index
          %swap3A_338 = tpu.vector_load %arg10[%swap3A_336, %swap3A_337] {strides = array<i32>} : memref<128x128xf32, #tpu.memory_space<vmem>>, vector<16xf32>,
          tpu.vector_store %arg10[%swap3A_336, %swap3A_337], %bitcast3A_332 {strides = array<i32>} : memref<128x128xf32, #tpu.memory_space<vmem>>, vector<16xf32>,
          %get3A_339 = arith.index_cast %add3A_306 : i32 to index
          %get3A_340 = arith.constant 32 : index
          %get3A_341 = tpu.vector_load %arg9[%get3A_339, %get3A_340] {strides = array<i32>} : memref<128x64xi32, #tpu.memory_space<vmem>>, vector<16xi32>,
          %shift_left3A_342 = arith.constant 16 : i32
          %shift_left3A_343 = vector.broadcast %shift_left3A_342 : i32 to vector<16xi32>
          %shift_left3A_344 = arith.shli %get3A_341, %shift_left3A_343 : vector<16xi32>
          %bitcast3A_345 = vector.bitcast %shift_left3A_344 : vector<16xi32> to vector<16xf32>
          %and3A_346 = vector.broadcast %scan3A_3 : i32 to vector<16xi32>
          %and3A_347 = arith.andi %get3A_341, %and3A_346 : vector<16xi32>
          %bitcast3A_348 = vector.bitcast %and3A_347 : vector<16xi32> to vector<16xf32>
          %swap3A_349 = arith.index_cast %add3A_306 : i32 to index
          %swap3A_350 = arith.constant 64 : index
          %swap3A_351 = tpu.vector_load %arg10[%swap3A_349, %swap3A_350] {strides = array<i32>} : memref<128x128xf32, #tpu.memory_space<vmem>>, vector<16xf32>,
          tpu.vector_store %arg10[%swap3A_349, %swap3A_350], %bitcast3A_345 {strides = array<i32>} : memref<128x128xf32, #tpu.memory_space<vmem>>, vector<16xf32>,
          %swap3A_352 = arith.index_cast %add3A_306 : i32 to index
          %swap3A_353 = arith.constant 80 : index
          %swap3A_354 = tpu.vector_load %arg10[%swap3A_352, %swap3A_353] {strides = array<i32>} : memref<128x128xf32, #tpu.memory_space<vmem>>, vector<16xf32>,
          tpu.vector_store %arg10[%swap3A_352, %swap3A_353], %bitcast3A_348 {strides = array<i32>} : memref<128x128xf32, #tpu.memory_space<vmem>>, vector<16xf32>,
          %get3A_355 = arith.index_cast %add3A_306 : i32 to index
          %get3A_356 = arith.constant 48 : index
          %get3A_357 = tpu.vector_load %arg9[%get3A_355, %get3A_356] {strides = array<i32>} : memref<128x64xi32, #tpu.memory_space<vmem>>, vector<16xi32>,
          %shift_left3A_358 = arith.constant 16 : i32
          %shift_left3A_359 = vector.broadcast %shift_left3A_358 : i32 to vector<16xi32>
          %shift_left3A_360 = arith.shli %get3A_357, %shift_left3A_359 : vector<16xi32>
          %bitcast3A_361 = vector.bitcast %shift_left3A_360 : vector<16xi32> to vector<16xf32>
          %and3A_362 = vector.broadcast %scan3A_3 : i32 to vector<16xi32>
          %and3A_363 = arith.andi %get3A_357, %and3A_362 : vector<16xi32>
          %bitcast3A_364 = vector.bitcast %and3A_363 : vector<16xi32> to vector<16xf32>
          %swap3A_365 = arith.index_cast %add3A_306 : i32 to index
          %swap3A_366 = arith.constant 96 : index
          %swap3A_367 = tpu.vector_load %arg10[%swap3A_365, %swap3A_366] {strides = array<i32>} : memref<128x128xf32, #tpu.memory_space<vmem>>, vector<16xf32>,
          tpu.vector_store %arg10[%swap3A_365, %swap3A_366], %bitcast3A_361 {strides = array<i32>} : memref<128x128xf32, #tpu.memory_space<vmem>>, vector<16xf32>,
          %swap3A_368 = arith.index_cast %add3A_306 : i32 to index
          %swap3A_369 = arith.constant 112 : index
          %swap3A_370 = tpu.vector_load %arg10[%swap3A_368, %swap3A_369] {strides = array<i32>} : memref<128x128xf32, #tpu.memory_space<vmem>>, vector<16xf32>,
          tpu.vector_store %arg10[%swap3A_368, %swap3A_369], %bitcast3A_364 {strides = array<i32>} : memref<128x128xf32, #tpu.memory_space<vmem>>, vector<16xf32>,
          %mul3A_371 = arith.constant 8 : i32
          %mul3A_372 = arith.muli %scan3A_103, %mul3A_371 : i32
          %add3A_373 = arith.constant 4 : i32
          %add3A_374 = arith.addi %mul3A_372, %add3A_373 : i32
          %get3A_375 = arith.index_cast %add3A_374 : i32 to index
          %get3A_376 = arith.constant 0 : index
          %get3A_377 = tpu.vector_load %arg9[%get3A_375, %get3A_376] {strides = array<i32>} : memref<128x64xi32, #tpu.memory_space<vmem>>, vector<16xi32>,
          %shift_left3A_378 = arith.constant 16 : i32
          %shift_left3A_379 = vector.broadcast %shift_left3A_378 : i32 to vector<16xi32>
          %shift_left3A_380 = arith.shli %get3A_377, %shift_left3A_379 : vector<16xi32>
          %bitcast3A_381 = vector.bitcast %shift_left3A_380 : vector<16xi32> to vector<16xf32>
          %and3A_382 = vector.broadcast %scan3A_3 : i32 to vector<16xi32>
          %and3A_383 = arith.andi %get3A_377, %and3A_382 : vector<16xi32>
          %bitcast3A_384 = vector.bitcast %and3A_383 : vector<16xi32> to vector<16xf32>
          %swap3A_385 = arith.index_cast %add3A_374 : i32 to index
          %swap3A_386 = arith.constant 0 : index
          %swap3A_387 = tpu.vector_load %arg10[%swap3A_385, %swap3A_386] {strides = array<i32>} : memref<128x128xf32, #tpu.memory_space<vmem>>, vector<16xf32>,
          tpu.vector_store %arg10[%swap3A_385, %swap3A_386], %bitcast3A_381 {strides = array<i32>} : memref<128x128xf32, #tpu.memory_space<vmem>>, vector<16xf32>,
          %swap3A_388 = arith.index_cast %add3A_374 : i32 to index
          %swap3A_389 = arith.constant 16 : index
          %swap3A_390 = tpu.vector_load %arg10[%swap3A_388, %swap3A_389] {strides = array<i32>} : memref<128x128xf32, #tpu.memory_space<vmem>>, vector<16xf32>,
          tpu.vector_store %arg10[%swap3A_388, %swap3A_389], %bitcast3A_384 {strides = array<i32>} : memref<128x128xf32, #tpu.memory_space<vmem>>, vector<16xf32>,
          %get3A_391 = arith.index_cast %add3A_374 : i32 to index
          %get3A_392 = arith.constant 16 : index
          %get3A_393 = tpu.vector_load %arg9[%get3A_391, %get3A_392] {strides = array<i32>} : memref<128x64xi32, #tpu.memory_space<vmem>>, vector<16xi32>,
          %shift_left3A_394 = arith.constant 16 : i32
          %shift_left3A_395 = vector.broadcast %shift_left3A_394 : i32 to vector<16xi32>
          %shift_left3A_396 = arith.shli %get3A_393, %shift_left3A_395 : vector<16xi32>
          %bitcast3A_397 = vector.bitcast %shift_left3A_396 : vector<16xi32> to vector<16xf32>
          %and3A_398 = vector.broadcast %scan3A_3 : i32 to vector<16xi32>
          %and3A_399 = arith.andi %get3A_393, %and3A_398 : vector<16xi32>
          %bitcast3A_400 = vector.bitcast %and3A_399 : vector<16xi32> to vector<16xf32>
          %swap3A_401 = arith.index_cast %add3A_374 : i32 to index
          %swap3A_402 = arith.constant 32 : index
          %swap3A_403 = tpu.vector_load %arg10[%swap3A_401, %swap3A_402] {strides = array<i32>} : memref<128x128xf32, #tpu.memory_space<vmem>>, vector<16xf32>,
          tpu.vector_store %arg10[%swap3A_401, %swap3A_402], %bitcast3A_397 {strides = array<i32>} : memref<128x128xf32, #tpu.memory_space<vmem>>, vector<16xf32>,
          %swap3A_404 = arith.index_cast %add3A_374 : i32 to index
          %swap3A_405 = arith.constant 48 : index
          %swap3A_406 = tpu.vector_load %arg10[%swap3A_404, %swap3A_405] {strides = array<i32>} : memref<128x128xf32, #tpu.memory_space<vmem>>, vector<16xf32>,
          tpu.vector_store %arg10[%swap3A_404, %swap3A_405], %bitcast3A_400 {strides = array<i32>} : memref<128x128xf32, #tpu.memory_space<vmem>>, vector<16xf32>,
          %get3A_407 = arith.index_cast %add3A_374 : i32 to index
          %get3A_408 = arith.constant 32 : index
          %get3A_409 = tpu.vector_load %arg9[%get3A_407, %get3A_408] {strides = array<i32>} : memref<128x64xi32, #tpu.memory_space<vmem>>, vector<16xi32>,
          %shift_left3A_410 = arith.constant 16 : i32
          %shift_left3A_411 = vector.broadcast %shift_left3A_410 : i32 to vector<16xi32>
          %shift_left3A_412 = arith.shli %get3A_409, %shift_left3A_411 : vector<16xi32>
          %bitcast3A_413 = vector.bitcast %shift_left3A_412 : vector<16xi32> to vector<16xf32>
          %and3A_414 = vector.broadcast %scan3A_3 : i32 to vector<16xi32>
          %and3A_415 = arith.andi %get3A_409, %and3A_414 : vector<16xi32>
          %bitcast3A_416 = vector.bitcast %and3A_415 : vector<16xi32> to vector<16xf32>
          %swap3A_417 = arith.index_cast %add3A_374 : i32 to index
          %swap3A_418 = arith.constant 64 : index
          %swap3A_419 = tpu.vector_load %arg10[%swap3A_417, %swap3A_418] {strides = array<i32>} : memref<128x128xf32, #tpu.memory_space<vmem>>, vector<16xf32>,
          tpu.vector_store %arg10[%swap3A_417, %swap3A_418], %bitcast3A_413 {strides = array<i32>} : memref<128x128xf32, #tpu.memory_space<vmem>>, vector<16xf32>,
          %swap3A_420 = arith.index_cast %add3A_374 : i32 to index
          %swap3A_421 = arith.constant 80 : index
          %swap3A_422 = tpu.vector_load %arg10[%swap3A_420, %swap3A_421] {strides = array<i32>} : memref<128x128xf32, #tpu.memory_space<vmem>>, vector<16xf32>,
          tpu.vector_store %arg10[%swap3A_420, %swap3A_421], %bitcast3A_416 {strides = array<i32>} : memref<128x128xf32, #tpu.memory_space<vmem>>, vector<16xf32>,
          %get3A_423 = arith.index_cast %add3A_374 : i32 to index
          %get3A_424 = arith.constant 48 : index
          %get3A_425 = tpu.vector_load %arg9[%get3A_423, %get3A_424] {strides = array<i32>} : memref<128x64xi32, #tpu.memory_space<vmem>>, vector<16xi32>,
          %shift_left3A_426 = arith.constant 16 : i32
          %shift_left3A_427 = vector.broadcast %shift_left3A_426 : i32 to vector<16xi32>
          %shift_left3A_428 = arith.shli %get3A_425, %shift_left3A_427 : vector<16xi32>
          %bitcast3A_429 = vector.bitcast %shift_left3A_428 : vector<16xi32> to vector<16xf32>
          %and3A_430 = vector.broadcast %scan3A_3 : i32 to vector<16xi32>
          %and3A_431 = arith.andi %get3A_425, %and3A_430 : vector<16xi32>
          %bitcast3A_432 = vector.bitcast %and3A_431 : vector<16xi32> to vector<16xf32>
          %swap3A_433 = arith.index_cast %add3A_374 : i32 to index
          %swap3A_434 = arith.constant 96 : index
          %swap3A_435 = tpu.vector_load %arg10[%swap3A_433, %swap3A_434] {strides = array<i32>} : memref<128x128xf32, #tpu.memory_space<vmem>>, vector<16xf32>,
          tpu.vector_store %arg10[%swap3A_433, %swap3A_434], %bitcast3A_429 {strides = array<i32>} : memref<128x128xf32, #tpu.memory_space<vmem>>, vector<16xf32>,
          %swap3A_436 = arith.index_cast %add3A_374 : i32 to index
          %swap3A_437 = arith.constant 112 : index
          %swap3A_438 = tpu.vector_load %arg10[%swap3A_436, %swap3A_437] {strides = array<i32>} : memref<128x128xf32, #tpu.memory_space<vmem>>, vector<16xf32>,
          tpu.vector_store %arg10[%swap3A_436, %swap3A_437], %bitcast3A_432 {strides = array<i32>} : memref<128x128xf32, #tpu.memory_space<vmem>>, vector<16xf32>,
          %mul3A_439 = arith.constant 8 : i32
          %mul3A_440 = arith.muli %scan3A_103, %mul3A_439 : i32
          %add3A_441 = arith.constant 5 : i32
          %add3A_442 = arith.addi %mul3A_440, %add3A_441 : i32
          %get3A_443 = arith.index_cast %add3A_442 : i32 to index
          %get3A_444 = arith.constant 0 : index
          %get3A_445 = tpu.vector_load %arg9[%get3A_443, %get3A_444] {strides = array<i32>} : memref<128x64xi32, #tpu.memory_space<vmem>>, vector<16xi32>,
          %shift_left3A_446 = arith.constant 16 : i32
          %shift_left3A_447 = vector.broadcast %shift_left3A_446 : i32 to vector<16xi32>
          %shift_left3A_448 = arith.shli %get3A_445, %shift_left3A_447 : vector<16xi32>
          %bitcast3A_449 = vector.bitcast %shift_left3A_448 : vector<16xi32> to vector<16xf32>
          %and3A_450 = vector.broadcast %scan3A_3 : i32 to vector<16xi32>
          %and3A_451 = arith.andi %get3A_445, %and3A_450 : vector<16xi32>
          %bitcast3A_452 = vector.bitcast %and3A_451 : vector<16xi32> to vector<16xf32>
          %swap3A_453 = arith.index_cast %add3A_442 : i32 to index
          %swap3A_454 = arith.constant 0 : index
          %swap3A_455 = tpu.vector_load %arg10[%swap3A_453, %swap3A_454] {strides = array<i32>} : memref<128x128xf32, #tpu.memory_space<vmem>>, vector<16xf32>,
          tpu.vector_store %arg10[%swap3A_453, %swap3A_454], %bitcast3A_449 {strides = array<i32>} : memref<128x128xf32, #tpu.memory_space<vmem>>, vector<16xf32>,
          %swap3A_456 = arith.index_cast %add3A_442 : i32 to index
          %swap3A_457 = arith.constant 16 : index
          %swap3A_458 = tpu.vector_load %arg10[%swap3A_456, %swap3A_457] {strides = array<i32>} : memref<128x128xf32, #tpu.memory_space<vmem>>, vector<16xf32>,
          tpu.vector_store %arg10[%swap3A_456, %swap3A_457], %bitcast3A_452 {strides = array<i32>} : memref<128x128xf32, #tpu.memory_space<vmem>>, vector<16xf32>,
          %get3A_459 = arith.index_cast %add3A_442 : i32 to index
          %get3A_460 = arith.constant 16 : index
          %get3A_461 = tpu.vector_load %arg9[%get3A_459, %get3A_460] {strides = array<i32>} : memref<128x64xi32, #tpu.memory_space<vmem>>, vector<16xi32>,
          %shift_left3A_462 = arith.constant 16 : i32
          %shift_left3A_463 = vector.broadcast %shift_left3A_462 : i32 to vector<16xi32>
          %shift_left3A_464 = arith.shli %get3A_461, %shift_left3A_463 : vector<16xi32>
          %bitcast3A_465 = vector.bitcast %shift_left3A_464 : vector<16xi32> to vector<16xf32>
          %and3A_466 = vector.broadcast %scan3A_3 : i32 to vector<16xi32>
          %and3A_467 = arith.andi %get3A_461, %and3A_466 : vector<16xi32>
          %bitcast3A_468 = vector.bitcast %and3A_467 : vector<16xi32> to vector<16xf32>
          %swap3A_469 = arith.index_cast %add3A_442 : i32 to index
          %swap3A_470 = arith.constant 32 : index
          %swap3A_471 = tpu.vector_load %arg10[%swap3A_469, %swap3A_470] {strides = array<i32>} : memref<128x128xf32, #tpu.memory_space<vmem>>, vector<16xf32>,
          tpu.vector_store %arg10[%swap3A_469, %swap3A_470], %bitcast3A_465 {strides = array<i32>} : memref<128x128xf32, #tpu.memory_space<vmem>>, vector<16xf32>,
          %swap3A_472 = arith.index_cast %add3A_442 : i32 to index
          %swap3A_473 = arith.constant 48 : index
          %swap3A_474 = tpu.vector_load %arg10[%swap3A_472, %swap3A_473] {strides = array<i32>} : memref<128x128xf32, #tpu.memory_space<vmem>>, vector<16xf32>,
          tpu.vector_store %arg10[%swap3A_472, %swap3A_473], %bitcast3A_468 {strides = array<i32>} : memref<128x128xf32, #tpu.memory_space<vmem>>, vector<16xf32>,
          %get3A_475 = arith.index_cast %add3A_442 : i32 to index
          %get3A_476 = arith.constant 32 : index
          %get3A_477 = tpu.vector_load %arg9[%get3A_475, %get3A_476] {strides = array<i32>} : memref<128x64xi32, #tpu.memory_space<vmem>>, vector<16xi32>,
          %shift_left3A_478 = arith.constant 16 : i32
          %shift_left3A_479 = vector.broadcast %shift_left3A_478 : i32 to vector<16xi32>
          %shift_left3A_480 = arith.shli %get3A_477, %shift_left3A_479 : vector<16xi32>
          %bitcast3A_481 = vector.bitcast %shift_left3A_480 : vector<16xi32> to vector<16xf32>
          %and3A_482 = vector.broadcast %scan3A_3 : i32 to vector<16xi32>
          %and3A_483 = arith.andi %get3A_477, %and3A_482 : vector<16xi32>
          %bitcast3A_484 = vector.bitcast %and3A_483 : vector<16xi32> to vector<16xf32>
          %swap3A_485 = arith.index_cast %add3A_442 : i32 to index
          %swap3A_486 = arith.constant 64 : index
          %swap3A_487 = tpu.vector_load %arg10[%swap3A_485, %swap3A_486] {strides = array<i32>} : memref<128x128xf32, #tpu.memory_space<vmem>>, vector<16xf32>,
          tpu.vector_store %arg10[%swap3A_485, %swap3A_486], %bitcast3A_481 {strides = array<i32>} : memref<128x128xf32, #tpu.memory_space<vmem>>, vector<16xf32>,
          %swap3A_488 = arith.index_cast %add3A_442 : i32 to index
          %swap3A_489 = arith.constant 80 : index
          %swap3A_490 = tpu.vector_load %arg10[%swap3A_488, %swap3A_489] {strides = array<i32>} : memref<128x128xf32, #tpu.memory_space<vmem>>, vector<16xf32>,
          tpu.vector_store %arg10[%swap3A_488, %swap3A_489], %bitcast3A_484 {strides = array<i32>} : memref<128x128xf32, #tpu.memory_space<vmem>>, vector<16xf32>,
          %get3A_491 = arith.index_cast %add3A_442 : i32 to index
          %get3A_492 = arith.constant 48 : index
          %get3A_493 = tpu.vector_load %arg9[%get3A_491, %get3A_492] {strides = array<i32>} : memref<128x64xi32, #tpu.memory_space<vmem>>, vector<16xi32>,
          %shift_left3A_494 = arith.constant 16 : i32
          %shift_left3A_495 = vector.broadcast %shift_left3A_494 : i32 to vector<16xi32>
          %shift_left3A_496 = arith.shli %get3A_493, %shift_left3A_495 : vector<16xi32>
          %bitcast3A_497 = vector.bitcast %shift_left3A_496 : vector<16xi32> to vector<16xf32>
          %and3A_498 = vector.broadcast %scan3A_3 : i32 to vector<16xi32>
          %and3A_499 = arith.andi %get3A_493, %and3A_498 : vector<16xi32>
          %bitcast3A_500 = vector.bitcast %and3A_499 : vector<16xi32> to vector<16xf32>
          %swap3A_501 = arith.index_cast %add3A_442 : i32 to index
          %swap3A_502 = arith.constant 96 : index
          %swap3A_503 = tpu.vector_load %arg10[%swap3A_501, %swap3A_502] {strides = array<i32>} : memref<128x128xf32, #tpu.memory_space<vmem>>, vector<16xf32>,
          tpu.vector_store %arg10[%swap3A_501, %swap3A_502], %bitcast3A_497 {strides = array<i32>} : memref<128x128xf32, #tpu.memory_space<vmem>>, vector<16xf32>,
          %swap3A_504 = arith.index_cast %add3A_442 : i32 to index
          %swap3A_505 = arith.constant 112 : index
          %swap3A_506 = tpu.vector_load %arg10[%swap3A_504, %swap3A_505] {strides = array<i32>} : memref<128x128xf32, #tpu.memory_space<vmem>>, vector<16xf32>,
          tpu.vector_store %arg10[%swap3A_504, %swap3A_505], %bitcast3A_500 {strides = array<i32>} : memref<128x128xf32, #tpu.memory_space<vmem>>, vector<16xf32>,
          %mul3A_507 = arith.constant 8 : i32
          %mul3A_508 = arith.muli %scan3A_103, %mul3A_507 : i32
          %add3A_509 = arith.constant 6 : i32
          %add3A_510 = arith.addi %mul3A_508, %add3A_509 : i32
          %get3A_511 = arith.index_cast %add3A_510 : i32 to index
          %get3A_512 = arith.constant 0 : index
          %get3A_513 = tpu.vector_load %arg9[%get3A_511, %get3A_512] {strides = array<i32>} : memref<128x64xi32, #tpu.memory_space<vmem>>, vector<16xi32>,
          %shift_left3A_514 = arith.constant 16 : i32
          %shift_left3A_515 = vector.broadcast %shift_left3A_514 : i32 to vector<16xi32>
          %shift_left3A_516 = arith.shli %get3A_513, %shift_left3A_515 : vector<16xi32>
          %bitcast3A_517 = vector.bitcast %shift_left3A_516 : vector<16xi32> to vector<16xf32>
          %and3A_518 = vector.broadcast %scan3A_3 : i32 to vector<16xi32>
          %and3A_519 = arith.andi %get3A_513, %and3A_518 : vector<16xi32>
          %bitcast3A_520 = vector.bitcast %and3A_519 : vector<16xi32> to vector<16xf32>
          %swap3A_521 = arith.index_cast %add3A_510 : i32 to index
          %swap3A_522 = arith.constant 0 : index
          %swap3A_523 = tpu.vector_load %arg10[%swap3A_521, %swap3A_522] {strides = array<i32>} : memref<128x128xf32, #tpu.memory_space<vmem>>, vector<16xf32>,
          tpu.vector_store %arg10[%swap3A_521, %swap3A_522], %bitcast3A_517 {strides = array<i32>} : memref<128x128xf32, #tpu.memory_space<vmem>>, vector<16xf32>,
          %swap3A_524 = arith.index_cast %add3A_510 : i32 to index
          %swap3A_525 = arith.constant 16 : index
          %swap3A_526 = tpu.vector_load %arg10[%swap3A_524, %swap3A_525] {strides = array<i32>} : memref<128x128xf32, #tpu.memory_space<vmem>>, vector<16xf32>,
          tpu.vector_store %arg10[%swap3A_524, %swap3A_525], %bitcast3A_520 {strides = array<i32>} : memref<128x128xf32, #tpu.memory_space<vmem>>, vector<16xf32>,
          %get3A_527 = arith.index_cast %add3A_510 : i32 to index
          %get3A_528 = arith.constant 16 : index
          %get3A_529 = tpu.vector_load %arg9[%get3A_527, %get3A_528] {strides = array<i32>} : memref<128x64xi32, #tpu.memory_space<vmem>>, vector<16xi32>,
          %shift_left3A_530 = arith.constant 16 : i32
          %shift_left3A_531 = vector.broadcast %shift_left3A_530 : i32 to vector<16xi32>
          %shift_left3A_532 = arith.shli %get3A_529, %shift_left3A_531 : vector<16xi32>
          %bitcast3A_533 = vector.bitcast %shift_left3A_532 : vector<16xi32> to vector<16xf32>
          %and3A_534 = vector.broadcast %scan3A_3 : i32 to vector<16xi32>
          %and3A_535 = arith.andi %get3A_529, %and3A_534 : vector<16xi32>
          %bitcast3A_536 = vector.bitcast %and3A_535 : vector<16xi32> to vector<16xf32>
          %swap3A_537 = arith.index_cast %add3A_510 : i32 to index
          %swap3A_538 = arith.constant 32 : index
          %swap3A_539 = tpu.vector_load %arg10[%swap3A_537, %swap3A_538] {strides = array<i32>} : memref<128x128xf32, #tpu.memory_space<vmem>>, vector<16xf32>,
          tpu.vector_store %arg10[%swap3A_537, %swap3A_538], %bitcast3A_533 {strides = array<i32>} : memref<128x128xf32, #tpu.memory_space<vmem>>, vector<16xf32>,
          %swap3A_540 = arith.index_cast %add3A_510 : i32 to index
          %swap3A_541 = arith.constant 48 : index
          %swap3A_542 = tpu.vector_load %arg10[%swap3A_540, %swap3A_541] {strides = array<i32>} : memref<128x128xf32, #tpu.memory_space<vmem>>, vector<16xf32>,
          tpu.vector_store %arg10[%swap3A_540, %swap3A_541], %bitcast3A_536 {strides = array<i32>} : memref<128x128xf32, #tpu.memory_space<vmem>>, vector<16xf32>,
          %get3A_543 = arith.index_cast %add3A_510 : i32 to index
          %get3A_544 = arith.constant 32 : index
          %get3A_545 = tpu.vector_load %arg9[%get3A_543, %get3A_544] {strides = array<i32>} : memref<128x64xi32, #tpu.memory_space<vmem>>, vector<16xi32>,
          %shift_left3A_546 = arith.constant 16 : i32
          %shift_left3A_547 = vector.broadcast %shift_left3A_546 : i32 to vector<16xi32>
          %shift_left3A_548 = arith.shli %get3A_545, %shift_left3A_547 : vector<16xi32>
          %bitcast3A_549 = vector.bitcast %shift_left3A_548 : vector<16xi32> to vector<16xf32>
          %and3A_550 = vector.broadcast %scan3A_3 : i32 to vector<16xi32>
          %and3A_551 = arith.andi %get3A_545, %and3A_550 : vector<16xi32>
          %bitcast3A_552 = vector.bitcast %and3A_551 : vector<16xi32> to vector<16xf32>
          %swap3A_553 = arith.index_cast %add3A_510 : i32 to index
          %swap3A_554 = arith.constant 64 : index
          %swap3A_555 = tpu.vector_load %arg10[%swap3A_553, %swap3A_554] {strides = array<i32>} : memref<128x128xf32, #tpu.memory_space<vmem>>, vector<16xf32>,
          tpu.vector_store %arg10[%swap3A_553, %swap3A_554], %bitcast3A_549 {strides = array<i32>} : memref<128x128xf32, #tpu.memory_space<vmem>>, vector<16xf32>,
          %swap3A_556 = arith.index_cast %add3A_510 : i32 to index
          %swap3A_557 = arith.constant 80 : index
          %swap3A_558 = tpu.vector_load %arg10[%swap3A_556, %swap3A_557] {strides = array<i32>} : memref<128x128xf32, #tpu.memory_space<vmem>>, vector<16xf32>,
          tpu.vector_store %arg10[%swap3A_556, %swap3A_557], %bitcast3A_552 {strides = array<i32>} : memref<128x128xf32, #tpu.memory_space<vmem>>, vector<16xf32>,
          %get3A_559 = arith.index_cast %add3A_510 : i32 to index
          %get3A_560 = arith.constant 48 : index
          %get3A_561 = tpu.vector_load %arg9[%get3A_559, %get3A_560] {strides = array<i32>} : memref<128x64xi32, #tpu.memory_space<vmem>>, vector<16xi32>,
          %shift_left3A_562 = arith.constant 16 : i32
          %shift_left3A_563 = vector.broadcast %shift_left3A_562 : i32 to vector<16xi32>
          %shift_left3A_564 = arith.shli %get3A_561, %shift_left3A_563 : vector<16xi32>
          %bitcast3A_565 = vector.bitcast %shift_left3A_564 : vector<16xi32> to vector<16xf32>
          %and3A_566 = vector.broadcast %scan3A_3 : i32 to vector<16xi32>
          %and3A_567 = arith.andi %get3A_561, %and3A_566 : vector<16xi32>
          %bitcast3A_568 = vector.bitcast %and3A_567 : vector<16xi32> to vector<16xf32>
          %swap3A_569 = arith.index_cast %add3A_510 : i32 to index
          %swap3A_570 = arith.constant 96 : index
          %swap3A_571 = tpu.vector_load %arg10[%swap3A_569, %swap3A_570] {strides = array<i32>} : memref<128x128xf32, #tpu.memory_space<vmem>>, vector<16xf32>,
          tpu.vector_store %arg10[%swap3A_569, %swap3A_570], %bitcast3A_565 {strides = array<i32>} : memref<128x128xf32, #tpu.memory_space<vmem>>, vector<16xf32>,
          %swap3A_572 = arith.index_cast %add3A_510 : i32 to index
          %swap3A_573 = arith.constant 112 : index
          %swap3A_574 = tpu.vector_load %arg10[%swap3A_572, %swap3A_573] {strides = array<i32>} : memref<128x128xf32, #tpu.memory_space<vmem>>, vector<16xf32>,
          tpu.vector_store %arg10[%swap3A_572, %swap3A_573], %bitcast3A_568 {strides = array<i32>} : memref<128x128xf32, #tpu.memory_space<vmem>>, vector<16xf32>,
          %mul3A_575 = arith.constant 8 : i32
          %mul3A_576 = arith.muli %scan3A_103, %mul3A_575 : i32
          %add3A_577 = arith.constant 7 : i32
          %add3A_578 = arith.addi %mul3A_576, %add3A_577 : i32
          %get3A_579 = arith.index_cast %add3A_578 : i32 to index
          %get3A_580 = arith.constant 0 : index
          %get3A_581 = tpu.vector_load %arg9[%get3A_579, %get3A_580] {strides = array<i32>} : memref<128x64xi32, #tpu.memory_space<vmem>>, vector<16xi32>,
          %shift_left3A_582 = arith.constant 16 : i32
          %shift_left3A_583 = vector.broadcast %shift_left3A_582 : i32 to vector<16xi32>
          %shift_left3A_584 = arith.shli %get3A_581, %shift_left3A_583 : vector<16xi32>
          %bitcast3A_585 = vector.bitcast %shift_left3A_584 : vector<16xi32> to vector<16xf32>
          %and3A_586 = vector.broadcast %scan3A_3 : i32 to vector<16xi32>
          %and3A_587 = arith.andi %get3A_581, %and3A_586 : vector<16xi32>
          %bitcast3A_588 = vector.bitcast %and3A_587 : vector<16xi32> to vector<16xf32>
          %swap3A_589 = arith.index_cast %add3A_578 : i32 to index
          %swap3A_590 = arith.constant 0 : index
          %swap3A_591 = tpu.vector_load %arg10[%swap3A_589, %swap3A_590] {strides = array<i32>} : memref<128x128xf32, #tpu.memory_space<vmem>>, vector<16xf32>,
          tpu.vector_store %arg10[%swap3A_589, %swap3A_590], %bitcast3A_585 {strides = array<i32>} : memref<128x128xf32, #tpu.memory_space<vmem>>, vector<16xf32>,
          %swap3A_592 = arith.index_cast %add3A_578 : i32 to index
          %swap3A_593 = arith.constant 16 : index
          %swap3A_594 = tpu.vector_load %arg10[%swap3A_592, %swap3A_593] {strides = array<i32>} : memref<128x128xf32, #tpu.memory_space<vmem>>, vector<16xf32>,
          tpu.vector_store %arg10[%swap3A_592, %swap3A_593], %bitcast3A_588 {strides = array<i32>} : memref<128x128xf32, #tpu.memory_space<vmem>>, vector<16xf32>,
          %get3A_595 = arith.index_cast %add3A_578 : i32 to index
          %get3A_596 = arith.constant 16 : index
          %get3A_597 = tpu.vector_load %arg9[%get3A_595, %get3A_596] {strides = array<i32>} : memref<128x64xi32, #tpu.memory_space<vmem>>, vector<16xi32>,
          %shift_left3A_598 = arith.constant 16 : i32
          %shift_left3A_599 = vector.broadcast %shift_left3A_598 : i32 to vector<16xi32>
          %shift_left3A_600 = arith.shli %get3A_597, %shift_left3A_599 : vector<16xi32>
          %bitcast3A_601 = vector.bitcast %shift_left3A_600 : vector<16xi32> to vector<16xf32>
          %and3A_602 = vector.broadcast %scan3A_3 : i32 to vector<16xi32>
          %and3A_603 = arith.andi %get3A_597, %and3A_602 : vector<16xi32>
          %bitcast3A_604 = vector.bitcast %and3A_603 : vector<16xi32> to vector<16xf32>
          %swap3A_605 = arith.index_cast %add3A_578 : i32 to index
          %swap3A_606 = arith.constant 32 : index
          %swap3A_607 = tpu.vector_load %arg10[%swap3A_605, %swap3A_606] {strides = array<i32>} : memref<128x128xf32, #tpu.memory_space<vmem>>, vector<16xf32>,
          tpu.vector_store %arg10[%swap3A_605, %swap3A_606], %bitcast3A_601 {strides = array<i32>} : memref<128x128xf32, #tpu.memory_space<vmem>>, vector<16xf32>,
          %swap3A_608 = arith.index_cast %add3A_578 : i32 to index
          %swap3A_609 = arith.constant 48 : index
          %swap3A_610 = tpu.vector_load %arg10[%swap3A_608, %swap3A_609] {strides = array<i32>} : memref<128x128xf32, #tpu.memory_space<vmem>>, vector<16xf32>,
          tpu.vector_store %arg10[%swap3A_608, %swap3A_609], %bitcast3A_604 {strides = array<i32>} : memref<128x128xf32, #tpu.memory_space<vmem>>, vector<16xf32>,
          %get3A_611 = arith.index_cast %add3A_578 : i32 to index
          %get3A_612 = arith.constant 32 : index
          %get3A_613 = tpu.vector_load %arg9[%get3A_611, %get3A_612] {strides = array<i32>} : memref<128x64xi32, #tpu.memory_space<vmem>>, vector<16xi32>,
          %shift_left3A_614 = arith.constant 16 : i32
          %shift_left3A_615 = vector.broadcast %shift_left3A_614 : i32 to vector<16xi32>
          %shift_left3A_616 = arith.shli %get3A_613, %shift_left3A_615 : vector<16xi32>
          %bitcast3A_617 = vector.bitcast %shift_left3A_616 : vector<16xi32> to vector<16xf32>
          %and3A_618 = vector.broadcast %scan3A_3 : i32 to vector<16xi32>
          %and3A_619 = arith.andi %get3A_613, %and3A_618 : vector<16xi32>
          %bitcast3A_620 = vector.bitcast %and3A_619 : vector<16xi32> to vector<16xf32>
          %swap3A_621 = arith.index_cast %add3A_578 : i32 to index
          %swap3A_622 = arith.constant 64 : index
          %swap3A_623 = tpu.vector_load %arg10[%swap3A_621, %swap3A_622] {strides = array<i32>} : memref<128x128xf32, #tpu.memory_space<vmem>>, vector<16xf32>,
          tpu.vector_store %arg10[%swap3A_621, %swap3A_622], %bitcast3A_617 {strides = array<i32>} : memref<128x128xf32, #tpu.memory_space<vmem>>, vector<16xf32>,
          %swap3A_624 = arith.index_cast %add3A_578 : i32 to index
          %swap3A_625 = arith.constant 80 : index
          %swap3A_626 = tpu.vector_load %arg10[%swap3A_624, %swap3A_625] {strides = array<i32>} : memref<128x128xf32, #tpu.memory_space<vmem>>, vector<16xf32>,
          tpu.vector_store %arg10[%swap3A_624, %swap3A_625], %bitcast3A_620 {strides = array<i32>} : memref<128x128xf32, #tpu.memory_space<vmem>>, vector<16xf32>,
          %get3A_627 = arith.index_cast %add3A_578 : i32 to index
          %get3A_628 = arith.constant 48 : index
          %get3A_629 = tpu.vector_load %arg9[%get3A_627, %get3A_628] {strides = array<i32>} : memref<128x64xi32, #tpu.memory_space<vmem>>, vector<16xi32>,
          %shift_left3A_630 = arith.constant 16 : i32
          %shift_left3A_631 = vector.broadcast %shift_left3A_630 : i32 to vector<16xi32>
          %shift_left3A_632 = arith.shli %get3A_629, %shift_left3A_631 : vector<16xi32>
          %bitcast3A_633 = vector.bitcast %shift_left3A_632 : vector<16xi32> to vector<16xf32>
          %and3A_634 = vector.broadcast %scan3A_3 : i32 to vector<16xi32>
          %and3A_635 = arith.andi %get3A_629, %and3A_634 : vector<16xi32>
          %bitcast3A_636 = vector.bitcast %and3A_635 : vector<16xi32> to vector<16xf32>
          %swap3A_637 = arith.index_cast %add3A_578 : i32 to index
          %swap3A_638 = arith.constant 96 : index
          %swap3A_639 = tpu.vector_load %arg10[%swap3A_637, %swap3A_638] {strides = array<i32>} : memref<128x128xf32, #tpu.memory_space<vmem>>, vector<16xf32>,
          tpu.vector_store %arg10[%swap3A_637, %swap3A_638], %bitcast3A_633 {strides = array<i32>} : memref<128x128xf32, #tpu.memory_space<vmem>>, vector<16xf32>,
          %swap3A_640 = arith.index_cast %add3A_578 : i32 to index
          %swap3A_641 = arith.constant 112 : index
          %swap3A_642 = tpu.vector_load %arg10[%swap3A_640, %swap3A_641] {strides = array<i32>} : memref<128x128xf32, #tpu.memory_space<vmem>>, vector<16xf32>,
          tpu.vector_store %arg10[%swap3A_640, %swap3A_641], %bitcast3A_636 {strides = array<i32>} : memref<128x128xf32, #tpu.memory_space<vmem>>, vector<16xf32>,
        }
        %scan3A_63 = arith.constant 16 : i32
        %dma_start3A_64 = arith.constant 0 : i32
        %dma_start3A_65 = tpu.memref_slice %arg7[%add3A_49, %dma_start3A_64] : memref<18x128xi32, #tpu.memory_space<vmem>> -> memref<1x128xi32, #tpu.memory_space<vmem>>
        %dma_start3A_66 = tpu.memref_squeeze %dma_start3A_65 : memref<1x128xi32, #tpu.memory_space<vmem>> -> memref<128xi32, #tpu.memory_space<vmem>>
        %dma_start3A_67 = arith.constant 0 : i32
        %dma_start3A_68 = arith.constant 0 : i32
        %dma_start3A_69 = tpu.memref_slice %arg2[%dma_start3A_67, %dma_start3A_68] : memref<20000x64xi32, #tpu.memory_space<hbm>> -> memref<20000x64xi32, #tpu.memory_space<hbm>>
        tpu.enqueue_indirect_dma source(%dma_start3A_69 : memref<20000x64xi32, #tpu.memory_space<hbm>>) target(%arg9 : memref<128x64xi32, #tpu.memory_space<vmem>>) offsets(%dma_start3A_66 : memref<128xi32, #tpu.memory_space<vmem>>) semaphore(%arg13 : memref<!tpu.dma_semaphore, #tpu.memory_space<semaphore_mem>>)
        %dma_start3A_70 = arith.constant 0 : i32
        %dma_start3A_71 = tpu.memref_slice %arg8[%mul3A_47, %dma_start3A_70] : memref<18x128xi32, #tpu.memory_space<vmem>> -> memref<1x128xi32, #tpu.memory_space<vmem>>
        %dma_start3A_72 = tpu.memref_squeeze %dma_start3A_71 : memref<1x128xi32, #tpu.memory_space<vmem>> -> memref<128xi32, #tpu.memory_space<vmem>>
        %dma_start3A_73 = arith.constant 0 : i32
        %dma_start3A_74 = arith.constant 0 : i32
        %dma_start3A_75 = tpu.memref_slice %arg12[%dma_start3A_73, %dma_start3A_74] : memref<10016x128xf32, #tpu.memory_space<vmem_shared>> -> memref<10016x128xf32, #tpu.memory_space<vmem_shared>>
        tpu.enqueue_indirect_dma source(%arg10 : memref<128x128xf32, #tpu.memory_space<vmem>>) target(%dma_start3A_75 : memref<10016x128xf32, #tpu.memory_space<vmem_shared>>) offsets(%dma_start3A_72 : memref<128xi32, #tpu.memory_space<vmem>>) semaphore(%arg14 : memref<!tpu.dma_semaphore, #tpu.memory_space<semaphore_mem>>) {add = true}
        %dma_wait3A_76 = arith.constant 0 : i32
        %dma_wait3A_77 = tpu.memref_slice %arg7[%add3A_49, %dma_wait3A_76] : memref<18x128xi32, #tpu.memory_space<vmem>> -> memref<1x128xi32, #tpu.memory_space<vmem>>
        %dma_wait3A_78 = tpu.memref_squeeze %dma_wait3A_77 : memref<1x128xi32, #tpu.memory_space<vmem>> -> memref<128xi32, #tpu.memory_space<vmem>>
        %dma_wait3A_79 = arith.constant 0 : i32
        %dma_wait3A_80 = arith.constant 0 : i32
        %dma_wait3A_81 = tpu.memref_slice %arg2[%dma_wait3A_79, %dma_wait3A_80] : memref<20000x64xi32, #tpu.memory_space<hbm>> -> memref<20000x64xi32, #tpu.memory_space<hbm>>
        tpu.wait_indirect_dma semaphore(%arg13 : memref<!tpu.dma_semaphore, #tpu.memory_space<semaphore_mem>>) src(%dma_wait3A_81 : memref<20000x64xi32, #tpu.memory_space<hbm>>) dst(%arg9 : memref<128x64xi32, #tpu.memory_space<vmem>>)
        %gt3A_82 = arith.constant 0 : i32
        %gt3A_83 = arith.cmpi sgt, %scan3A_45, %gt3A_82 : i32
        %convert_element_type3A_84 = arith.extui %gt3A_83 : i1 to i32
        %cond3A_85 = arith.constant 0 : i32
        %cond3A_86 = arith.cmpi ne, %convert_element_type3A_84, %cond3A_85 : i32
        scf.if %cond3A_86 {
          %dma_wait3A_103 = arith.constant 0 : i32
          %dma_wait3A_104 = tpu.memref_slice %arg8[%add3A_49, %dma_wait3A_103] : memref<18x128xi32, #tpu.memory_space<vmem>> -> memref<1x128xi32, #tpu.memory_space<vmem>>
          %dma_wait3A_105 = tpu.memref_squeeze %dma_wait3A_104 : memref<1x128xi32, #tpu.memory_space<vmem>> -> memref<128xi32, #tpu.memory_space<vmem>>
          %dma_wait3A_106 = arith.constant 0 : i32
          %dma_wait3A_107 = arith.constant 0 : i32
          %dma_wait3A_108 = tpu.memref_slice %arg12[%dma_wait3A_106, %dma_wait3A_107] : memref<10016x128xf32, #tpu.memory_space<vmem_shared>> -> memref<10016x128xf32, #tpu.memory_space<vmem_shared>>
          tpu.wait_indirect_dma semaphore(%arg15 : memref<!tpu.dma_semaphore, #tpu.memory_space<semaphore_mem>>) src(%arg11 : memref<128x128xf32, #tpu.memory_space<vmem>>) dst(%dma_wait3A_108 : memref<10016x128xf32, #tpu.memory_space<vmem_shared>>)
        } else {
        }
        %scan3A_87 = arith.constant 0 : i32
        %scan3A_88 = arith.constant 0 : i32
        %scan3A_89 = arith.constant 16 : i32
        %scan3A_90 = arith.addi %scan3A_88, %scan3A_89 : i32
        %scan3A_91 = arith.constant 1 : i32
        scf.for %scan3A_103 = %scan3A_88 to %scan3A_90 step %scan3A_91  : i32 {
          %mul3A_104 = arith.constant 8 : i32
          %mul3A_105 = arith.muli %scan3A_103, %mul3A_104 : i32
          %add3A_106 = arith.constant 0 : i32
          %add3A_107 = arith.addi %mul3A_105, %add3A_106 : i32
          %get3A = arith.index_cast %add3A_107 : i32 to index
          %get3A_108 = arith.constant 0 : index
          %get3A_109 = tpu.vector_load %arg9[%get3A, %get3A_108] {strides = array<i32>} : memref<128x64xi32, #tpu.memory_space<vmem>>, vector<16xi32>,
          %shift_left3A = arith.constant 16 : i32
          %shift_left3A_110 = vector.broadcast %shift_left3A : i32 to vector<16xi32>
          %shift_left3A_111 = arith.shli %get3A_109, %shift_left3A_110 : vector<16xi32>
          %bitcast3A = vector.bitcast %shift_left3A_111 : vector<16xi32> to vector<16xf32>
          %and3A = vector.broadcast %scan3A_3 : i32 to vector<16xi32>
          %and3A_112 = arith.andi %get3A_109, %and3A : vector<16xi32>
          %bitcast3A_113 = vector.bitcast %and3A_112 : vector<16xi32> to vector<16xf32>
          %swap3A = arith.index_cast %add3A_107 : i32 to index
          %swap3A_114 = arith.constant 0 : index
          %swap3A_115 = tpu.vector_load %arg11[%swap3A, %swap3A_114] {strides = array<i32>} : memref<128x128xf32, #tpu.memory_space<vmem>>, vector<16xf32>,
          tpu.vector_store %arg11[%swap3A, %swap3A_114], %bitcast3A {strides = array<i32>} : memref<128x128xf32, #tpu.memory_space<vmem>>, vector<16xf32>,
          %swap3A_116 = arith.index_cast %add3A_107 : i32 to index
          %swap3A_117 = arith.constant 16 : index
          %swap3A_118 = tpu.vector_load %arg11[%swap3A_116, %swap3A_117] {strides = array<i32>} : memref<128x128xf32, #tpu.memory_space<vmem>>, vector<16xf32>,
          tpu.vector_store %arg11[%swap3A_116, %swap3A_117], %bitcast3A_113 {strides = array<i32>} : memref<128x128xf32, #tpu.memory_space<vmem>>, vector<16xf32>,
          %get3A_119 = arith.index_cast %add3A_107 : i32 to index
          %get3A_120 = arith.constant 16 : index
          %get3A_121 = tpu.vector_load %arg9[%get3A_119, %get3A_120] {strides = array<i32>} : memref<128x64xi32, #tpu.memory_space<vmem>>, vector<16xi32>,
          %shift_left3A_122 = arith.constant 16 : i32
          %shift_left3A_123 = vector.broadcast %shift_left3A_122 : i32 to vector<16xi32>
          %shift_left3A_124 = arith.shli %get3A_121, %shift_left3A_123 : vector<16xi32>
          %bitcast3A_125 = vector.bitcast %shift_left3A_124 : vector<16xi32> to vector<16xf32>
          %and3A_126 = vector.broadcast %scan3A_3 : i32 to vector<16xi32>
          %and3A_127 = arith.andi %get3A_121, %and3A_126 : vector<16xi32>
          %bitcast3A_128 = vector.bitcast %and3A_127 : vector<16xi32> to vector<16xf32>
          %swap3A_129 = arith.index_cast %add3A_107 : i32 to index
          %swap3A_130 = arith.constant 32 : index
          %swap3A_131 = tpu.vector_load %arg11[%swap3A_129, %swap3A_130] {strides = array<i32>} : memref<128x128xf32, #tpu.memory_space<vmem>>, vector<16xf32>,
          tpu.vector_store %arg11[%swap3A_129, %swap3A_130], %bitcast3A_125 {strides = array<i32>} : memref<128x128xf32, #tpu.memory_space<vmem>>, vector<16xf32>,
          %swap3A_132 = arith.index_cast %add3A_107 : i32 to index
          %swap3A_133 = arith.constant 48 : index
          %swap3A_134 = tpu.vector_load %arg11[%swap3A_132, %swap3A_133] {strides = array<i32>} : memref<128x128xf32, #tpu.memory_space<vmem>>, vector<16xf32>,
          tpu.vector_store %arg11[%swap3A_132, %swap3A_133], %bitcast3A_128 {strides = array<i32>} : memref<128x128xf32, #tpu.memory_space<vmem>>, vector<16xf32>,
          %get3A_135 = arith.index_cast %add3A_107 : i32 to index
          %get3A_136 = arith.constant 32 : index
          %get3A_137 = tpu.vector_load %arg9[%get3A_135, %get3A_136] {strides = array<i32>} : memref<128x64xi32, #tpu.memory_space<vmem>>, vector<16xi32>,
          %shift_left3A_138 = arith.constant 16 : i32
          %shift_left3A_139 = vector.broadcast %shift_left3A_138 : i32 to vector<16xi32>
          %shift_left3A_140 = arith.shli %get3A_137, %shift_left3A_139 : vector<16xi32>
          %bitcast3A_141 = vector.bitcast %shift_left3A_140 : vector<16xi32> to vector<16xf32>
          %and3A_142 = vector.broadcast %scan3A_3 : i32 to vector<16xi32>
          %and3A_143 = arith.andi %get3A_137, %and3A_142 : vector<16xi32>
          %bitcast3A_144 = vector.bitcast %and3A_143 : vector<16xi32> to vector<16xf32>
          %swap3A_145 = arith.index_cast %add3A_107 : i32 to index
          %swap3A_146 = arith.constant 64 : index
          %swap3A_147 = tpu.vector_load %arg11[%swap3A_145, %swap3A_146] {strides = array<i32>} : memref<128x128xf32, #tpu.memory_space<vmem>>, vector<16xf32>,
          tpu.vector_store %arg11[%swap3A_145, %swap3A_146], %bitcast3A_141 {strides = array<i32>} : memref<128x128xf32, #tpu.memory_space<vmem>>, vector<16xf32>,
          %swap3A_148 = arith.index_cast %add3A_107 : i32 to index
          %swap3A_149 = arith.constant 80 : index
          %swap3A_150 = tpu.vector_load %arg11[%swap3A_148, %swap3A_149] {strides = array<i32>} : memref<128x128xf32, #tpu.memory_space<vmem>>, vector<16xf32>,
          tpu.vector_store %arg11[%swap3A_148, %swap3A_149], %bitcast3A_144 {strides = array<i32>} : memref<128x128xf32, #tpu.memory_space<vmem>>, vector<16xf32>,
          %get3A_151 = arith.index_cast %add3A_107 : i32 to index
          %get3A_152 = arith.constant 48 : index
          %get3A_153 = tpu.vector_load %arg9[%get3A_151, %get3A_152] {strides = array<i32>} : memref<128x64xi32, #tpu.memory_space<vmem>>, vector<16xi32>,
          %shift_left3A_154 = arith.constant 16 : i32
          %shift_left3A_155 = vector.broadcast %shift_left3A_154 : i32 to vector<16xi32>
          %shift_left3A_156 = arith.shli %get3A_153, %shift_left3A_155 : vector<16xi32>
          %bitcast3A_157 = vector.bitcast %shift_left3A_156 : vector<16xi32> to vector<16xf32>
          %and3A_158 = vector.broadcast %scan3A_3 : i32 to vector<16xi32>
          %and3A_159 = arith.andi %get3A_153, %and3A_158 : vector<16xi32>
          %bitcast3A_160 = vector.bitcast %and3A_159 : vector<16xi32> to vector<16xf32>
          %swap3A_161 = arith.index_cast %add3A_107 : i32 to index
          %swap3A_162 = arith.constant 96 : index
          %swap3A_163 = tpu.vector_load %arg11[%swap3A_161, %swap3A_162] {strides = array<i32>} : memref<128x128xf32, #tpu.memory_space<vmem>>, vector<16xf32>,
          tpu.vector_store %arg11[%swap3A_161, %swap3A_162], %bitcast3A_157 {strides = array<i32>} : memref<128x128xf32, #tpu.memory_space<vmem>>, vector<16xf32>,
          %swap3A_164 = arith.index_cast %add3A_107 : i32 to index
          %swap3A_165 = arith.constant 112 : index
          %swap3A_166 = tpu.vector_load %arg11[%swap3A_164, %swap3A_165] {strides = array<i32>} : memref<128x128xf32, #tpu.memory_space<vmem>>, vector<16xf32>,
          tpu.vector_store %arg11[%swap3A_164, %swap3A_165], %bitcast3A_160 {strides = array<i32>} : memref<128x128xf32, #tpu.memory_space<vmem>>, vector<16xf32>,
          %mul3A_167 = arith.constant 8 : i32
          %mul3A_168 = arith.muli %scan3A_103, %mul3A_167 : i32
          %add3A_169 = arith.constant 1 : i32
          %add3A_170 = arith.addi %mul3A_168, %add3A_169 : i32
          %get3A_171 = arith.index_cast %add3A_170 : i32 to index
          %get3A_172 = arith.constant 0 : index
          %get3A_173 = tpu.vector_load %arg9[%get3A_171, %get3A_172] {strides = array<i32>} : memref<128x64xi32, #tpu.memory_space<vmem>>, vector<16xi32>,
          %shift_left3A_174 = arith.constant 16 : i32
          %shift_left3A_175 = vector.broadcast %shift_left3A_174 : i32 to vector<16xi32>
          %shift_left3A_176 = arith.shli %get3A_173, %shift_left3A_175 : vector<16xi32>
          %bitcast3A_177 = vector.bitcast %shift_left3A_176 : vector<16xi32> to vector<16xf32>
          %and3A_178 = vector.broadcast %scan3A_3 : i32 to vector<16xi32>
          %and3A_179 = arith.andi %get3A_173, %and3A_178 : vector<16xi32>
          %bitcast3A_180 = vector.bitcast %and3A_179 : vector<16xi32> to vector<16xf32>
          %swap3A_181 = arith.index_cast %add3A_170 : i32 to index
          %swap3A_182 = arith.constant 0 : index
          %swap3A_183 = tpu.vector_load %arg11[%swap3A_181, %swap3A_182] {strides = array<i32>} : memref<128x128xf32, #tpu.memory_space<vmem>>, vector<16xf32>,
          tpu.vector_store %arg11[%swap3A_181, %swap3A_182], %bitcast3A_177 {strides = array<i32>} : memref<128x128xf32, #tpu.memory_space<vmem>>, vector<16xf32>,
          %swap3A_184 = arith.index_cast %add3A_170 : i32 to index
          %swap3A_185 = arith.constant 16 : index
          %swap3A_186 = tpu.vector_load %arg11[%swap3A_184, %swap3A_185] {strides = array<i32>} : memref<128x128xf32, #tpu.memory_space<vmem>>, vector<16xf32>,
          tpu.vector_store %arg11[%swap3A_184, %swap3A_185], %bitcast3A_180 {strides = array<i32>} : memref<128x128xf32, #tpu.memory_space<vmem>>, vector<16xf32>,
          %get3A_187 = arith.index_cast %add3A_170 : i32 to index
          %get3A_188 = arith.constant 16 : index
          %get3A_189 = tpu.vector_load %arg9[%get3A_187, %get3A_188] {strides = array<i32>} : memref<128x64xi32, #tpu.memory_space<vmem>>, vector<16xi32>,
          %shift_left3A_190 = arith.constant 16 : i32
          %shift_left3A_191 = vector.broadcast %shift_left3A_190 : i32 to vector<16xi32>
          %shift_left3A_192 = arith.shli %get3A_189, %shift_left3A_191 : vector<16xi32>
          %bitcast3A_193 = vector.bitcast %shift_left3A_192 : vector<16xi32> to vector<16xf32>
          %and3A_194 = vector.broadcast %scan3A_3 : i32 to vector<16xi32>
          %and3A_195 = arith.andi %get3A_189, %and3A_194 : vector<16xi32>
          %bitcast3A_196 = vector.bitcast %and3A_195 : vector<16xi32> to vector<16xf32>
          %swap3A_197 = arith.index_cast %add3A_170 : i32 to index
          %swap3A_198 = arith.constant 32 : index
          %swap3A_199 = tpu.vector_load %arg11[%swap3A_197, %swap3A_198] {strides = array<i32>} : memref<128x128xf32, #tpu.memory_space<vmem>>, vector<16xf32>,
          tpu.vector_store %arg11[%swap3A_197, %swap3A_198], %bitcast3A_193 {strides = array<i32>} : memref<128x128xf32, #tpu.memory_space<vmem>>, vector<16xf32>,
          %swap3A_200 = arith.index_cast %add3A_170 : i32 to index
          %swap3A_201 = arith.constant 48 : index
          %swap3A_202 = tpu.vector_load %arg11[%swap3A_200, %swap3A_201] {strides = array<i32>} : memref<128x128xf32, #tpu.memory_space<vmem>>, vector<16xf32>,
          tpu.vector_store %arg11[%swap3A_200, %swap3A_201], %bitcast3A_196 {strides = array<i32>} : memref<128x128xf32, #tpu.memory_space<vmem>>, vector<16xf32>,
          %get3A_203 = arith.index_cast %add3A_170 : i32 to index
          %get3A_204 = arith.constant 32 : index
          %get3A_205 = tpu.vector_load %arg9[%get3A_203, %get3A_204] {strides = array<i32>} : memref<128x64xi32, #tpu.memory_space<vmem>>, vector<16xi32>,
          %shift_left3A_206 = arith.constant 16 : i32
          %shift_left3A_207 = vector.broadcast %shift_left3A_206 : i32 to vector<16xi32>
          %shift_left3A_208 = arith.shli %get3A_205, %shift_left3A_207 : vector<16xi32>
          %bitcast3A_209 = vector.bitcast %shift_left3A_208 : vector<16xi32> to vector<16xf32>
          %and3A_210 = vector.broadcast %scan3A_3 : i32 to vector<16xi32>
          %and3A_211 = arith.andi %get3A_205, %and3A_210 : vector<16xi32>
          %bitcast3A_212 = vector.bitcast %and3A_211 : vector<16xi32> to vector<16xf32>
          %swap3A_213 = arith.index_cast %add3A_170 : i32 to index
          %swap3A_214 = arith.constant 64 : index
          %swap3A_215 = tpu.vector_load %arg11[%swap3A_213, %swap3A_214] {strides = array<i32>} : memref<128x128xf32, #tpu.memory_space<vmem>>, vector<16xf32>,
          tpu.vector_store %arg11[%swap3A_213, %swap3A_214], %bitcast3A_209 {strides = array<i32>} : memref<128x128xf32, #tpu.memory_space<vmem>>, vector<16xf32>,
          %swap3A_216 = arith.index_cast %add3A_170 : i32 to index
          %swap3A_217 = arith.constant 80 : index
          %swap3A_218 = tpu.vector_load %arg11[%swap3A_216, %swap3A_217] {strides = array<i32>} : memref<128x128xf32, #tpu.memory_space<vmem>>, vector<16xf32>,
          tpu.vector_store %arg11[%swap3A_216, %swap3A_217], %bitcast3A_212 {strides = array<i32>} : memref<128x128xf32, #tpu.memory_space<vmem>>, vector<16xf32>,
          %get3A_219 = arith.index_cast %add3A_170 : i32 to index
          %get3A_220 = arith.constant 48 : index
          %get3A_221 = tpu.vector_load %arg9[%get3A_219, %get3A_220] {strides = array<i32>} : memref<128x64xi32, #tpu.memory_space<vmem>>, vector<16xi32>,
          %shift_left3A_222 = arith.constant 16 : i32
          %shift_left3A_223 = vector.broadcast %shift_left3A_222 : i32 to vector<16xi32>
          %shift_left3A_224 = arith.shli %get3A_221, %shift_left3A_223 : vector<16xi32>
          %bitcast3A_225 = vector.bitcast %shift_left3A_224 : vector<16xi32> to vector<16xf32>
          %and3A_226 = vector.broadcast %scan3A_3 : i32 to vector<16xi32>
          %and3A_227 = arith.andi %get3A_221, %and3A_226 : vector<16xi32>
          %bitcast3A_228 = vector.bitcast %and3A_227 : vector<16xi32> to vector<16xf32>
          %swap3A_229 = arith.index_cast %add3A_170 : i32 to index
          %swap3A_230 = arith.constant 96 : index
          %swap3A_231 = tpu.vector_load %arg11[%swap3A_229, %swap3A_230] {strides = array<i32>} : memref<128x128xf32, #tpu.memory_space<vmem>>, vector<16xf32>,
          tpu.vector_store %arg11[%swap3A_229, %swap3A_230], %bitcast3A_225 {strides = array<i32>} : memref<128x128xf32, #tpu.memory_space<vmem>>, vector<16xf32>,
          %swap3A_232 = arith.index_cast %add3A_170 : i32 to index
          %swap3A_233 = arith.constant 112 : index
          %swap3A_234 = tpu.vector_load %arg11[%swap3A_232, %swap3A_233] {strides = array<i32>} : memref<128x128xf32, #tpu.memory_space<vmem>>, vector<16xf32>,
          tpu.vector_store %arg11[%swap3A_232, %swap3A_233], %bitcast3A_228 {strides = array<i32>} : memref<128x128xf32, #tpu.memory_space<vmem>>, vector<16xf32>,
          %mul3A_235 = arith.constant 8 : i32
          %mul3A_236 = arith.muli %scan3A_103, %mul3A_235 : i32
          %add3A_237 = arith.constant 2 : i32
          %add3A_238 = arith.addi %mul3A_236, %add3A_237 : i32
          %get3A_239 = arith.index_cast %add3A_238 : i32 to index
          %get3A_240 = arith.constant 0 : index
          %get3A_241 = tpu.vector_load %arg9[%get3A_239, %get3A_240] {strides = array<i32>} : memref<128x64xi32, #tpu.memory_space<vmem>>, vector<16xi32>,
          %shift_left3A_242 = arith.constant 16 : i32
          %shift_left3A_243 = vector.broadcast %shift_left3A_242 : i32 to vector<16xi32>
          %shift_left3A_244 = arith.shli %get3A_241, %shift_left3A_243 : vector<16xi32>
          %bitcast3A_245 = vector.bitcast %shift_left3A_244 : vector<16xi32> to vector<16xf32>
          %and3A_246 = vector.broadcast %scan3A_3 : i32 to vector<16xi32>
          %and3A_247 = arith.andi %get3A_241, %and3A_246 : vector<16xi32>
          %bitcast3A_248 = vector.bitcast %and3A_247 : vector<16xi32> to vector<16xf32>
          %swap3A_249 = arith.index_cast %add3A_238 : i32 to index
          %swap3A_250 = arith.constant 0 : index
          %swap3A_251 = tpu.vector_load %arg11[%swap3A_249, %swap3A_250] {strides = array<i32>} : memref<128x128xf32, #tpu.memory_space<vmem>>, vector<16xf32>,
          tpu.vector_store %arg11[%swap3A_249, %swap3A_250], %bitcast3A_245 {strides = array<i32>} : memref<128x128xf32, #tpu.memory_space<vmem>>, vector<16xf32>,
          %swap3A_252 = arith.index_cast %add3A_238 : i32 to index
          %swap3A_253 = arith.constant 16 : index
          %swap3A_254 = tpu.vector_load %arg11[%swap3A_252, %swap3A_253] {strides = array<i32>} : memref<128x128xf32, #tpu.memory_space<vmem>>, vector<16xf32>,
          tpu.vector_store %arg11[%swap3A_252, %swap3A_253], %bitcast3A_248 {strides = array<i32>} : memref<128x128xf32, #tpu.memory_space<vmem>>, vector<16xf32>,
          %get3A_255 = arith.index_cast %add3A_238 : i32 to index
          %get3A_256 = arith.constant 16 : index
          %get3A_257 = tpu.vector_load %arg9[%get3A_255, %get3A_256] {strides = array<i32>} : memref<128x64xi32, #tpu.memory_space<vmem>>, vector<16xi32>,
          %shift_left3A_258 = arith.constant 16 : i32
          %shift_left3A_259 = vector.broadcast %shift_left3A_258 : i32 to vector<16xi32>
          %shift_left3A_260 = arith.shli %get3A_257, %shift_left3A_259 : vector<16xi32>
          %bitcast3A_261 = vector.bitcast %shift_left3A_260 : vector<16xi32> to vector<16xf32>
          %and3A_262 = vector.broadcast %scan3A_3 : i32 to vector<16xi32>
          %and3A_263 = arith.andi %get3A_257, %and3A_262 : vector<16xi32>
          %bitcast3A_264 = vector.bitcast %and3A_263 : vector<16xi32> to vector<16xf32>
          %swap3A_265 = arith.index_cast %add3A_238 : i32 to index
          %swap3A_266 = arith.constant 32 : index
          %swap3A_267 = tpu.vector_load %arg11[%swap3A_265, %swap3A_266] {strides = array<i32>} : memref<128x128xf32, #tpu.memory_space<vmem>>, vector<16xf32>,
          tpu.vector_store %arg11[%swap3A_265, %swap3A_266], %bitcast3A_261 {strides = array<i32>} : memref<128x128xf32, #tpu.memory_space<vmem>>, vector<16xf32>,
          %swap3A_268 = arith.index_cast %add3A_238 : i32 to index
          %swap3A_269 = arith.constant 48 : index
          %swap3A_270 = tpu.vector_load %arg11[%swap3A_268, %swap3A_269] {strides = array<i32>} : memref<128x128xf32, #tpu.memory_space<vmem>>, vector<16xf32>,
          tpu.vector_store %arg11[%swap3A_268, %swap3A_269], %bitcast3A_264 {strides = array<i32>} : memref<128x128xf32, #tpu.memory_space<vmem>>, vector<16xf32>,
          %get3A_271 = arith.index_cast %add3A_238 : i32 to index
          %get3A_272 = arith.constant 32 : index
          %get3A_273 = tpu.vector_load %arg9[%get3A_271, %get3A_272] {strides = array<i32>} : memref<128x64xi32, #tpu.memory_space<vmem>>, vector<16xi32>,
          %shift_left3A_274 = arith.constant 16 : i32
          %shift_left3A_275 = vector.broadcast %shift_left3A_274 : i32 to vector<16xi32>
          %shift_left3A_276 = arith.shli %get3A_273, %shift_left3A_275 : vector<16xi32>
          %bitcast3A_277 = vector.bitcast %shift_left3A_276 : vector<16xi32> to vector<16xf32>
          %and3A_278 = vector.broadcast %scan3A_3 : i32 to vector<16xi32>
          %and3A_279 = arith.andi %get3A_273, %and3A_278 : vector<16xi32>
          %bitcast3A_280 = vector.bitcast %and3A_279 : vector<16xi32> to vector<16xf32>
          %swap3A_281 = arith.index_cast %add3A_238 : i32 to index
          %swap3A_282 = arith.constant 64 : index
          %swap3A_283 = tpu.vector_load %arg11[%swap3A_281, %swap3A_282] {strides = array<i32>} : memref<128x128xf32, #tpu.memory_space<vmem>>, vector<16xf32>,
          tpu.vector_store %arg11[%swap3A_281, %swap3A_282], %bitcast3A_277 {strides = array<i32>} : memref<128x128xf32, #tpu.memory_space<vmem>>, vector<16xf32>,
          %swap3A_284 = arith.index_cast %add3A_238 : i32 to index
          %swap3A_285 = arith.constant 80 : index
          %swap3A_286 = tpu.vector_load %arg11[%swap3A_284, %swap3A_285] {strides = array<i32>} : memref<128x128xf32, #tpu.memory_space<vmem>>, vector<16xf32>,
          tpu.vector_store %arg11[%swap3A_284, %swap3A_285], %bitcast3A_280 {strides = array<i32>} : memref<128x128xf32, #tpu.memory_space<vmem>>, vector<16xf32>,
          %get3A_287 = arith.index_cast %add3A_238 : i32 to index
          %get3A_288 = arith.constant 48 : index
          %get3A_289 = tpu.vector_load %arg9[%get3A_287, %get3A_288] {strides = array<i32>} : memref<128x64xi32, #tpu.memory_space<vmem>>, vector<16xi32>,
          %shift_left3A_290 = arith.constant 16 : i32
          %shift_left3A_291 = vector.broadcast %shift_left3A_290 : i32 to vector<16xi32>
          %shift_left3A_292 = arith.shli %get3A_289, %shift_left3A_291 : vector<16xi32>
          %bitcast3A_293 = vector.bitcast %shift_left3A_292 : vector<16xi32> to vector<16xf32>
          %and3A_294 = vector.broadcast %scan3A_3 : i32 to vector<16xi32>
          %and3A_295 = arith.andi %get3A_289, %and3A_294 : vector<16xi32>
          %bitcast3A_296 = vector.bitcast %and3A_295 : vector<16xi32> to vector<16xf32>
          %swap3A_297 = arith.index_cast %add3A_238 : i32 to index
          %swap3A_298 = arith.constant 96 : index
          %swap3A_299 = tpu.vector_load %arg11[%swap3A_297, %swap3A_298] {strides = array<i32>} : memref<128x128xf32, #tpu.memory_space<vmem>>, vector<16xf32>,
          tpu.vector_store %arg11[%swap3A_297, %swap3A_298], %bitcast3A_293 {strides = array<i32>} : memref<128x128xf32, #tpu.memory_space<vmem>>, vector<16xf32>,
          %swap3A_300 = arith.index_cast %add3A_238 : i32 to index
          %swap3A_301 = arith.constant 112 : index
          %swap3A_302 = tpu.vector_load %arg11[%swap3A_300, %swap3A_301] {strides = array<i32>} : memref<128x128xf32, #tpu.memory_space<vmem>>, vector<16xf32>,
          tpu.vector_store %arg11[%swap3A_300, %swap3A_301], %bitcast3A_296 {strides = array<i32>} : memref<128x128xf32, #tpu.memory_space<vmem>>, vector<16xf32>,
          %mul3A_303 = arith.constant 8 : i32
          %mul3A_304 = arith.muli %scan3A_103, %mul3A_303 : i32
          %add3A_305 = arith.constant 3 : i32
          %add3A_306 = arith.addi %mul3A_304, %add3A_305 : i32
          %get3A_307 = arith.index_cast %add3A_306 : i32 to index
          %get3A_308 = arith.constant 0 : index
          %get3A_309 = tpu.vector_load %arg9[%get3A_307, %get3A_308] {strides = array<i32>} : memref<128x64xi32, #tpu.memory_space<vmem>>, vector<16xi32>,
          %shift_left3A_310 = arith.constant 16 : i32
          %shift_left3A_311 = vector.broadcast %shift_left3A_310 : i32 to vector<16xi32>
          %shift_left3A_312 = arith.shli %get3A_309, %shift_left3A_311 : vector<16xi32>
          %bitcast3A_313 = vector.bitcast %shift_left3A_312 : vector<16xi32> to vector<16xf32>
          %and3A_314 = vector.broadcast %scan3A_3 : i32 to vector<16xi32>
          %and3A_315 = arith.andi %get3A_309, %and3A_314 : vector<16xi32>
          %bitcast3A_316 = vector.bitcast %and3A_315 : vector<16xi32> to vector<16xf32>
          %swap3A_317 = arith.index_cast %add3A_306 : i32 to index
          %swap3A_318 = arith.constant 0 : index
          %swap3A_319 = tpu.vector_load %arg11[%swap3A_317, %swap3A_318] {strides = array<i32>} : memref<128x128xf32, #tpu.memory_space<vmem>>, vector<16xf32>,
          tpu.vector_store %arg11[%swap3A_317, %swap3A_318], %bitcast3A_313 {strides = array<i32>} : memref<128x128xf32, #tpu.memory_space<vmem>>, vector<16xf32>,
          %swap3A_320 = arith.index_cast %add3A_306 : i32 to index
          %swap3A_321 = arith.constant 16 : index
          %swap3A_322 = tpu.vector_load %arg11[%swap3A_320, %swap3A_321] {strides = array<i32>} : memref<128x128xf32, #tpu.memory_space<vmem>>, vector<16xf32>,
          tpu.vector_store %arg11[%swap3A_320, %swap3A_321], %bitcast3A_316 {strides = array<i32>} : memref<128x128xf32, #tpu.memory_space<vmem>>, vector<16xf32>,
          %get3A_323 = arith.index_cast %add3A_306 : i32 to index
          %get3A_324 = arith.constant 16 : index
          %get3A_325 = tpu.vector_load %arg9[%get3A_323, %get3A_324] {strides = array<i32>} : memref<128x64xi32, #tpu.memory_space<vmem>>, vector<16xi32>,
          %shift_left3A_326 = arith.constant 16 : i32
          %shift_left3A_327 = vector.broadcast %shift_left3A_326 : i32 to vector<16xi32>
          %shift_left3A_328 = arith.shli %get3A_325, %shift_left3A_327 : vector<16xi32>
          %bitcast3A_329 = vector.bitcast %shift_left3A_328 : vector<16xi32> to vector<16xf32>
          %and3A_330 = vector.broadcast %scan3A_3 : i32 to vector<16xi32>
          %and3A_331 = arith.andi %get3A_325, %and3A_330 : vector<16xi32>
          %bitcast3A_332 = vector.bitcast %and3A_331 : vector<16xi32> to vector<16xf32>
          %swap3A_333 = arith.index_cast %add3A_306 : i32 to index
          %swap3A_334 = arith.constant 32 : index
          %swap3A_335 = tpu.vector_load %arg11[%swap3A_333, %swap3A_334] {strides = array<i32>} : memref<128x128xf32, #tpu.memory_space<vmem>>, vector<16xf32>,
          tpu.vector_store %arg11[%swap3A_333, %swap3A_334], %bitcast3A_329 {strides = array<i32>} : memref<128x128xf32, #tpu.memory_space<vmem>>, vector<16xf32>,
          %swap3A_336 = arith.index_cast %add3A_306 : i32 to index
          %swap3A_337 = arith.constant 48 : index
          %swap3A_338 = tpu.vector_load %arg11[%swap3A_336, %swap3A_337] {strides = array<i32>} : memref<128x128xf32, #tpu.memory_space<vmem>>, vector<16xf32>,
          tpu.vector_store %arg11[%swap3A_336, %swap3A_337], %bitcast3A_332 {strides = array<i32>} : memref<128x128xf32, #tpu.memory_space<vmem>>, vector<16xf32>,
          %get3A_339 = arith.index_cast %add3A_306 : i32 to index
          %get3A_340 = arith.constant 32 : index
          %get3A_341 = tpu.vector_load %arg9[%get3A_339, %get3A_340] {strides = array<i32>} : memref<128x64xi32, #tpu.memory_space<vmem>>, vector<16xi32>,
          %shift_left3A_342 = arith.constant 16 : i32
          %shift_left3A_343 = vector.broadcast %shift_left3A_342 : i32 to vector<16xi32>
          %shift_left3A_344 = arith.shli %get3A_341, %shift_left3A_343 : vector<16xi32>
          %bitcast3A_345 = vector.bitcast %shift_left3A_344 : vector<16xi32> to vector<16xf32>
          %and3A_346 = vector.broadcast %scan3A_3 : i32 to vector<16xi32>
          %and3A_347 = arith.andi %get3A_341, %and3A_346 : vector<16xi32>
          %bitcast3A_348 = vector.bitcast %and3A_347 : vector<16xi32> to vector<16xf32>
          %swap3A_349 = arith.index_cast %add3A_306 : i32 to index
          %swap3A_350 = arith.constant 64 : index
          %swap3A_351 = tpu.vector_load %arg11[%swap3A_349, %swap3A_350] {strides = array<i32>} : memref<128x128xf32, #tpu.memory_space<vmem>>, vector<16xf32>,
          tpu.vector_store %arg11[%swap3A_349, %swap3A_350], %bitcast3A_345 {strides = array<i32>} : memref<128x128xf32, #tpu.memory_space<vmem>>, vector<16xf32>,
          %swap3A_352 = arith.index_cast %add3A_306 : i32 to index
          %swap3A_353 = arith.constant 80 : index
          %swap3A_354 = tpu.vector_load %arg11[%swap3A_352, %swap3A_353] {strides = array<i32>} : memref<128x128xf32, #tpu.memory_space<vmem>>, vector<16xf32>,
          tpu.vector_store %arg11[%swap3A_352, %swap3A_353], %bitcast3A_348 {strides = array<i32>} : memref<128x128xf32, #tpu.memory_space<vmem>>, vector<16xf32>,
          %get3A_355 = arith.index_cast %add3A_306 : i32 to index
          %get3A_356 = arith.constant 48 : index
          %get3A_357 = tpu.vector_load %arg9[%get3A_355, %get3A_356] {strides = array<i32>} : memref<128x64xi32, #tpu.memory_space<vmem>>, vector<16xi32>,
          %shift_left3A_358 = arith.constant 16 : i32
          %shift_left3A_359 = vector.broadcast %shift_left3A_358 : i32 to vector<16xi32>
          %shift_left3A_360 = arith.shli %get3A_357, %shift_left3A_359 : vector<16xi32>
          %bitcast3A_361 = vector.bitcast %shift_left3A_360 : vector<16xi32> to vector<16xf32>
          %and3A_362 = vector.broadcast %scan3A_3 : i32 to vector<16xi32>
          %and3A_363 = arith.andi %get3A_357, %and3A_362 : vector<16xi32>
          %bitcast3A_364 = vector.bitcast %and3A_363 : vector<16xi32> to vector<16xf32>
          %swap3A_365 = arith.index_cast %add3A_306 : i32 to index
          %swap3A_366 = arith.constant 96 : index
          %swap3A_367 = tpu.vector_load %arg11[%swap3A_365, %swap3A_366] {strides = array<i32>} : memref<128x128xf32, #tpu.memory_space<vmem>>, vector<16xf32>,
          tpu.vector_store %arg11[%swap3A_365, %swap3A_366], %bitcast3A_361 {strides = array<i32>} : memref<128x128xf32, #tpu.memory_space<vmem>>, vector<16xf32>,
          %swap3A_368 = arith.index_cast %add3A_306 : i32 to index
          %swap3A_369 = arith.constant 112 : index
          %swap3A_370 = tpu.vector_load %arg11[%swap3A_368, %swap3A_369] {strides = array<i32>} : memref<128x128xf32, #tpu.memory_space<vmem>>, vector<16xf32>,
          tpu.vector_store %arg11[%swap3A_368, %swap3A_369], %bitcast3A_364 {strides = array<i32>} : memref<128x128xf32, #tpu.memory_space<vmem>>, vector<16xf32>,
          %mul3A_371 = arith.constant 8 : i32
          %mul3A_372 = arith.muli %scan3A_103, %mul3A_371 : i32
          %add3A_373 = arith.constant 4 : i32
          %add3A_374 = arith.addi %mul3A_372, %add3A_373 : i32
          %get3A_375 = arith.index_cast %add3A_374 : i32 to index
          %get3A_376 = arith.constant 0 : index
          %get3A_377 = tpu.vector_load %arg9[%get3A_375, %get3A_376] {strides = array<i32>} : memref<128x64xi32, #tpu.memory_space<vmem>>, vector<16xi32>,
          %shift_left3A_378 = arith.constant 16 : i32
          %shift_left3A_379 = vector.broadcast %shift_left3A_378 : i32 to vector<16xi32>
          %shift_left3A_380 = arith.shli %get3A_377, %shift_left3A_379 : vector<16xi32>
          %bitcast3A_381 = vector.bitcast %shift_left3A_380 : vector<16xi32> to vector<16xf32>
          %and3A_382 = vector.broadcast %scan3A_3 : i32 to vector<16xi32>
          %and3A_383 = arith.andi %get3A_377, %and3A_382 : vector<16xi32>
          %bitcast3A_384 = vector.bitcast %and3A_383 : vector<16xi32> to vector<16xf32>
          %swap3A_385 = arith.index_cast %add3A_374 : i32 to index
          %swap3A_386 = arith.constant 0 : index
          %swap3A_387 = tpu.vector_load %arg11[%swap3A_385, %swap3A_386] {strides = array<i32>} : memref<128x128xf32, #tpu.memory_space<vmem>>, vector<16xf32>,
          tpu.vector_store %arg11[%swap3A_385, %swap3A_386], %bitcast3A_381 {strides = array<i32>} : memref<128x128xf32, #tpu.memory_space<vmem>>, vector<16xf32>,
          %swap3A_388 = arith.index_cast %add3A_374 : i32 to index
          %swap3A_389 = arith.constant 16 : index
          %swap3A_390 = tpu.vector_load %arg11[%swap3A_388, %swap3A_389] {strides = array<i32>} : memref<128x128xf32, #tpu.memory_space<vmem>>, vector<16xf32>,
          tpu.vector_store %arg11[%swap3A_388, %swap3A_389], %bitcast3A_384 {strides = array<i32>} : memref<128x128xf32, #tpu.memory_space<vmem>>, vector<16xf32>,
          %get3A_391 = arith.index_cast %add3A_374 : i32 to index
          %get3A_392 = arith.constant 16 : index
          %get3A_393 = tpu.vector_load %arg9[%get3A_391, %get3A_392] {strides = array<i32>} : memref<128x64xi32, #tpu.memory_space<vmem>>, vector<16xi32>,
          %shift_left3A_394 = arith.constant 16 : i32
          %shift_left3A_395 = vector.broadcast %shift_left3A_394 : i32 to vector<16xi32>
          %shift_left3A_396 = arith.shli %get3A_393, %shift_left3A_395 : vector<16xi32>
          %bitcast3A_397 = vector.bitcast %shift_left3A_396 : vector<16xi32> to vector<16xf32>
          %and3A_398 = vector.broadcast %scan3A_3 : i32 to vector<16xi32>
          %and3A_399 = arith.andi %get3A_393, %and3A_398 : vector<16xi32>
          %bitcast3A_400 = vector.bitcast %and3A_399 : vector<16xi32> to vector<16xf32>
          %swap3A_401 = arith.index_cast %add3A_374 : i32 to index
          %swap3A_402 = arith.constant 32 : index
          %swap3A_403 = tpu.vector_load %arg11[%swap3A_401, %swap3A_402] {strides = array<i32>} : memref<128x128xf32, #tpu.memory_space<vmem>>, vector<16xf32>,
          tpu.vector_store %arg11[%swap3A_401, %swap3A_402], %bitcast3A_397 {strides = array<i32>} : memref<128x128xf32, #tpu.memory_space<vmem>>, vector<16xf32>,
          %swap3A_404 = arith.index_cast %add3A_374 : i32 to index
          %swap3A_405 = arith.constant 48 : index
          %swap3A_406 = tpu.vector_load %arg11[%swap3A_404, %swap3A_405] {strides = array<i32>} : memref<128x128xf32, #tpu.memory_space<vmem>>, vector<16xf32>,
          tpu.vector_store %arg11[%swap3A_404, %swap3A_405], %bitcast3A_400 {strides = array<i32>} : memref<128x128xf32, #tpu.memory_space<vmem>>, vector<16xf32>,
          %get3A_407 = arith.index_cast %add3A_374 : i32 to index
          %get3A_408 = arith.constant 32 : index
          %get3A_409 = tpu.vector_load %arg9[%get3A_407, %get3A_408] {strides = array<i32>} : memref<128x64xi32, #tpu.memory_space<vmem>>, vector<16xi32>,
          %shift_left3A_410 = arith.constant 16 : i32
          %shift_left3A_411 = vector.broadcast %shift_left3A_410 : i32 to vector<16xi32>
          %shift_left3A_412 = arith.shli %get3A_409, %shift_left3A_411 : vector<16xi32>
          %bitcast3A_413 = vector.bitcast %shift_left3A_412 : vector<16xi32> to vector<16xf32>
          %and3A_414 = vector.broadcast %scan3A_3 : i32 to vector<16xi32>
          %and3A_415 = arith.andi %get3A_409, %and3A_414 : vector<16xi32>
          %bitcast3A_416 = vector.bitcast %and3A_415 : vector<16xi32> to vector<16xf32>
          %swap3A_417 = arith.index_cast %add3A_374 : i32 to index
          %swap3A_418 = arith.constant 64 : index
          %swap3A_419 = tpu.vector_load %arg11[%swap3A_417, %swap3A_418] {strides = array<i32>} : memref<128x128xf32, #tpu.memory_space<vmem>>, vector<16xf32>,
          tpu.vector_store %arg11[%swap3A_417, %swap3A_418], %bitcast3A_413 {strides = array<i32>} : memref<128x128xf32, #tpu.memory_space<vmem>>, vector<16xf32>,
          %swap3A_420 = arith.index_cast %add3A_374 : i32 to index
          %swap3A_421 = arith.constant 80 : index
          %swap3A_422 = tpu.vector_load %arg11[%swap3A_420, %swap3A_421] {strides = array<i32>} : memref<128x128xf32, #tpu.memory_space<vmem>>, vector<16xf32>,
          tpu.vector_store %arg11[%swap3A_420, %swap3A_421], %bitcast3A_416 {strides = array<i32>} : memref<128x128xf32, #tpu.memory_space<vmem>>, vector<16xf32>,
          %get3A_423 = arith.index_cast %add3A_374 : i32 to index
          %get3A_424 = arith.constant 48 : index
          %get3A_425 = tpu.vector_load %arg9[%get3A_423, %get3A_424] {strides = array<i32>} : memref<128x64xi32, #tpu.memory_space<vmem>>, vector<16xi32>,
          %shift_left3A_426 = arith.constant 16 : i32
          %shift_left3A_427 = vector.broadcast %shift_left3A_426 : i32 to vector<16xi32>
          %shift_left3A_428 = arith.shli %get3A_425, %shift_left3A_427 : vector<16xi32>
          %bitcast3A_429 = vector.bitcast %shift_left3A_428 : vector<16xi32> to vector<16xf32>
          %and3A_430 = vector.broadcast %scan3A_3 : i32 to vector<16xi32>
          %and3A_431 = arith.andi %get3A_425, %and3A_430 : vector<16xi32>
          %bitcast3A_432 = vector.bitcast %and3A_431 : vector<16xi32> to vector<16xf32>
          %swap3A_433 = arith.index_cast %add3A_374 : i32 to index
          %swap3A_434 = arith.constant 96 : index
          %swap3A_435 = tpu.vector_load %arg11[%swap3A_433, %swap3A_434] {strides = array<i32>} : memref<128x128xf32, #tpu.memory_space<vmem>>, vector<16xf32>,
          tpu.vector_store %arg11[%swap3A_433, %swap3A_434], %bitcast3A_429 {strides = array<i32>} : memref<128x128xf32, #tpu.memory_space<vmem>>, vector<16xf32>,
          %swap3A_436 = arith.index_cast %add3A_374 : i32 to index
          %swap3A_437 = arith.constant 112 : index
          %swap3A_438 = tpu.vector_load %arg11[%swap3A_436, %swap3A_437] {strides = array<i32>} : memref<128x128xf32, #tpu.memory_space<vmem>>, vector<16xf32>,
          tpu.vector_store %arg11[%swap3A_436, %swap3A_437], %bitcast3A_432 {strides = array<i32>} : memref<128x128xf32, #tpu.memory_space<vmem>>, vector<16xf32>,
          %mul3A_439 = arith.constant 8 : i32
          %mul3A_440 = arith.muli %scan3A_103, %mul3A_439 : i32
          %add3A_441 = arith.constant 5 : i32
          %add3A_442 = arith.addi %mul3A_440, %add3A_441 : i32
          %get3A_443 = arith.index_cast %add3A_442 : i32 to index
          %get3A_444 = arith.constant 0 : index
          %get3A_445 = tpu.vector_load %arg9[%get3A_443, %get3A_444] {strides = array<i32>} : memref<128x64xi32, #tpu.memory_space<vmem>>, vector<16xi32>,
          %shift_left3A_446 = arith.constant 16 : i32
          %shift_left3A_447 = vector.broadcast %shift_left3A_446 : i32 to vector<16xi32>
          %shift_left3A_448 = arith.shli %get3A_445, %shift_left3A_447 : vector<16xi32>
          %bitcast3A_449 = vector.bitcast %shift_left3A_448 : vector<16xi32> to vector<16xf32>
          %and3A_450 = vector.broadcast %scan3A_3 : i32 to vector<16xi32>
          %and3A_451 = arith.andi %get3A_445, %and3A_450 : vector<16xi32>
          %bitcast3A_452 = vector.bitcast %and3A_451 : vector<16xi32> to vector<16xf32>
          %swap3A_453 = arith.index_cast %add3A_442 : i32 to index
          %swap3A_454 = arith.constant 0 : index
          %swap3A_455 = tpu.vector_load %arg11[%swap3A_453, %swap3A_454] {strides = array<i32>} : memref<128x128xf32, #tpu.memory_space<vmem>>, vector<16xf32>,
          tpu.vector_store %arg11[%swap3A_453, %swap3A_454], %bitcast3A_449 {strides = array<i32>} : memref<128x128xf32, #tpu.memory_space<vmem>>, vector<16xf32>,
          %swap3A_456 = arith.index_cast %add3A_442 : i32 to index
          %swap3A_457 = arith.constant 16 : index
          %swap3A_458 = tpu.vector_load %arg11[%swap3A_456, %swap3A_457] {strides = array<i32>} : memref<128x128xf32, #tpu.memory_space<vmem>>, vector<16xf32>,
          tpu.vector_store %arg11[%swap3A_456, %swap3A_457], %bitcast3A_452 {strides = array<i32>} : memref<128x128xf32, #tpu.memory_space<vmem>>, vector<16xf32>,
          %get3A_459 = arith.index_cast %add3A_442 : i32 to index
          %get3A_460 = arith.constant 16 : index
          %get3A_461 = tpu.vector_load %arg9[%get3A_459, %get3A_460] {strides = array<i32>} : memref<128x64xi32, #tpu.memory_space<vmem>>, vector<16xi32>,
          %shift_left3A_462 = arith.constant 16 : i32
          %shift_left3A_463 = vector.broadcast %shift_left3A_462 : i32 to vector<16xi32>
          %shift_left3A_464 = arith.shli %get3A_461, %shift_left3A_463 : vector<16xi32>
          %bitcast3A_465 = vector.bitcast %shift_left3A_464 : vector<16xi32> to vector<16xf32>
          %and3A_466 = vector.broadcast %scan3A_3 : i32 to vector<16xi32>
          %and3A_467 = arith.andi %get3A_461, %and3A_466 : vector<16xi32>
          %bitcast3A_468 = vector.bitcast %and3A_467 : vector<16xi32> to vector<16xf32>
          %swap3A_469 = arith.index_cast %add3A_442 : i32 to index
          %swap3A_470 = arith.constant 32 : index
          %swap3A_471 = tpu.vector_load %arg11[%swap3A_469, %swap3A_470] {strides = array<i32>} : memref<128x128xf32, #tpu.memory_space<vmem>>, vector<16xf32>,
          tpu.vector_store %arg11[%swap3A_469, %swap3A_470], %bitcast3A_465 {strides = array<i32>} : memref<128x128xf32, #tpu.memory_space<vmem>>, vector<16xf32>,
          %swap3A_472 = arith.index_cast %add3A_442 : i32 to index
          %swap3A_473 = arith.constant 48 : index
          %swap3A_474 = tpu.vector_load %arg11[%swap3A_472, %swap3A_473] {strides = array<i32>} : memref<128x128xf32, #tpu.memory_space<vmem>>, vector<16xf32>,
          tpu.vector_store %arg11[%swap3A_472, %swap3A_473], %bitcast3A_468 {strides = array<i32>} : memref<128x128xf32, #tpu.memory_space<vmem>>, vector<16xf32>,
          %get3A_475 = arith.index_cast %add3A_442 : i32 to index
          %get3A_476 = arith.constant 32 : index
          %get3A_477 = tpu.vector_load %arg9[%get3A_475, %get3A_476] {strides = array<i32>} : memref<128x64xi32, #tpu.memory_space<vmem>>, vector<16xi32>,
          %shift_left3A_478 = arith.constant 16 : i32
          %shift_left3A_479 = vector.broadcast %shift_left3A_478 : i32 to vector<16xi32>
          %shift_left3A_480 = arith.shli %get3A_477, %shift_left3A_479 : vector<16xi32>
          %bitcast3A_481 = vector.bitcast %shift_left3A_480 : vector<16xi32> to vector<16xf32>
          %and3A_482 = vector.broadcast %scan3A_3 : i32 to vector<16xi32>
          %and3A_483 = arith.andi %get3A_477, %and3A_482 : vector<16xi32>
          %bitcast3A_484 = vector.bitcast %and3A_483 : vector<16xi32> to vector<16xf32>
          %swap3A_485 = arith.index_cast %add3A_442 : i32 to index
          %swap3A_486 = arith.constant 64 : index
          %swap3A_487 = tpu.vector_load %arg11[%swap3A_485, %swap3A_486] {strides = array<i32>} : memref<128x128xf32, #tpu.memory_space<vmem>>, vector<16xf32>,
          tpu.vector_store %arg11[%swap3A_485, %swap3A_486], %bitcast3A_481 {strides = array<i32>} : memref<128x128xf32, #tpu.memory_space<vmem>>, vector<16xf32>,
          %swap3A_488 = arith.index_cast %add3A_442 : i32 to index
          %swap3A_489 = arith.constant 80 : index
          %swap3A_490 = tpu.vector_load %arg11[%swap3A_488, %swap3A_489] {strides = array<i32>} : memref<128x128xf32, #tpu.memory_space<vmem>>, vector<16xf32>,
          tpu.vector_store %arg11[%swap3A_488, %swap3A_489], %bitcast3A_484 {strides = array<i32>} : memref<128x128xf32, #tpu.memory_space<vmem>>, vector<16xf32>,
          %get3A_491 = arith.index_cast %add3A_442 : i32 to index
          %get3A_492 = arith.constant 48 : index
          %get3A_493 = tpu.vector_load %arg9[%get3A_491, %get3A_492] {strides = array<i32>} : memref<128x64xi32, #tpu.memory_space<vmem>>, vector<16xi32>,
          %shift_left3A_494 = arith.constant 16 : i32
          %shift_left3A_495 = vector.broadcast %shift_left3A_494 : i32 to vector<16xi32>
          %shift_left3A_496 = arith.shli %get3A_493, %shift_left3A_495 : vector<16xi32>
          %bitcast3A_497 = vector.bitcast %shift_left3A_496 : vector<16xi32> to vector<16xf32>
          %and3A_498 = vector.broadcast %scan3A_3 : i32 to vector<16xi32>
          %and3A_499 = arith.andi %get3A_493, %and3A_498 : vector<16xi32>
          %bitcast3A_500 = vector.bitcast %and3A_499 : vector<16xi32> to vector<16xf32>
          %swap3A_501 = arith.index_cast %add3A_442 : i32 to index
          %swap3A_502 = arith.constant 96 : index
          %swap3A_503 = tpu.vector_load %arg11[%swap3A_501, %swap3A_502] {strides = array<i32>} : memref<128x128xf32, #tpu.memory_space<vmem>>, vector<16xf32>,
          tpu.vector_store %arg11[%swap3A_501, %swap3A_502], %bitcast3A_497 {strides = array<i32>} : memref<128x128xf32, #tpu.memory_space<vmem>>, vector<16xf32>,
          %swap3A_504 = arith.index_cast %add3A_442 : i32 to index
          %swap3A_505 = arith.constant 112 : index
          %swap3A_506 = tpu.vector_load %arg11[%swap3A_504, %swap3A_505] {strides = array<i32>} : memref<128x128xf32, #tpu.memory_space<vmem>>, vector<16xf32>,
          tpu.vector_store %arg11[%swap3A_504, %swap3A_505], %bitcast3A_500 {strides = array<i32>} : memref<128x128xf32, #tpu.memory_space<vmem>>, vector<16xf32>,
          %mul3A_507 = arith.constant 8 : i32
          %mul3A_508 = arith.muli %scan3A_103, %mul3A_507 : i32
          %add3A_509 = arith.constant 6 : i32
          %add3A_510 = arith.addi %mul3A_508, %add3A_509 : i32
          %get3A_511 = arith.index_cast %add3A_510 : i32 to index
          %get3A_512 = arith.constant 0 : index
          %get3A_513 = tpu.vector_load %arg9[%get3A_511, %get3A_512] {strides = array<i32>} : memref<128x64xi32, #tpu.memory_space<vmem>>, vector<16xi32>,
          %shift_left3A_514 = arith.constant 16 : i32
          %shift_left3A_515 = vector.broadcast %shift_left3A_514 : i32 to vector<16xi32>
          %shift_left3A_516 = arith.shli %get3A_513, %shift_left3A_515 : vector<16xi32>
          %bitcast3A_517 = vector.bitcast %shift_left3A_516 : vector<16xi32> to vector<16xf32>
          %and3A_518 = vector.broadcast %scan3A_3 : i32 to vector<16xi32>
          %and3A_519 = arith.andi %get3A_513, %and3A_518 : vector<16xi32>
          %bitcast3A_520 = vector.bitcast %and3A_519 : vector<16xi32> to vector<16xf32>
          %swap3A_521 = arith.index_cast %add3A_510 : i32 to index
          %swap3A_522 = arith.constant 0 : index
          %swap3A_523 = tpu.vector_load %arg11[%swap3A_521, %swap3A_522] {strides = array<i32>} : memref<128x128xf32, #tpu.memory_space<vmem>>, vector<16xf32>,
          tpu.vector_store %arg11[%swap3A_521, %swap3A_522], %bitcast3A_517 {strides = array<i32>} : memref<128x128xf32, #tpu.memory_space<vmem>>, vector<16xf32>,
          %swap3A_524 = arith.index_cast %add3A_510 : i32 to index
          %swap3A_525 = arith.constant 16 : index
          %swap3A_526 = tpu.vector_load %arg11[%swap3A_524, %swap3A_525] {strides = array<i32>} : memref<128x128xf32, #tpu.memory_space<vmem>>, vector<16xf32>,
          tpu.vector_store %arg11[%swap3A_524, %swap3A_525], %bitcast3A_520 {strides = array<i32>} : memref<128x128xf32, #tpu.memory_space<vmem>>, vector<16xf32>,
          %get3A_527 = arith.index_cast %add3A_510 : i32 to index
          %get3A_528 = arith.constant 16 : index
          %get3A_529 = tpu.vector_load %arg9[%get3A_527, %get3A_528] {strides = array<i32>} : memref<128x64xi32, #tpu.memory_space<vmem>>, vector<16xi32>,
          %shift_left3A_530 = arith.constant 16 : i32
          %shift_left3A_531 = vector.broadcast %shift_left3A_530 : i32 to vector<16xi32>
          %shift_left3A_532 = arith.shli %get3A_529, %shift_left3A_531 : vector<16xi32>
          %bitcast3A_533 = vector.bitcast %shift_left3A_532 : vector<16xi32> to vector<16xf32>
          %and3A_534 = vector.broadcast %scan3A_3 : i32 to vector<16xi32>
          %and3A_535 = arith.andi %get3A_529, %and3A_534 : vector<16xi32>
          %bitcast3A_536 = vector.bitcast %and3A_535 : vector<16xi32> to vector<16xf32>
          %swap3A_537 = arith.index_cast %add3A_510 : i32 to index
          %swap3A_538 = arith.constant 32 : index
          %swap3A_539 = tpu.vector_load %arg11[%swap3A_537, %swap3A_538] {strides = array<i32>} : memref<128x128xf32, #tpu.memory_space<vmem>>, vector<16xf32>,
          tpu.vector_store %arg11[%swap3A_537, %swap3A_538], %bitcast3A_533 {strides = array<i32>} : memref<128x128xf32, #tpu.memory_space<vmem>>, vector<16xf32>,
          %swap3A_540 = arith.index_cast %add3A_510 : i32 to index
          %swap3A_541 = arith.constant 48 : index
          %swap3A_542 = tpu.vector_load %arg11[%swap3A_540, %swap3A_541] {strides = array<i32>} : memref<128x128xf32, #tpu.memory_space<vmem>>, vector<16xf32>,
          tpu.vector_store %arg11[%swap3A_540, %swap3A_541], %bitcast3A_536 {strides = array<i32>} : memref<128x128xf32, #tpu.memory_space<vmem>>, vector<16xf32>,
          %get3A_543 = arith.index_cast %add3A_510 : i32 to index
          %get3A_544 = arith.constant 32 : index
          %get3A_545 = tpu.vector_load %arg9[%get3A_543, %get3A_544] {strides = array<i32>} : memref<128x64xi32, #tpu.memory_space<vmem>>, vector<16xi32>,
          %shift_left3A_546 = arith.constant 16 : i32
          %shift_left3A_547 = vector.broadcast %shift_left3A_546 : i32 to vector<16xi32>
          %shift_left3A_548 = arith.shli %get3A_545, %shift_left3A_547 : vector<16xi32>
          %bitcast3A_549 = vector.bitcast %shift_left3A_548 : vector<16xi32> to vector<16xf32>
          %and3A_550 = vector.broadcast %scan3A_3 : i32 to vector<16xi32>
          %and3A_551 = arith.andi %get3A_545, %and3A_550 : vector<16xi32>
          %bitcast3A_552 = vector.bitcast %and3A_551 : vector<16xi32> to vector<16xf32>
          %swap3A_553 = arith.index_cast %add3A_510 : i32 to index
          %swap3A_554 = arith.constant 64 : index
          %swap3A_555 = tpu.vector_load %arg11[%swap3A_553, %swap3A_554] {strides = array<i32>} : memref<128x128xf32, #tpu.memory_space<vmem>>, vector<16xf32>,
          tpu.vector_store %arg11[%swap3A_553, %swap3A_554], %bitcast3A_549 {strides = array<i32>} : memref<128x128xf32, #tpu.memory_space<vmem>>, vector<16xf32>,
          %swap3A_556 = arith.index_cast %add3A_510 : i32 to index
          %swap3A_557 = arith.constant 80 : index
          %swap3A_558 = tpu.vector_load %arg11[%swap3A_556, %swap3A_557] {strides = array<i32>} : memref<128x128xf32, #tpu.memory_space<vmem>>, vector<16xf32>,
          tpu.vector_store %arg11[%swap3A_556, %swap3A_557], %bitcast3A_552 {strides = array<i32>} : memref<128x128xf32, #tpu.memory_space<vmem>>, vector<16xf32>,
          %get3A_559 = arith.index_cast %add3A_510 : i32 to index
          %get3A_560 = arith.constant 48 : index
          %get3A_561 = tpu.vector_load %arg9[%get3A_559, %get3A_560] {strides = array<i32>} : memref<128x64xi32, #tpu.memory_space<vmem>>, vector<16xi32>,
          %shift_left3A_562 = arith.constant 16 : i32
          %shift_left3A_563 = vector.broadcast %shift_left3A_562 : i32 to vector<16xi32>
          %shift_left3A_564 = arith.shli %get3A_561, %shift_left3A_563 : vector<16xi32>
          %bitcast3A_565 = vector.bitcast %shift_left3A_564 : vector<16xi32> to vector<16xf32>
          %and3A_566 = vector.broadcast %scan3A_3 : i32 to vector<16xi32>
          %and3A_567 = arith.andi %get3A_561, %and3A_566 : vector<16xi32>
          %bitcast3A_568 = vector.bitcast %and3A_567 : vector<16xi32> to vector<16xf32>
          %swap3A_569 = arith.index_cast %add3A_510 : i32 to index
          %swap3A_570 = arith.constant 96 : index
          %swap3A_571 = tpu.vector_load %arg11[%swap3A_569, %swap3A_570] {strides = array<i32>} : memref<128x128xf32, #tpu.memory_space<vmem>>, vector<16xf32>,
          tpu.vector_store %arg11[%swap3A_569, %swap3A_570], %bitcast3A_565 {strides = array<i32>} : memref<128x128xf32, #tpu.memory_space<vmem>>, vector<16xf32>,
          %swap3A_572 = arith.index_cast %add3A_510 : i32 to index
          %swap3A_573 = arith.constant 112 : index
          %swap3A_574 = tpu.vector_load %arg11[%swap3A_572, %swap3A_573] {strides = array<i32>} : memref<128x128xf32, #tpu.memory_space<vmem>>, vector<16xf32>,
          tpu.vector_store %arg11[%swap3A_572, %swap3A_573], %bitcast3A_568 {strides = array<i32>} : memref<128x128xf32, #tpu.memory_space<vmem>>, vector<16xf32>,
          %mul3A_575 = arith.constant 8 : i32
          %mul3A_576 = arith.muli %scan3A_103, %mul3A_575 : i32
          %add3A_577 = arith.constant 7 : i32
          %add3A_578 = arith.addi %mul3A_576, %add3A_577 : i32
          %get3A_579 = arith.index_cast %add3A_578 : i32 to index
          %get3A_580 = arith.constant 0 : index
          %get3A_581 = tpu.vector_load %arg9[%get3A_579, %get3A_580] {strides = array<i32>} : memref<128x64xi32, #tpu.memory_space<vmem>>, vector<16xi32>,
          %shift_left3A_582 = arith.constant 16 : i32
          %shift_left3A_583 = vector.broadcast %shift_left3A_582 : i32 to vector<16xi32>
          %shift_left3A_584 = arith.shli %get3A_581, %shift_left3A_583 : vector<16xi32>
          %bitcast3A_585 = vector.bitcast %shift_left3A_584 : vector<16xi32> to vector<16xf32>
          %and3A_586 = vector.broadcast %scan3A_3 : i32 to vector<16xi32>
          %and3A_587 = arith.andi %get3A_581, %and3A_586 : vector<16xi32>
          %bitcast3A_588 = vector.bitcast %and3A_587 : vector<16xi32> to vector<16xf32>
          %swap3A_589 = arith.index_cast %add3A_578 : i32 to index
          %swap3A_590 = arith.constant 0 : index
          %swap3A_591 = tpu.vector_load %arg11[%swap3A_589, %swap3A_590] {strides = array<i32>} : memref<128x128xf32, #tpu.memory_space<vmem>>, vector<16xf32>,
          tpu.vector_store %arg11[%swap3A_589, %swap3A_590], %bitcast3A_585 {strides = array<i32>} : memref<128x128xf32, #tpu.memory_space<vmem>>, vector<16xf32>,
          %swap3A_592 = arith.index_cast %add3A_578 : i32 to index
          %swap3A_593 = arith.constant 16 : index
          %swap3A_594 = tpu.vector_load %arg11[%swap3A_592, %swap3A_593] {strides = array<i32>} : memref<128x128xf32, #tpu.memory_space<vmem>>, vector<16xf32>,
          tpu.vector_store %arg11[%swap3A_592, %swap3A_593], %bitcast3A_588 {strides = array<i32>} : memref<128x128xf32, #tpu.memory_space<vmem>>, vector<16xf32>,
          %get3A_595 = arith.index_cast %add3A_578 : i32 to index
          %get3A_596 = arith.constant 16 : index
          %get3A_597 = tpu.vector_load %arg9[%get3A_595, %get3A_596] {strides = array<i32>} : memref<128x64xi32, #tpu.memory_space<vmem>>, vector<16xi32>,
          %shift_left3A_598 = arith.constant 16 : i32
          %shift_left3A_599 = vector.broadcast %shift_left3A_598 : i32 to vector<16xi32>
          %shift_left3A_600 = arith.shli %get3A_597, %shift_left3A_599 : vector<16xi32>
          %bitcast3A_601 = vector.bitcast %shift_left3A_600 : vector<16xi32> to vector<16xf32>
          %and3A_602 = vector.broadcast %scan3A_3 : i32 to vector<16xi32>
          %and3A_603 = arith.andi %get3A_597, %and3A_602 : vector<16xi32>
          %bitcast3A_604 = vector.bitcast %and3A_603 : vector<16xi32> to vector<16xf32>
          %swap3A_605 = arith.index_cast %add3A_578 : i32 to index
          %swap3A_606 = arith.constant 32 : index
          %swap3A_607 = tpu.vector_load %arg11[%swap3A_605, %swap3A_606] {strides = array<i32>} : memref<128x128xf32, #tpu.memory_space<vmem>>, vector<16xf32>,
          tpu.vector_store %arg11[%swap3A_605, %swap3A_606], %bitcast3A_601 {strides = array<i32>} : memref<128x128xf32, #tpu.memory_space<vmem>>, vector<16xf32>,
          %swap3A_608 = arith.index_cast %add3A_578 : i32 to index
          %swap3A_609 = arith.constant 48 : index
          %swap3A_610 = tpu.vector_load %arg11[%swap3A_608, %swap3A_609] {strides = array<i32>} : memref<128x128xf32, #tpu.memory_space<vmem>>, vector<16xf32>,
          tpu.vector_store %arg11[%swap3A_608, %swap3A_609], %bitcast3A_604 {strides = array<i32>} : memref<128x128xf32, #tpu.memory_space<vmem>>, vector<16xf32>,
          %get3A_611 = arith.index_cast %add3A_578 : i32 to index
          %get3A_612 = arith.constant 32 : index
          %get3A_613 = tpu.vector_load %arg9[%get3A_611, %get3A_612] {strides = array<i32>} : memref<128x64xi32, #tpu.memory_space<vmem>>, vector<16xi32>,
          %shift_left3A_614 = arith.constant 16 : i32
          %shift_left3A_615 = vector.broadcast %shift_left3A_614 : i32 to vector<16xi32>
          %shift_left3A_616 = arith.shli %get3A_613, %shift_left3A_615 : vector<16xi32>
          %bitcast3A_617 = vector.bitcast %shift_left3A_616 : vector<16xi32> to vector<16xf32>
          %and3A_618 = vector.broadcast %scan3A_3 : i32 to vector<16xi32>
          %and3A_619 = arith.andi %get3A_613, %and3A_618 : vector<16xi32>
          %bitcast3A_620 = vector.bitcast %and3A_619 : vector<16xi32> to vector<16xf32>
          %swap3A_621 = arith.index_cast %add3A_578 : i32 to index
          %swap3A_622 = arith.constant 64 : index
          %swap3A_623 = tpu.vector_load %arg11[%swap3A_621, %swap3A_622] {strides = array<i32>} : memref<128x128xf32, #tpu.memory_space<vmem>>, vector<16xf32>,
          tpu.vector_store %arg11[%swap3A_621, %swap3A_622], %bitcast3A_617 {strides = array<i32>} : memref<128x128xf32, #tpu.memory_space<vmem>>, vector<16xf32>,
          %swap3A_624 = arith.index_cast %add3A_578 : i32 to index
          %swap3A_625 = arith.constant 80 : index
          %swap3A_626 = tpu.vector_load %arg11[%swap3A_624, %swap3A_625] {strides = array<i32>} : memref<128x128xf32, #tpu.memory_space<vmem>>, vector<16xf32>,
          tpu.vector_store %arg11[%swap3A_624, %swap3A_625], %bitcast3A_620 {strides = array<i32>} : memref<128x128xf32, #tpu.memory_space<vmem>>, vector<16xf32>,
          %get3A_627 = arith.index_cast %add3A_578 : i32 to index
          %get3A_628 = arith.constant 48 : index
          %get3A_629 = tpu.vector_load %arg9[%get3A_627, %get3A_628] {strides = array<i32>} : memref<128x64xi32, #tpu.memory_space<vmem>>, vector<16xi32>,
          %shift_left3A_630 = arith.constant 16 : i32
          %shift_left3A_631 = vector.broadcast %shift_left3A_630 : i32 to vector<16xi32>
          %shift_left3A_632 = arith.shli %get3A_629, %shift_left3A_631 : vector<16xi32>
          %bitcast3A_633 = vector.bitcast %shift_left3A_632 : vector<16xi32> to vector<16xf32>
          %and3A_634 = vector.broadcast %scan3A_3 : i32 to vector<16xi32>
          %and3A_635 = arith.andi %get3A_629, %and3A_634 : vector<16xi32>
          %bitcast3A_636 = vector.bitcast %and3A_635 : vector<16xi32> to vector<16xf32>
          %swap3A_637 = arith.index_cast %add3A_578 : i32 to index
          %swap3A_638 = arith.constant 96 : index
          %swap3A_639 = tpu.vector_load %arg11[%swap3A_637, %swap3A_638] {strides = array<i32>} : memref<128x128xf32, #tpu.memory_space<vmem>>, vector<16xf32>,
          tpu.vector_store %arg11[%swap3A_637, %swap3A_638], %bitcast3A_633 {strides = array<i32>} : memref<128x128xf32, #tpu.memory_space<vmem>>, vector<16xf32>,
          %swap3A_640 = arith.index_cast %add3A_578 : i32 to index
          %swap3A_641 = arith.constant 112 : index
          %swap3A_642 = tpu.vector_load %arg11[%swap3A_640, %swap3A_641] {strides = array<i32>} : memref<128x128xf32, #tpu.memory_space<vmem>>, vector<16xf32>,
          tpu.vector_store %arg11[%swap3A_640, %swap3A_641], %bitcast3A_636 {strides = array<i32>} : memref<128x128xf32, #tpu.memory_space<vmem>>, vector<16xf32>,
        }
        %scan3A_92 = arith.constant 16 : i32
        %lt3A = arith.constant 8 : i32
        %lt3A_93 = arith.cmpi slt, %scan3A_45, %lt3A : i32
        %convert_element_type3A_94 = arith.extui %lt3A_93 : i1 to i32
        %cond3A_95 = arith.constant 0 : i32
        %cond3A_96 = arith.cmpi ne, %convert_element_type3A_94, %cond3A_95 : i32
        scf.if %cond3A_96 {
          %add3A_103 = arith.constant 2 : i32
          %add3A_104 = arith.addi %mul3A_47, %add3A_103 : i32
          %dma_start3A_105 = arith.constant 0 : i32
          %dma_start3A_106 = tpu.memref_slice %arg7[%add3A_104, %dma_start3A_105] : memref<18x128xi32, #tpu.memory_space<vmem>> -> memref<1x128xi32, #tpu.memory_space<vmem>>
          %dma_start3A_107 = tpu.memref_squeeze %dma_start3A_106 : memref<1x128xi32, #tpu.memory_space<vmem>> -> memref<128xi32, #tpu.memory_space<vmem>>
          %dma_start3A_108 = arith.constant 0 : i32
          %dma_start3A_109 = arith.constant 0 : i32
          %dma_start3A_110 = tpu.memref_slice %arg2[%dma_start3A_108, %dma_start3A_109] : memref<20000x64xi32, #tpu.memory_space<hbm>> -> memref<20000x64xi32, #tpu.memory_space<hbm>>
          tpu.enqueue_indirect_dma source(%dma_start3A_110 : memref<20000x64xi32, #tpu.memory_space<hbm>>) target(%arg9 : memref<128x64xi32, #tpu.memory_space<vmem>>) offsets(%dma_start3A_107 : memref<128xi32, #tpu.memory_space<vmem>>) semaphore(%arg13 : memref<!tpu.dma_semaphore, #tpu.memory_space<semaphore_mem>>)
        } else {
        }
        %dma_start3A_97 = arith.constant 0 : i32
        %dma_start3A_98 = tpu.memref_slice %arg8[%add3A_49, %dma_start3A_97] : memref<18x128xi32, #tpu.memory_space<vmem>> -> memref<1x128xi32, #tpu.memory_space<vmem>>
        %dma_start3A_99 = tpu.memref_squeeze %dma_start3A_98 : memref<1x128xi32, #tpu.memory_space<vmem>> -> memref<128xi32, #tpu.memory_space<vmem>>
        %dma_start3A_100 = arith.constant 0 : i32
        %dma_start3A_101 = arith.constant 0 : i32
        %dma_start3A_102 = tpu.memref_slice %arg12[%dma_start3A_100, %dma_start3A_101] : memref<10016x128xf32, #tpu.memory_space<vmem_shared>> -> memref<10016x128xf32, #tpu.memory_space<vmem_shared>>
        tpu.enqueue_indirect_dma source(%arg11 : memref<128x128xf32, #tpu.memory_space<vmem>>) target(%dma_start3A_102 : memref<10016x128xf32, #tpu.memory_space<vmem_shared>>) offsets(%dma_start3A_99 : memref<128xi32, #tpu.memory_space<vmem>>) semaphore(%arg15 : memref<!tpu.dma_semaphore, #tpu.memory_space<semaphore_mem>>) {add = true}
      }
      %scan3A_31 = arith.constant 9 : i32
      %dma_wait3A = arith.constant 16 : i32
      %dma_wait3A_32 = arith.constant 0 : i32
      %dma_wait3A_33 = tpu.memref_slice %arg8[%dma_wait3A, %dma_wait3A_32] : memref<18x128xi32, #tpu.memory_space<vmem>> -> memref<1x128xi32, #tpu.memory_space<vmem>>
      %dma_wait3A_34 = tpu.memref_squeeze %dma_wait3A_33 : memref<1x128xi32, #tpu.memory_space<vmem>> -> memref<128xi32, #tpu.memory_space<vmem>>
      %dma_wait3A_35 = arith.constant 0 : i32
      %dma_wait3A_36 = arith.constant 0 : i32
      %dma_wait3A_37 = tpu.memref_slice %arg12[%dma_wait3A_35, %dma_wait3A_36] : memref<10016x128xf32, #tpu.memory_space<vmem_shared>> -> memref<10016x128xf32, #tpu.memory_space<vmem_shared>>
      tpu.wait_indirect_dma semaphore(%arg14 : memref<!tpu.dma_semaphore, #tpu.memory_space<semaphore_mem>>) src(%arg10 : memref<128x128xf32, #tpu.memory_space<vmem>>) dst(%dma_wait3A_37 : memref<10016x128xf32, #tpu.memory_space<vmem_shared>>)
      %dma_wait3A_38 = arith.constant 17 : i32
      %dma_wait3A_39 = arith.constant 0 : i32
      %dma_wait3A_40 = tpu.memref_slice %arg8[%dma_wait3A_38, %dma_wait3A_39] : memref<18x128xi32, #tpu.memory_space<vmem>> -> memref<1x128xi32, #tpu.memory_space<vmem>>
      %dma_wait3A_41 = tpu.memref_squeeze %dma_wait3A_40 : memref<1x128xi32, #tpu.memory_space<vmem>> -> memref<128xi32, #tpu.memory_space<vmem>>
      %dma_wait3A_42 = arith.constant 0 : i32
      %dma_wait3A_43 = arith.constant 0 : i32
      %dma_wait3A_44 = tpu.memref_slice %arg12[%dma_wait3A_42, %dma_wait3A_43] : memref<10016x128xf32, #tpu.memory_space<vmem_shared>> -> memref<10016x128xf32, #tpu.memory_space<vmem_shared>>
      tpu.wait_indirect_dma semaphore(%arg15 : memref<!tpu.dma_semaphore, #tpu.memory_space<semaphore_mem>>) src(%arg11 : memref<128x128xf32, #tpu.memory_space<vmem>>) dst(%dma_wait3A_44 : memref<10016x128xf32, #tpu.memory_space<vmem_shared>>)
    }
    %scan3A_8 = arith.constant 9 : i32
    %barrier3A_9 = arith.constant 0 : index
    tpu.barrier barrier_id(%barrier3A_9)
    %mul3A_10 = arith.constant 626 : i32
    %mul3A_11 = arith.muli %arg1, %mul3A_10 : i32
    %mul3A_12 = arith.constant 626 : i32
    %mul3A_13 = arith.muli %arg1, %mul3A_12 : i32
    "tpu.region"() ({
      %run_scoped3A = tpu.sem_alloc : memref<!tpu.dma_semaphore, #tpu.memory_space<semaphore_mem>>
      %dma_start3A = arith.constant 0 : i32
      %dma_start3A_14 = tpu.memref_slice %arg6[%arg0, %mul3A_13, %dma_start3A] : memref<2x10016x128xf32, #tpu.memory_space<hbm>> -> memref<1x626x128xf32, #tpu.memory_space<hbm>>
      %dma_start3A_15 = tpu.memref_squeeze %dma_start3A_14 : memref<1x626x128xf32, #tpu.memory_space<hbm>> -> memref<626x128xf32, #tpu.memory_space<hbm>>
      %dma_start3A_16 = arith.constant 0 : i32
      %dma_start3A_17 = tpu.memref_slice %arg12[%mul3A_11, %dma_start3A_16] : memref<10016x128xf32, #tpu.memory_space<vmem_shared>> -> memref<626x128xf32, #tpu.memory_space<vmem_shared>>
      tpu.enqueue_dma source(%dma_start3A_17 : memref<626x128xf32, #tpu.memory_space<vmem_shared>>) target(%dma_start3A_15 : memref<626x128xf32, #tpu.memory_space<hbm>>) target_semaphore(%run_scoped3A : memref<!tpu.dma_semaphore, #tpu.memory_space<semaphore_mem>>)
      %dma_wait3A = arith.constant 0 : i32
      %dma_wait3A_18 = tpu.memref_slice %arg6[%arg0, %mul3A_13, %dma_wait3A] : memref<2x10016x128xf32, #tpu.memory_space<hbm>> -> memref<1x626x128xf32, #tpu.memory_space<hbm>>
      %dma_wait3A_19 = tpu.memref_squeeze %dma_wait3A_18 : memref<1x626x128xf32, #tpu.memory_space<hbm>> -> memref<626x128xf32, #tpu.memory_space<hbm>>
      %dma_wait3A_20 = arith.constant 0 : i32
      %dma_wait3A_21 = tpu.memref_slice %arg12[%mul3A_11, %dma_wait3A_20] : memref<10016x128xf32, #tpu.memory_space<vmem_shared>> -> memref<626x128xf32, #tpu.memory_space<vmem_shared>>
      tpu.wait_dma2 semaphore(%run_scoped3A : memref<!tpu.dma_semaphore, #tpu.memory_space<semaphore_mem>>) src(%dma_wait3A_21 : memref<626x128xf32, #tpu.memory_space<vmem_shared>>) dst(%dma_wait3A_19 : memref<626x128xf32, #tpu.memory_space<hbm>>)
      tpu.yield
    }) : () -> ()
    return
  }
}

module attributes {stable_mosaic.version = 14 : i64} {
  func.func @_tc0_body(%arg0: memref<10000x128xf32, #tpu.memory_space<vmem>>, %arg1: memref<128x256xf32, #tpu.memory_space<vmem>>, %arg2: memref<2x10016x16xf32, #tpu.memory_space<vmem>>, %arg3: memref<2x10000x128xbf16, #tpu.memory_space<vmem>>) attributes {dimension_semantics = [], scalar_prefetch = 0 : i64, scratch_operands = 0 : i64, tpu.core_type = #tpu.core_type<tc>} {
    %get3A = arith.constant 0 : index
    %get3A_0 = arith.constant 0 : index
    %get3A_1 = arith.constant 0 : index
    %get3A_2 = vector.load %arg2[%get3A, %get3A_0, %get3A_1] : memref<2x10016x16xf32, #tpu.memory_space<vmem>>, vector<1x10000x16xf32>
    %get3A_3 = vector.shape_cast %get3A_2 : vector<1x10000x16xf32> to vector<10000x16xf32>
    %get3A_4 = arith.constant 1 : index
    %get3A_5 = arith.constant 0 : index
    %get3A_6 = arith.constant 0 : index
    %get3A_7 = vector.load %arg2[%get3A_4, %get3A_5, %get3A_6] : memref<2x10016x16xf32, #tpu.memory_space<vmem>>, vector<1x10000x16xf32>
    %get3A_8 = vector.shape_cast %get3A_7 : vector<1x10000x16xf32> to vector<10000x16xf32>
    %add3A = arith.addf %get3A_3, %get3A_8 : vector<10000x16xf32>
    %slice3A = vector.extract_strided_slice %add3A {offsets = [0, 0], sizes = [10000, 1], strides = [1, 1]} : vector<10000x16xf32> to vector<10000x1xf32>
    %max3A = arith.constant 1.000000e+00 : f32
    %max3A_9 = vector.broadcast %max3A : f32 to vector<10000x1xf32>
    %max3A_10 = arith.maximumf %slice3A, %max3A_9 : vector<10000x1xf32>
    %rsqrt3A = math.rsqrt %max3A_10 : vector<10000x1xf32>
    %get3A_11 = arith.constant 0 : index
    %get3A_12 = arith.constant 0 : index
    %get3A_13 = vector.load %arg0[%get3A_11, %get3A_12] : memref<10000x128xf32, #tpu.memory_space<vmem>>, vector<10000x128xf32>
    %get3A_14 = arith.constant 0 : index
    %get3A_15 = arith.constant 0 : index
    %get3A_16 = vector.load %arg1[%get3A_14, %get3A_15] : memref<128x256xf32, #tpu.memory_space<vmem>>, vector<128x256xf32>
    %dot_general3A = arith.constant dense<0.000000e+00> : vector<10000x256xf32>
    %dot_general3A_17 = tpu.matmul %get3A_13, %get3A_16, %dot_general3A {dimension_numbers = #tpu.dot_dimension_numbers<[1], [0], [0], [1], [0, 0, 1, 1], [], []>, transpose_lhs_hint = false} : vector<10000x128xf32>, vector<128x256xf32>, vector<10000x256xf32> -> vector<10000x256xf32>
    %mul3A = vector.broadcast %rsqrt3A : vector<10000x1xf32> to vector<10000x256xf32>
    %mul3A_18 = arith.mulf %dot_general3A_17, %mul3A : vector<10000x256xf32>
    %slice3A_19 = vector.extract_strided_slice %mul3A_18 {offsets = [0, 0], sizes = [10000, 128], strides = [1, 1]} : vector<10000x256xf32> to vector<10000x128xf32>
    %convert_element_type3A = arith.truncf %slice3A_19 : vector<10000x128xf32> to vector<10000x128xbf16>
    %swap3A = arith.constant 0 : index
    %swap3A_20 = arith.constant 0 : index
    %swap3A_21 = arith.constant 0 : index
    %swap3A_22 = vector.load %arg3[%swap3A, %swap3A_20, %swap3A_21] : memref<2x10000x128xbf16, #tpu.memory_space<vmem>>, vector<1x10000x128xbf16>
    %swap3A_23 = vector.shape_cast %swap3A_22 : vector<1x10000x128xbf16> to vector<10000x128xbf16>
    %swap3A_24 = vector.shape_cast %convert_element_type3A : vector<10000x128xbf16> to vector<1x10000x128xbf16>
    tpu.vector_store %arg3[%swap3A, %swap3A_20, %swap3A_21], %swap3A_24 {strides = array<i32>} : memref<2x10000x128xbf16, #tpu.memory_space<vmem>>, vector<1x10000x128xbf16>,
    %slice3A_25 = vector.extract_strided_slice %mul3A_18 {offsets = [0, 128], sizes = [10000, 128], strides = [1, 1]} : vector<10000x256xf32> to vector<10000x128xf32>
    %convert_element_type3A_26 = arith.truncf %slice3A_25 : vector<10000x128xf32> to vector<10000x128xbf16>
    %swap3A_27 = arith.constant 1 : index
    %swap3A_28 = arith.constant 0 : index
    %swap3A_29 = arith.constant 0 : index
    %swap3A_30 = vector.load %arg3[%swap3A_27, %swap3A_28, %swap3A_29] : memref<2x10000x128xbf16, #tpu.memory_space<vmem>>, vector<1x10000x128xbf16>
    %swap3A_31 = vector.shape_cast %swap3A_30 : vector<1x10000x128xbf16> to vector<10000x128xbf16>
    %swap3A_32 = vector.shape_cast %convert_element_type3A_26 : vector<10000x128xbf16> to vector<1x10000x128xbf16>
    tpu.vector_store %arg3[%swap3A_27, %swap3A_28, %swap3A_29], %swap3A_32 {strides = array<i32>} : memref<2x10000x128xbf16, #tpu.memory_space<vmem>>, vector<1x10000x128xbf16>,
    return
  }
}

module attributes {stable_mosaic.version = 14 : i64} {
  func.func @body(%arg0: memref<2x10016x128xf32, #tpu.memory_space<vmem>>, %arg1: memref<2x10016x16xf32, #tpu.memory_space<vmem>>, %arg2: memref<256xf32, #tpu.memory_space<vmem>>, %arg3: memref<256x256xf32, #tpu.memory_space<vmem>>, %arg4: memref<2x10000x128xbf16, #tpu.memory_space<vmem>>) attributes {dimension_semantics = [], scalar_prefetch = 0 : i64, scratch_operands = 0 : i64, tpu.core_type = #tpu.core_type<tc>} {
    %get3A = arith.constant 0 : index
    %get3A_0 = arith.constant 0 : index
    %get3A_1 = arith.constant 0 : index
    %get3A_2 = vector.load %arg1[%get3A, %get3A_0, %get3A_1] : memref<2x10016x16xf32, #tpu.memory_space<vmem>>, vector<1x10000x16xf32>
    %get3A_3 = vector.shape_cast %get3A_2 : vector<1x10000x16xf32> to vector<10000x16xf32>
    %get3A_4 = arith.constant 1 : index
    %get3A_5 = arith.constant 0 : index
    %get3A_6 = arith.constant 0 : index
    %get3A_7 = vector.load %arg1[%get3A_4, %get3A_5, %get3A_6] : memref<2x10016x16xf32, #tpu.memory_space<vmem>>, vector<1x10000x16xf32>
    %get3A_8 = vector.shape_cast %get3A_7 : vector<1x10000x16xf32> to vector<10000x16xf32>
    %add3A = arith.addf %get3A_3, %get3A_8 : vector<10000x16xf32>
    %slice3A = vector.extract_strided_slice %add3A {offsets = [0, 0], sizes = [10000, 1], strides = [1, 1]} : vector<10000x16xf32> to vector<10000x1xf32>
    %max3A = arith.constant 1.000000e+00 : f32
    %max3A_9 = vector.broadcast %max3A : f32 to vector<10000x1xf32>
    %max3A_10 = arith.maximumf %slice3A, %max3A_9 : vector<10000x1xf32>
    %rsqrt3A = math.rsqrt %max3A_10 : vector<10000x1xf32>
    %get3A_11 = arith.constant 0 : index
    %get3A_12 = arith.constant 0 : index
    %get3A_13 = arith.constant 0 : index
    %get3A_14 = vector.load %arg0[%get3A_11, %get3A_12, %get3A_13] : memref<2x10016x128xf32, #tpu.memory_space<vmem>>, vector<1x10000x128xf32>
    %get3A_15 = vector.shape_cast %get3A_14 : vector<1x10000x128xf32> to vector<10000x128xf32>
    %mul3A = vector.broadcast %rsqrt3A : vector<10000x1xf32> to vector<10000x128xf32>
    %mul3A_16 = arith.mulf %get3A_15, %mul3A : vector<10000x128xf32>
    %get3A_17 = arith.constant 0 : index
    %get3A_18 = vector.load %arg2[%get3A_17] : memref<256xf32, #tpu.memory_space<vmem>>, vector<128xf32>
    %broadcast_in_dim3A = vector.shape_cast %get3A_18 : vector<128xf32> to vector<1x128xf32>
    %add3A_19 = vector.broadcast %broadcast_in_dim3A : vector<1x128xf32> to vector<10000x128xf32>
    %add3A_20 = arith.addf %mul3A_16, %add3A_19 : vector<10000x128xf32>
    %max3A_21 = arith.constant 0.000000e+00 : f32
    %max3A_22 = vector.broadcast %max3A_21 : f32 to vector<10000x128xf32>
    %max3A_23 = arith.maximumf %add3A_20, %max3A_22 : vector<10000x128xf32>
    %get3A_24 = arith.constant 1 : index
    %get3A_25 = arith.constant 0 : index
    %get3A_26 = arith.constant 0 : index
    %get3A_27 = vector.load %arg0[%get3A_24, %get3A_25, %get3A_26] : memref<2x10016x128xf32, #tpu.memory_space<vmem>>, vector<1x10000x128xf32>
    %get3A_28 = vector.shape_cast %get3A_27 : vector<1x10000x128xf32> to vector<10000x128xf32>
    %mul3A_29 = vector.broadcast %rsqrt3A : vector<10000x1xf32> to vector<10000x128xf32>
    %mul3A_30 = arith.mulf %get3A_28, %mul3A_29 : vector<10000x128xf32>
    %get3A_31 = arith.constant 128 : index
    %get3A_32 = vector.load %arg2[%get3A_31] : memref<256xf32, #tpu.memory_space<vmem>>, vector<128xf32>
    %broadcast_in_dim3A_33 = vector.shape_cast %get3A_32 : vector<128xf32> to vector<1x128xf32>
    %add3A_34 = vector.broadcast %broadcast_in_dim3A_33 : vector<1x128xf32> to vector<10000x128xf32>
    %add3A_35 = arith.addf %mul3A_30, %add3A_34 : vector<10000x128xf32>
    %max3A_36 = arith.constant 0.000000e+00 : f32
    %max3A_37 = vector.broadcast %max3A_36 : f32 to vector<10000x128xf32>
    %max3A_38 = arith.maximumf %add3A_35, %max3A_37 : vector<10000x128xf32>
    %get3A_39 = arith.constant 0 : index
    %get3A_40 = arith.constant 0 : index
    %get3A_41 = vector.load %arg3[%get3A_39, %get3A_40] : memref<256x256xf32, #tpu.memory_space<vmem>>, vector<128x256xf32>
    %dot_general3A = arith.constant dense<0.000000e+00> : vector<10000x256xf32>
    %dot_general3A_42 = tpu.matmul %max3A_23, %get3A_41, %dot_general3A {dimension_numbers = #tpu.dot_dimension_numbers<[1], [0], [0], [1], [0, 0, 1, 1], [], []>, transpose_lhs_hint = false} : vector<10000x128xf32>, vector<128x256xf32>, vector<10000x256xf32> -> vector<10000x256xf32>
    %get3A_43 = arith.constant 128 : index
    %get3A_44 = arith.constant 0 : index
    %get3A_45 = vector.load %arg3[%get3A_43, %get3A_44] : memref<256x256xf32, #tpu.memory_space<vmem>>, vector<128x256xf32>
    %dot_general3A_46 = arith.constant dense<0.000000e+00> : vector<10000x256xf32>
    %dot_general3A_47 = tpu.matmul %max3A_38, %get3A_45, %dot_general3A_46 {dimension_numbers = #tpu.dot_dimension_numbers<[1], [0], [0], [1], [0, 0, 1, 1], [], []>, transpose_lhs_hint = false} : vector<10000x128xf32>, vector<128x256xf32>, vector<10000x256xf32> -> vector<10000x256xf32>
    %add3A_48 = arith.addf %dot_general3A_42, %dot_general3A_47 : vector<10000x256xf32>
    %mul3A_49 = vector.broadcast %rsqrt3A : vector<10000x1xf32> to vector<10000x256xf32>
    %mul3A_50 = arith.mulf %add3A_48, %mul3A_49 : vector<10000x256xf32>
    %slice3A_51 = vector.extract_strided_slice %mul3A_50 {offsets = [0, 0], sizes = [10000, 128], strides = [1, 1]} : vector<10000x256xf32> to vector<10000x128xf32>
    %convert_element_type3A = arith.truncf %slice3A_51 : vector<10000x128xf32> to vector<10000x128xbf16>
    %swap3A = arith.constant 0 : index
    %swap3A_52 = arith.constant 0 : index
    %swap3A_53 = arith.constant 0 : index
    %swap3A_54 = vector.load %arg4[%swap3A, %swap3A_52, %swap3A_53] : memref<2x10000x128xbf16, #tpu.memory_space<vmem>>, vector<1x10000x128xbf16>
    %swap3A_55 = vector.shape_cast %swap3A_54 : vector<1x10000x128xbf16> to vector<10000x128xbf16>
    %swap3A_56 = vector.shape_cast %convert_element_type3A : vector<10000x128xbf16> to vector<1x10000x128xbf16>
    tpu.vector_store %arg4[%swap3A, %swap3A_52, %swap3A_53], %swap3A_56 {strides = array<i32>} : memref<2x10000x128xbf16, #tpu.memory_space<vmem>>, vector<1x10000x128xbf16>,
    %slice3A_57 = vector.extract_strided_slice %mul3A_50 {offsets = [0, 128], sizes = [10000, 128], strides = [1, 1]} : vector<10000x256xf32> to vector<10000x128xf32>
    %convert_element_type3A_58 = arith.truncf %slice3A_57 : vector<10000x128xf32> to vector<10000x128xbf16>
    %swap3A_59 = arith.constant 1 : index
    %swap3A_60 = arith.constant 0 : index
    %swap3A_61 = arith.constant 0 : index
    %swap3A_62 = vector.load %arg4[%swap3A_59, %swap3A_60, %swap3A_61] : memref<2x10000x128xbf16, #tpu.memory_space<vmem>>, vector<1x10000x128xbf16>
    %swap3A_63 = vector.shape_cast %swap3A_62 : vector<1x10000x128xbf16> to vector<10000x128xbf16>
    %swap3A_64 = vector.shape_cast %convert_element_type3A_58 : vector<10000x128xbf16> to vector<1x10000x128xbf16>
    tpu.vector_store %arg4[%swap3A_59, %swap3A_60, %swap3A_61], %swap3A_64 {strides = array<i32>} : memref<2x10000x128xbf16, #tpu.memory_space<vmem>>, vector<1x10000x128xbf16>,
    return
  }
}

module attributes {stable_mosaic.version = 14 : i64} {
  func.func @body(%arg0: memref<2x10016x128xf32, #tpu.memory_space<vmem>>, %arg1: memref<2x10016x16xf32, #tpu.memory_space<vmem>>, %arg2: memref<256xf32, #tpu.memory_space<vmem>>, %arg3: memref<256x128xf32, #tpu.memory_space<vmem>>, %arg4: memref<2x10000x64xbf16, #tpu.memory_space<vmem>>) attributes {dimension_semantics = [], scalar_prefetch = 0 : i64, scratch_operands = 0 : i64, tpu.core_type = #tpu.core_type<tc>} {
    %get3A = arith.constant 0 : index
    %get3A_0 = arith.constant 0 : index
    %get3A_1 = arith.constant 0 : index
    %get3A_2 = vector.load %arg1[%get3A, %get3A_0, %get3A_1] : memref<2x10016x16xf32, #tpu.memory_space<vmem>>, vector<1x10000x16xf32>
    %get3A_3 = vector.shape_cast %get3A_2 : vector<1x10000x16xf32> to vector<10000x16xf32>
    %get3A_4 = arith.constant 1 : index
    %get3A_5 = arith.constant 0 : index
    %get3A_6 = arith.constant 0 : index
    %get3A_7 = vector.load %arg1[%get3A_4, %get3A_5, %get3A_6] : memref<2x10016x16xf32, #tpu.memory_space<vmem>>, vector<1x10000x16xf32>
    %get3A_8 = vector.shape_cast %get3A_7 : vector<1x10000x16xf32> to vector<10000x16xf32>
    %add3A = arith.addf %get3A_3, %get3A_8 : vector<10000x16xf32>
    %slice3A = vector.extract_strided_slice %add3A {offsets = [0, 0], sizes = [10000, 1], strides = [1, 1]} : vector<10000x16xf32> to vector<10000x1xf32>
    %max3A = arith.constant 1.000000e+00 : f32
    %max3A_9 = vector.broadcast %max3A : f32 to vector<10000x1xf32>
    %max3A_10 = arith.maximumf %slice3A, %max3A_9 : vector<10000x1xf32>
    %rsqrt3A = math.rsqrt %max3A_10 : vector<10000x1xf32>
    %get3A_11 = arith.constant 0 : index
    %get3A_12 = arith.constant 0 : index
    %get3A_13 = arith.constant 0 : index
    %get3A_14 = vector.load %arg0[%get3A_11, %get3A_12, %get3A_13] : memref<2x10016x128xf32, #tpu.memory_space<vmem>>, vector<1x10000x128xf32>
    %get3A_15 = vector.shape_cast %get3A_14 : vector<1x10000x128xf32> to vector<10000x128xf32>
    %mul3A = vector.broadcast %rsqrt3A : vector<10000x1xf32> to vector<10000x128xf32>
    %mul3A_16 = arith.mulf %get3A_15, %mul3A : vector<10000x128xf32>
    %get3A_17 = arith.constant 0 : index
    %get3A_18 = vector.load %arg2[%get3A_17] : memref<256xf32, #tpu.memory_space<vmem>>, vector<128xf32>
    %broadcast_in_dim3A = vector.shape_cast %get3A_18 : vector<128xf32> to vector<1x128xf32>
    %add3A_19 = vector.broadcast %broadcast_in_dim3A : vector<1x128xf32> to vector<10000x128xf32>
    %add3A_20 = arith.addf %mul3A_16, %add3A_19 : vector<10000x128xf32>
    %max3A_21 = arith.constant 0.000000e+00 : f32
    %max3A_22 = vector.broadcast %max3A_21 : f32 to vector<10000x128xf32>
    %max3A_23 = arith.maximumf %add3A_20, %max3A_22 : vector<10000x128xf32>
    %get3A_24 = arith.constant 1 : index
    %get3A_25 = arith.constant 0 : index
    %get3A_26 = arith.constant 0 : index
    %get3A_27 = vector.load %arg0[%get3A_24, %get3A_25, %get3A_26] : memref<2x10016x128xf32, #tpu.memory_space<vmem>>, vector<1x10000x128xf32>
    %get3A_28 = vector.shape_cast %get3A_27 : vector<1x10000x128xf32> to vector<10000x128xf32>
    %mul3A_29 = vector.broadcast %rsqrt3A : vector<10000x1xf32> to vector<10000x128xf32>
    %mul3A_30 = arith.mulf %get3A_28, %mul3A_29 : vector<10000x128xf32>
    %get3A_31 = arith.constant 128 : index
    %get3A_32 = vector.load %arg2[%get3A_31] : memref<256xf32, #tpu.memory_space<vmem>>, vector<128xf32>
    %broadcast_in_dim3A_33 = vector.shape_cast %get3A_32 : vector<128xf32> to vector<1x128xf32>
    %add3A_34 = vector.broadcast %broadcast_in_dim3A_33 : vector<1x128xf32> to vector<10000x128xf32>
    %add3A_35 = arith.addf %mul3A_30, %add3A_34 : vector<10000x128xf32>
    %max3A_36 = arith.constant 0.000000e+00 : f32
    %max3A_37 = vector.broadcast %max3A_36 : f32 to vector<10000x128xf32>
    %max3A_38 = arith.maximumf %add3A_35, %max3A_37 : vector<10000x128xf32>
    %get3A_39 = arith.constant 0 : index
    %get3A_40 = arith.constant 0 : index
    %get3A_41 = vector.load %arg3[%get3A_39, %get3A_40] : memref<256x128xf32, #tpu.memory_space<vmem>>, vector<128x128xf32>
    %dot_general3A = arith.constant dense<0.000000e+00> : vector<10000x128xf32>
    %dot_general3A_42 = tpu.matmul %max3A_23, %get3A_41, %dot_general3A {dimension_numbers = #tpu.dot_dimension_numbers<[1], [0], [0], [1], [0, 0, 1, 1], [], []>, transpose_lhs_hint = false} : vector<10000x128xf32>, vector<128x128xf32>, vector<10000x128xf32> -> vector<10000x128xf32>
    %get3A_43 = arith.constant 128 : index
    %get3A_44 = arith.constant 0 : index
    %get3A_45 = vector.load %arg3[%get3A_43, %get3A_44] : memref<256x128xf32, #tpu.memory_space<vmem>>, vector<128x128xf32>
    %dot_general3A_46 = arith.constant dense<0.000000e+00> : vector<10000x128xf32>
    %dot_general3A_47 = tpu.matmul %max3A_38, %get3A_45, %dot_general3A_46 {dimension_numbers = #tpu.dot_dimension_numbers<[1], [0], [0], [1], [0, 0, 1, 1], [], []>, transpose_lhs_hint = false} : vector<10000x128xf32>, vector<128x128xf32>, vector<10000x128xf32> -> vector<10000x128xf32>
    %add3A_48 = arith.addf %dot_general3A_42, %dot_general3A_47 : vector<10000x128xf32>
    %mul3A_49 = vector.broadcast %rsqrt3A : vector<10000x1xf32> to vector<10000x128xf32>
    %mul3A_50 = arith.mulf %add3A_48, %mul3A_49 : vector<10000x128xf32>
    %slice3A_51 = vector.extract_strided_slice %mul3A_50 {offsets = [0, 0], sizes = [10000, 64], strides = [1, 1]} : vector<10000x128xf32> to vector<10000x64xf32>
    %convert_element_type3A = arith.truncf %slice3A_51 : vector<10000x64xf32> to vector<10000x64xbf16>
    %swap3A = arith.constant 0 : index
    %swap3A_52 = arith.constant 0 : index
    %swap3A_53 = arith.constant 0 : index
    %swap3A_54 = vector.load %arg4[%swap3A, %swap3A_52, %swap3A_53] : memref<2x10000x64xbf16, #tpu.memory_space<vmem>>, vector<1x10000x64xbf16>
    %swap3A_55 = vector.shape_cast %swap3A_54 : vector<1x10000x64xbf16> to vector<10000x64xbf16>
    %swap3A_56 = vector.shape_cast %convert_element_type3A : vector<10000x64xbf16> to vector<1x10000x64xbf16>
    tpu.vector_store %arg4[%swap3A, %swap3A_52, %swap3A_53], %swap3A_56 {strides = array<i32>} : memref<2x10000x64xbf16, #tpu.memory_space<vmem>>, vector<1x10000x64xbf16>,
    %slice3A_57 = vector.extract_strided_slice %mul3A_50 {offsets = [0, 64], sizes = [10000, 64], strides = [1, 1]} : vector<10000x128xf32> to vector<10000x64xf32>
    %convert_element_type3A_58 = arith.truncf %slice3A_57 : vector<10000x64xf32> to vector<10000x64xbf16>
    %swap3A_59 = arith.constant 1 : index
    %swap3A_60 = arith.constant 0 : index
    %swap3A_61 = arith.constant 0 : index
    %swap3A_62 = vector.load %arg4[%swap3A_59, %swap3A_60, %swap3A_61] : memref<2x10000x64xbf16, #tpu.memory_space<vmem>>, vector<1x10000x64xbf16>
    %swap3A_63 = vector.shape_cast %swap3A_62 : vector<1x10000x64xbf16> to vector<10000x64xbf16>
    %swap3A_64 = vector.shape_cast %convert_element_type3A_58 : vector<10000x64xbf16> to vector<1x10000x64xbf16>
    tpu.vector_store %arg4[%swap3A_59, %swap3A_60, %swap3A_61], %swap3A_64 {strides = array<i32>} : memref<2x10000x64xbf16, #tpu.memory_space<vmem>>, vector<1x10000x64xbf16>,
    return
  }
}

module attributes {stable_mosaic.version = 14 : i64} {
  func.func @_tc3_body(%arg0: memref<2x10016x64xf32, #tpu.memory_space<vmem>>, %arg1: memref<2x10016x16xf32, #tpu.memory_space<vmem>>, %arg2: memref<128xf32, #tpu.memory_space<vmem>>, %arg3: memref<128x64xf32, #tpu.memory_space<vmem>>, %arg4: memref<64xf32, #tpu.memory_space<vmem>>, %arg5: memref<10000x64xf32, #tpu.memory_space<vmem>>) attributes {dimension_semantics = [], scalar_prefetch = 0 : i64, scratch_operands = 0 : i64, tpu.core_type = #tpu.core_type<tc>} {
    %get3A = arith.constant 0 : index
    %get3A_0 = arith.constant 0 : index
    %get3A_1 = arith.constant 0 : index
    %get3A_2 = vector.load %arg1[%get3A, %get3A_0, %get3A_1] : memref<2x10016x16xf32, #tpu.memory_space<vmem>>, vector<1x10000x16xf32>
    %get3A_3 = vector.shape_cast %get3A_2 : vector<1x10000x16xf32> to vector<10000x16xf32>
    %get3A_4 = arith.constant 1 : index
    %get3A_5 = arith.constant 0 : index
    %get3A_6 = arith.constant 0 : index
    %get3A_7 = vector.load %arg1[%get3A_4, %get3A_5, %get3A_6] : memref<2x10016x16xf32, #tpu.memory_space<vmem>>, vector<1x10000x16xf32>
    %get3A_8 = vector.shape_cast %get3A_7 : vector<1x10000x16xf32> to vector<10000x16xf32>
    %add3A = arith.addf %get3A_3, %get3A_8 : vector<10000x16xf32>
    %slice3A = vector.extract_strided_slice %add3A {offsets = [0, 0], sizes = [10000, 1], strides = [1, 1]} : vector<10000x16xf32> to vector<10000x1xf32>
    %max3A = arith.constant 1.000000e+00 : f32
    %max3A_9 = vector.broadcast %max3A : f32 to vector<10000x1xf32>
    %max3A_10 = arith.maximumf %slice3A, %max3A_9 : vector<10000x1xf32>
    %rsqrt3A = math.rsqrt %max3A_10 : vector<10000x1xf32>
    %get3A_11 = arith.constant 0 : index
    %get3A_12 = arith.constant 0 : index
    %get3A_13 = arith.constant 0 : index
    %get3A_14 = vector.load %arg0[%get3A_11, %get3A_12, %get3A_13] : memref<2x10016x64xf32, #tpu.memory_space<vmem>>, vector<1x10000x64xf32>
    %get3A_15 = vector.shape_cast %get3A_14 : vector<1x10000x64xf32> to vector<10000x64xf32>
    %mul3A = vector.broadcast %rsqrt3A : vector<10000x1xf32> to vector<10000x64xf32>
    %mul3A_16 = arith.mulf %get3A_15, %mul3A : vector<10000x64xf32>
    %get3A_17 = arith.constant 0 : index
    %get3A_18 = vector.load %arg2[%get3A_17] : memref<128xf32, #tpu.memory_space<vmem>>, vector<64xf32>
    %broadcast_in_dim3A = vector.shape_cast %get3A_18 : vector<64xf32> to vector<1x64xf32>
    %add3A_19 = vector.broadcast %broadcast_in_dim3A : vector<1x64xf32> to vector<10000x64xf32>
    %add3A_20 = arith.addf %mul3A_16, %add3A_19 : vector<10000x64xf32>
    %max3A_21 = arith.constant 0.000000e+00 : f32
    %max3A_22 = vector.broadcast %max3A_21 : f32 to vector<10000x64xf32>
    %max3A_23 = arith.maximumf %add3A_20, %max3A_22 : vector<10000x64xf32>
    %get3A_24 = arith.constant 1 : index
    %get3A_25 = arith.constant 0 : index
    %get3A_26 = arith.constant 0 : index
    %get3A_27 = vector.load %arg0[%get3A_24, %get3A_25, %get3A_26] : memref<2x10016x64xf32, #tpu.memory_space<vmem>>, vector<1x10000x64xf32>
    %get3A_28 = vector.shape_cast %get3A_27 : vector<1x10000x64xf32> to vector<10000x64xf32>
    %mul3A_29 = vector.broadcast %rsqrt3A : vector<10000x1xf32> to vector<10000x64xf32>
    %mul3A_30 = arith.mulf %get3A_28, %mul3A_29 : vector<10000x64xf32>
    %get3A_31 = arith.constant 64 : index
    %get3A_32 = vector.load %arg2[%get3A_31] : memref<128xf32, #tpu.memory_space<vmem>>, vector<64xf32>
    %broadcast_in_dim3A_33 = vector.shape_cast %get3A_32 : vector<64xf32> to vector<1x64xf32>
    %add3A_34 = vector.broadcast %broadcast_in_dim3A_33 : vector<1x64xf32> to vector<10000x64xf32>
    %add3A_35 = arith.addf %mul3A_30, %add3A_34 : vector<10000x64xf32>
    %max3A_36 = arith.constant 0.000000e+00 : f32
    %max3A_37 = vector.broadcast %max3A_36 : f32 to vector<10000x64xf32>
    %max3A_38 = arith.maximumf %add3A_35, %max3A_37 : vector<10000x64xf32>
    %get3A_39 = arith.constant 0 : index
    %get3A_40 = arith.constant 0 : index
    %get3A_41 = vector.load %arg3[%get3A_39, %get3A_40] : memref<128x64xf32, #tpu.memory_space<vmem>>, vector<64x64xf32>
    %dot_general3A = arith.constant dense<0.000000e+00> : vector<10000x64xf32>
    %dot_general3A_42 = tpu.matmul %max3A_23, %get3A_41, %dot_general3A {dimension_numbers = #tpu.dot_dimension_numbers<[1], [0], [0], [1], [0, 0, 1, 1], [], []>, transpose_lhs_hint = false} : vector<10000x64xf32>, vector<64x64xf32>, vector<10000x64xf32> -> vector<10000x64xf32>
    %get3A_43 = arith.constant 64 : index
    %get3A_44 = arith.constant 0 : index
    %get3A_45 = vector.load %arg3[%get3A_43, %get3A_44] : memref<128x64xf32, #tpu.memory_space<vmem>>, vector<64x64xf32>
    %dot_general3A_46 = arith.constant dense<0.000000e+00> : vector<10000x64xf32>
    %dot_general3A_47 = tpu.matmul %max3A_38, %get3A_45, %dot_general3A_46 {dimension_numbers = #tpu.dot_dimension_numbers<[1], [0], [0], [1], [0, 0, 1, 1], [], []>, transpose_lhs_hint = false} : vector<10000x64xf32>, vector<64x64xf32>, vector<10000x64xf32> -> vector<10000x64xf32>
    %add3A_48 = arith.addf %dot_general3A_42, %dot_general3A_47 : vector<10000x64xf32>
    %get3A_49 = arith.constant 0 : index
    %get3A_50 = vector.load %arg4[%get3A_49] : memref<64xf32, #tpu.memory_space<vmem>>, vector<64xf32>
    %broadcast_in_dim3A_51 = vector.shape_cast %get3A_50 : vector<64xf32> to vector<1x64xf32>
    %add3A_52 = vector.broadcast %broadcast_in_dim3A_51 : vector<1x64xf32> to vector<10000x64xf32>
    %add3A_53 = arith.addf %add3A_48, %add3A_52 : vector<10000x64xf32>
    %max3A_54 = arith.constant 0.000000e+00 : f32
    %max3A_55 = vector.broadcast %max3A_54 : f32 to vector<10000x64xf32>
    %max3A_56 = arith.maximumf %add3A_53, %max3A_55 : vector<10000x64xf32>
    %mul3A_57 = arith.mulf %max3A_56, %max3A_56 : vector<10000x64xf32>
    %reduce_sum3A = arith.constant dense<0.000000e+00> : vector<10000xf32>
    %reduce_sum3A_58 = vector.multi_reduction <add>, %mul3A_57, %reduce_sum3A [1] : vector<10000x64xf32> to vector<10000xf32>
    %broadcast_in_dim3A_59 = vector.shape_cast %reduce_sum3A_58 : vector<10000xf32> to vector<10000x1xf32>
    %sqrt3A = math.sqrt %broadcast_in_dim3A_59 : vector<10000x1xf32>
    %max3A_60 = arith.constant 9.99999996E-13 : f32
    %max3A_61 = vector.broadcast %max3A_60 : f32 to vector<10000x1xf32>
    %max3A_62 = arith.maximumf %sqrt3A, %max3A_61 : vector<10000x1xf32>
    %div3A = vector.broadcast %max3A_62 : vector<10000x1xf32> to vector<10000x64xf32>
    %div3A_63 = arith.divf %max3A_56, %div3A : vector<10000x64xf32>
    %swap3A = arith.constant 0 : index
    %swap3A_64 = arith.constant 0 : index
    %swap3A_65 = vector.load %arg5[%swap3A, %swap3A_64] : memref<10000x64xf32, #tpu.memory_space<vmem>>, vector<10000x64xf32>
    tpu.vector_store %arg5[%swap3A, %swap3A_64], %div3A_63 {strides = array<i32>} : memref<10000x64xf32, #tpu.memory_space<vmem>>, vector<10000x64xf32>,
    return
  }
}

</mosaic_0001>

<sc_bundles>
// kernel: kernel.10.cloned.1.call-start
scs
__scs_entry_jumppad:
0x0: {  	(pc) =	sbr.rel $0x88, $3  }
0x1: {  	(tag) =	ssettag $0x0;
	lr =	simm.s32 $0x1  }
0x2: {  	[smem:$0x3F97] =	sst lr;
	_ =	strace $0xD0000000  }
0x3: {  	_ = 	snop  }
0x4: {  	_ = 	snop  }
0x5: {  	_ = 	snop  }
0x6: {  	_ = 	snop  }
0x7: {  	_ = 	snop  }
__scs_overlays_trampoline_lowered:
0x8: {  	[smem:$0x3FA6] =	sst s0  }
0x9: {  	[smem:$0x3FA7] =	sst s1  }
0xa: {  	[smem:$0x3FA8] =	sst s2  }
0xb: {  	[smem:$0x3FA9] =	sst s3  }
0xc: {  	[smem:$0x3FAA] =	sst s4  }
0xd: {  	[smem:$0x3FAB] =	sst s5  }
0xe: {  	[smem:$0x3FAC] =	sst s6  }
0xf: {  	[smem:$0x3FAD] =	sst s7  }
0x10: {  	[smem:$0x3FAE] =	sst s8  }
0x11: {  	[smem:$0x3FAF] =	sst s9;
	s0 =	simm.s32 @!p0 $0x0  }
0x12: {  	s1 =	sld [smem:$0x3F95];
	s0 =	simm.s32 @p0 $0x1  }
0x13: {  	[smem:$0x3FB0] =	sst s0;
	s0 =	simm.s32 @!p1 $0x0  }
0x14: {  	s2 =	sld [smem:$0x3F94];
	s0 =	simm.s32 @p1 $0x1  }
0x15: {  	[smem:$0x3FB1] =	sst s0;
	s0 =	simm.s32 @!p2 $0x0  }
0x16: {  	s3 =	sld [smem:$0x3FDB];
	s0 =	simm.s32 @p2 $0x1  }
0x17: {  	s4 =	simm.s32 $0x1BF5;
	[smem:$0x3FB3] =	sst s0  }
0x18: {  	s0 =	sld [smem:$0x3F96];
	_ =	swait.ge [sflag:s4], $0x0  }
0x19: {  	s7 =	sld [smem:$0x3F97]  }
0x1a: {  	s8 =	sadd.s32 $0xFFFFE003, lr  }
0x1b: {  	s9 =	sadd.s32 $0xFFFFFEF7, lr;
	s5 =	simm.s32 $0xFFFFFFFF;
	p2 =	slt.u32 s8, $0xFFFFF086  }
0x1c: {  	p1 =	slt.u32 s9, $0xF7A;
	s5 =	simm.s32 @!p2 $0x0  }
0x1d: {  	s5 =	simm.s32 @p1 $0x1;
	p0 =	seq.s32 s7, s2  }
0x1e: {  	s7 =	smul.u32 @!p0 $0xF7A, s2;
	p2 =	seq.s32 @!p0 s5, $0x0  }
0x1f: {  	s9 =	smul.u32 $0xF7A, s1;
	s8 =	simm.s32 @!p0 $0x1BF5;
	p2 =	por !p2, p0  }
0x20: {  	[sflag:s8] =	ssyncset.s32 @!p0 $0xFFFFF086;
	s6 =	sadd.s32 @!p0 s3, s7;
	s7 =	simm.s32 @!p0 $0x108  }
0x21: {  	s3 =	sadd.s32 s3, s9;
	s6 =	sadd.s32 @!p0 $0x88, s6;
	s7 =	simm.s32 @p2 $0x1082  }
0x22: {  	[simem:s7], [sflag:s8] =	dma.local @!p0 [hbm:s6], $0xF7A  }
0x23: {  	s9 =	sor.u32 $0xD0000000, s2;
	s6 =	simm.s32 $0x108;
	_ =	swait.ge @!p0 [sflag:s8], $0x0  }
0x24: {  	s3 =	sadd.s32 $0x88, s3;
	s6 =	simm.s32 @!p1 $0x1082;
	[sflag:s4] =	ssyncset.s32 $0xFFFFF086  }
0x25: {  	[simem:s6], [sflag:s4] =	dma.local [hbm:s3], $0xF7A  }
0x26: {  	[smem:$0x3F97] =	sst s1;
	(tag) =	ssettag s2;
	_ =	strace s9  }
0x27: {  	s1 =	sld [smem:$0x3FA7]  }
0x28: {  	s2 =	sld [smem:$0x3FA8]  }
0x29: {  	s4 =	sld [smem:$0x3FAA]  }
0x2a: {  	p0 =	seq.s32 s5, $0x0;
	s5 =	sld [smem:$0x3FAB]  }
0x2b: {  	s6 =	sld [smem:$0x3FAC]  }
0x2c: {  	s7 =	sld [smem:$0x3FAD]  }
0x2d: {  	s3 =	simm.s32 $0x108;
	s8 =	sld [smem:$0x3FAE]  }
0x2e: {  	s3 =	simm.s32 @!p0 $0x1082;
	s9 =	sld [smem:$0x3FAF]  }
0x2f: {  	lr =	sadd.s32 s0, s3;
	s0 =	sld [smem:$0x3FA6]  }
0x30: {  	s3 =	sld [smem:$0x3FA9]  }
0x31: {  	[smem:$0x3FB2] =	sst s10  }
0x32: {  	s10 =	sld [smem:$0x3FB0];
	_ =	sdelay $0x3  }
0x33: {  	p0 =	seq.s32 s10, $0x1;
	s10 =	sld [smem:$0x3FB2];
	_ =	sdelay $0x3  }
0x34: {  	[smem:$0x3FB2] =	sst s10  }
0x35: {  	s10 =	sld [smem:$0x3FB1];
	_ =	sdelay $0x3  }
0x36: {  	p1 =	seq.s32 s10, $0x1;
	s10 =	sld [smem:$0x3FB2];
	_ =	sdelay $0x3  }
0x37: {  	[smem:$0x3FB2] =	sst s10  }
0x38: {  	s10 =	sld [smem:$0x3FB3]  }
0x39: {  	_ = 	snop;
	(pc) =	sbr.ind lr, $3  }
0x3a: {  	_ = 	snop  }
0x3b: {  	_ = 	snop  }
0x3c: {  	p2 =	seq.s32 s10, $0x1;
	s10 =	sld [smem:$0x3FB2]  }
0x3d: {  	_ =	shalt  }
0x3e: {  	_ =	shalt  }
0x3f: {  	_ =	shalt  }
0x40: {  	_ =	shalt  }
0x41: {  	_ =	shalt  }
0x42: {  	_ =	shalt  }
0x43: {  	_ =	shalt  }
0x44: {  	_ =	shalt  }
0x45: {  	_ =	shalt  }
0x46: {  	_ =	shalt  }
0x47: {  	_ =	shalt  }
0x48: {  	_ =	shalt  }
0x49: {  	_ =	shalt  }
0x4a: {  	_ =	shalt  }
0x4b: {  	_ =	shalt  }
0x4c: {  	_ =	shalt  }
0x4d: {  	_ =	shalt  }
0x4e: {  	_ =	shalt  }
0x4f: {  	_ =	shalt  }
0x50: {  	_ =	shalt  }
0x51: {  	_ =	shalt  }
0x52: {  	_ =	shalt  }
0x53: {  	_ =	shalt  }
0x54: {  	_ =	shalt  }
0x55: {  	_ =	shalt  }
0x56: {  	_ =	shalt  }
0x57: {  	_ =	shalt  }
0x58: {  	_ =	shalt  }
0x59: {  	_ =	shalt  }
0x5a: {  	_ =	shalt  }
0x5b: {  	_ =	shalt  }
0x5c: {  	_ =	shalt  }
0x5d: {  	_ =	shalt  }
0x5e: {  	_ =	shalt  }
0x5f: {  	_ =	shalt  }
0x60: {  	_ =	shalt  }
0x61: {  	_ =	shalt  }
0x62: {  	_ =	shalt  }
0x63: {  	_ =	shalt  }
0x64: {  	_ =	shalt  }
0x65: {  	_ =	shalt  }
0x66: {  	_ =	shalt  }
0x67: {  	_ =	shalt  }
0x68: {  	_ =	shalt  }
0x69: {  	_ =	shalt  }
0x6a: {  	_ =	shalt  }
0x6b: {  	_ =	shalt  }
0x6c: {  	_ =	shalt  }
0x6d: {  	_ =	shalt  }
0x6e: {  	_ =	shalt  }
0x6f: {  	_ =	shalt  }
0x70: {  	_ =	shalt  }
0x71: {  	_ =	shalt  }
0x72: {  	_ =	shalt  }
0x73: {  	_ =	shalt  }
0x74: {  	_ =	shalt  }
0x75: {  	_ =	shalt  }
0x76: {  	_ =	shalt  }
0x77: {  	_ =	shalt  }
0x78: {  	_ =	shalt  }
0x79: {  	_ =	shalt  }
0x7a: {  	_ =	shalt  }
0x7b: {  	_ =	shalt  }
0x7c: {  	_ =	shalt  }
0x7d: {  	_ =	shalt  }
0x7e: {  	_ =	shalt  }
0x7f: {  	_ =	shalt  }
0x80: {  	_ =	shalt  }
0x81: {  	_ =	shalt  }
0x82: {  	_ =	shalt  }
0x83: {  	_ =	shalt  }
0x84: {  	_ =	shalt  }
0x85: {  	_ =	shalt  }
0x86: {  	_ =	shalt  }
0x87: {  	_ =	shalt  }
.Lfunc_end0:
.L_simem_size_0:
called_computation_lowered:
.L_overlay_start_0:
0x88: {  	s2 =	sld [smem:$0x3FD9]  }
0x89: {  	s3 =	sld [smem:$0x3FFE];
	_ =	sdelay $0x1  }
0x8a: {  	s1 =	srdreg.scid  }
0x8b: {  	s0 =	sand.u32 $0x1, s1  }
0x8c: {  	s17 =	sshll.u32 s0, $0xA;
	s2 =	sadd.s32 s3, s2  }
0x8d: {  	s2 =	sadd.s32 s2, s17  }
0x8e: {  	[smem:$0x3FBE] =	sst s2  }
0x8f: {  	_ = 	snop  }
0x90: {  	s2 =	sld [smem:$0x3FD0];
	(tm) =	ssettm $0x1  }
0x91: {  	s18 =	sld [smem:$0x3FFB];
	_ =	sdelay $0x3  }
0x92: {  	_ =	strace s18  }
0x93: {  	s3 =	sld [smem:$0x3FFC];
	_ =	sdelay $0x3  }
0x94: {  	_ =	strace s3  }
0x95: {  	s3 =	sld [smem:$0x3FFD];
	_ =	sdelay $0x3  }
0x96: {  	_ =	strace s3  }
0x97: {  	_ =	strace $0x8FFFFFFF  }
0x98: {  	s19 =	sld [smem:$0x3FDB];
	_ =	sdelay $0x1  }
0x99: {  	s4 =	simm.s32 $_scs_section_size  }
0x9a: {  	s5 =	simm.s32 $_size__tile_overlayer_lowered;
	s6 =	simm.s32 $_tile_overlayer_lowered  }
0x9b: {  	s22 =	simm.s32 $0x1BFF;
	s21 =	sshll.u32 s6, $0x1;
	s3 =	sadd.s32 s4, s19  }
0x9c: {  	s7 =	simm.s32 $0x0;
	s20 =	sshll.u32 s5, $0x1;
	s5 =	sadd.s32 s21, s3  }
0x9d: {  	[timem:s7], [sflag:s22] =	dma.local [hbm:s5], s20  }
0x9e: {  	_ =	swait.ge [sflag:s22], s20  }
0x9f: {  	s4 =	ssub.s32 $0x0, s20;
	[sflag:s22] =	ssyncset.done $0x0  }
0xa0: {  	[sflag:s22] =	ssyncadd.s32 s4;
	_ =	sdelay $0x1  }
0xa1: {  	s23 =	simm.s32 $0x1B8B  }
0xa2: {  	_ =	swait.ge [sflag:s23], $0x1  }
0xa3: {  	[sflag:s23] =	ssyncset.done $0x0  }
0xa4: {  	s25 =	simm.s32 $0x1B8E;
	s24 =	sld [smem:$0x3FFE];
	[sflag:s23] =	ssyncadd.s32 $0xFFFFFFFF  }
0xa5: {  	s26 =	simm.s32 $execute0_lowered;
	[smem:$0x3FD2] =	sst s25  }
0xa6: {  	s5 =	sshll.u32 s26, $0x1;
	_ =	strace $0x80000046;
	[dreg:$0x1] =	wrdreg $0xFFFFFFFF  }
0xa7: {  	s28 =	simm.s32 $_size_execute0_lowered;
	s3 =	sadd.s32 s3, s5;
	[dreg:$0x0] =	wrdreg $0x0  }
0xa8: {  	s5 =	sshll.u32 s28, $0x1;
	[dreg:$0x2] =	wrdreg s3  }
0xa9: {  	[dreg:$0x3] =	wrdreg s5  }
0xaa: {  	[dreg:$0x4] =	wrdreg $0xC0  }
0xab: {  	_ =	task [dreg:s7], $0x5FFFF  }
0xac: {  	[dreg:$0x1] =	wrdreg $0xFFFFFFFF  }
0xad: {  	[dreg:$0x0] =	wrdreg $0x60  }
0xae: {  	[dreg:$0x2] =	wrdreg s24  }
0xaf: {  	[dreg:$0x3] =	wrdreg s2  }
0xb0: {  	[dreg:$0x4] =	wrdreg $0x30800  }
0xb1: {  	[dreg:$0x5] =	wrdreg $0x9  }
0xb2: {  	_ =	task.clear_ibuf [dreg:s7], $0x6FFFF;
	_ =	strace $0x90000046  }
0xb3: {  	s29 =	simm.s32 $0x9;
	_ =	strace $0x80000048  }
0xb4: {  	_ =	swait.ge [sflag:s29], $0x1  }
0xb5: {  	[sflag:s29] =	ssyncadd.s32 $0xFFFFFFFF  }
0xb6: {  	_ =	strace $0x90000048  }
0xb7: {  	_ =	sfence  }
0xb8: {  	s30 =	sld [smem:$0x0];
	_ =	sdelay $0x2  }
0xb9: {  	s31 =	sshll.u32 s1, $0xD;
	s1 =	sshrl.u32 s1, $0x2  }
0xba: {  	s3 =	sand.u32 $0x4000, s31;
	s1 =	sadd.s32 s1, s30  }
0xbb: {  	s0 =	sor.u32 s3, s0;
	s1 =	sshll.u32 s1, $0x11  }
0xbc: {  	s0 =	sor.u32 s1, s0  }
0xbd: {  	s0 =	sadd.s32 $0x8F2B, s0  }
0xbe: {  	[sflag:s0] =	ssyncadd.remote.s32 $0x1  }
0xbf: {  	_ =	sfence.sel $0xFFFF  }
0xc0: {  	[dreg:$0x0] =	wrdreg $0xFFFFFFFF;
	(pc) =	sbr.abs _section_cstart, $3  }
0xc1: {  	[dreg:$0x1] =	wrdreg $0xFFFFFFFF  }
0xc2: {  	_ =	task.clear_ibuf [dreg:s7], $0x2FFFF;
	_ =	strace $0x9FFFFFFF  }
0xc3: {  	(tm) =	ssettm $0x7FFFFFFF  }
tec
execute0_lowered:
.L_overlay_start_1:
0x0: {  	(tag) =	ssettag $0x1  }
0x1: {  	s5 =	rddreg [dreg:$0x0]  }
0x2: {  	s8 =	rddreg [dreg:$0x1]  }
0x3: {  	s1 =	rddreg [dreg:$0x2];
	s2 =	srdreg.scid  }
0x4: {  	s0 =	rddreg [dreg:$0x3];
	s3 =	simm.s32 $0x0;
	s4 =	sand.u32 $0x1, s2  }
0x5: {  	s13 =	simm.s32 $0x80;
	s2 =	stileid.u32;
	s6 =	smul.u32 $0x5100, s4  }
0x6: {  	s14 =	simm.s32 $0x0;
	[smem:$0x7FF] =	sst s3;
	s7 =	smul.u32 $0x510, s2  }
0x7: {  	_ =	strace $0x80000047;
	s9 =	smul.u32 $0x2720, s2;
	s25 =	ssub.s32 $0x2, s4  }
0x8: {  	s10 =	smul.u32 $0x27200, s4;
	s4 =	sadd.s32 $0xC600, s5;
	s26 =	sshrl.u32 s25, $0x1  }
0x9: {  	s30 =	sshll.u32 s2, $0x6;
	s6 =	sadd.s32 s7, s6;
	s12 =	ssub.s32 s25, s26  }
0xa: {  	s28 =	sadd.s32 s9, s10;
	s29 =	sadd.s32 s9, s1;
	s11 =	sadd.s32 s6, s5  }
0xb: {  	s5 =	sadd.s32 $0xC000, s5;
	s31 =	sshrl.u32 s28, $0x3;
	s6 =	sor.u32 $0x1C01, s30  }
0xc: {  	s9 =	smax.u32 s12, $0x1;
	s10 =	sshrl.u32 s29, $0x3;
	s12 =	simm.s32 $0x2880  }
0xd: {  	s7 =	sadd.s32 $0x1E00, s11;
	s8 =	sadd.s32 s8, s31;
	s11 =	simm.s32 $0x1  }
.LBB2_1:
0xe: {  	[spmem:s10], [sflag:s6] =	dma.local [hbm:s5], $0x4E4  }
0xf: {  	_ =	swait.ge [sflag:s11], $0x4E4  }
0x10: {  	[sflag:s11] =	ssyncset.done $0x0  }
0x11: {  	[sflag:s11] =	ssyncadd.s32 $0xFFFFFB1C  }
0x12: {  	[tilespmem:s12], [sflag:$0x1] =	stream.linear.gather [hbm4b:s4+s3], $0x800, $0x38;
	[tilespmem:$0x57A0] =	vst v63  }
0x13: {  	_ =	swait.ge [sflag:s11], $0x800  }
0x14: {  	[sflag:s11] =	ssyncset.done $0x0  }
0x15: {  	[sflag:s11] =	ssyncadd.s32 $0xFFFFF800  }
0x16: {  	[tilespmem:s3], [sflag:$0x1] =	stream.linear.gather [hbm4b:s7+s3], $0x2880, $0x38;
	[tilespmem:$0x57A0] =	vst v63  }
0x17: {  	_ =	swait.ge [sflag:s11], $0x2880  }
0x18: {  	[sflag:s11] =	ssyncset.done $0x0  }
0x19: {  	[sflag:s11] =	ssyncadd.s32 $0xFFFFD780  }
0x1a: {  	s15 =	simm.s32 $0x0;
	[bflag:$0x0] =	sbarrier.arrive $0xFFFF  }
0x1b: {  	[spmem:s1] =	stream.indirect.scatter.add.f32 [tilespmem:s12], [sflag:$0x1], $0x10, s15, s13, $0xb8;
	[tilespmem:$0x57A0] =	vst v63  }
0x1c: {  	_ =	swait.ge [sflag:s11], $0x800  }
0x1d: {  	s15 =	simm.s32 $0x200;
	[sflag:s11] =	ssyncset.done $0x0  }
.LBB2_2:
0x1e: {  	s16 =	sshra.s32 s15, $0x2;
	[sflag:s11] =	ssyncadd.s32 $0xFFFFF800;
	p0 =	sne.s32 s15, $0xA000  }
0x1f: {  	[spmem:s1] =	stream.indirect.scatter.add.f32 [tilespmem:s12], [sflag:$0x1], $0x10, s16, s13, $0xb8;
	[tilespmem:$0x57A0] =	vst v63  }
.Ltmp0:
0x20: {  	_ = 	snop;
	(pc) =	sbr.rel @p0 .LBB2_2-.Ltmp0, $4  }
0x21: {  	_ = 	snop  }
0x22: {  	s15 =	sadd.s32 $0x200, s15  }
0x23: {  	_ =	swait.ge [sflag:s11], $0x800  }
0x24: {  	[sflag:s11] =	ssyncset.done $0x0  }
0x25: {  	s14 =	sadd.s32 $0x1, s14  }
0x26: {  	[sflag:s11] =	ssyncadd.s32 $0xFFFFF800;
	p0 =	sne.s32 s14, s9  }
.Ltmp1:
0x27: {  	[bflag:$0x0] =	sbarrier.arrive $0xFFFF;
	(pc) =	sbr.rel @p0 .LBB2_1-.Ltmp1, $4  }
0x28: {  	[hbm:s8], [sflag:s6] =	dma.local [spmem:s10], $0x4E4  }
0x29: {  	_ =	swait.ge [sflag:s11], $0x4E4  }
0x2a: {  	[sflag:s11] =	ssyncset.done $0x0  }
0x2b: {  	[sflag:s11] =	ssyncadd.s32 $0xFFFFFB1C  }
0x2c: {  	_ =	sfence.sel $0x180000  }
0x2d: {  	[bflag:$0x0] =	sbarrier.arrive $0xFFFF  }
0x2e: {  	p0 =	sne.s32 s2, $0x0;
	_ =	strace $0x90000047  }
0x2f: {  	s0 =	sadd.s32 @!p0 $0x100000, s0;
	[bflag:$0x2] =	sbarrier.arrive $0xFFFF  }
0x30: {  	[sflag:s0] =	ssyncadd.tile.s32 @!p0 $0x1;
	_ =	shalt  }
.Lfunc_end2:
_tile_overlayer_lowered:
.L_overlay_start_2:
0x31: {  	(tag) =	ssettag $0x2  }
0x32: {  	s0 =	rddreg [dreg:$0x0];
	s2 =	stileid.u32  }
0x33: {  	s1 =	rddreg [dreg:$0x1];
	p0 =	sne.s32 s2, $0x0  }
0x34: {  	s3 =	rddreg [dreg:$0x2];
	[bflag:$0x3] =	sbarrier.arrive $0xFFFF;
	s2 =	simm.s32 @!p0 $0x1C01  }
0x35: {  	[timem:s3], [sflag:s2] =	dma.local @!p0 [hbm:s0], s1  }
0x36: {  	s0 =	simm.s32 @!p0 $0x1  }
0x37: {  	_ =	swait.ge @!p0 [sflag:s0], s1  }
0x38: {  	s1 =	ssub.s32 @!p0 $0x0, s1;
	[sflag:s0] =	ssyncset.done @!p0 $0x0  }
0x39: {  	[sflag:s0] =	ssyncadd.s32 @!p0 s1  }
0x3a: {  	[bflag:$0x3] =	sbarrier.arrive $0xFFFF  }
0x3b: {  	_ =	shalt  }

// kernel: kernel.13.cloned.1.call-start
scs
__scs_entry_jumppad:
0x0: {  	(pc) =	sbr.rel $0x88, $3  }
0x1: {  	(tag) =	ssettag $0x0;
	lr =	simm.s32 $0x1  }
0x2: {  	[smem:$0x3F97] =	sst lr;
	_ =	strace $0xD0000000  }
0x3: {  	_ = 	snop  }
0x4: {  	_ = 	snop  }
0x5: {  	_ = 	snop  }
0x6: {  	_ = 	snop  }
0x7: {  	_ = 	snop  }
__scs_overlays_trampoline_lowered:
0x8: {  	[smem:$0x3FA6] =	sst s0  }
0x9: {  	[smem:$0x3FA7] =	sst s1  }
0xa: {  	[smem:$0x3FA8] =	sst s2  }
0xb: {  	[smem:$0x3FA9] =	sst s3  }
0xc: {  	[smem:$0x3FAA] =	sst s4  }
0xd: {  	[smem:$0x3FAB] =	sst s5  }
0xe: {  	[smem:$0x3FAC] =	sst s6  }
0xf: {  	[smem:$0x3FAD] =	sst s7  }
0x10: {  	[smem:$0x3FAE] =	sst s8  }
0x11: {  	[smem:$0x3FAF] =	sst s9;
	s0 =	simm.s32 @!p0 $0x0  }
0x12: {  	s1 =	sld [smem:$0x3F95];
	s0 =	simm.s32 @p0 $0x1  }
0x13: {  	[smem:$0x3FB0] =	sst s0;
	s0 =	simm.s32 @!p1 $0x0  }
0x14: {  	s2 =	sld [smem:$0x3F94];
	s0 =	simm.s32 @p1 $0x1  }
0x15: {  	[smem:$0x3FB1] =	sst s0;
	s0 =	simm.s32 @!p2 $0x0  }
0x16: {  	s3 =	sld [smem:$0x3FDB];
	s0 =	simm.s32 @p2 $0x1  }
0x17: {  	s4 =	simm.s32 $0x1BF5;
	[smem:$0x3FB3] =	sst s0  }
0x18: {  	s0 =	sld [smem:$0x3F96];
	_ =	swait.ge [sflag:s4], $0x0  }
0x19: {  	s7 =	sld [smem:$0x3F97]  }
0x1a: {  	s8 =	sadd.s32 $0xFFFFE003, lr  }
0x1b: {  	s9 =	sadd.s32 $0xFFFFFEF7, lr;
	s5 =	simm.s32 $0xFFFFFFFF;
	p2 =	slt.u32 s8, $0xFFFFF086  }
0x1c: {  	p1 =	slt.u32 s9, $0xF7A;
	s5 =	simm.s32 @!p2 $0x0  }
0x1d: {  	s5 =	simm.s32 @p1 $0x1;
	p0 =	seq.s32 s7, s2  }
0x1e: {  	s7 =	smul.u32 @!p0 $0xF7A, s2;
	p2 =	seq.s32 @!p0 s5, $0x0  }
0x1f: {  	s9 =	smul.u32 $0xF7A, s1;
	s8 =	simm.s32 @!p0 $0x1BF5;
	p2 =	por !p2, p0  }
0x20: {  	[sflag:s8] =	ssyncset.s32 @!p0 $0xFFFFF086;
	s6 =	sadd.s32 @!p0 s3, s7;
	s7 =	simm.s32 @!p0 $0x108  }
0x21: {  	s3 =	sadd.s32 s3, s9;
	s6 =	sadd.s32 @!p0 $0x88, s6;
	s7 =	simm.s32 @p2 $0x1082  }
0x22: {  	[simem:s7], [sflag:s8] =	dma.local @!p0 [hbm:s6], $0xF7A  }
0x23: {  	s9 =	sor.u32 $0xD0000000, s2;
	s6 =	simm.s32 $0x108;
	_ =	swait.ge @!p0 [sflag:s8], $0x0  }
0x24: {  	s3 =	sadd.s32 $0x88, s3;
	s6 =	simm.s32 @!p1 $0x1082;
	[sflag:s4] =	ssyncset.s32 $0xFFFFF086  }
0x25: {  	[simem:s6], [sflag:s4] =	dma.local [hbm:s3], $0xF7A  }
0x26: {  	[smem:$0x3F97] =	sst s1;
	(tag) =	ssettag s2;
	_ =	strace s9  }
0x27: {  	s1 =	sld [smem:$0x3FA7]  }
0x28: {  	s2 =	sld [smem:$0x3FA8]  }
0x29: {  	s4 =	sld [smem:$0x3FAA]  }
0x2a: {  	p0 =	seq.s32 s5, $0x0;
	s5 =	sld [smem:$0x3FAB]  }
0x2b: {  	s6 =	sld [smem:$0x3FAC]  }
0x2c: {  	s7 =	sld [smem:$0x3FAD]  }
0x2d: {  	s3 =	simm.s32 $0x108;
	s8 =	sld [smem:$0x3FAE]  }
0x2e: {  	s3 =	simm.s32 @!p0 $0x1082;
	s9 =	sld [smem:$0x3FAF]  }
0x2f: {  	lr =	sadd.s32 s0, s3;
	s0 =	sld [smem:$0x3FA6]  }
0x30: {  	s3 =	sld [smem:$0x3FA9]  }
0x31: {  	[smem:$0x3FB2] =	sst s10  }
0x32: {  	s10 =	sld [smem:$0x3FB0];
	_ =	sdelay $0x3  }
0x33: {  	p0 =	seq.s32 s10, $0x1;
	s10 =	sld [smem:$0x3FB2];
	_ =	sdelay $0x3  }
0x34: {  	[smem:$0x3FB2] =	sst s10  }
0x35: {  	s10 =	sld [smem:$0x3FB1];
	_ =	sdelay $0x3  }
0x36: {  	p1 =	seq.s32 s10, $0x1;
	s10 =	sld [smem:$0x3FB2];
	_ =	sdelay $0x3  }
0x37: {  	[smem:$0x3FB2] =	sst s10  }
0x38: {  	s10 =	sld [smem:$0x3FB3]  }
0x39: {  	_ = 	snop;
	(pc) =	sbr.ind lr, $3  }
0x3a: {  	_ = 	snop  }
0x3b: {  	_ = 	snop  }
0x3c: {  	p2 =	seq.s32 s10, $0x1;
	s10 =	sld [smem:$0x3FB2]  }
0x3d: {  	_ =	shalt  }
0x3e: {  	_ =	shalt  }
0x3f: {  	_ =	shalt  }
0x40: {  	_ =	shalt  }
0x41: {  	_ =	shalt  }
0x42: {  	_ =	shalt  }
0x43: {  	_ =	shalt  }
0x44: {  	_ =	shalt  }
0x45: {  	_ =	shalt  }
0x46: {  	_ =	shalt  }
0x47: {  	_ =	shalt  }
0x48: {  	_ =	shalt  }
0x49: {  	_ =	shalt  }
0x4a: {  	_ =	shalt  }
0x4b: {  	_ =	shalt  }
0x4c: {  	_ =	shalt  }
0x4d: {  	_ =	shalt  }
0x4e: {  	_ =	shalt  }
0x4f: {  	_ =	shalt  }
0x50: {  	_ =	shalt  }
0x51: {  	_ =	shalt  }
0x52: {  	_ =	shalt  }
0x53: {  	_ =	shalt  }
0x54: {  	_ =	shalt  }
0x55: {  	_ =	shalt  }
0x56: {  	_ =	shalt  }
0x57: {  	_ =	shalt  }
0x58: {  	_ =	shalt  }
0x59: {  	_ =	shalt  }
0x5a: {  	_ =	shalt  }
0x5b: {  	_ =	shalt  }
0x5c: {  	_ =	shalt  }
0x5d: {  	_ =	shalt  }
0x5e: {  	_ =	shalt  }
0x5f: {  	_ =	shalt  }
0x60: {  	_ =	shalt  }
0x61: {  	_ =	shalt  }
0x62: {  	_ =	shalt  }
0x63: {  	_ =	shalt  }
0x64: {  	_ =	shalt  }
0x65: {  	_ =	shalt  }
0x66: {  	_ =	shalt  }
0x67: {  	_ =	shalt  }
0x68: {  	_ =	shalt  }
0x69: {  	_ =	shalt  }
0x6a: {  	_ =	shalt  }
0x6b: {  	_ =	shalt  }
0x6c: {  	_ =	shalt  }
0x6d: {  	_ =	shalt  }
0x6e: {  	_ =	shalt  }
0x6f: {  	_ =	shalt  }
0x70: {  	_ =	shalt  }
0x71: {  	_ =	shalt  }
0x72: {  	_ =	shalt  }
0x73: {  	_ =	shalt  }
0x74: {  	_ =	shalt  }
0x75: {  	_ =	shalt  }
0x76: {  	_ =	shalt  }
0x77: {  	_ =	shalt  }
0x78: {  	_ =	shalt  }
0x79: {  	_ =	shalt  }
0x7a: {  	_ =	shalt  }
0x7b: {  	_ =	shalt  }
0x7c: {  	_ =	shalt  }
0x7d: {  	_ =	shalt  }
0x7e: {  	_ =	shalt  }
0x7f: {  	_ =	shalt  }
0x80: {  	_ =	shalt  }
0x81: {  	_ =	shalt  }
0x82: {  	_ =	shalt  }
0x83: {  	_ =	shalt  }
0x84: {  	_ =	shalt  }
0x85: {  	_ =	shalt  }
0x86: {  	_ =	shalt  }
0x87: {  	_ =	shalt  }
.Lfunc_end0:
.L_simem_size_0:
called_computation.1_lowered:
.L_overlay_start_0:
0x88: {  	s2 =	sld [smem:$0x3FD9]  }
0x89: {  	s3 =	sld [smem:$0x3FFE];
	_ =	sdelay $0x1  }
0x8a: {  	s1 =	srdreg.scid  }
0x8b: {  	s0 =	sand.u32 $0x1, s1  }
0x8c: {  	s17 =	sshll.u32 s0, $0xA;
	s2 =	sadd.s32 s3, s2  }
0x8d: {  	s2 =	sadd.s32 s2, s17  }
0x8e: {  	[smem:$0x3FBE] =	sst s2  }
0x8f: {  	_ = 	snop  }
0x90: {  	s2 =	sld [smem:$0x3FD0];
	(tm) =	ssettm $0x1  }
0x91: {  	s18 =	sld [smem:$0x3FFB];
	_ =	sdelay $0x3  }
0x92: {  	_ =	strace s18  }
0x93: {  	s3 =	sld [smem:$0x3FFC];
	_ =	sdelay $0x3  }
0x94: {  	_ =	strace s3  }
0x95: {  	s3 =	sld [smem:$0x3FFD];
	_ =	sdelay $0x3  }
0x96: {  	_ =	strace s3  }
0x97: {  	_ =	strace $0x8FFFFFFF  }
0x98: {  	s19 =	sld [smem:$0x3FDB];
	_ =	sdelay $0x1  }
0x99: {  	s4 =	simm.s32 $_scs_section_size  }
0x9a: {  	s5 =	simm.s32 $_size__tile_overlayer_lowered;
	s6 =	simm.s32 $_tile_overlayer_lowered  }
0x9b: {  	s22 =	simm.s32 $0x1BFF;
	s21 =	sshll.u32 s6, $0x1;
	s3 =	sadd.s32 s4, s19  }
0x9c: {  	s7 =	simm.s32 $0x0;
	s20 =	sshll.u32 s5, $0x1;
	s5 =	sadd.s32 s21, s3  }
0x9d: {  	[timem:s7], [sflag:s22] =	dma.local [hbm:s5], s20  }
0x9e: {  	_ =	swait.ge [sflag:s22], s20  }
0x9f: {  	s4 =	ssub.s32 $0x0, s20;
	[sflag:s22] =	ssyncset.done $0x0  }
0xa0: {  	[sflag:s22] =	ssyncadd.s32 s4;
	_ =	sdelay $0x1  }
0xa1: {  	s23 =	simm.s32 $0x1B8B  }
0xa2: {  	_ =	swait.ge [sflag:s23], $0x1  }
0xa3: {  	[sflag:s23] =	ssyncset.done $0x0  }
0xa4: {  	s25 =	simm.s32 $0x1B8E;
	s24 =	sld [smem:$0x3FFE];
	[sflag:s23] =	ssyncadd.s32 $0xFFFFFFFF  }
0xa5: {  	s26 =	simm.s32 $execute0_lowered;
	[smem:$0x3FD2] =	sst s25  }
0xa6: {  	s5 =	sshll.u32 s26, $0x1;
	_ =	strace $0x80000049;
	[dreg:$0x1] =	wrdreg $0xFFFFFFFF  }
0xa7: {  	s28 =	simm.s32 $_size_execute0_lowered;
	s3 =	sadd.s32 s3, s5;
	[dreg:$0x0] =	wrdreg $0x0  }
0xa8: {  	s5 =	sshll.u32 s28, $0x1;
	[dreg:$0x2] =	wrdreg s3  }
0xa9: {  	[dreg:$0x3] =	wrdreg s5  }
0xaa: {  	[dreg:$0x4] =	wrdreg $0xC0  }
0xab: {  	_ =	task [dreg:s7], $0x5FFFF  }
0xac: {  	[dreg:$0x1] =	wrdreg $0xFFFFFFFF  }
0xad: {  	[dreg:$0x0] =	wrdreg $0x60  }
0xae: {  	[dreg:$0x2] =	wrdreg s24  }
0xaf: {  	[dreg:$0x3] =	wrdreg s2  }
0xb0: {  	[dreg:$0x4] =	wrdreg $0xB2000  }
0xb1: {  	[dreg:$0x5] =	wrdreg $0x9  }
0xb2: {  	_ =	task.clear_ibuf [dreg:s7], $0x6FFFF;
	_ =	strace $0x90000049  }
0xb3: {  	s29 =	simm.s32 $0x9;
	_ =	strace $0x8000004B  }
0xb4: {  	_ =	swait.ge [sflag:s29], $0x1  }
0xb5: {  	[sflag:s29] =	ssyncadd.s32 $0xFFFFFFFF  }
0xb6: {  	_ =	strace $0x9000004B  }
0xb7: {  	_ =	sfence  }
0xb8: {  	s30 =	sld [smem:$0x0];
	_ =	sdelay $0x2  }
0xb9: {  	s31 =	sshll.u32 s1, $0xD;
	s1 =	sshrl.u32 s1, $0x2  }
0xba: {  	s3 =	sand.u32 $0x4000, s31;
	s1 =	sadd.s32 s1, s30  }
0xbb: {  	s0 =	sor.u32 s3, s0;
	s1 =	sshll.u32 s1, $0x11  }
0xbc: {  	s0 =	sor.u32 s1, s0  }
0xbd: {  	s0 =	sadd.s32 $0x8F2B, s0  }
0xbe: {  	[sflag:s0] =	ssyncadd.remote.s32 $0x1  }
0xbf: {  	_ =	sfence.sel $0xFFFF  }
0xc0: {  	[dreg:$0x0] =	wrdreg $0xFFFFFFFF;
	(pc) =	sbr.abs _section_cstart, $3  }
0xc1: {  	[dreg:$0x1] =	wrdreg $0xFFFFFFFF  }
0xc2: {  	_ =	task.clear_ibuf [dreg:s7], $0x2FFFF;
	_ =	strace $0x9FFFFFFF  }
0xc3: {  	(tm) =	ssettm $0x7FFFFFFF  }
tec
execute0_lowered:
.L_overlay_start_1:
0x0: {  	(tag) =	ssettag $0x1  }
0x1: {  	s8 =	rddreg [dreg:$0x0]  }
0x2: {  	s2 =	rddreg [dreg:$0x1];
	s1 =	srdreg.scid  }
0x3: {  	s0 =	stileid.u32;
	s3 =	rddreg [dreg:$0x2]  }
0x4: {  	s4 =	simm.s32 $0x0;
	s15 =	simm.s32 $0x900;
	s16 =	simm.s32 $0x80  }
0x5: {  	s17 =	simm.s32 $0x1200;
	s18 =	simm.s32 $0x1;
	s19 =	simm.s32 $0x3200  }
0x6: {  	s20 =	simm.s32 $0x7200;
	s21 =	simm.s32 $0x2;
	s22 =	simm.s32 $0x3  }
0x7: {  	s10 =	sand.u32 $0x1, s1;
	s9 =	smul.u32 $0x13900, s0;
	[smem:$0x7FF] =	sst s4  }
0x8: {  	s5 =	sadd.s32 $0x6F000, s8;
	s13 =	sshll.u32 s0, $0x6;
	s6 =	smul.u32 $0x139000, s10  }
0x9: {  	_ =	strace $0x8000004A;
	s12 =	ssub.s32 $0x2, s10;
	s10 =	smul.u32 $0x51000, s10  }
.Ltmp0:
0xa: {  	s31 =	sshrl.u32 s12, $0x1;
	s14 =	sadd.s32 s9, s3;
	(pc) =	sbr.rel .LBB2_1-.Ltmp0, $4  }
0xb: {  	s7 =	sadd.s32 s9, s6;
	s6 =	sadd.s32 $0xC800, s8;
	s12 =	ssub.s32 s12, s31  }
0xc: {  	s9 =	sor.u32 $0x1C04, s13;
	s13 =	sshrl.u32 s14, $0x3;
	s11 =	sshrl.u32 s7, $0x3  }
0xd: {  	s14 =	simm.s32 $0x4;
	s7 =	sadd.s32 $0x1E00, s8;
	s11 =	sadd.s32 s11, s8  }
0xe: {  	s12 =	smax.u32 s12, $0x1;
	s8 =	smul.u32 $0xA2, s0;
	s11 =	sadd.s32 $0x96200, s11  }
.LBB2_10:
0xf: {  	s4 =	sadd.s32 $0x1, s4  }
0x10: {  	p0 =	sne.s32 s4, s12  }
.Ltmp1:
0x11: {  	[bflag:$0x0] =	sbarrier.arrive $0xFFFF;
	(pc) =	sbr.rel @!p0 .LBB2_11-.Ltmp1, $4  }
0x12: {  	[hbm:s11], [sflag:s9] =	dma.local [spmem:s13], $0x2720  }
0x13: {  	_ =	swait.ge [sflag:s14], $0x2720  }
0x14: {  	[sflag:s14] =	ssyncset.done $0x0  }
0x15: {  	[sflag:s14] =	ssyncadd.s32 $0xFFFFD8E0  }
.LBB2_1:
0x16: {  	[spmem:s13], [sflag:s9] =	dma.local [hbm:s2], $0x2720  }
.Ltmp2:
0x17: {  	_ =	swait.ge [sflag:s14], $0x2720;
	(pc) =	sbr.rel .LBB2_2-.Ltmp2, $4  }
0x18: {  	[sflag:s14] =	ssyncset.done $0x0  }
0x19: {  	[sflag:s14] =	ssyncadd.s32 $0xFFFFD8E0  }
0x1a: {  	[bflag:$0x0] =	sbarrier.arrive $0xFFFF  }
0x1b: {  	s23 =	simm.s32 $0x0  }
.LBB2_9:
0x1c: {  	[spmem:s3] =	stream.indirect.scatter.add.f32 [tilespmem:s20], [sflag:$0x3], $0x80, s26, s16, $0xb8;
	[tilespmem:$0x1EB00] =	vst v63  }
0x1d: {  	s23 =	sadd.s32 $0x1, s23  }
0x1e: {  	_ =	swait.ge [sflag:s21], $0x4000;
	p0 =	sne.s32 s23, $0x9  }
.Ltmp3:
0x1f: {  	[sflag:s21] =	ssyncset.done $0x0;
	(pc) =	sbr.rel @!p0 .LBB2_10-.Ltmp3, $4  }
0x20: {  	[sflag:s21] =	ssyncadd.s32 $0xFFFFC000  }
0x21: {  	_ =	swait.ge [sflag:s22], $0x4000  }
0x22: {  	[sflag:s22] =	ssyncset.done $0x0  }
0x23: {  	[sflag:s22] =	ssyncadd.s32 $0xFFFFC000  }
.LBB2_2:
0x24: {  	s24 =	smul.u32 $0x12, s23;
	_ =	sdelay $0x1  }
0x25: {  	s25 =	sadd.s32 s8, s24  }
0x26: {  	s24 =	sshll.u32 s25, $0x7  }
0x27: {  	s24 =	sadd.s32 s10, s24  }
0x28: {  	s24 =	sshrl.u32 s24, $0x3  }
0x29: {  	s26 =	sadd.s32 s6, s24;
	s24 =	simm.s32 $0x0  }
0x2a: {  	[tilespmem:s24], [sflag:$0x4] =	stream.linear.gather [hbm4b:s26+s24], $0x900, $0x38;
	[tilespmem:$0x1EB00] =	vst v63  }
0x2b: {  	_ =	swait.ge [sflag:s14], $0x900  }
0x2c: {  	s25 =	sshll.u32 s25, $0x4;
	[sflag:s14] =	ssyncset.done $0x0  }
0x2d: {  	s25 =	sadd.s32 s7, s25;
	[sflag:s14] =	ssyncadd.s32 $0xFFFFF700  }
0x2e: {  	[tilespmem:s15], [sflag:$0x4] =	stream.linear.gather [hbm4b:s25+s24], $0x900, $0x38;
	[tilespmem:$0x1EB00] =	vst v63  }
0x2f: {  	_ =	swait.ge [sflag:s14], $0x900  }
0x30: {  	[sflag:s14] =	ssyncset.done $0x0  }
0x31: {  	[sflag:s14] =	ssyncadd.s32 $0xFFFFF700  }
0x32: {  	[tilespmem:s17], [sflag:$0x1] =	stream.indirect.gather [hbm4b:s5+s16], $0x40, s24, s16, $0xb8;
	[tilespmem:$0x1EB00] =	vst v63  }
.LBB2_3:
0x33: {  	_ =	swait.ge [sflag:s18], $0x2000  }
0x34: {  	p0 =	seq.s32 s24, $0x0;
	[sflag:s18] =	ssyncset.done $0x0  }
0x35: {  	s25 =	simm.s32 @!p0 $0x2;
	[sflag:s18] =	ssyncadd.s32 $0xFFFFE000  }
0x36: {  	_ =	swait.ge @!p0 [sflag:s25], $0x4000  }
0x37: {  	[sflag:s25] =	ssyncset.done @!p0 $0x0  }
0x38: {  	s26 =	simm.s32 $0x0;
	[sflag:s25] =	ssyncadd.s32 @!p0 $0xFFFFC000  }
0x39: {  	v0 =	vld [tilespmem:s26+$0x1200];
	_ =	sdelay $0x4  }
0x3a: {  	s25 =	simm.s32 $0x3400;
	v1 =	vshll.u32 v0, $0x10  }
0x3b: {  	v0 =	vand.u32 $0xFFFF0000, v0;
	[tilespmem:s25+$0xFFFFFE00] =	vst v1  }
0x3c: {  	[tilespmem:s25+$0xFFFFFE10] =	vst v0  }
0x3d: {  	v0 =	vld [tilespmem:s26+$0x1210];
	_ =	sdelay $0x4  }
0x3e: {  	v1 =	vshll.u32 v0, $0x10  }
0x3f: {  	v0 =	vand.u32 $0xFFFF0000, v0;
	[tilespmem:s25+$0xFFFFFE20] =	vst v1  }
0x40: {  	[tilespmem:s25+$0xFFFFFE30] =	vst v0  }
0x41: {  	v0 =	vld [tilespmem:s26+$0x1220];
	_ =	sdelay $0x4  }
0x42: {  	v1 =	vshll.u32 v0, $0x10  }
0x43: {  	v0 =	vand.u32 $0xFFFF0000, v0;
	[tilespmem:s25+$0xFFFFFE40] =	vst v1  }
0x44: {  	[tilespmem:s25+$0xFFFFFE50] =	vst v0  }
0x45: {  	v0 =	vld [tilespmem:s26+$0x1230];
	_ =	sdelay $0x4  }
0x46: {  	v1 =	vshll.u32 v0, $0x10  }
0x47: {  	v0 =	vand.u32 $0xFFFF0000, v0;
	[tilespmem:s25+$0xFFFFFE60] =	vst v1  }
0x48: {  	[tilespmem:s25+$0xFFFFFE70] =	vst v0  }
0x49: {  	v0 =	vld [tilespmem:s26+$0x1240];
	_ =	sdelay $0x4  }
0x4a: {  	v1 =	vshll.u32 v0, $0x10  }
0x4b: {  	v0 =	vand.u32 $0xFFFF0000, v0;
	[tilespmem:s25+$0xFFFFFE80] =	vst v1  }
0x4c: {  	[tilespmem:s25+$0xFFFFFE90] =	vst v0  }
0x4d: {  	v0 =	vld [tilespmem:s26+$0x1250];
	_ =	sdelay $0x4  }
0x4e: {  	v1 =	vshll.u32 v0, $0x10  }
0x4f: {  	v0 =	vand.u32 $0xFFFF0000, v0;
	[tilespmem:s25+$0xFFFFFEA0] =	vst v1  }
0x50: {  	[tilespmem:s25+$0xFFFFFEB0] =	vst v0  }
0x51: {  	v0 =	vld [tilespmem:s26+$0x1260];
	_ =	sdelay $0x4  }
0x52: {  	v1 =	vshll.u32 v0, $0x10  }
0x53: {  	v0 =	vand.u32 $0xFFFF0000, v0;
	[tilespmem:s25+$0xFFFFFEC0] =	vst v1  }
0x54: {  	[tilespmem:s25+$0xFFFFFED0] =	vst v0  }
0x55: {  	v0 =	vld [tilespmem:s26+$0x1270];
	_ =	sdelay $0x4  }
0x56: {  	v1 =	vshll.u32 v0, $0x10  }
0x57: {  	v0 =	vand.u32 $0xFFFF0000, v0;
	[tilespmem:s25+$0xFFFFFEE0] =	vst v1  }
0x58: {  	[tilespmem:s25+$0xFFFFFEF0] =	vst v0  }
0x59: {  	v0 =	vld [tilespmem:s26+$0x1280];
	_ =	sdelay $0x4  }
0x5a: {  	v1 =	vshll.u32 v0, $0x10  }
0x5b: {  	v0 =	vand.u32 $0xFFFF0000, v0;
	[tilespmem:s25+$0xFFFFFF00] =	vst v1  }
0x5c: {  	[tilespmem:s25+$0xFFFFFF10] =	vst v0  }
0x5d: {  	v0 =	vld [tilespmem:s26+$0x1290];
	_ =	sdelay $0x4  }
0x5e: {  	v1 =	vshll.u32 v0, $0x10  }
0x5f: {  	v0 =	vand.u32 $0xFFFF0000, v0;
	[tilespmem:s25+$0xFFFFFF20] =	vst v1  }
0x60: {  	[tilespmem:s25+$0xFFFFFF30] =	vst v0  }
0x61: {  	v0 =	vld [tilespmem:s26+$0x12A0];
	_ =	sdelay $0x4  }
0x62: {  	v1 =	vshll.u32 v0, $0x10  }
0x63: {  	v0 =	vand.u32 $0xFFFF0000, v0;
	[tilespmem:s25+$0xFFFFFF40] =	vst v1  }
0x64: {  	[tilespmem:s25+$0xFFFFFF50] =	vst v0  }
0x65: {  	v0 =	vld [tilespmem:s26+$0x12B0];
	_ =	sdelay $0x4  }
0x66: {  	v1 =	vshll.u32 v0, $0x10  }
0x67: {  	v0 =	vand.u32 $0xFFFF0000, v0;
	[tilespmem:s25+$0xFFFFFF60] =	vst v1  }
0x68: {  	[tilespmem:s25+$0xFFFFFF70] =	vst v0  }
0x69: {  	v0 =	vld [tilespmem:s26+$0x12C0];
	_ =	sdelay $0x4  }
0x6a: {  	v1 =	vshll.u32 v0, $0x10  }
0x6b: {  	v0 =	vand.u32 $0xFFFF0000, v0;
	[tilespmem:s25+$0xFFFFFF80] =	vst v1  }
0x6c: {  	[tilespmem:s25+$0xFFFFFF90] =	vst v0  }
0x6d: {  	v0 =	vld [tilespmem:s26+$0x12D0];
	_ =	sdelay $0x4  }
0x6e: {  	v1 =	vshll.u32 v0, $0x10  }
0x6f: {  	v0 =	vand.u32 $0xFFFF0000, v0;
	[tilespmem:s25+$0xFFFFFFA0] =	vst v1  }
0x70: {  	[tilespmem:s25+$0xFFFFFFB0] =	vst v0  }
0x71: {  	v0 =	vld [tilespmem:s26+$0x12E0];
	_ =	sdelay $0x4  }
0x72: {  	v1 =	vshll.u32 v0, $0x10  }
0x73: {  	v0 =	vand.u32 $0xFFFF0000, v0;
	[tilespmem:s25+$0xFFFFFFC0] =	vst v1  }
0x74: {  	[tilespmem:s25+$0xFFFFFFD0] =	vst v0  }
0x75: {  	v0 =	vld [tilespmem:s26+$0x12F0];
	_ =	sdelay $0x4  }
0x76: {  	v1 =	vshll.u32 v0, $0x10  }
0x77: {  	v0 =	vand.u32 $0xFFFF0000, v0;
	[tilespmem:s25+$0xFFFFFFE0] =	vst v1  }
0x78: {  	[tilespmem:s25+$0xFFFFFFF0] =	vst v0  }
0x79: {  	v0 =	vld [tilespmem:s26+$0x1300];
	_ =	sdelay $0x4  }
0x7a: {  	v1 =	vshll.u32 v0, $0x10  }
0x7b: {  	v0 =	vand.u32 $0xFFFF0000, v0;
	[tilespmem:s25+$0x0] =	vst v1  }
0x7c: {  	[tilespmem:s25+$0x10] =	vst v0  }
0x7d: {  	v0 =	vld [tilespmem:s26+$0x1310];
	_ =	sdelay $0x4  }
0x7e: {  	v1 =	vshll.u32 v0, $0x10  }
0x7f: {  	v0 =	vand.u32 $0xFFFF0000, v0;
	[tilespmem:s25+$0x20] =	vst v1  }
0x80: {  	[tilespmem:s25+$0x30] =	vst v0  }
0x81: {  	v0 =	vld [tilespmem:s26+$0x1320];
	_ =	sdelay $0x4  }
0x82: {  	v1 =	vshll.u32 v0, $0x10  }
0x83: {  	v0 =	vand.u32 $0xFFFF0000, v0;
	[tilespmem:s25+$0x40] =	vst v1  }
0x84: {  	[tilespmem:s25+$0x50] =	vst v0  }
0x85: {  	v0 =	vld [tilespmem:s26+$0x1330];
	_ =	sdelay $0x4  }
0x86: {  	v1 =	vshll.u32 v0, $0x10  }
0x87: {  	v0 =	vand.u32 $0xFFFF0000, v0;
	[tilespmem:s25+$0x60] =	vst v1  }
0x88: {  	[tilespmem:s25+$0x70] =	vst v0  }
0x89: {  	v0 =	vld [tilespmem:s26+$0x1340];
	_ =	sdelay $0x4  }
0x8a: {  	v1 =	vshll.u32 v0, $0x10  }
0x8b: {  	v0 =	vand.u32 $0xFFFF0000, v0;
	[tilespmem:s25+$0x80] =	vst v1  }
0x8c: {  	[tilespmem:s25+$0x90] =	vst v0  }
0x8d: {  	v0 =	vld [tilespmem:s26+$0x1350];
	_ =	sdelay $0x4  }
0x8e: {  	v1 =	vshll.u32 v0, $0x10  }
0x8f: {  	v0 =	vand.u32 $0xFFFF0000, v0;
	[tilespmem:s25+$0xA0] =	vst v1  }
0x90: {  	[tilespmem:s25+$0xB0] =	vst v0  }
0x91: {  	v0 =	vld [tilespmem:s26+$0x1360];
	_ =	sdelay $0x4  }
0x92: {  	v1 =	vshll.u32 v0, $0x10  }
0x93: {  	v0 =	vand.u32 $0xFFFF0000, v0;
	[tilespmem:s25+$0xC0] =	vst v1  }
0x94: {  	[tilespmem:s25+$0xD0] =	vst v0  }
0x95: {  	v0 =	vld [tilespmem:s26+$0x1370];
	_ =	sdelay $0x4  }
0x96: {  	v1 =	vshll.u32 v0, $0x10  }
0x97: {  	v0 =	vand.u32 $0xFFFF0000, v0;
	[tilespmem:s25+$0xE0] =	vst v1  }
0x98: {  	[tilespmem:s25+$0xF0] =	vst v0  }
0x99: {  	v0 =	vld [tilespmem:s26+$0x1380];
	_ =	sdelay $0x4  }
0x9a: {  	v1 =	vshll.u32 v0, $0x10  }
0x9b: {  	v0 =	vand.u32 $0xFFFF0000, v0;
	[tilespmem:s25+$0x100] =	vst v1  }
0x9c: {  	[tilespmem:s25+$0x110] =	vst v0  }
0x9d: {  	v0 =	vld [tilespmem:s26+$0x1390];
	_ =	sdelay $0x4  }
0x9e: {  	v1 =	vshll.u32 v0, $0x10  }
0x9f: {  	v0 =	vand.u32 $0xFFFF0000, v0;
	[tilespmem:s25+$0x120] =	vst v1  }
0xa0: {  	[tilespmem:s25+$0x130] =	vst v0  }
0xa1: {  	v0 =	vld [tilespmem:s26+$0x13A0];
	_ =	sdelay $0x4  }
0xa2: {  	v1 =	vshll.u32 v0, $0x10  }
0xa3: {  	v0 =	vand.u32 $0xFFFF0000, v0;
	[tilespmem:s25+$0x140] =	vst v1  }
0xa4: {  	[tilespmem:s25+$0x150] =	vst v0  }
0xa5: {  	v0 =	vld [tilespmem:s26+$0x13B0];
	_ =	sdelay $0x4  }
0xa6: {  	v1 =	vshll.u32 v0, $0x10  }
0xa7: {  	s28 =	simm.s32 $0x800;
	s29 =	simm.s32 $0x3400;
	v0 =	vand.u32 $0xFFFF0000, v0;
	[tilespmem:s25+$0x160] =	vst v1  }
.LBB2_4:
0xa8: {  	p1 =	sne.s32 s28, $0x7800  }
0xa9: {  	[tilespmem:s25+$0x170] =	vst v0;
	s29 =	sadd.s32 $0x400, s29;
	s30 =	smov.u32 s28;
	s28 =	sadd.s32 $0x800, s28  }
0xaa: {  	v0 =	vld [tilespmem:s26+$0x13C0];
	_ =	sdelay $0x4  }
0xab: {  	v1 =	vshll.u32 v0, $0x10;
	v0 =	vand.u32 $0xFFFF0000, v0  }
0xac: {  	[tilespmem:s25+$0x180] =	vst v1  }
0xad: {  	[tilespmem:s25+$0x190] =	vst v0  }
0xae: {  	v0 =	vld [tilespmem:s26+$0x13D0];
	_ =	sdelay $0x4  }
0xaf: {  	v1 =	vshll.u32 v0, $0x10;
	v0 =	vand.u32 $0xFFFF0000, v0  }
0xb0: {  	[tilespmem:s25+$0x1A0] =	vst v1  }
0xb1: {  	[tilespmem:s25+$0x1B0] =	vst v0  }
0xb2: {  	v0 =	vld [tilespmem:s26+$0x13E0];
	_ =	sdelay $0x4  }
0xb3: {  	v1 =	vshll.u32 v0, $0x10;
	v0 =	vand.u32 $0xFFFF0000, v0  }
0xb4: {  	[tilespmem:s25+$0x1C0] =	vst v1  }
0xb5: {  	[tilespmem:s25+$0x1D0] =	vst v0  }
0xb6: {  	v0 =	vld [tilespmem:s26+$0x13F0];
	_ =	sdelay $0x4  }
0xb7: {  	v1 =	vshll.u32 v0, $0x10;
	v0 =	vand.u32 $0xFFFF0000, v0  }
0xb8: {  	[tilespmem:s25+$0x1E0] =	vst v1  }
0xb9: {  	s26 =	sshra.s32 s30, $0x2;
	[tilespmem:s25+$0x1F0] =	vst v0;
	s25 =	smov.u32 s29  }
0xba: {  	v0 =	vld [tilespmem:s26+$0x1200];
	_ =	sdelay $0x4  }
0xbb: {  	v1 =	vshll.u32 v0, $0x10;
	v0 =	vand.u32 $0xFFFF0000, v0  }
0xbc: {  	[tilespmem:s29+$0xFFFFFE00] =	vst v1  }
0xbd: {  	[tilespmem:s29+$0xFFFFFE10] =	vst v0  }
0xbe: {  	v0 =	vld [tilespmem:s26+$0x1210];
	_ =	sdelay $0x4  }
0xbf: {  	v1 =	vshll.u32 v0, $0x10;
	v0 =	vand.u32 $0xFFFF0000, v0  }
0xc0: {  	[tilespmem:s29+$0xFFFFFE20] =	vst v1  }
0xc1: {  	[tilespmem:s29+$0xFFFFFE30] =	vst v0  }
0xc2: {  	v0 =	vld [tilespmem:s26+$0x1220];
	_ =	sdelay $0x4  }
0xc3: {  	v1 =	vshll.u32 v0, $0x10;
	v0 =	vand.u32 $0xFFFF0000, v0  }
0xc4: {  	[tilespmem:s29+$0xFFFFFE40] =	vst v1  }
0xc5: {  	[tilespmem:s29+$0xFFFFFE50] =	vst v0  }
0xc6: {  	v0 =	vld [tilespmem:s26+$0x1230];
	_ =	sdelay $0x4  }
0xc7: {  	v1 =	vshll.u32 v0, $0x10;
	v0 =	vand.u32 $0xFFFF0000, v0  }
0xc8: {  	[tilespmem:s29+$0xFFFFFE60] =	vst v1  }
0xc9: {  	[tilespmem:s29+$0xFFFFFE70] =	vst v0  }
0xca: {  	v0 =	vld [tilespmem:s26+$0x1240];
	_ =	sdelay $0x4  }
0xcb: {  	v1 =	vshll.u32 v0, $0x10;
	v0 =	vand.u32 $0xFFFF0000, v0  }
0xcc: {  	[tilespmem:s29+$0xFFFFFE80] =	vst v1  }
0xcd: {  	[tilespmem:s29+$0xFFFFFE90] =	vst v0  }
0xce: {  	v0 =	vld [tilespmem:s26+$0x1250];
	_ =	sdelay $0x4  }
0xcf: {  	v1 =	vshll.u32 v0, $0x10;
	v0 =	vand.u32 $0xFFFF0000, v0  }
0xd0: {  	[tilespmem:s29+$0xFFFFFEA0] =	vst v1  }
0xd1: {  	[tilespmem:s29+$0xFFFFFEB0] =	vst v0  }
0xd2: {  	v0 =	vld [tilespmem:s26+$0x1260];
	_ =	sdelay $0x4  }
0xd3: {  	v1 =	vshll.u32 v0, $0x10;
	v0 =	vand.u32 $0xFFFF0000, v0  }
0xd4: {  	[tilespmem:s29+$0xFFFFFEC0] =	vst v1  }
0xd5: {  	[tilespmem:s29+$0xFFFFFED0] =	vst v0  }
0xd6: {  	v0 =	vld [tilespmem:s26+$0x1270];
	_ =	sdelay $0x4  }
0xd7: {  	v1 =	vshll.u32 v0, $0x10;
	v0 =	vand.u32 $0xFFFF0000, v0  }
0xd8: {  	[tilespmem:s29+$0xFFFFFEE0] =	vst v1  }
0xd9: {  	[tilespmem:s29+$0xFFFFFEF0] =	vst v0  }
0xda: {  	v0 =	vld [tilespmem:s26+$0x1280];
	_ =	sdelay $0x4  }
0xdb: {  	v1 =	vshll.u32 v0, $0x10;
	v0 =	vand.u32 $0xFFFF0000, v0  }
0xdc: {  	[tilespmem:s29+$0xFFFFFF00] =	vst v1  }
0xdd: {  	[tilespmem:s29+$0xFFFFFF10] =	vst v0  }
0xde: {  	v0 =	vld [tilespmem:s26+$0x1290];
	_ =	sdelay $0x4  }
0xdf: {  	v1 =	vshll.u32 v0, $0x10;
	v0 =	vand.u32 $0xFFFF0000, v0  }
0xe0: {  	[tilespmem:s29+$0xFFFFFF20] =	vst v1  }
0xe1: {  	[tilespmem:s29+$0xFFFFFF30] =	vst v0  }
0xe2: {  	v0 =	vld [tilespmem:s26+$0x12A0];
	_ =	sdelay $0x4  }
0xe3: {  	v1 =	vshll.u32 v0, $0x10;
	v0 =	vand.u32 $0xFFFF0000, v0  }
0xe4: {  	[tilespmem:s29+$0xFFFFFF40] =	vst v1  }
0xe5: {  	[tilespmem:s29+$0xFFFFFF50] =	vst v0  }
0xe6: {  	v0 =	vld [tilespmem:s26+$0x12B0];
	_ =	sdelay $0x4  }
0xe7: {  	v1 =	vshll.u32 v0, $0x10;
	v0 =	vand.u32 $0xFFFF0000, v0  }
0xe8: {  	[tilespmem:s29+$0xFFFFFF60] =	vst v1  }
0xe9: {  	[tilespmem:s29+$0xFFFFFF70] =	vst v0  }
0xea: {  	v0 =	vld [tilespmem:s26+$0x12C0];
	_ =	sdelay $0x4  }
0xeb: {  	v1 =	vshll.u32 v0, $0x10;
	v0 =	vand.u32 $0xFFFF0000, v0  }
0xec: {  	[tilespmem:s29+$0xFFFFFF80] =	vst v1  }
0xed: {  	[tilespmem:s29+$0xFFFFFF90] =	vst v0  }
0xee: {  	v0 =	vld [tilespmem:s26+$0x12D0];
	_ =	sdelay $0x4  }
0xef: {  	v1 =	vshll.u32 v0, $0x10;
	v0 =	vand.u32 $0xFFFF0000, v0  }
0xf0: {  	[tilespmem:s29+$0xFFFFFFA0] =	vst v1  }
0xf1: {  	[tilespmem:s29+$0xFFFFFFB0] =	vst v0  }
0xf2: {  	v0 =	vld [tilespmem:s26+$0x12E0];
	_ =	sdelay $0x4  }
0xf3: {  	v1 =	vshll.u32 v0, $0x10;
	v0 =	vand.u32 $0xFFFF0000, v0  }
0xf4: {  	[tilespmem:s29+$0xFFFFFFC0] =	vst v1  }
0xf5: {  	[tilespmem:s29+$0xFFFFFFD0] =	vst v0  }
0xf6: {  	v0 =	vld [tilespmem:s26+$0x12F0];
	_ =	sdelay $0x4  }
0xf7: {  	v1 =	vshll.u32 v0, $0x10;
	v0 =	vand.u32 $0xFFFF0000, v0  }
0xf8: {  	[tilespmem:s29+$0xFFFFFFE0] =	vst v1  }
0xf9: {  	[tilespmem:s29+$0xFFFFFFF0] =	vst v0  }
0xfa: {  	v0 =	vld [tilespmem:s26+$0x1300];
	_ =	sdelay $0x4  }
0xfb: {  	v1 =	vshll.u32 v0, $0x10;
	v0 =	vand.u32 $0xFFFF0000, v0  }
0xfc: {  	[tilespmem:s29+$0x0] =	vst v1  }
0xfd: {  	[tilespmem:s29+$0x10] =	vst v0  }
0xfe: {  	v0 =	vld [tilespmem:s26+$0x1310];
	_ =	sdelay $0x4  }
0xff: {  	v1 =	vshll.u32 v0, $0x10;
	v0 =	vand.u32 $0xFFFF0000, v0  }
0x100: {  	[tilespmem:s29+$0x20] =	vst v1  }
0x101: {  	[tilespmem:s29+$0x30] =	vst v0  }
0x102: {  	v0 =	vld [tilespmem:s26+$0x1320];
	_ =	sdelay $0x4  }
0x103: {  	v1 =	vshll.u32 v0, $0x10;
	v0 =	vand.u32 $0xFFFF0000, v0  }
0x104: {  	[tilespmem:s29+$0x40] =	vst v1  }
0x105: {  	[tilespmem:s29+$0x50] =	vst v0  }
0x106: {  	v0 =	vld [tilespmem:s26+$0x1330];
	_ =	sdelay $0x4  }
0x107: {  	v1 =	vshll.u32 v0, $0x10;
	v0 =	vand.u32 $0xFFFF0000, v0  }
0x108: {  	[tilespmem:s29+$0x60] =	vst v1  }
0x109: {  	[tilespmem:s29+$0x70] =	vst v0  }
0x10a: {  	v0 =	vld [tilespmem:s26+$0x1340];
	_ =	sdelay $0x4  }
0x10b: {  	v1 =	vshll.u32 v0, $0x10;
	v0 =	vand.u32 $0xFFFF0000, v0  }
0x10c: {  	[tilespmem:s29+$0x80] =	vst v1  }
0x10d: {  	[tilespmem:s29+$0x90] =	vst v0  }
0x10e: {  	v0 =	vld [tilespmem:s26+$0x1350];
	_ =	sdelay $0x4  }
0x10f: {  	v1 =	vshll.u32 v0, $0x10;
	v0 =	vand.u32 $0xFFFF0000, v0  }
0x110: {  	[tilespmem:s29+$0xA0] =	vst v1  }
0x111: {  	[tilespmem:s29+$0xB0] =	vst v0  }
0x112: {  	v0 =	vld [tilespmem:s26+$0x1360];
	_ =	sdelay $0x4  }
0x113: {  	v1 =	vshll.u32 v0, $0x10;
	v0 =	vand.u32 $0xFFFF0000, v0  }
0x114: {  	[tilespmem:s29+$0xC0] =	vst v1  }
0x115: {  	[tilespmem:s29+$0xD0] =	vst v0  }
0x116: {  	v0 =	vld [tilespmem:s26+$0x1370];
	_ =	sdelay $0x4  }
0x117: {  	v1 =	vshll.u32 v0, $0x10;
	v0 =	vand.u32 $0xFFFF0000, v0  }
0x118: {  	[tilespmem:s29+$0xE0] =	vst v1  }
0x119: {  	[tilespmem:s29+$0xF0] =	vst v0  }
0x11a: {  	v0 =	vld [tilespmem:s26+$0x1380];
	_ =	sdelay $0x4  }
0x11b: {  	v1 =	vshll.u32 v0, $0x10;
	v0 =	vand.u32 $0xFFFF0000, v0  }
0x11c: {  	[tilespmem:s29+$0x100] =	vst v1  }
0x11d: {  	[tilespmem:s29+$0x110] =	vst v0  }
0x11e: {  	v0 =	vld [tilespmem:s26+$0x1390];
	_ =	sdelay $0x4  }
0x11f: {  	v1 =	vshll.u32 v0, $0x10;
	v0 =	vand.u32 $0xFFFF0000, v0  }
0x120: {  	[tilespmem:s29+$0x120] =	vst v1  }
0x121: {  	[tilespmem:s29+$0x130] =	vst v0  }
0x122: {  	v0 =	vld [tilespmem:s26+$0x13A0];
	_ =	sdelay $0x4  }
0x123: {  	v1 =	vshll.u32 v0, $0x10;
	v0 =	vand.u32 $0xFFFF0000, v0  }
0x124: {  	[tilespmem:s29+$0x140] =	vst v1  }
0x125: {  	[tilespmem:s29+$0x150] =	vst v0  }
0x126: {  	v0 =	vld [tilespmem:s26+$0x13B0];
	_ =	sdelay $0x1  }
.Ltmp4:
0x127: {  	(pc) =	sbr.rel @p1 .LBB2_4-.Ltmp4, $3  }
0x128: {  	_ =	sdelay $0x1  }
0x129: {  	v1 =	vshll.u32 v0, $0x10;
	v0 =	vand.u32 $0xFFFF0000, v0  }
0x12a: {  	[tilespmem:s29+$0x160] =	vst v1  }
0x12b: {  	[tilespmem:s25+$0x170] =	vst v0  }
0x12c: {  	v0 =	vld [tilespmem:s26+$0x13C0];
	_ =	sdelay $0x4  }
0x12d: {  	v1 =	vshll.u32 v0, $0x10  }
0x12e: {  	v0 =	vand.u32 $0xFFFF0000, v0;
	[tilespmem:s25+$0x180] =	vst v1  }
0x12f: {  	[tilespmem:s25+$0x190] =	vst v0  }
0x130: {  	v0 =	vld [tilespmem:s26+$0x13D0];
	_ =	sdelay $0x4  }
0x131: {  	v1 =	vshll.u32 v0, $0x10  }
0x132: {  	v0 =	vand.u32 $0xFFFF0000, v0;
	[tilespmem:s25+$0x1A0] =	vst v1  }
0x133: {  	[tilespmem:s25+$0x1B0] =	vst v0  }
0x134: {  	v0 =	vld [tilespmem:s26+$0x13E0];
	_ =	sdelay $0x4  }
0x135: {  	v1 =	vshll.u32 v0, $0x10  }
0x136: {  	v0 =	vand.u32 $0xFFFF0000, v0;
	[tilespmem:s25+$0x1C0] =	vst v1  }
0x137: {  	[tilespmem:s25+$0x1D0] =	vst v0  }
0x138: {  	v0 =	vld [tilespmem:s26+$0x13F0];
	_ =	sdelay $0x4  }
0x139: {  	s1 =	sshll.u32 s24, $0x8;
	v1 =	vshll.u32 v0, $0x10  }
0x13a: {  	s26 =	sor.u32 $0x80, s1;
	s1 =	sshll.u32 s24, $0xA;
	v0 =	vand.u32 $0xFFFF0000, v0;
	[tilespmem:s25+$0x1E0] =	vst v1  }
0x13b: {  	[tilespmem:s25+$0x1F0] =	vst v0;
	s25 =	sshrl.u32 s1, $0x2  }
0x13c: {  	[tilespmem:s17], [sflag:$0x1] =	stream.indirect.gather [hbm4b:s5+s16], $0x40, s26, s16, $0xb8;
	[tilespmem:$0x1EB00] =	vst v63  }
0x13d: {  	s28 =	sadd.s32 $0x900, s25  }
0x13e: {  	[spmem:s3] =	stream.indirect.scatter.add.f32 [tilespmem:s19], [sflag:$0x2], $0x80, s28, s16, $0xb8;
	[tilespmem:$0x1EB00] =	vst v63  }
0x13f: {  	_ =	swait.ge [sflag:s18], $0x2000  }
0x140: {  	[sflag:s18] =	ssyncset.done $0x0  }
0x141: {  	s28 =	simm.s32 @!p0 $0x3;
	[sflag:s18] =	ssyncadd.s32 $0xFFFFE000  }
0x142: {  	_ =	swait.ge @!p0 [sflag:s28], $0x4000  }
0x143: {  	[sflag:s28] =	ssyncset.done @!p0 $0x0  }
0x144: {  	s29 =	simm.s32 $0x0;
	[sflag:s28] =	ssyncadd.s32 @!p0 $0xFFFFC000  }
0x145: {  	v0 =	vld [tilespmem:s29+$0x1200];
	_ =	sdelay $0x4  }
0x146: {  	s28 =	simm.s32 $0x7400;
	v1 =	vshll.u32 v0, $0x10  }
0x147: {  	v0 =	vand.u32 $0xFFFF0000, v0;
	[tilespmem:s28+$0xFFFFFE00] =	vst v1  }
0x148: {  	[tilespmem:s28+$0xFFFFFE10] =	vst v0  }
0x149: {  	v0 =	vld [tilespmem:s29+$0x1210];
	_ =	sdelay $0x4  }
0x14a: {  	v1 =	vshll.u32 v0, $0x10  }
0x14b: {  	v0 =	vand.u32 $0xFFFF0000, v0;
	[tilespmem:s28+$0xFFFFFE20] =	vst v1  }
0x14c: {  	[tilespmem:s28+$0xFFFFFE30] =	vst v0  }
0x14d: {  	v0 =	vld [tilespmem:s29+$0x1220];
	_ =	sdelay $0x4  }
0x14e: {  	v1 =	vshll.u32 v0, $0x10  }
0x14f: {  	v0 =	vand.u32 $0xFFFF0000, v0;
	[tilespmem:s28+$0xFFFFFE40] =	vst v1  }
0x150: {  	[tilespmem:s28+$0xFFFFFE50] =	vst v0  }
0x151: {  	v0 =	vld [tilespmem:s29+$0x1230];
	_ =	sdelay $0x4  }
0x152: {  	v1 =	vshll.u32 v0, $0x10  }
0x153: {  	v0 =	vand.u32 $0xFFFF0000, v0;
	[tilespmem:s28+$0xFFFFFE60] =	vst v1  }
0x154: {  	[tilespmem:s28+$0xFFFFFE70] =	vst v0  }
0x155: {  	v0 =	vld [tilespmem:s29+$0x1240];
	_ =	sdelay $0x4  }
0x156: {  	v1 =	vshll.u32 v0, $0x10  }
0x157: {  	v0 =	vand.u32 $0xFFFF0000, v0;
	[tilespmem:s28+$0xFFFFFE80] =	vst v1  }
0x158: {  	[tilespmem:s28+$0xFFFFFE90] =	vst v0  }
0x159: {  	v0 =	vld [tilespmem:s29+$0x1250];
	_ =	sdelay $0x4  }
0x15a: {  	v1 =	vshll.u32 v0, $0x10  }
0x15b: {  	v0 =	vand.u32 $0xFFFF0000, v0;
	[tilespmem:s28+$0xFFFFFEA0] =	vst v1  }
0x15c: {  	[tilespmem:s28+$0xFFFFFEB0] =	vst v0  }
0x15d: {  	v0 =	vld [tilespmem:s29+$0x1260];
	_ =	sdelay $0x4  }
0x15e: {  	v1 =	vshll.u32 v0, $0x10  }
0x15f: {  	v0 =	vand.u32 $0xFFFF0000, v0;
	[tilespmem:s28+$0xFFFFFEC0] =	vst v1  }
0x160: {  	[tilespmem:s28+$0xFFFFFED0] =	vst v0  }
0x161: {  	v0 =	vld [tilespmem:s29+$0x1270];
	_ =	sdelay $0x4  }
0x162: {  	v1 =	vshll.u32 v0, $0x10  }
0x163: {  	v0 =	vand.u32 $0xFFFF0000, v0;
	[tilespmem:s28+$0xFFFFFEE0] =	vst v1  }
0x164: {  	[tilespmem:s28+$0xFFFFFEF0] =	vst v0  }
0x165: {  	v0 =	vld [tilespmem:s29+$0x1280];
	_ =	sdelay $0x4  }
0x166: {  	v1 =	vshll.u32 v0, $0x10  }
0x167: {  	v0 =	vand.u32 $0xFFFF0000, v0;
	[tilespmem:s28+$0xFFFFFF00] =	vst v1  }
0x168: {  	[tilespmem:s28+$0xFFFFFF10] =	vst v0  }
0x169: {  	v0 =	vld [tilespmem:s29+$0x1290];
	_ =	sdelay $0x4  }
0x16a: {  	v1 =	vshll.u32 v0, $0x10  }
0x16b: {  	v0 =	vand.u32 $0xFFFF0000, v0;
	[tilespmem:s28+$0xFFFFFF20] =	vst v1  }
0x16c: {  	[tilespmem:s28+$0xFFFFFF30] =	vst v0  }
0x16d: {  	v0 =	vld [tilespmem:s29+$0x12A0];
	_ =	sdelay $0x4  }
0x16e: {  	v1 =	vshll.u32 v0, $0x10  }
0x16f: {  	v0 =	vand.u32 $0xFFFF0000, v0;
	[tilespmem:s28+$0xFFFFFF40] =	vst v1  }
0x170: {  	[tilespmem:s28+$0xFFFFFF50] =	vst v0  }
0x171: {  	v0 =	vld [tilespmem:s29+$0x12B0];
	_ =	sdelay $0x4  }
0x172: {  	v1 =	vshll.u32 v0, $0x10  }
0x173: {  	v0 =	vand.u32 $0xFFFF0000, v0;
	[tilespmem:s28+$0xFFFFFF60] =	vst v1  }
0x174: {  	[tilespmem:s28+$0xFFFFFF70] =	vst v0  }
0x175: {  	v0 =	vld [tilespmem:s29+$0x12C0];
	_ =	sdelay $0x4  }
0x176: {  	v1 =	vshll.u32 v0, $0x10  }
0x177: {  	v0 =	vand.u32 $0xFFFF0000, v0;
	[tilespmem:s28+$0xFFFFFF80] =	vst v1  }
0x178: {  	[tilespmem:s28+$0xFFFFFF90] =	vst v0  }
0x179: {  	v0 =	vld [tilespmem:s29+$0x12D0];
	_ =	sdelay $0x4  }
0x17a: {  	v1 =	vshll.u32 v0, $0x10  }
0x17b: {  	v0 =	vand.u32 $0xFFFF0000, v0;
	[tilespmem:s28+$0xFFFFFFA0] =	vst v1  }
0x17c: {  	[tilespmem:s28+$0xFFFFFFB0] =	vst v0  }
0x17d: {  	v0 =	vld [tilespmem:s29+$0x12E0];
	_ =	sdelay $0x4  }
0x17e: {  	v1 =	vshll.u32 v0, $0x10  }
0x17f: {  	v0 =	vand.u32 $0xFFFF0000, v0;
	[tilespmem:s28+$0xFFFFFFC0] =	vst v1  }
0x180: {  	[tilespmem:s28+$0xFFFFFFD0] =	vst v0  }
0x181: {  	v0 =	vld [tilespmem:s29+$0x12F0];
	_ =	sdelay $0x4  }
0x182: {  	v1 =	vshll.u32 v0, $0x10  }
0x183: {  	v0 =	vand.u32 $0xFFFF0000, v0;
	[tilespmem:s28+$0xFFFFFFE0] =	vst v1  }
0x184: {  	[tilespmem:s28+$0xFFFFFFF0] =	vst v0  }
0x185: {  	v0 =	vld [tilespmem:s29+$0x1300];
	_ =	sdelay $0x4  }
0x186: {  	v1 =	vshll.u32 v0, $0x10  }
0x187: {  	v0 =	vand.u32 $0xFFFF0000, v0;
	[tilespmem:s28+$0x0] =	vst v1  }
0x188: {  	[tilespmem:s28+$0x10] =	vst v0  }
0x189: {  	v0 =	vld [tilespmem:s29+$0x1310];
	_ =	sdelay $0x4  }
0x18a: {  	v1 =	vshll.u32 v0, $0x10  }
0x18b: {  	v0 =	vand.u32 $0xFFFF0000, v0;
	[tilespmem:s28+$0x20] =	vst v1  }
0x18c: {  	[tilespmem:s28+$0x30] =	vst v0  }
0x18d: {  	v0 =	vld [tilespmem:s29+$0x1320];
	_ =	sdelay $0x4  }
0x18e: {  	v1 =	vshll.u32 v0, $0x10  }
0x18f: {  	v0 =	vand.u32 $0xFFFF0000, v0;
	[tilespmem:s28+$0x40] =	vst v1  }
0x190: {  	[tilespmem:s28+$0x50] =	vst v0  }
0x191: {  	v0 =	vld [tilespmem:s29+$0x1330];
	_ =	sdelay $0x4  }
0x192: {  	v1 =	vshll.u32 v0, $0x10  }
0x193: {  	v0 =	vand.u32 $0xFFFF0000, v0;
	[tilespmem:s28+$0x60] =	vst v1  }
0x194: {  	[tilespmem:s28+$0x70] =	vst v0  }
0x195: {  	v0 =	vld [tilespmem:s29+$0x1340];
	_ =	sdelay $0x4  }
0x196: {  	v1 =	vshll.u32 v0, $0x10  }
0x197: {  	v0 =	vand.u32 $0xFFFF0000, v0;
	[tilespmem:s28+$0x80] =	vst v1  }
0x198: {  	[tilespmem:s28+$0x90] =	vst v0  }
0x199: {  	v0 =	vld [tilespmem:s29+$0x1350];
	_ =	sdelay $0x4  }
0x19a: {  	v1 =	vshll.u32 v0, $0x10  }
0x19b: {  	v0 =	vand.u32 $0xFFFF0000, v0;
	[tilespmem:s28+$0xA0] =	vst v1  }
0x19c: {  	[tilespmem:s28+$0xB0] =	vst v0  }
0x19d: {  	v0 =	vld [tilespmem:s29+$0x1360];
	_ =	sdelay $0x4  }
0x19e: {  	v1 =	vshll.u32 v0, $0x10  }
0x19f: {  	v0 =	vand.u32 $0xFFFF0000, v0;
	[tilespmem:s28+$0xC0] =	vst v1  }
0x1a0: {  	[tilespmem:s28+$0xD0] =	vst v0  }
0x1a1: {  	v0 =	vld [tilespmem:s29+$0x1370];
	_ =	sdelay $0x4  }
0x1a2: {  	v1 =	vshll.u32 v0, $0x10  }
0x1a3: {  	v0 =	vand.u32 $0xFFFF0000, v0;
	[tilespmem:s28+$0xE0] =	vst v1  }
0x1a4: {  	[tilespmem:s28+$0xF0] =	vst v0  }
0x1a5: {  	v0 =	vld [tilespmem:s29+$0x1380];
	_ =	sdelay $0x4  }
0x1a6: {  	v1 =	vshll.u32 v0, $0x10  }
0x1a7: {  	v0 =	vand.u32 $0xFFFF0000, v0;
	[tilespmem:s28+$0x100] =	vst v1  }
0x1a8: {  	[tilespmem:s28+$0x110] =	vst v0  }
0x1a9: {  	v0 =	vld [tilespmem:s29+$0x1390];
	_ =	sdelay $0x4  }
0x1aa: {  	v1 =	vshll.u32 v0, $0x10  }
0x1ab: {  	v0 =	vand.u32 $0xFFFF0000, v0;
	[tilespmem:s28+$0x120] =	vst v1  }
0x1ac: {  	[tilespmem:s28+$0x130] =	vst v0  }
0x1ad: {  	v0 =	vld [tilespmem:s29+$0x13A0];
	_ =	sdelay $0x4  }
0x1ae: {  	v1 =	vshll.u32 v0, $0x10  }
0x1af: {  	v0 =	vand.u32 $0xFFFF0000, v0;
	[tilespmem:s28+$0x140] =	vst v1  }
0x1b0: {  	[tilespmem:s28+$0x150] =	vst v0  }
0x1b1: {  	v0 =	vld [tilespmem:s29+$0x13B0];
	_ =	sdelay $0x4  }
0x1b2: {  	v1 =	vshll.u32 v0, $0x10  }
0x1b3: {  	s30 =	simm.s32 $0x800;
	s31 =	simm.s32 $0x7400;
	v0 =	vand.u32 $0xFFFF0000, v0;
	[tilespmem:s28+$0x160] =	vst v1  }
.LBB2_6:
0x1b4: {  	p0 =	sne.s32 s30, $0x7800  }
0x1b5: {  	[tilespmem:s28+$0x170] =	vst v0;
	s31 =	sadd.s32 $0x400, s31;
	s1 =	smov.u32 s30;
	s30 =	sadd.s32 $0x800, s30  }
0x1b6: {  	v0 =	vld [tilespmem:s29+$0x13C0];
	_ =	sdelay $0x4  }
0x1b7: {  	v1 =	vshll.u32 v0, $0x10;
	v0 =	vand.u32 $0xFFFF0000, v0  }
0x1b8: {  	[tilespmem:s28+$0x180] =	vst v1  }
0x1b9: {  	[tilespmem:s28+$0x190] =	vst v0  }
0x1ba: {  	v0 =	vld [tilespmem:s29+$0x13D0];
	_ =	sdelay $0x4  }
0x1bb: {  	v1 =	vshll.u32 v0, $0x10;
	v0 =	vand.u32 $0xFFFF0000, v0  }
0x1bc: {  	[tilespmem:s28+$0x1A0] =	vst v1  }
0x1bd: {  	[tilespmem:s28+$0x1B0] =	vst v0  }
0x1be: {  	v0 =	vld [tilespmem:s29+$0x13E0];
	_ =	sdelay $0x4  }
0x1bf: {  	v1 =	vshll.u32 v0, $0x10;
	v0 =	vand.u32 $0xFFFF0000, v0  }
0x1c0: {  	[tilespmem:s28+$0x1C0] =	vst v1  }
0x1c1: {  	[tilespmem:s28+$0x1D0] =	vst v0  }
0x1c2: {  	v0 =	vld [tilespmem:s29+$0x13F0];
	_ =	sdelay $0x4  }
0x1c3: {  	v1 =	vshll.u32 v0, $0x10;
	v0 =	vand.u32 $0xFFFF0000, v0  }
0x1c4: {  	[tilespmem:s28+$0x1E0] =	vst v1  }
0x1c5: {  	s29 =	sshra.s32 s1, $0x2;
	[tilespmem:s28+$0x1F0] =	vst v0;
	s28 =	smov.u32 s31  }
0x1c6: {  	v0 =	vld [tilespmem:s29+$0x1200];
	_ =	sdelay $0x4  }
0x1c7: {  	v1 =	vshll.u32 v0, $0x10;
	v0 =	vand.u32 $0xFFFF0000, v0  }
0x1c8: {  	[tilespmem:s31+$0xFFFFFE00] =	vst v1  }
0x1c9: {  	[tilespmem:s31+$0xFFFFFE10] =	vst v0  }
0x1ca: {  	v0 =	vld [tilespmem:s29+$0x1210];
	_ =	sdelay $0x4  }
0x1cb: {  	v1 =	vshll.u32 v0, $0x10;
	v0 =	vand.u32 $0xFFFF0000, v0  }
0x1cc: {  	[tilespmem:s31+$0xFFFFFE20] =	vst v1  }
0x1cd: {  	[tilespmem:s31+$0xFFFFFE30] =	vst v0  }
0x1ce: {  	v0 =	vld [tilespmem:s29+$0x1220];
	_ =	sdelay $0x4  }
0x1cf: {  	v1 =	vshll.u32 v0, $0x10;
	v0 =	vand.u32 $0xFFFF0000, v0  }
0x1d0: {  	[tilespmem:s31+$0xFFFFFE40] =	vst v1  }
0x1d1: {  	[tilespmem:s31+$0xFFFFFE50] =	vst v0  }
0x1d2: {  	v0 =	vld [tilespmem:s29+$0x1230];
	_ =	sdelay $0x4  }
0x1d3: {  	v1 =	vshll.u32 v0, $0x10;
	v0 =	vand.u32 $0xFFFF0000, v0  }
0x1d4: {  	[tilespmem:s31+$0xFFFFFE60] =	vst v1  }
0x1d5: {  	[tilespmem:s31+$0xFFFFFE70] =	vst v0  }
0x1d6: {  	v0 =	vld [tilespmem:s29+$0x1240];
	_ =	sdelay $0x4  }
0x1d7: {  	v1 =	vshll.u32 v0, $0x10;
	v0 =	vand.u32 $0xFFFF0000, v0  }
0x1d8: {  	[tilespmem:s31+$0xFFFFFE80] =	vst v1  }
0x1d9: {  	[tilespmem:s31+$0xFFFFFE90] =	vst v0  }
0x1da: {  	v0 =	vld [tilespmem:s29+$0x1250];
	_ =	sdelay $0x4  }
0x1db: {  	v1 =	vshll.u32 v0, $0x10;
	v0 =	vand.u32 $0xFFFF0000, v0  }
0x1dc: {  	[tilespmem:s31+$0xFFFFFEA0] =	vst v1  }
0x1dd: {  	[tilespmem:s31+$0xFFFFFEB0] =	vst v0  }
0x1de: {  	v0 =	vld [tilespmem:s29+$0x1260];
	_ =	sdelay $0x4  }
0x1df: {  	v1 =	vshll.u32 v0, $0x10;
	v0 =	vand.u32 $0xFFFF0000, v0  }
0x1e0: {  	[tilespmem:s31+$0xFFFFFEC0] =	vst v1  }
0x1e1: {  	[tilespmem:s31+$0xFFFFFED0] =	vst v0  }
0x1e2: {  	v0 =	vld [tilespmem:s29+$0x1270];
	_ =	sdelay $0x4  }
0x1e3: {  	v1 =	vshll.u32 v0, $0x10;
	v0 =	vand.u32 $0xFFFF0000, v0  }
0x1e4: {  	[tilespmem:s31+$0xFFFFFEE0] =	vst v1  }
0x1e5: {  	[tilespmem:s31+$0xFFFFFEF0] =	vst v0  }
0x1e6: {  	v0 =	vld [tilespmem:s29+$0x1280];
	_ =	sdelay $0x4  }
0x1e7: {  	v1 =	vshll.u32 v0, $0x10;
	v0 =	vand.u32 $0xFFFF0000, v0  }
0x1e8: {  	[tilespmem:s31+$0xFFFFFF00] =	vst v1  }
0x1e9: {  	[tilespmem:s31+$0xFFFFFF10] =	vst v0  }
0x1ea: {  	v0 =	vld [tilespmem:s29+$0x1290];
	_ =	sdelay $0x4  }
0x1eb: {  	v1 =	vshll.u32 v0, $0x10;
	v0 =	vand.u32 $0xFFFF0000, v0  }
0x1ec: {  	[tilespmem:s31+$0xFFFFFF20] =	vst v1  }
0x1ed: {  	[tilespmem:s31+$0xFFFFFF30] =	vst v0  }
0x1ee: {  	v0 =	vld [tilespmem:s29+$0x12A0];
	_ =	sdelay $0x4  }
0x1ef: {  	v1 =	vshll.u32 v0, $0x10;
	v0 =	vand.u32 $0xFFFF0000, v0  }
0x1f0: {  	[tilespmem:s31+$0xFFFFFF40] =	vst v1  }
0x1f1: {  	[tilespmem:s31+$0xFFFFFF50] =	vst v0  }
0x1f2: {  	v0 =	vld [tilespmem:s29+$0x12B0];
	_ =	sdelay $0x4  }
0x1f3: {  	v1 =	vshll.u32 v0, $0x10;
	v0 =	vand.u32 $0xFFFF0000, v0  }
0x1f4: {  	[tilespmem:s31+$0xFFFFFF60] =	vst v1  }
0x1f5: {  	[tilespmem:s31+$0xFFFFFF70] =	vst v0  }
0x1f6: {  	v0 =	vld [tilespmem:s29+$0x12C0];
	_ =	sdelay $0x4  }
0x1f7: {  	v1 =	vshll.u32 v0, $0x10;
	v0 =	vand.u32 $0xFFFF0000, v0  }
0x1f8: {  	[tilespmem:s31+$0xFFFFFF80] =	vst v1  }
0x1f9: {  	[tilespmem:s31+$0xFFFFFF90] =	vst v0  }
0x1fa: {  	v0 =	vld [tilespmem:s29+$0x12D0];
	_ =	sdelay $0x4  }
0x1fb: {  	v1 =	vshll.u32 v0, $0x10;
	v0 =	vand.u32 $0xFFFF0000, v0  }
0x1fc: {  	[tilespmem:s31+$0xFFFFFFA0] =	vst v1  }
0x1fd: {  	[tilespmem:s31+$0xFFFFFFB0] =	vst v0  }
0x1fe: {  	v0 =	vld [tilespmem:s29+$0x12E0];
	_ =	sdelay $0x4  }
0x1ff: {  	v1 =	vshll.u32 v0, $0x10;
	v0 =	vand.u32 $0xFFFF0000, v0  }
0x200: {  	[tilespmem:s31+$0xFFFFFFC0] =	vst v1  }
0x201: {  	[tilespmem:s31+$0xFFFFFFD0] =	vst v0  }
0x202: {  	v0 =	vld [tilespmem:s29+$0x12F0];
	_ =	sdelay $0x4  }
0x203: {  	v1 =	vshll.u32 v0, $0x10;
	v0 =	vand.u32 $0xFFFF0000, v0  }
0x204: {  	[tilespmem:s31+$0xFFFFFFE0] =	vst v1  }
0x205: {  	[tilespmem:s31+$0xFFFFFFF0] =	vst v0  }
0x206: {  	v0 =	vld [tilespmem:s29+$0x1300];
	_ =	sdelay $0x4  }
0x207: {  	v1 =	vshll.u32 v0, $0x10;
	v0 =	vand.u32 $0xFFFF0000, v0  }
0x208: {  	[tilespmem:s31+$0x0] =	vst v1  }
0x209: {  	[tilespmem:s31+$0x10] =	vst v0  }
0x20a: {  	v0 =	vld [tilespmem:s29+$0x1310];
	_ =	sdelay $0x4  }
0x20b: {  	v1 =	vshll.u32 v0, $0x10;
	v0 =	vand.u32 $0xFFFF0000, v0  }
0x20c: {  	[tilespmem:s31+$0x20] =	vst v1  }
0x20d: {  	[tilespmem:s31+$0x30] =	vst v0  }
0x20e: {  	v0 =	vld [tilespmem:s29+$0x1320];
	_ =	sdelay $0x4  }
0x20f: {  	v1 =	vshll.u32 v0, $0x10;
	v0 =	vand.u32 $0xFFFF0000, v0  }
0x210: {  	[tilespmem:s31+$0x40] =	vst v1  }
0x211: {  	[tilespmem:s31+$0x50] =	vst v0  }
0x212: {  	v0 =	vld [tilespmem:s29+$0x1330];
	_ =	sdelay $0x4  }
0x213: {  	v1 =	vshll.u32 v0, $0x10;
	v0 =	vand.u32 $0xFFFF0000, v0  }
0x214: {  	[tilespmem:s31+$0x60] =	vst v1  }
0x215: {  	[tilespmem:s31+$0x70] =	vst v0  }
0x216: {  	v0 =	vld [tilespmem:s29+$0x1340];
	_ =	sdelay $0x4  }
0x217: {  	v1 =	vshll.u32 v0, $0x10;
	v0 =	vand.u32 $0xFFFF0000, v0  }
0x218: {  	[tilespmem:s31+$0x80] =	vst v1  }
0x219: {  	[tilespmem:s31+$0x90] =	vst v0  }
0x21a: {  	v0 =	vld [tilespmem:s29+$0x1350];
	_ =	sdelay $0x4  }
0x21b: {  	v1 =	vshll.u32 v0, $0x10;
	v0 =	vand.u32 $0xFFFF0000, v0  }
0x21c: {  	[tilespmem:s31+$0xA0] =	vst v1  }
0x21d: {  	[tilespmem:s31+$0xB0] =	vst v0  }
0x21e: {  	v0 =	vld [tilespmem:s29+$0x1360];
	_ =	sdelay $0x4  }
0x21f: {  	v1 =	vshll.u32 v0, $0x10;
	v0 =	vand.u32 $0xFFFF0000, v0  }
0x220: {  	[tilespmem:s31+$0xC0] =	vst v1  }
0x221: {  	[tilespmem:s31+$0xD0] =	vst v0  }
0x222: {  	v0 =	vld [tilespmem:s29+$0x1370];
	_ =	sdelay $0x4  }
0x223: {  	v1 =	vshll.u32 v0, $0x10;
	v0 =	vand.u32 $0xFFFF0000, v0  }
0x224: {  	[tilespmem:s31+$0xE0] =	vst v1  }
0x225: {  	[tilespmem:s31+$0xF0] =	vst v0  }
0x226: {  	v0 =	vld [tilespmem:s29+$0x1380];
	_ =	sdelay $0x4  }
0x227: {  	v1 =	vshll.u32 v0, $0x10;
	v0 =	vand.u32 $0xFFFF0000, v0  }
0x228: {  	[tilespmem:s31+$0x100] =	vst v1  }
0x229: {  	[tilespmem:s31+$0x110] =	vst v0  }
0x22a: {  	v0 =	vld [tilespmem:s29+$0x1390];
	_ =	sdelay $0x4  }
0x22b: {  	v1 =	vshll.u32 v0, $0x10;
	v0 =	vand.u32 $0xFFFF0000, v0  }
0x22c: {  	[tilespmem:s31+$0x120] =	vst v1  }
0x22d: {  	[tilespmem:s31+$0x130] =	vst v0  }
0x22e: {  	v0 =	vld [tilespmem:s29+$0x13A0];
	_ =	sdelay $0x4  }
0x22f: {  	v1 =	vshll.u32 v0, $0x10;
	v0 =	vand.u32 $0xFFFF0000, v0  }
0x230: {  	[tilespmem:s31+$0x140] =	vst v1  }
0x231: {  	[tilespmem:s31+$0x150] =	vst v0  }
0x232: {  	v0 =	vld [tilespmem:s29+$0x13B0];
	_ =	sdelay $0x1  }
.Ltmp5:
0x233: {  	(pc) =	sbr.rel @p0 .LBB2_6-.Ltmp5, $3  }
0x234: {  	_ =	sdelay $0x1  }
0x235: {  	v1 =	vshll.u32 v0, $0x10;
	v0 =	vand.u32 $0xFFFF0000, v0  }
0x236: {  	[tilespmem:s31+$0x160] =	vst v1  }
0x237: {  	[tilespmem:s28+$0x170] =	vst v0  }
0x238: {  	v0 =	vld [tilespmem:s29+$0x13C0];
	_ =	sdelay $0x4  }
0x239: {  	v1 =	vshll.u32 v0, $0x10  }
0x23a: {  	v0 =	vand.u32 $0xFFFF0000, v0;
	[tilespmem:s28+$0x180] =	vst v1  }
0x23b: {  	[tilespmem:s28+$0x190] =	vst v0  }
0x23c: {  	v0 =	vld [tilespmem:s29+$0x13D0];
	_ =	sdelay $0x4  }
0x23d: {  	v61 =	vshll.u32 v0, $0x10  }
0x23e: {  	v0 =	vand.u32 $0xFFFF0000, v0;
	[tilespmem:s28+$0x1A0] =	vst v61  }
0x23f: {  	[tilespmem:s28+$0x1B0] =	vst v0  }
0x240: {  	v0 =	vld [tilespmem:s29+$0x13E0];
	_ =	sdelay $0x4  }
0x241: {  	v62 =	vshll.u32 v0, $0x10  }
0x242: {  	v0 =	vand.u32 $0xFFFF0000, v0;
	[tilespmem:s28+$0x1C0] =	vst v62  }
0x243: {  	[tilespmem:s28+$0x1D0] =	vst v0  }
0x244: {  	v0 =	vld [tilespmem:s29+$0x13F0];
	_ =	sdelay $0x1  }
0x245: {  	p0 =	seq.s32 s24, $0x8  }
.Ltmp6:
0x246: {  	_ = 	snop;
	(pc) =	sbr.rel @p0 .LBB2_9-.Ltmp6, $4  }
0x247: {  	_ = 	snop  }
0x248: {  	v63 =	vshll.u32 v0, $0x10  }
0x249: {  	v0 =	vand.u32 $0xFFFF0000, v0;
	[tilespmem:s28+$0x1E0] =	vst v63  }
0x24a: {  	s26 =	sadd.s32 $0x900, s26;
	[tilespmem:s28+$0x1F0] =	vst v0  }
.Ltmp7:
0x24b: {  	(pc) =	sbr.rel .LBB2_3-.Ltmp7, $4  }
0x24c: {  	s1 =	sadd.s32 $0x100, s25  }
0x24d: {  	[tilespmem:s17], [sflag:$0x1] =	stream.indirect.gather [hbm4b:s5+s16], $0x40, s1, s16, $0xb8;
	[tilespmem:$0x1EB00] =	vst v63  }
0x24e: {  	s24 =	sadd.s32 $0x1, s24  }
0x24f: {  	[spmem:s3] =	stream.indirect.scatter.add.f32 [tilespmem:s20], [sflag:$0x3], $0x80, s26, s16, $0xb8;
	[tilespmem:$0x1EB00] =	vst v63  }
.LBB2_11:
0x250: {  	_ =	sfence.sel $0x180000  }
0x251: {  	[bflag:$0x0] =	sbarrier.arrive $0xFFFF  }
0x252: {  	_ =	strace $0x9000004A  }
0x253: {  	[bflag:$0x2] =	sbarrier.arrive $0xFFFF  }
0x254: {  	p0 =	sne.s32 s0, $0x0;
	s0 =	rddreg [dreg:$0x3]  }
0x255: {  	s0 =	sadd.s32 @!p0 $0x100000, s0  }
0x256: {  	[sflag:s0] =	ssyncadd.tile.s32 @!p0 $0x1;
	_ =	shalt  }
.Lfunc_end2:
_tile_overlayer_lowered:
.L_overlay_start_2:
0x257: {  	(tag) =	ssettag $0x2  }
0x258: {  	s0 =	rddreg [dreg:$0x0];
	s2 =	stileid.u32  }
0x259: {  	s1 =	rddreg [dreg:$0x1];
	p0 =	sne.s32 s2, $0x0  }
0x25a: {  	s3 =	rddreg [dreg:$0x2];
	[bflag:$0x3] =	sbarrier.arrive $0xFFFF;
	s2 =	simm.s32 @!p0 $0x1C04  }
0x25b: {  	[timem:s3], [sflag:s2] =	dma.local @!p0 [hbm:s0], s1  }
0x25c: {  	s0 =	simm.s32 @!p0 $0x4  }
0x25d: {  	_ =	swait.ge @!p0 [sflag:s0], s1  }
0x25e: {  	s1 =	ssub.s32 @!p0 $0x0, s1;
	[sflag:s0] =	ssyncset.done @!p0 $0x0  }
0x25f: {  	[sflag:s0] =	ssyncadd.s32 @!p0 s1  }
0x260: {  	[bflag:$0x3] =	sbarrier.arrive $0xFFFF  }
0x261: {  	_ =	shalt  }

// kernel: kernel.16.cloned.1.call-start
scs
__scs_entry_jumppad:
0x0: {  	(pc) =	sbr.rel $0x88, $3  }
0x1: {  	(tag) =	ssettag $0x0;
	lr =	simm.s32 $0x1  }
0x2: {  	[smem:$0x3F97] =	sst lr;
	_ =	strace $0xD0000000  }
0x3: {  	_ = 	snop  }
0x4: {  	_ = 	snop  }
0x5: {  	_ = 	snop  }
0x6: {  	_ = 	snop  }
0x7: {  	_ = 	snop  }
__scs_overlays_trampoline_lowered:
0x8: {  	[smem:$0x3FA6] =	sst s0  }
0x9: {  	[smem:$0x3FA7] =	sst s1  }
0xa: {  	[smem:$0x3FA8] =	sst s2  }
0xb: {  	[smem:$0x3FA9] =	sst s3  }
0xc: {  	[smem:$0x3FAA] =	sst s4  }
0xd: {  	[smem:$0x3FAB] =	sst s5  }
0xe: {  	[smem:$0x3FAC] =	sst s6  }
0xf: {  	[smem:$0x3FAD] =	sst s7  }
0x10: {  	[smem:$0x3FAE] =	sst s8  }
0x11: {  	[smem:$0x3FAF] =	sst s9;
	s0 =	simm.s32 @!p0 $0x0  }
0x12: {  	s1 =	sld [smem:$0x3F95];
	s0 =	simm.s32 @p0 $0x1  }
0x13: {  	[smem:$0x3FB0] =	sst s0;
	s0 =	simm.s32 @!p1 $0x0  }
0x14: {  	s2 =	sld [smem:$0x3F94];
	s0 =	simm.s32 @p1 $0x1  }
0x15: {  	[smem:$0x3FB1] =	sst s0;
	s0 =	simm.s32 @!p2 $0x0  }
0x16: {  	s3 =	sld [smem:$0x3FDB];
	s0 =	simm.s32 @p2 $0x1  }
0x17: {  	s4 =	simm.s32 $0x1BF5;
	[smem:$0x3FB3] =	sst s0  }
0x18: {  	s0 =	sld [smem:$0x3F96];
	_ =	swait.ge [sflag:s4], $0x0  }
0x19: {  	s7 =	sld [smem:$0x3F97]  }
0x1a: {  	s8 =	sadd.s32 $0xFFFFE003, lr  }
0x1b: {  	s9 =	sadd.s32 $0xFFFFFEF7, lr;
	s5 =	simm.s32 $0xFFFFFFFF;
	p2 =	slt.u32 s8, $0xFFFFF086  }
0x1c: {  	p1 =	slt.u32 s9, $0xF7A;
	s5 =	simm.s32 @!p2 $0x0  }
0x1d: {  	s5 =	simm.s32 @p1 $0x1;
	p0 =	seq.s32 s7, s2  }
0x1e: {  	s7 =	smul.u32 @!p0 $0xF7A, s2;
	p2 =	seq.s32 @!p0 s5, $0x0  }
0x1f: {  	s9 =	smul.u32 $0xF7A, s1;
	s8 =	simm.s32 @!p0 $0x1BF5;
	p2 =	por !p2, p0  }
0x20: {  	[sflag:s8] =	ssyncset.s32 @!p0 $0xFFFFF086;
	s6 =	sadd.s32 @!p0 s3, s7;
	s7 =	simm.s32 @!p0 $0x108  }
0x21: {  	s3 =	sadd.s32 s3, s9;
	s6 =	sadd.s32 @!p0 $0x88, s6;
	s7 =	simm.s32 @p2 $0x1082  }
0x22: {  	[simem:s7], [sflag:s8] =	dma.local @!p0 [hbm:s6], $0xF7A  }
0x23: {  	s9 =	sor.u32 $0xD0000000, s2;
	s6 =	simm.s32 $0x108;
	_ =	swait.ge @!p0 [sflag:s8], $0x0  }
0x24: {  	s3 =	sadd.s32 $0x88, s3;
	s6 =	simm.s32 @!p1 $0x1082;
	[sflag:s4] =	ssyncset.s32 $0xFFFFF086  }
0x25: {  	[simem:s6], [sflag:s4] =	dma.local [hbm:s3], $0xF7A  }
0x26: {  	[smem:$0x3F97] =	sst s1;
	(tag) =	ssettag s2;
	_ =	strace s9  }
0x27: {  	s1 =	sld [smem:$0x3FA7]  }
0x28: {  	s2 =	sld [smem:$0x3FA8]  }
0x29: {  	s4 =	sld [smem:$0x3FAA]  }
0x2a: {  	p0 =	seq.s32 s5, $0x0;
	s5 =	sld [smem:$0x3FAB]  }
0x2b: {  	s6 =	sld [smem:$0x3FAC]  }
0x2c: {  	s7 =	sld [smem:$0x3FAD]  }
0x2d: {  	s3 =	simm.s32 $0x108;
	s8 =	sld [smem:$0x3FAE]  }
0x2e: {  	s3 =	simm.s32 @!p0 $0x1082;
	s9 =	sld [smem:$0x3FAF]  }
0x2f: {  	lr =	sadd.s32 s0, s3;
	s0 =	sld [smem:$0x3FA6]  }
0x30: {  	s3 =	sld [smem:$0x3FA9]  }
0x31: {  	[smem:$0x3FB2] =	sst s10  }
0x32: {  	s10 =	sld [smem:$0x3FB0];
	_ =	sdelay $0x3  }
0x33: {  	p0 =	seq.s32 s10, $0x1;
	s10 =	sld [smem:$0x3FB2];
	_ =	sdelay $0x3  }
0x34: {  	[smem:$0x3FB2] =	sst s10  }
0x35: {  	s10 =	sld [smem:$0x3FB1];
	_ =	sdelay $0x3  }
0x36: {  	p1 =	seq.s32 s10, $0x1;
	s10 =	sld [smem:$0x3FB2];
	_ =	sdelay $0x3  }
0x37: {  	[smem:$0x3FB2] =	sst s10  }
0x38: {  	s10 =	sld [smem:$0x3FB3]  }
0x39: {  	_ = 	snop;
	(pc) =	sbr.ind lr, $3  }
0x3a: {  	_ = 	snop  }
0x3b: {  	_ = 	snop  }
0x3c: {  	p2 =	seq.s32 s10, $0x1;
	s10 =	sld [smem:$0x3FB2]  }
0x3d: {  	_ =	shalt  }
0x3e: {  	_ =	shalt  }
0x3f: {  	_ =	shalt  }
0x40: {  	_ =	shalt  }
0x41: {  	_ =	shalt  }
0x42: {  	_ =	shalt  }
0x43: {  	_ =	shalt  }
0x44: {  	_ =	shalt  }
0x45: {  	_ =	shalt  }
0x46: {  	_ =	shalt  }
0x47: {  	_ =	shalt  }
0x48: {  	_ =	shalt  }
0x49: {  	_ =	shalt  }
0x4a: {  	_ =	shalt  }
0x4b: {  	_ =	shalt  }
0x4c: {  	_ =	shalt  }
0x4d: {  	_ =	shalt  }
0x4e: {  	_ =	shalt  }
0x4f: {  	_ =	shalt  }
0x50: {  	_ =	shalt  }
0x51: {  	_ =	shalt  }
0x52: {  	_ =	shalt  }
0x53: {  	_ =	shalt  }
0x54: {  	_ =	shalt  }
0x55: {  	_ =	shalt  }
0x56: {  	_ =	shalt  }
0x57: {  	_ =	shalt  }
0x58: {  	_ =	shalt  }
0x59: {  	_ =	shalt  }
0x5a: {  	_ =	shalt  }
0x5b: {  	_ =	shalt  }
0x5c: {  	_ =	shalt  }
0x5d: {  	_ =	shalt  }
0x5e: {  	_ =	shalt  }
0x5f: {  	_ =	shalt  }
0x60: {  	_ =	shalt  }
0x61: {  	_ =	shalt  }
0x62: {  	_ =	shalt  }
0x63: {  	_ =	shalt  }
0x64: {  	_ =	shalt  }
0x65: {  	_ =	shalt  }
0x66: {  	_ =	shalt  }
0x67: {  	_ =	shalt  }
0x68: {  	_ =	shalt  }
0x69: {  	_ =	shalt  }
0x6a: {  	_ =	shalt  }
0x6b: {  	_ =	shalt  }
0x6c: {  	_ =	shalt  }
0x6d: {  	_ =	shalt  }
0x6e: {  	_ =	shalt  }
0x6f: {  	_ =	shalt  }
0x70: {  	_ =	shalt  }
0x71: {  	_ =	shalt  }
0x72: {  	_ =	shalt  }
0x73: {  	_ =	shalt  }
0x74: {  	_ =	shalt  }
0x75: {  	_ =	shalt  }
0x76: {  	_ =	shalt  }
0x77: {  	_ =	shalt  }
0x78: {  	_ =	shalt  }
0x79: {  	_ =	shalt  }
0x7a: {  	_ =	shalt  }
0x7b: {  	_ =	shalt  }
0x7c: {  	_ =	shalt  }
0x7d: {  	_ =	shalt  }
0x7e: {  	_ =	shalt  }
0x7f: {  	_ =	shalt  }
0x80: {  	_ =	shalt  }
0x81: {  	_ =	shalt  }
0x82: {  	_ =	shalt  }
0x83: {  	_ =	shalt  }
0x84: {  	_ =	shalt  }
0x85: {  	_ =	shalt  }
0x86: {  	_ =	shalt  }
0x87: {  	_ =	shalt  }
.Lfunc_end0:
.L_simem_size_0:
called_computation.2_lowered:
.L_overlay_start_0:
0x88: {  	s2 =	sld [smem:$0x3FD9]  }
0x89: {  	s3 =	sld [smem:$0x3FFE];
	_ =	sdelay $0x1  }
0x8a: {  	s1 =	srdreg.scid  }
0x8b: {  	s0 =	sand.u32 $0x1, s1  }
0x8c: {  	s17 =	sshll.u32 s0, $0xA;
	s2 =	sadd.s32 s3, s2  }
0x8d: {  	s2 =	sadd.s32 s2, s17  }
0x8e: {  	[smem:$0x3FBE] =	sst s2  }
0x8f: {  	_ = 	snop  }
0x90: {  	s2 =	sld [smem:$0x3FD0];
	(tm) =	ssettm $0x1  }
0x91: {  	s18 =	sld [smem:$0x3FFB];
	_ =	sdelay $0x3  }
0x92: {  	_ =	strace s18  }
0x93: {  	s3 =	sld [smem:$0x3FFC];
	_ =	sdelay $0x3  }
0x94: {  	_ =	strace s3  }
0x95: {  	s3 =	sld [smem:$0x3FFD];
	_ =	sdelay $0x3  }
0x96: {  	_ =	strace s3  }
0x97: {  	_ =	strace $0x8FFFFFFF  }
0x98: {  	s19 =	sld [smem:$0x3FDB];
	_ =	sdelay $0x1  }
0x99: {  	s4 =	simm.s32 $_scs_section_size  }
0x9a: {  	s5 =	simm.s32 $_size__tile_overlayer_lowered;
	s6 =	simm.s32 $_tile_overlayer_lowered  }
0x9b: {  	s22 =	simm.s32 $0x1BFF;
	s21 =	sshll.u32 s6, $0x1;
	s3 =	sadd.s32 s4, s19  }
0x9c: {  	s7 =	simm.s32 $0x0;
	s20 =	sshll.u32 s5, $0x1;
	s5 =	sadd.s32 s21, s3  }
0x9d: {  	[timem:s7], [sflag:s22] =	dma.local [hbm:s5], s20  }
0x9e: {  	_ =	swait.ge [sflag:s22], s20  }
0x9f: {  	s4 =	ssub.s32 $0x0, s20;
	[sflag:s22] =	ssyncset.done $0x0  }
0xa0: {  	[sflag:s22] =	ssyncadd.s32 s4;
	_ =	sdelay $0x1  }
0xa1: {  	s23 =	simm.s32 $0x1B8B  }
0xa2: {  	_ =	swait.ge [sflag:s23], $0x1  }
0xa3: {  	[sflag:s23] =	ssyncset.done $0x0  }
0xa4: {  	s25 =	simm.s32 $0x1B8E;
	s24 =	sld [smem:$0x3FFE];
	[sflag:s23] =	ssyncadd.s32 $0xFFFFFFFF  }
0xa5: {  	s26 =	simm.s32 $execute0_lowered;
	[smem:$0x3FD2] =	sst s25  }
0xa6: {  	s5 =	sshll.u32 s26, $0x1;
	_ =	strace $0x8000004C;
	[dreg:$0x1] =	wrdreg $0xFFFFFFFF  }
0xa7: {  	s28 =	simm.s32 $_size_execute0_lowered;
	s3 =	sadd.s32 s3, s5;
	[dreg:$0x0] =	wrdreg $0x0  }
0xa8: {  	s5 =	sshll.u32 s28, $0x1;
	[dreg:$0x2] =	wrdreg s3  }
0xa9: {  	[dreg:$0x3] =	wrdreg s5  }
0xaa: {  	[dreg:$0x4] =	wrdreg $0xC0  }
0xab: {  	_ =	task [dreg:s7], $0x5FFFF  }
0xac: {  	[dreg:$0x1] =	wrdreg $0xFFFFFFFF  }
0xad: {  	[dreg:$0x0] =	wrdreg $0x60  }
0xae: {  	[dreg:$0x2] =	wrdreg s24  }
0xaf: {  	[dreg:$0x3] =	wrdreg s2  }
0xb0: {  	[dreg:$0x4] =	wrdreg $0xB2000  }
0xb1: {  	[dreg:$0x5] =	wrdreg $0x9  }
0xb2: {  	_ =	task.clear_ibuf [dreg:s7], $0x6FFFF;
	_ =	strace $0x9000004C  }
0xb3: {  	s29 =	simm.s32 $0x9;
	_ =	strace $0x8000004E  }
0xb4: {  	_ =	swait.ge [sflag:s29], $0x1  }
0xb5: {  	[sflag:s29] =	ssyncadd.s32 $0xFFFFFFFF  }
0xb6: {  	_ =	strace $0x9000004E  }
0xb7: {  	_ =	sfence  }
0xb8: {  	s30 =	sld [smem:$0x0];
	_ =	sdelay $0x2  }
0xb9: {  	s31 =	sshll.u32 s1, $0xD;
	s1 =	sshrl.u32 s1, $0x2  }
0xba: {  	s3 =	sand.u32 $0x4000, s31;
	s1 =	sadd.s32 s1, s30  }
0xbb: {  	s0 =	sor.u32 s3, s0;
	s1 =	sshll.u32 s1, $0x11  }
0xbc: {  	s0 =	sor.u32 s1, s0  }
0xbd: {  	s0 =	sadd.s32 $0x8F2B, s0  }
0xbe: {  	[sflag:s0] =	ssyncadd.remote.s32 $0x1  }
0xbf: {  	_ =	sfence.sel $0xFFFF  }
0xc0: {  	[dreg:$0x0] =	wrdreg $0xFFFFFFFF;
	(pc) =	sbr.abs _section_cstart, $3  }
0xc1: {  	[dreg:$0x1] =	wrdreg $0xFFFFFFFF  }
0xc2: {  	_ =	task.clear_ibuf [dreg:s7], $0x2FFFF;
	_ =	strace $0x9FFFFFFF  }
0xc3: {  	(tm) =	ssettm $0x7FFFFFFF  }
tec
execute0_lowered:
.L_overlay_start_1:
0x0: {  	(tag) =	ssettag $0x1  }
0x1: {  	s8 =	rddreg [dreg:$0x0]  }
0x2: {  	s2 =	rddreg [dreg:$0x1];
	s1 =	srdreg.scid  }
0x3: {  	s0 =	stileid.u32;
	s3 =	rddreg [dreg:$0x2]  }
0x4: {  	s4 =	simm.s32 $0x0;
	s15 =	simm.s32 $0x900;
	s16 =	simm.s32 $0x80  }
0x5: {  	s17 =	simm.s32 $0x1200;
	s18 =	simm.s32 $0x1;
	s19 =	simm.s32 $0x3200  }
0x6: {  	s20 =	simm.s32 $0x7200;
	s21 =	simm.s32 $0x2;
	s22 =	simm.s32 $0x3  }
0x7: {  	s10 =	sand.u32 $0x1, s1;
	s9 =	smul.u32 $0x13900, s0;
	[smem:$0x7FF] =	sst s4  }
0x8: {  	s5 =	sadd.s32 $0x6F000, s8;
	s13 =	sshll.u32 s0, $0x6;
	s6 =	smul.u32 $0x139000, s10  }
0x9: {  	_ =	strace $0x8000004D;
	s12 =	ssub.s32 $0x2, s10;
	s10 =	smul.u32 $0x51000, s10  }
.Ltmp0:
0xa: {  	s31 =	sshrl.u32 s12, $0x1;
	s14 =	sadd.s32 s9, s3;
	(pc) =	sbr.rel .LBB2_1-.Ltmp0, $4  }
0xb: {  	s7 =	sadd.s32 s9, s6;
	s6 =	sadd.s32 $0xC800, s8;
	s12 =	ssub.s32 s12, s31  }
0xc: {  	s9 =	sor.u32 $0x1C04, s13;
	s13 =	sshrl.u32 s14, $0x3;
	s11 =	sshrl.u32 s7, $0x3  }
0xd: {  	s14 =	simm.s32 $0x4;
	s7 =	sadd.s32 $0x1E00, s8;
	s11 =	sadd.s32 s11, s8  }
0xe: {  	s12 =	smax.u32 s12, $0x1;
	s8 =	smul.u32 $0xA2, s0;
	s11 =	sadd.s32 $0x96200, s11  }
.LBB2_10:
0xf: {  	s4 =	sadd.s32 $0x1, s4  }
0x10: {  	p0 =	sne.s32 s4, s12  }
.Ltmp1:
0x11: {  	[bflag:$0x0] =	sbarrier.arrive $0xFFFF;
	(pc) =	sbr.rel @!p0 .LBB2_11-.Ltmp1, $4  }
0x12: {  	[hbm:s11], [sflag:s9] =	dma.local [spmem:s13], $0x2720  }
0x13: {  	_ =	swait.ge [sflag:s14], $0x2720  }
0x14: {  	[sflag:s14] =	ssyncset.done $0x0  }
0x15: {  	[sflag:s14] =	ssyncadd.s32 $0xFFFFD8E0  }
.LBB2_1:
0x16: {  	[spmem:s13], [sflag:s9] =	dma.local [hbm:s2], $0x2720  }
.Ltmp2:
0x17: {  	_ =	swait.ge [sflag:s14], $0x2720;
	(pc) =	sbr.rel .LBB2_2-.Ltmp2, $4  }
0x18: {  	[sflag:s14] =	ssyncset.done $0x0  }
0x19: {  	[sflag:s14] =	ssyncadd.s32 $0xFFFFD8E0  }
0x1a: {  	[bflag:$0x0] =	sbarrier.arrive $0xFFFF  }
0x1b: {  	s23 =	simm.s32 $0x0  }
.LBB2_9:
0x1c: {  	[spmem:s3] =	stream.indirect.scatter.add.f32 [tilespmem:s20], [sflag:$0x3], $0x80, s26, s16, $0xb8;
	[tilespmem:$0x1EB00] =	vst v63  }
0x1d: {  	s23 =	sadd.s32 $0x1, s23  }
0x1e: {  	_ =	swait.ge [sflag:s21], $0x4000;
	p0 =	sne.s32 s23, $0x9  }
.Ltmp3:
0x1f: {  	[sflag:s21] =	ssyncset.done $0x0;
	(pc) =	sbr.rel @!p0 .LBB2_10-.Ltmp3, $4  }
0x20: {  	[sflag:s21] =	ssyncadd.s32 $0xFFFFC000  }
0x21: {  	_ =	swait.ge [sflag:s22], $0x4000  }
0x22: {  	[sflag:s22] =	ssyncset.done $0x0  }
0x23: {  	[sflag:s22] =	ssyncadd.s32 $0xFFFFC000  }
.LBB2_2:
0x24: {  	s24 =	smul.u32 $0x12, s23;
	_ =	sdelay $0x1  }
0x25: {  	s25 =	sadd.s32 s8, s24  }
0x26: {  	s24 =	sshll.u32 s25, $0x7  }
0x27: {  	s24 =	sadd.s32 s10, s24  }
0x28: {  	s24 =	sshrl.u32 s24, $0x3  }
0x29: {  	s26 =	sadd.s32 s6, s24;
	s24 =	simm.s32 $0x0  }
0x2a: {  	[tilespmem:s24], [sflag:$0x4] =	stream.linear.gather [hbm4b:s26+s24], $0x900, $0x38;
	[tilespmem:$0x1EB00] =	vst v63  }
0x2b: {  	_ =	swait.ge [sflag:s14], $0x900  }
0x2c: {  	s25 =	sshll.u32 s25, $0x4;
	[sflag:s14] =	ssyncset.done $0x0  }
0x2d: {  	s25 =	sadd.s32 s7, s25;
	[sflag:s14] =	ssyncadd.s32 $0xFFFFF700  }
0x2e: {  	[tilespmem:s15], [sflag:$0x4] =	stream.linear.gather [hbm4b:s25+s24], $0x900, $0x38;
	[tilespmem:$0x1EB00] =	vst v63  }
0x2f: {  	_ =	swait.ge [sflag:s14], $0x900  }
0x30: {  	[sflag:s14] =	ssyncset.done $0x0  }
0x31: {  	[sflag:s14] =	ssyncadd.s32 $0xFFFFF700  }
0x32: {  	[tilespmem:s17], [sflag:$0x1] =	stream.indirect.gather [hbm4b:s5+s16], $0x40, s24, s16, $0xb8;
	[tilespmem:$0x1EB00] =	vst v63  }
.LBB2_3:
0x33: {  	_ =	swait.ge [sflag:s18], $0x2000  }
0x34: {  	p0 =	seq.s32 s24, $0x0;
	[sflag:s18] =	ssyncset.done $0x0  }
0x35: {  	s25 =	simm.s32 @!p0 $0x2;
	[sflag:s18] =	ssyncadd.s32 $0xFFFFE000  }
0x36: {  	_ =	swait.ge @!p0 [sflag:s25], $0x4000  }
0x37: {  	[sflag:s25] =	ssyncset.done @!p0 $0x0  }
0x38: {  	s26 =	simm.s32 $0x0;
	[sflag:s25] =	ssyncadd.s32 @!p0 $0xFFFFC000  }
0x39: {  	v0 =	vld [tilespmem:s26+$0x1200];
	_ =	sdelay $0x4  }
0x3a: {  	s25 =	simm.s32 $0x3400;
	v1 =	vshll.u32 v0, $0x10  }
0x3b: {  	v0 =	vand.u32 $0xFFFF0000, v0;
	[tilespmem:s25+$0xFFFFFE00] =	vst v1  }
0x3c: {  	[tilespmem:s25+$0xFFFFFE10] =	vst v0  }
0x3d: {  	v0 =	vld [tilespmem:s26+$0x1210];
	_ =	sdelay $0x4  }
0x3e: {  	v1 =	vshll.u32 v0, $0x10  }
0x3f: {  	v0 =	vand.u32 $0xFFFF0000, v0;
	[tilespmem:s25+$0xFFFFFE20] =	vst v1  }
0x40: {  	[tilespmem:s25+$0xFFFFFE30] =	vst v0  }
0x41: {  	v0 =	vld [tilespmem:s26+$0x1220];
	_ =	sdelay $0x4  }
0x42: {  	v1 =	vshll.u32 v0, $0x10  }
0x43: {  	v0 =	vand.u32 $0xFFFF0000, v0;
	[tilespmem:s25+$0xFFFFFE40] =	vst v1  }
0x44: {  	[tilespmem:s25+$0xFFFFFE50] =	vst v0  }
0x45: {  	v0 =	vld [tilespmem:s26+$0x1230];
	_ =	sdelay $0x4  }
0x46: {  	v1 =	vshll.u32 v0, $0x10  }
0x47: {  	v0 =	vand.u32 $0xFFFF0000, v0;
	[tilespmem:s25+$0xFFFFFE60] =	vst v1  }
0x48: {  	[tilespmem:s25+$0xFFFFFE70] =	vst v0  }
0x49: {  	v0 =	vld [tilespmem:s26+$0x1240];
	_ =	sdelay $0x4  }
0x4a: {  	v1 =	vshll.u32 v0, $0x10  }
0x4b: {  	v0 =	vand.u32 $0xFFFF0000, v0;
	[tilespmem:s25+$0xFFFFFE80] =	vst v1  }
0x4c: {  	[tilespmem:s25+$0xFFFFFE90] =	vst v0  }
0x4d: {  	v0 =	vld [tilespmem:s26+$0x1250];
	_ =	sdelay $0x4  }
0x4e: {  	v1 =	vshll.u32 v0, $0x10  }
0x4f: {  	v0 =	vand.u32 $0xFFFF0000, v0;
	[tilespmem:s25+$0xFFFFFEA0] =	vst v1  }
0x50: {  	[tilespmem:s25+$0xFFFFFEB0] =	vst v0  }
0x51: {  	v0 =	vld [tilespmem:s26+$0x1260];
	_ =	sdelay $0x4  }
0x52: {  	v1 =	vshll.u32 v0, $0x10  }
0x53: {  	v0 =	vand.u32 $0xFFFF0000, v0;
	[tilespmem:s25+$0xFFFFFEC0] =	vst v1  }
0x54: {  	[tilespmem:s25+$0xFFFFFED0] =	vst v0  }
0x55: {  	v0 =	vld [tilespmem:s26+$0x1270];
	_ =	sdelay $0x4  }
0x56: {  	v1 =	vshll.u32 v0, $0x10  }
0x57: {  	v0 =	vand.u32 $0xFFFF0000, v0;
	[tilespmem:s25+$0xFFFFFEE0] =	vst v1  }
0x58: {  	[tilespmem:s25+$0xFFFFFEF0] =	vst v0  }
0x59: {  	v0 =	vld [tilespmem:s26+$0x1280];
	_ =	sdelay $0x4  }
0x5a: {  	v1 =	vshll.u32 v0, $0x10  }
0x5b: {  	v0 =	vand.u32 $0xFFFF0000, v0;
	[tilespmem:s25+$0xFFFFFF00] =	vst v1  }
0x5c: {  	[tilespmem:s25+$0xFFFFFF10] =	vst v0  }
0x5d: {  	v0 =	vld [tilespmem:s26+$0x1290];
	_ =	sdelay $0x4  }
0x5e: {  	v1 =	vshll.u32 v0, $0x10  }
0x5f: {  	v0 =	vand.u32 $0xFFFF0000, v0;
	[tilespmem:s25+$0xFFFFFF20] =	vst v1  }
0x60: {  	[tilespmem:s25+$0xFFFFFF30] =	vst v0  }
0x61: {  	v0 =	vld [tilespmem:s26+$0x12A0];
	_ =	sdelay $0x4  }
0x62: {  	v1 =	vshll.u32 v0, $0x10  }
0x63: {  	v0 =	vand.u32 $0xFFFF0000, v0;
	[tilespmem:s25+$0xFFFFFF40] =	vst v1  }
0x64: {  	[tilespmem:s25+$0xFFFFFF50] =	vst v0  }
0x65: {  	v0 =	vld [tilespmem:s26+$0x12B0];
	_ =	sdelay $0x4  }
0x66: {  	v1 =	vshll.u32 v0, $0x10  }
0x67: {  	v0 =	vand.u32 $0xFFFF0000, v0;
	[tilespmem:s25+$0xFFFFFF60] =	vst v1  }
0x68: {  	[tilespmem:s25+$0xFFFFFF70] =	vst v0  }
0x69: {  	v0 =	vld [tilespmem:s26+$0x12C0];
	_ =	sdelay $0x4  }
0x6a: {  	v1 =	vshll.u32 v0, $0x10  }
0x6b: {  	v0 =	vand.u32 $0xFFFF0000, v0;
	[tilespmem:s25+$0xFFFFFF80] =	vst v1  }
0x6c: {  	[tilespmem:s25+$0xFFFFFF90] =	vst v0  }
0x6d: {  	v0 =	vld [tilespmem:s26+$0x12D0];
	_ =	sdelay $0x4  }
0x6e: {  	v1 =	vshll.u32 v0, $0x10  }
0x6f: {  	v0 =	vand.u32 $0xFFFF0000, v0;
	[tilespmem:s25+$0xFFFFFFA0] =	vst v1  }
0x70: {  	[tilespmem:s25+$0xFFFFFFB0] =	vst v0  }
0x71: {  	v0 =	vld [tilespmem:s26+$0x12E0];
	_ =	sdelay $0x4  }
0x72: {  	v1 =	vshll.u32 v0, $0x10  }
0x73: {  	v0 =	vand.u32 $0xFFFF0000, v0;
	[tilespmem:s25+$0xFFFFFFC0] =	vst v1  }
0x74: {  	[tilespmem:s25+$0xFFFFFFD0] =	vst v0  }
0x75: {  	v0 =	vld [tilespmem:s26+$0x12F0];
	_ =	sdelay $0x4  }
0x76: {  	v1 =	vshll.u32 v0, $0x10  }
0x77: {  	v0 =	vand.u32 $0xFFFF0000, v0;
	[tilespmem:s25+$0xFFFFFFE0] =	vst v1  }
0x78: {  	[tilespmem:s25+$0xFFFFFFF0] =	vst v0  }
0x79: {  	v0 =	vld [tilespmem:s26+$0x1300];
	_ =	sdelay $0x4  }
0x7a: {  	v1 =	vshll.u32 v0, $0x10  }
0x7b: {  	v0 =	vand.u32 $0xFFFF0000, v0;
	[tilespmem:s25+$0x0] =	vst v1  }
0x7c: {  	[tilespmem:s25+$0x10] =	vst v0  }
0x7d: {  	v0 =	vld [tilespmem:s26+$0x1310];
	_ =	sdelay $0x4  }
0x7e: {  	v1 =	vshll.u32 v0, $0x10  }
0x7f: {  	v0 =	vand.u32 $0xFFFF0000, v0;
	[tilespmem:s25+$0x20] =	vst v1  }
0x80: {  	[tilespmem:s25+$0x30] =	vst v0  }
0x81: {  	v0 =	vld [tilespmem:s26+$0x1320];
	_ =	sdelay $0x4  }
0x82: {  	v1 =	vshll.u32 v0, $0x10  }
0x83: {  	v0 =	vand.u32 $0xFFFF0000, v0;
	[tilespmem:s25+$0x40] =	vst v1  }
0x84: {  	[tilespmem:s25+$0x50] =	vst v0  }
0x85: {  	v0 =	vld [tilespmem:s26+$0x1330];
	_ =	sdelay $0x4  }
0x86: {  	v1 =	vshll.u32 v0, $0x10  }
0x87: {  	v0 =	vand.u32 $0xFFFF0000, v0;
	[tilespmem:s25+$0x60] =	vst v1  }
0x88: {  	[tilespmem:s25+$0x70] =	vst v0  }
0x89: {  	v0 =	vld [tilespmem:s26+$0x1340];
	_ =	sdelay $0x4  }
0x8a: {  	v1 =	vshll.u32 v0, $0x10  }
0x8b: {  	v0 =	vand.u32 $0xFFFF0000, v0;
	[tilespmem:s25+$0x80] =	vst v1  }
0x8c: {  	[tilespmem:s25+$0x90] =	vst v0  }
0x8d: {  	v0 =	vld [tilespmem:s26+$0x1350];
	_ =	sdelay $0x4  }
0x8e: {  	v1 =	vshll.u32 v0, $0x10  }
0x8f: {  	v0 =	vand.u32 $0xFFFF0000, v0;
	[tilespmem:s25+$0xA0] =	vst v1  }
0x90: {  	[tilespmem:s25+$0xB0] =	vst v0  }
0x91: {  	v0 =	vld [tilespmem:s26+$0x1360];
	_ =	sdelay $0x4  }
0x92: {  	v1 =	vshll.u32 v0, $0x10  }
0x93: {  	v0 =	vand.u32 $0xFFFF0000, v0;
	[tilespmem:s25+$0xC0] =	vst v1  }
0x94: {  	[tilespmem:s25+$0xD0] =	vst v0  }
0x95: {  	v0 =	vld [tilespmem:s26+$0x1370];
	_ =	sdelay $0x4  }
0x96: {  	v1 =	vshll.u32 v0, $0x10  }
0x97: {  	v0 =	vand.u32 $0xFFFF0000, v0;
	[tilespmem:s25+$0xE0] =	vst v1  }
0x98: {  	[tilespmem:s25+$0xF0] =	vst v0  }
0x99: {  	v0 =	vld [tilespmem:s26+$0x1380];
	_ =	sdelay $0x4  }
0x9a: {  	v1 =	vshll.u32 v0, $0x10  }
0x9b: {  	v0 =	vand.u32 $0xFFFF0000, v0;
	[tilespmem:s25+$0x100] =	vst v1  }
0x9c: {  	[tilespmem:s25+$0x110] =	vst v0  }
0x9d: {  	v0 =	vld [tilespmem:s26+$0x1390];
	_ =	sdelay $0x4  }
0x9e: {  	v1 =	vshll.u32 v0, $0x10  }
0x9f: {  	v0 =	vand.u32 $0xFFFF0000, v0;
	[tilespmem:s25+$0x120] =	vst v1  }
0xa0: {  	[tilespmem:s25+$0x130] =	vst v0  }
0xa1: {  	v0 =	vld [tilespmem:s26+$0x13A0];
	_ =	sdelay $0x4  }
0xa2: {  	v1 =	vshll.u32 v0, $0x10  }
0xa3: {  	v0 =	vand.u32 $0xFFFF0000, v0;
	[tilespmem:s25+$0x140] =	vst v1  }
0xa4: {  	[tilespmem:s25+$0x150] =	vst v0  }
0xa5: {  	v0 =	vld [tilespmem:s26+$0x13B0];
	_ =	sdelay $0x4  }
0xa6: {  	v1 =	vshll.u32 v0, $0x10  }
0xa7: {  	s28 =	simm.s32 $0x800;
	s29 =	simm.s32 $0x3400;
	v0 =	vand.u32 $0xFFFF0000, v0;
	[tilespmem:s25+$0x160] =	vst v1  }
.LBB2_4:
0xa8: {  	p1 =	sne.s32 s28, $0x7800  }
0xa9: {  	[tilespmem:s25+$0x170] =	vst v0;
	s29 =	sadd.s32 $0x400, s29;
	s30 =	smov.u32 s28;
	s28 =	sadd.s32 $0x800, s28  }
0xaa: {  	v0 =	vld [tilespmem:s26+$0x13C0];
	_ =	sdelay $0x4  }
0xab: {  	v1 =	vshll.u32 v0, $0x10;
	v0 =	vand.u32 $0xFFFF0000, v0  }
0xac: {  	[tilespmem:s25+$0x180] =	vst v1  }
0xad: {  	[tilespmem:s25+$0x190] =	vst v0  }
0xae: {  	v0 =	vld [tilespmem:s26+$0x13D0];
	_ =	sdelay $0x4  }
0xaf: {  	v1 =	vshll.u32 v0, $0x10;
	v0 =	vand.u32 $0xFFFF0000, v0  }
0xb0: {  	[tilespmem:s25+$0x1A0] =	vst v1  }
0xb1: {  	[tilespmem:s25+$0x1B0] =	vst v0  }
0xb2: {  	v0 =	vld [tilespmem:s26+$0x13E0];
	_ =	sdelay $0x4  }
0xb3: {  	v1 =	vshll.u32 v0, $0x10;
	v0 =	vand.u32 $0xFFFF0000, v0  }
0xb4: {  	[tilespmem:s25+$0x1C0] =	vst v1  }
0xb5: {  	[tilespmem:s25+$0x1D0] =	vst v0  }
0xb6: {  	v0 =	vld [tilespmem:s26+$0x13F0];
	_ =	sdelay $0x4  }
0xb7: {  	v1 =	vshll.u32 v0, $0x10;
	v0 =	vand.u32 $0xFFFF0000, v0  }
0xb8: {  	[tilespmem:s25+$0x1E0] =	vst v1  }
0xb9: {  	s26 =	sshra.s32 s30, $0x2;
	[tilespmem:s25+$0x1F0] =	vst v0;
	s25 =	smov.u32 s29  }
0xba: {  	v0 =	vld [tilespmem:s26+$0x1200];
	_ =	sdelay $0x4  }
0xbb: {  	v1 =	vshll.u32 v0, $0x10;
	v0 =	vand.u32 $0xFFFF0000, v0  }
0xbc: {  	[tilespmem:s29+$0xFFFFFE00] =	vst v1  }
0xbd: {  	[tilespmem:s29+$0xFFFFFE10] =	vst v0  }
0xbe: {  	v0 =	vld [tilespmem:s26+$0x1210];
	_ =	sdelay $0x4  }
0xbf: {  	v1 =	vshll.u32 v0, $0x10;
	v0 =	vand.u32 $0xFFFF0000, v0  }
0xc0: {  	[tilespmem:s29+$0xFFFFFE20] =	vst v1  }
0xc1: {  	[tilespmem:s29+$0xFFFFFE30] =	vst v0  }
0xc2: {  	v0 =	vld [tilespmem:s26+$0x1220];
	_ =	sdelay $0x4  }
0xc3: {  	v1 =	vshll.u32 v0, $0x10;
	v0 =	vand.u32 $0xFFFF0000, v0  }
0xc4: {  	[tilespmem:s29+$0xFFFFFE40] =	vst v1  }
0xc5: {  	[tilespmem:s29+$0xFFFFFE50] =	vst v0  }
0xc6: {  	v0 =	vld [tilespmem:s26+$0x1230];
	_ =	sdelay $0x4  }
0xc7: {  	v1 =	vshll.u32 v0, $0x10;
	v0 =	vand.u32 $0xFFFF0000, v0  }
0xc8: {  	[tilespmem:s29+$0xFFFFFE60] =	vst v1  }
0xc9: {  	[tilespmem:s29+$0xFFFFFE70] =	vst v0  }
0xca: {  	v0 =	vld [tilespmem:s26+$0x1240];
	_ =	sdelay $0x4  }
0xcb: {  	v1 =	vshll.u32 v0, $0x10;
	v0 =	vand.u32 $0xFFFF0000, v0  }
0xcc: {  	[tilespmem:s29+$0xFFFFFE80] =	vst v1  }
0xcd: {  	[tilespmem:s29+$0xFFFFFE90] =	vst v0  }
0xce: {  	v0 =	vld [tilespmem:s26+$0x1250];
	_ =	sdelay $0x4  }
0xcf: {  	v1 =	vshll.u32 v0, $0x10;
	v0 =	vand.u32 $0xFFFF0000, v0  }
0xd0: {  	[tilespmem:s29+$0xFFFFFEA0] =	vst v1  }
0xd1: {  	[tilespmem:s29+$0xFFFFFEB0] =	vst v0  }
0xd2: {  	v0 =	vld [tilespmem:s26+$0x1260];
	_ =	sdelay $0x4  }
0xd3: {  	v1 =	vshll.u32 v0, $0x10;
	v0 =	vand.u32 $0xFFFF0000, v0  }
0xd4: {  	[tilespmem:s29+$0xFFFFFEC0] =	vst v1  }
0xd5: {  	[tilespmem:s29+$0xFFFFFED0] =	vst v0  }
0xd6: {  	v0 =	vld [tilespmem:s26+$0x1270];
	_ =	sdelay $0x4  }
0xd7: {  	v1 =	vshll.u32 v0, $0x10;
	v0 =	vand.u32 $0xFFFF0000, v0  }
0xd8: {  	[tilespmem:s29+$0xFFFFFEE0] =	vst v1  }
0xd9: {  	[tilespmem:s29+$0xFFFFFEF0] =	vst v0  }
0xda: {  	v0 =	vld [tilespmem:s26+$0x1280];
	_ =	sdelay $0x4  }
0xdb: {  	v1 =	vshll.u32 v0, $0x10;
	v0 =	vand.u32 $0xFFFF0000, v0  }
0xdc: {  	[tilespmem:s29+$0xFFFFFF00] =	vst v1  }
0xdd: {  	[tilespmem:s29+$0xFFFFFF10] =	vst v0  }
0xde: {  	v0 =	vld [tilespmem:s26+$0x1290];
	_ =	sdelay $0x4  }
0xdf: {  	v1 =	vshll.u32 v0, $0x10;
	v0 =	vand.u32 $0xFFFF0000, v0  }
0xe0: {  	[tilespmem:s29+$0xFFFFFF20] =	vst v1  }
0xe1: {  	[tilespmem:s29+$0xFFFFFF30] =	vst v0  }
0xe2: {  	v0 =	vld [tilespmem:s26+$0x12A0];
	_ =	sdelay $0x4  }
0xe3: {  	v1 =	vshll.u32 v0, $0x10;
	v0 =	vand.u32 $0xFFFF0000, v0  }
0xe4: {  	[tilespmem:s29+$0xFFFFFF40] =	vst v1  }
0xe5: {  	[tilespmem:s29+$0xFFFFFF50] =	vst v0  }
0xe6: {  	v0 =	vld [tilespmem:s26+$0x12B0];
	_ =	sdelay $0x4  }
0xe7: {  	v1 =	vshll.u32 v0, $0x10;
	v0 =	vand.u32 $0xFFFF0000, v0  }
0xe8: {  	[tilespmem:s29+$0xFFFFFF60] =	vst v1  }
0xe9: {  	[tilespmem:s29+$0xFFFFFF70] =	vst v0  }
0xea: {  	v0 =	vld [tilespmem:s26+$0x12C0];
	_ =	sdelay $0x4  }
0xeb: {  	v1 =	vshll.u32 v0, $0x10;
	v0 =	vand.u32 $0xFFFF0000, v0  }
0xec: {  	[tilespmem:s29+$0xFFFFFF80] =	vst v1  }
0xed: {  	[tilespmem:s29+$0xFFFFFF90] =	vst v0  }
0xee: {  	v0 =	vld [tilespmem:s26+$0x12D0];
	_ =	sdelay $0x4  }
0xef: {  	v1 =	vshll.u32 v0, $0x10;
	v0 =	vand.u32 $0xFFFF0000, v0  }
0xf0: {  	[tilespmem:s29+$0xFFFFFFA0] =	vst v1  }
0xf1: {  	[tilespmem:s29+$0xFFFFFFB0] =	vst v0  }
0xf2: {  	v0 =	vld [tilespmem:s26+$0x12E0];
	_ =	sdelay $0x4  }
0xf3: {  	v1 =	vshll.u32 v0, $0x10;
	v0 =	vand.u32 $0xFFFF0000, v0  }
0xf4: {  	[tilespmem:s29+$0xFFFFFFC0] =	vst v1  }
0xf5: {  	[tilespmem:s29+$0xFFFFFFD0] =	vst v0  }
0xf6: {  	v0 =	vld [tilespmem:s26+$0x12F0];
	_ =	sdelay $0x4  }
0xf7: {  	v1 =	vshll.u32 v0, $0x10;
	v0 =	vand.u32 $0xFFFF0000, v0  }
0xf8: {  	[tilespmem:s29+$0xFFFFFFE0] =	vst v1  }
0xf9: {  	[tilespmem:s29+$0xFFFFFFF0] =	vst v0  }
0xfa: {  	v0 =	vld [tilespmem:s26+$0x1300];
	_ =	sdelay $0x4  }
0xfb: {  	v1 =	vshll.u32 v0, $0x10;
	v0 =	vand.u32 $0xFFFF0000, v0  }
0xfc: {  	[tilespmem:s29+$0x0] =	vst v1  }
0xfd: {  	[tilespmem:s29+$0x10] =	vst v0  }
0xfe: {  	v0 =	vld [tilespmem:s26+$0x1310];
	_ =	sdelay $0x4  }
0xff: {  	v1 =	vshll.u32 v0, $0x10;
	v0 =	vand.u32 $0xFFFF0000, v0  }
0x100: {  	[tilespmem:s29+$0x20] =	vst v1  }
0x101: {  	[tilespmem:s29+$0x30] =	vst v0  }
0x102: {  	v0 =	vld [tilespmem:s26+$0x1320];
	_ =	sdelay $0x4  }
0x103: {  	v1 =	vshll.u32 v0, $0x10;
	v0 =	vand.u32 $0xFFFF0000, v0  }
0x104: {  	[tilespmem:s29+$0x40] =	vst v1  }
0x105: {  	[tilespmem:s29+$0x50] =	vst v0  }
0x106: {  	v0 =	vld [tilespmem:s26+$0x1330];
	_ =	sdelay $0x4  }
0x107: {  	v1 =	vshll.u32 v0, $0x10;
	v0 =	vand.u32 $0xFFFF0000, v0  }
0x108: {  	[tilespmem:s29+$0x60] =	vst v1  }
0x109: {  	[tilespmem:s29+$0x70] =	vst v0  }
0x10a: {  	v0 =	vld [tilespmem:s26+$0x1340];
	_ =	sdelay $0x4  }
0x10b: {  	v1 =	vshll.u32 v0, $0x10;
	v0 =	vand.u32 $0xFFFF0000, v0  }
0x10c: {  	[tilespmem:s29+$0x80] =	vst v1  }
0x10d: {  	[tilespmem:s29+$0x90] =	vst v0  }
0x10e: {  	v0 =	vld [tilespmem:s26+$0x1350];
	_ =	sdelay $0x4  }
0x10f: {  	v1 =	vshll.u32 v0, $0x10;
	v0 =	vand.u32 $0xFFFF0000, v0  }
0x110: {  	[tilespmem:s29+$0xA0] =	vst v1  }
0x111: {  	[tilespmem:s29+$0xB0] =	vst v0  }
0x112: {  	v0 =	vld [tilespmem:s26+$0x1360];
	_ =	sdelay $0x4  }
0x113: {  	v1 =	vshll.u32 v0, $0x10;
	v0 =	vand.u32 $0xFFFF0000, v0  }
0x114: {  	[tilespmem:s29+$0xC0] =	vst v1  }
0x115: {  	[tilespmem:s29+$0xD0] =	vst v0  }
0x116: {  	v0 =	vld [tilespmem:s26+$0x1370];
	_ =	sdelay $0x4  }
0x117: {  	v1 =	vshll.u32 v0, $0x10;
	v0 =	vand.u32 $0xFFFF0000, v0  }
0x118: {  	[tilespmem:s29+$0xE0] =	vst v1  }
0x119: {  	[tilespmem:s29+$0xF0] =	vst v0  }
0x11a: {  	v0 =	vld [tilespmem:s26+$0x1380];
	_ =	sdelay $0x4  }
0x11b: {  	v1 =	vshll.u32 v0, $0x10;
	v0 =	vand.u32 $0xFFFF0000, v0  }
0x11c: {  	[tilespmem:s29+$0x100] =	vst v1  }
0x11d: {  	[tilespmem:s29+$0x110] =	vst v0  }
0x11e: {  	v0 =	vld [tilespmem:s26+$0x1390];
	_ =	sdelay $0x4  }
0x11f: {  	v1 =	vshll.u32 v0, $0x10;
	v0 =	vand.u32 $0xFFFF0000, v0  }
0x120: {  	[tilespmem:s29+$0x120] =	vst v1  }
0x121: {  	[tilespmem:s29+$0x130] =	vst v0  }
0x122: {  	v0 =	vld [tilespmem:s26+$0x13A0];
	_ =	sdelay $0x4  }
0x123: {  	v1 =	vshll.u32 v0, $0x10;
	v0 =	vand.u32 $0xFFFF0000, v0  }
0x124: {  	[tilespmem:s29+$0x140] =	vst v1  }
0x125: {  	[tilespmem:s29+$0x150] =	vst v0  }
0x126: {  	v0 =	vld [tilespmem:s26+$0x13B0];
	_ =	sdelay $0x1  }
.Ltmp4:
0x127: {  	(pc) =	sbr.rel @p1 .LBB2_4-.Ltmp4, $3  }
0x128: {  	_ =	sdelay $0x1  }
0x129: {  	v1 =	vshll.u32 v0, $0x10;
	v0 =	vand.u32 $0xFFFF0000, v0  }
0x12a: {  	[tilespmem:s29+$0x160] =	vst v1  }
0x12b: {  	[tilespmem:s25+$0x170] =	vst v0  }
0x12c: {  	v0 =	vld [tilespmem:s26+$0x13C0];
	_ =	sdelay $0x4  }
0x12d: {  	v1 =	vshll.u32 v0, $0x10  }
0x12e: {  	v0 =	vand.u32 $0xFFFF0000, v0;
	[tilespmem:s25+$0x180] =	vst v1  }
0x12f: {  	[tilespmem:s25+$0x190] =	vst v0  }
0x130: {  	v0 =	vld [tilespmem:s26+$0x13D0];
	_ =	sdelay $0x4  }
0x131: {  	v1 =	vshll.u32 v0, $0x10  }
0x132: {  	v0 =	vand.u32 $0xFFFF0000, v0;
	[tilespmem:s25+$0x1A0] =	vst v1  }
0x133: {  	[tilespmem:s25+$0x1B0] =	vst v0  }
0x134: {  	v0 =	vld [tilespmem:s26+$0x13E0];
	_ =	sdelay $0x4  }
0x135: {  	v1 =	vshll.u32 v0, $0x10  }
0x136: {  	v0 =	vand.u32 $0xFFFF0000, v0;
	[tilespmem:s25+$0x1C0] =	vst v1  }
0x137: {  	[tilespmem:s25+$0x1D0] =	vst v0  }
0x138: {  	v0 =	vld [tilespmem:s26+$0x13F0];
	_ =	sdelay $0x4  }
0x139: {  	s1 =	sshll.u32 s24, $0x8;
	v1 =	vshll.u32 v0, $0x10  }
0x13a: {  	s26 =	sor.u32 $0x80, s1;
	s1 =	sshll.u32 s24, $0xA;
	v0 =	vand.u32 $0xFFFF0000, v0;
	[tilespmem:s25+$0x1E0] =	vst v1  }
0x13b: {  	[tilespmem:s25+$0x1F0] =	vst v0;
	s25 =	sshrl.u32 s1, $0x2  }
0x13c: {  	[tilespmem:s17], [sflag:$0x1] =	stream.indirect.gather [hbm4b:s5+s16], $0x40, s26, s16, $0xb8;
	[tilespmem:$0x1EB00] =	vst v63  }
0x13d: {  	s28 =	sadd.s32 $0x900, s25  }
0x13e: {  	[spmem:s3] =	stream.indirect.scatter.add.f32 [tilespmem:s19], [sflag:$0x2], $0x80, s28, s16, $0xb8;
	[tilespmem:$0x1EB00] =	vst v63  }
0x13f: {  	_ =	swait.ge [sflag:s18], $0x2000  }
0x140: {  	[sflag:s18] =	ssyncset.done $0x0  }
0x141: {  	s28 =	simm.s32 @!p0 $0x3;
	[sflag:s18] =	ssyncadd.s32 $0xFFFFE000  }
0x142: {  	_ =	swait.ge @!p0 [sflag:s28], $0x4000  }
0x143: {  	[sflag:s28] =	ssyncset.done @!p0 $0x0  }
0x144: {  	s29 =	simm.s32 $0x0;
	[sflag:s28] =	ssyncadd.s32 @!p0 $0xFFFFC000  }
0x145: {  	v0 =	vld [tilespmem:s29+$0x1200];
	_ =	sdelay $0x4  }
0x146: {  	s28 =	simm.s32 $0x7400;
	v1 =	vshll.u32 v0, $0x10  }
0x147: {  	v0 =	vand.u32 $0xFFFF0000, v0;
	[tilespmem:s28+$0xFFFFFE00] =	vst v1  }
0x148: {  	[tilespmem:s28+$0xFFFFFE10] =	vst v0  }
0x149: {  	v0 =	vld [tilespmem:s29+$0x1210];
	_ =	sdelay $0x4  }
0x14a: {  	v1 =	vshll.u32 v0, $0x10  }
0x14b: {  	v0 =	vand.u32 $0xFFFF0000, v0;
	[tilespmem:s28+$0xFFFFFE20] =	vst v1  }
0x14c: {  	[tilespmem:s28+$0xFFFFFE30] =	vst v0  }
0x14d: {  	v0 =	vld [tilespmem:s29+$0x1220];
	_ =	sdelay $0x4  }
0x14e: {  	v1 =	vshll.u32 v0, $0x10  }
0x14f: {  	v0 =	vand.u32 $0xFFFF0000, v0;
	[tilespmem:s28+$0xFFFFFE40] =	vst v1  }
0x150: {  	[tilespmem:s28+$0xFFFFFE50] =	vst v0  }
0x151: {  	v0 =	vld [tilespmem:s29+$0x1230];
	_ =	sdelay $0x4  }
0x152: {  	v1 =	vshll.u32 v0, $0x10  }
0x153: {  	v0 =	vand.u32 $0xFFFF0000, v0;
	[tilespmem:s28+$0xFFFFFE60] =	vst v1  }
0x154: {  	[tilespmem:s28+$0xFFFFFE70] =	vst v0  }
0x155: {  	v0 =	vld [tilespmem:s29+$0x1240];
	_ =	sdelay $0x4  }
0x156: {  	v1 =	vshll.u32 v0, $0x10  }
0x157: {  	v0 =	vand.u32 $0xFFFF0000, v0;
	[tilespmem:s28+$0xFFFFFE80] =	vst v1  }
0x158: {  	[tilespmem:s28+$0xFFFFFE90] =	vst v0  }
0x159: {  	v0 =	vld [tilespmem:s29+$0x1250];
	_ =	sdelay $0x4  }
0x15a: {  	v1 =	vshll.u32 v0, $0x10  }
0x15b: {  	v0 =	vand.u32 $0xFFFF0000, v0;
	[tilespmem:s28+$0xFFFFFEA0] =	vst v1  }
0x15c: {  	[tilespmem:s28+$0xFFFFFEB0] =	vst v0  }
0x15d: {  	v0 =	vld [tilespmem:s29+$0x1260];
	_ =	sdelay $0x4  }
0x15e: {  	v1 =	vshll.u32 v0, $0x10  }
0x15f: {  	v0 =	vand.u32 $0xFFFF0000, v0;
	[tilespmem:s28+$0xFFFFFEC0] =	vst v1  }
0x160: {  	[tilespmem:s28+$0xFFFFFED0] =	vst v0  }
0x161: {  	v0 =	vld [tilespmem:s29+$0x1270];
	_ =	sdelay $0x4  }
0x162: {  	v1 =	vshll.u32 v0, $0x10  }
0x163: {  	v0 =	vand.u32 $0xFFFF0000, v0;
	[tilespmem:s28+$0xFFFFFEE0] =	vst v1  }
0x164: {  	[tilespmem:s28+$0xFFFFFEF0] =	vst v0  }
0x165: {  	v0 =	vld [tilespmem:s29+$0x1280];
	_ =	sdelay $0x4  }
0x166: {  	v1 =	vshll.u32 v0, $0x10  }
0x167: {  	v0 =	vand.u32 $0xFFFF0000, v0;
	[tilespmem:s28+$0xFFFFFF00] =	vst v1  }
0x168: {  	[tilespmem:s28+$0xFFFFFF10] =	vst v0  }
0x169: {  	v0 =	vld [tilespmem:s29+$0x1290];
	_ =	sdelay $0x4  }
0x16a: {  	v1 =	vshll.u32 v0, $0x10  }
0x16b: {  	v0 =	vand.u32 $0xFFFF0000, v0;
	[tilespmem:s28+$0xFFFFFF20] =	vst v1  }
0x16c: {  	[tilespmem:s28+$0xFFFFFF30] =	vst v0  }
0x16d: {  	v0 =	vld [tilespmem:s29+$0x12A0];
	_ =	sdelay $0x4  }
0x16e: {  	v1 =	vshll.u32 v0, $0x10  }
0x16f: {  	v0 =	vand.u32 $0xFFFF0000, v0;
	[tilespmem:s28+$0xFFFFFF40] =	vst v1  }
0x170: {  	[tilespmem:s28+$0xFFFFFF50] =	vst v0  }
0x171: {  	v0 =	vld [tilespmem:s29+$0x12B0];
	_ =	sdelay $0x4  }
0x172: {  	v1 =	vshll.u32 v0, $0x10  }
0x173: {  	v0 =	vand.u32 $0xFFFF0000, v0;
	[tilespmem:s28+$0xFFFFFF60] =	vst v1  }
0x174: {  	[tilespmem:s28+$0xFFFFFF70] =	vst v0  }
0x175: {  	v0 =	vld [tilespmem:s29+$0x12C0];
	_ =	sdelay $0x4  }
0x176: {  	v1 =	vshll.u32 v0, $0x10  }
0x177: {  	v0 =	vand.u32 $0xFFFF0000, v0;
	[tilespmem:s28+$0xFFFFFF80] =	vst v1  }
0x178: {  	[tilespmem:s28+$0xFFFFFF90] =	vst v0  }
0x179: {  	v0 =	vld [tilespmem:s29+$0x12D0];
	_ =	sdelay $0x4  }
0x17a: {  	v1 =	vshll.u32 v0, $0x10  }
0x17b: {  	v0 =	vand.u32 $0xFFFF0000, v0;
	[tilespmem:s28+$0xFFFFFFA0] =	vst v1  }
0x17c: {  	[tilespmem:s28+$0xFFFFFFB0] =	vst v0  }
0x17d: {  	v0 =	vld [tilespmem:s29+$0x12E0];
	_ =	sdelay $0x4  }
0x17e: {  	v1 =	vshll.u32 v0, $0x10  }
0x17f: {  	v0 =	vand.u32 $0xFFFF0000, v0;
	[tilespmem:s28+$0xFFFFFFC0] =	vst v1  }
0x180: {  	[tilespmem:s28+$0xFFFFFFD0] =	vst v0  }
0x181: {  	v0 =	vld [tilespmem:s29+$0x12F0];
	_ =	sdelay $0x4  }
0x182: {  	v1 =	vshll.u32 v0, $0x10  }
0x183: {  	v0 =	vand.u32 $0xFFFF0000, v0;
	[tilespmem:s28+$0xFFFFFFE0] =	vst v1  }
0x184: {  	[tilespmem:s28+$0xFFFFFFF0] =	vst v0  }
0x185: {  	v0 =	vld [tilespmem:s29+$0x1300];
	_ =	sdelay $0x4  }
0x186: {  	v1 =	vshll.u32 v0, $0x10  }
0x187: {  	v0 =	vand.u32 $0xFFFF0000, v0;
	[tilespmem:s28+$0x0] =	vst v1  }
0x188: {  	[tilespmem:s28+$0x10] =	vst v0  }
0x189: {  	v0 =	vld [tilespmem:s29+$0x1310];
	_ =	sdelay $0x4  }
0x18a: {  	v1 =	vshll.u32 v0, $0x10  }
0x18b: {  	v0 =	vand.u32 $0xFFFF0000, v0;
	[tilespmem:s28+$0x20] =	vst v1  }
0x18c: {  	[tilespmem:s28+$0x30] =	vst v0  }
0x18d: {  	v0 =	vld [tilespmem:s29+$0x1320];
	_ =	sdelay $0x4  }
0x18e: {  	v1 =	vshll.u32 v0, $0x10  }
0x18f: {  	v0 =	vand.u32 $0xFFFF0000, v0;
	[tilespmem:s28+$0x40] =	vst v1  }
0x190: {  	[tilespmem:s28+$0x50] =	vst v0  }
0x191: {  	v0 =	vld [tilespmem:s29+$0x1330];
	_ =	sdelay $0x4  }
0x192: {  	v1 =	vshll.u32 v0, $0x10  }
0x193: {  	v0 =	vand.u32 $0xFFFF0000, v0;
	[tilespmem:s28+$0x60] =	vst v1  }
0x194: {  	[tilespmem:s28+$0x70] =	vst v0  }
0x195: {  	v0 =	vld [tilespmem:s29+$0x1340];
	_ =	sdelay $0x4  }
0x196: {  	v1 =	vshll.u32 v0, $0x10  }
0x197: {  	v0 =	vand.u32 $0xFFFF0000, v0;
	[tilespmem:s28+$0x80] =	vst v1  }
0x198: {  	[tilespmem:s28+$0x90] =	vst v0  }
0x199: {  	v0 =	vld [tilespmem:s29+$0x1350];
	_ =	sdelay $0x4  }
0x19a: {  	v1 =	vshll.u32 v0, $0x10  }
0x19b: {  	v0 =	vand.u32 $0xFFFF0000, v0;
	[tilespmem:s28+$0xA0] =	vst v1  }
0x19c: {  	[tilespmem:s28+$0xB0] =	vst v0  }
0x19d: {  	v0 =	vld [tilespmem:s29+$0x1360];
	_ =	sdelay $0x4  }
0x19e: {  	v1 =	vshll.u32 v0, $0x10  }
0x19f: {  	v0 =	vand.u32 $0xFFFF0000, v0;
	[tilespmem:s28+$0xC0] =	vst v1  }
0x1a0: {  	[tilespmem:s28+$0xD0] =	vst v0  }
0x1a1: {  	v0 =	vld [tilespmem:s29+$0x1370];
	_ =	sdelay $0x4  }
0x1a2: {  	v1 =	vshll.u32 v0, $0x10  }
0x1a3: {  	v0 =	vand.u32 $0xFFFF0000, v0;
	[tilespmem:s28+$0xE0] =	vst v1  }
0x1a4: {  	[tilespmem:s28+$0xF0] =	vst v0  }
0x1a5: {  	v0 =	vld [tilespmem:s29+$0x1380];
	_ =	sdelay $0x4  }
0x1a6: {  	v1 =	vshll.u32 v0, $0x10  }
0x1a7: {  	v0 =	vand.u32 $0xFFFF0000, v0;
	[tilespmem:s28+$0x100] =	vst v1  }
0x1a8: {  	[tilespmem:s28+$0x110] =	vst v0  }
0x1a9: {  	v0 =	vld [tilespmem:s29+$0x1390];
	_ =	sdelay $0x4  }
0x1aa: {  	v1 =	vshll.u32 v0, $0x10  }
0x1ab: {  	v0 =	vand.u32 $0xFFFF0000, v0;
	[tilespmem:s28+$0x120] =	vst v1  }
0x1ac: {  	[tilespmem:s28+$0x130] =	vst v0  }
0x1ad: {  	v0 =	vld [tilespmem:s29+$0x13A0];
	_ =	sdelay $0x4  }
0x1ae: {  	v1 =	vshll.u32 v0, $0x10  }
0x1af: {  	v0 =	vand.u32 $0xFFFF0000, v0;
	[tilespmem:s28+$0x140] =	vst v1  }
0x1b0: {  	[tilespmem:s28+$0x150] =	vst v0  }
0x1b1: {  	v0 =	vld [tilespmem:s29+$0x13B0];
	_ =	sdelay $0x4  }
0x1b2: {  	v1 =	vshll.u32 v0, $0x10  }
0x1b3: {  	s30 =	simm.s32 $0x800;
	s31 =	simm.s32 $0x7400;
	v0 =	vand.u32 $0xFFFF0000, v0;
	[tilespmem:s28+$0x160] =	vst v1  }
.LBB2_6:
0x1b4: {  	p0 =	sne.s32 s30, $0x7800  }
0x1b5: {  	[tilespmem:s28+$0x170] =	vst v0;
	s31 =	sadd.s32 $0x400, s31;
	s1 =	smov.u32 s30;
	s30 =	sadd.s32 $0x800, s30  }
0x1b6: {  	v0 =	vld [tilespmem:s29+$0x13C0];
	_ =	sdelay $0x4  }
0x1b7: {  	v1 =	vshll.u32 v0, $0x10;
	v0 =	vand.u32 $0xFFFF0000, v0  }
0x1b8: {  	[tilespmem:s28+$0x180] =	vst v1  }
0x1b9: {  	[tilespmem:s28+$0x190] =	vst v0  }
0x1ba: {  	v0 =	vld [tilespmem:s29+$0x13D0];
	_ =	sdelay $0x4  }
0x1bb: {  	v1 =	vshll.u32 v0, $0x10;
	v0 =	vand.u32 $0xFFFF0000, v0  }
0x1bc: {  	[tilespmem:s28+$0x1A0] =	vst v1  }
0x1bd: {  	[tilespmem:s28+$0x1B0] =	vst v0  }
0x1be: {  	v0 =	vld [tilespmem:s29+$0x13E0];
	_ =	sdelay $0x4  }
0x1bf: {  	v1 =	vshll.u32 v0, $0x10;
	v0 =	vand.u32 $0xFFFF0000, v0  }
0x1c0: {  	[tilespmem:s28+$0x1C0] =	vst v1  }
0x1c1: {  	[tilespmem:s28+$0x1D0] =	vst v0  }
0x1c2: {  	v0 =	vld [tilespmem:s29+$0x13F0];
	_ =	sdelay $0x4  }
0x1c3: {  	v1 =	vshll.u32 v0, $0x10;
	v0 =	vand.u32 $0xFFFF0000, v0  }
0x1c4: {  	[tilespmem:s28+$0x1E0] =	vst v1  }
0x1c5: {  	s29 =	sshra.s32 s1, $0x2;
	[tilespmem:s28+$0x1F0] =	vst v0;
	s28 =	smov.u32 s31  }
0x1c6: {  	v0 =	vld [tilespmem:s29+$0x1200];
	_ =	sdelay $0x4  }
0x1c7: {  	v1 =	vshll.u32 v0, $0x10;
	v0 =	vand.u32 $0xFFFF0000, v0  }
0x1c8: {  	[tilespmem:s31+$0xFFFFFE00] =	vst v1  }
0x1c9: {  	[tilespmem:s31+$0xFFFFFE10] =	vst v0  }
0x1ca: {  	v0 =	vld [tilespmem:s29+$0x1210];
	_ =	sdelay $0x4  }
0x1cb: {  	v1 =	vshll.u32 v0, $0x10;
	v0 =	vand.u32 $0xFFFF0000, v0  }
0x1cc: {  	[tilespmem:s31+$0xFFFFFE20] =	vst v1  }
0x1cd: {  	[tilespmem:s31+$0xFFFFFE30] =	vst v0  }
0x1ce: {  	v0 =	vld [tilespmem:s29+$0x1220];
	_ =	sdelay $0x4  }
0x1cf: {  	v1 =	vshll.u32 v0, $0x10;
	v0 =	vand.u32 $0xFFFF0000, v0  }
0x1d0: {  	[tilespmem:s31+$0xFFFFFE40] =	vst v1  }
0x1d1: {  	[tilespmem:s31+$0xFFFFFE50] =	vst v0  }
0x1d2: {  	v0 =	vld [tilespmem:s29+$0x1230];
	_ =	sdelay $0x4  }
0x1d3: {  	v1 =	vshll.u32 v0, $0x10;
	v0 =	vand.u32 $0xFFFF0000, v0  }
0x1d4: {  	[tilespmem:s31+$0xFFFFFE60] =	vst v1  }
0x1d5: {  	[tilespmem:s31+$0xFFFFFE70] =	vst v0  }
0x1d6: {  	v0 =	vld [tilespmem:s29+$0x1240];
	_ =	sdelay $0x4  }
0x1d7: {  	v1 =	vshll.u32 v0, $0x10;
	v0 =	vand.u32 $0xFFFF0000, v0  }
0x1d8: {  	[tilespmem:s31+$0xFFFFFE80] =	vst v1  }
0x1d9: {  	[tilespmem:s31+$0xFFFFFE90] =	vst v0  }
0x1da: {  	v0 =	vld [tilespmem:s29+$0x1250];
	_ =	sdelay $0x4  }
0x1db: {  	v1 =	vshll.u32 v0, $0x10;
	v0 =	vand.u32 $0xFFFF0000, v0  }
0x1dc: {  	[tilespmem:s31+$0xFFFFFEA0] =	vst v1  }
0x1dd: {  	[tilespmem:s31+$0xFFFFFEB0] =	vst v0  }
0x1de: {  	v0 =	vld [tilespmem:s29+$0x1260];
	_ =	sdelay $0x4  }
0x1df: {  	v1 =	vshll.u32 v0, $0x10;
	v0 =	vand.u32 $0xFFFF0000, v0  }
0x1e0: {  	[tilespmem:s31+$0xFFFFFEC0] =	vst v1  }
0x1e1: {  	[tilespmem:s31+$0xFFFFFED0] =	vst v0  }
0x1e2: {  	v0 =	vld [tilespmem:s29+$0x1270];
	_ =	sdelay $0x4  }
0x1e3: {  	v1 =	vshll.u32 v0, $0x10;
	v0 =	vand.u32 $0xFFFF0000, v0  }
0x1e4: {  	[tilespmem:s31+$0xFFFFFEE0] =	vst v1  }
0x1e5: {  	[tilespmem:s31+$0xFFFFFEF0] =	vst v0  }
0x1e6: {  	v0 =	vld [tilespmem:s29+$0x1280];
	_ =	sdelay $0x4  }
0x1e7: {  	v1 =	vshll.u32 v0, $0x10;
	v0 =	vand.u32 $0xFFFF0000, v0  }
0x1e8: {  	[tilespmem:s31+$0xFFFFFF00] =	vst v1  }
0x1e9: {  	[tilespmem:s31+$0xFFFFFF10] =	vst v0  }
0x1ea: {  	v0 =	vld [tilespmem:s29+$0x1290];
	_ =	sdelay $0x4  }
0x1eb: {  	v1 =	vshll.u32 v0, $0x10;
	v0 =	vand.u32 $0xFFFF0000, v0  }
0x1ec: {  	[tilespmem:s31+$0xFFFFFF20] =	vst v1  }
0x1ed: {  	[tilespmem:s31+$0xFFFFFF30] =	vst v0  }
0x1ee: {  	v0 =	vld [tilespmem:s29+$0x12A0];
	_ =	sdelay $0x4  }
0x1ef: {  	v1 =	vshll.u32 v0, $0x10;
	v0 =	vand.u32 $0xFFFF0000, v0  }
0x1f0: {  	[tilespmem:s31+$0xFFFFFF40] =	vst v1  }
0x1f1: {  	[tilespmem:s31+$0xFFFFFF50] =	vst v0  }
0x1f2: {  	v0 =	vld [tilespmem:s29+$0x12B0];
	_ =	sdelay $0x4  }
0x1f3: {  	v1 =	vshll.u32 v0, $0x10;
	v0 =	vand.u32 $0xFFFF0000, v0  }
0x1f4: {  	[tilespmem:s31+$0xFFFFFF60] =	vst v1  }
0x1f5: {  	[tilespmem:s31+$0xFFFFFF70] =	vst v0  }
0x1f6: {  	v0 =	vld [tilespmem:s29+$0x12C0];
	_ =	sdelay $0x4  }
0x1f7: {  	v1 =	vshll.u32 v0, $0x10;
	v0 =	vand.u32 $0xFFFF0000, v0  }
0x1f8: {  	[tilespmem:s31+$0xFFFFFF80] =	vst v1  }
0x1f9: {  	[tilespmem:s31+$0xFFFFFF90] =	vst v0  }
0x1fa: {  	v0 =	vld [tilespmem:s29+$0x12D0];
	_ =	sdelay $0x4  }
0x1fb: {  	v1 =	vshll.u32 v0, $0x10;
	v0 =	vand.u32 $0xFFFF0000, v0  }
0x1fc: {  	[tilespmem:s31+$0xFFFFFFA0] =	vst v1  }
0x1fd: {  	[tilespmem:s31+$0xFFFFFFB0] =	vst v0  }
0x1fe: {  	v0 =	vld [tilespmem:s29+$0x12E0];
	_ =	sdelay $0x4  }
0x1ff: {  	v1 =	vshll.u32 v0, $0x10;
	v0 =	vand.u32 $0xFFFF0000, v0  }
0x200: {  	[tilespmem:s31+$0xFFFFFFC0] =	vst v1  }
0x201: {  	[tilespmem:s31+$0xFFFFFFD0] =	vst v0  }
0x202: {  	v0 =	vld [tilespmem:s29+$0x12F0];
	_ =	sdelay $0x4  }
0x203: {  	v1 =	vshll.u32 v0, $0x10;
	v0 =	vand.u32 $0xFFFF0000, v0  }
0x204: {  	[tilespmem:s31+$0xFFFFFFE0] =	vst v1  }
0x205: {  	[tilespmem:s31+$0xFFFFFFF0] =	vst v0  }
0x206: {  	v0 =	vld [tilespmem:s29+$0x1300];
	_ =	sdelay $0x4  }
0x207: {  	v1 =	vshll.u32 v0, $0x10;
	v0 =	vand.u32 $0xFFFF0000, v0  }
0x208: {  	[tilespmem:s31+$0x0] =	vst v1  }
0x209: {  	[tilespmem:s31+$0x10] =	vst v0  }
0x20a: {  	v0 =	vld [tilespmem:s29+$0x1310];
	_ =	sdelay $0x4  }
0x20b: {  	v1 =	vshll.u32 v0, $0x10;
	v0 =	vand.u32 $0xFFFF0000, v0  }
0x20c: {  	[tilespmem:s31+$0x20] =	vst v1  }
0x20d: {  	[tilespmem:s31+$0x30] =	vst v0  }
0x20e: {  	v0 =	vld [tilespmem:s29+$0x1320];
	_ =	sdelay $0x4  }
0x20f: {  	v1 =	vshll.u32 v0, $0x10;
	v0 =	vand.u32 $0xFFFF0000, v0  }
0x210: {  	[tilespmem:s31+$0x40] =	vst v1  }
0x211: {  	[tilespmem:s31+$0x50] =	vst v0  }
0x212: {  	v0 =	vld [tilespmem:s29+$0x1330];
	_ =	sdelay $0x4  }
0x213: {  	v1 =	vshll.u32 v0, $0x10;
	v0 =	vand.u32 $0xFFFF0000, v0  }
0x214: {  	[tilespmem:s31+$0x60] =	vst v1  }
0x215: {  	[tilespmem:s31+$0x70] =	vst v0  }
0x216: {  	v0 =	vld [tilespmem:s29+$0x1340];
	_ =	sdelay $0x4  }
0x217: {  	v1 =	vshll.u32 v0, $0x10;
	v0 =	vand.u32 $0xFFFF0000, v0  }
0x218: {  	[tilespmem:s31+$0x80] =	vst v1  }
0x219: {  	[tilespmem:s31+$0x90] =	vst v0  }
0x21a: {  	v0 =	vld [tilespmem:s29+$0x1350];
	_ =	sdelay $0x4  }
0x21b: {  	v1 =	vshll.u32 v0, $0x10;
	v0 =	vand.u32 $0xFFFF0000, v0  }
0x21c: {  	[tilespmem:s31+$0xA0] =	vst v1  }
0x21d: {  	[tilespmem:s31+$0xB0] =	vst v0  }
0x21e: {  	v0 =	vld [tilespmem:s29+$0x1360];
	_ =	sdelay $0x4  }
0x21f: {  	v1 =	vshll.u32 v0, $0x10;
	v0 =	vand.u32 $0xFFFF0000, v0  }
0x220: {  	[tilespmem:s31+$0xC0] =	vst v1  }
0x221: {  	[tilespmem:s31+$0xD0] =	vst v0  }
0x222: {  	v0 =	vld [tilespmem:s29+$0x1370];
	_ =	sdelay $0x4  }
0x223: {  	v1 =	vshll.u32 v0, $0x10;
	v0 =	vand.u32 $0xFFFF0000, v0  }
0x224: {  	[tilespmem:s31+$0xE0] =	vst v1  }
0x225: {  	[tilespmem:s31+$0xF0] =	vst v0  }
0x226: {  	v0 =	vld [tilespmem:s29+$0x1380];
	_ =	sdelay $0x4  }
0x227: {  	v1 =	vshll.u32 v0, $0x10;
	v0 =	vand.u32 $0xFFFF0000, v0  }
0x228: {  	[tilespmem:s31+$0x100] =	vst v1  }
0x229: {  	[tilespmem:s31+$0x110] =	vst v0  }
0x22a: {  	v0 =	vld [tilespmem:s29+$0x1390];
	_ =	sdelay $0x4  }
0x22b: {  	v1 =	vshll.u32 v0, $0x10;
	v0 =	vand.u32 $0xFFFF0000, v0  }
0x22c: {  	[tilespmem:s31+$0x120] =	vst v1  }
0x22d: {  	[tilespmem:s31+$0x130] =	vst v0  }
0x22e: {  	v0 =	vld [tilespmem:s29+$0x13A0];
	_ =	sdelay $0x4  }
0x22f: {  	v1 =	vshll.u32 v0, $0x10;
	v0 =	vand.u32 $0xFFFF0000, v0  }
0x230: {  	[tilespmem:s31+$0x140] =	vst v1  }
0x231: {  	[tilespmem:s31+$0x150] =	vst v0  }
0x232: {  	v0 =	vld [tilespmem:s29+$0x13B0];
	_ =	sdelay $0x1  }
.Ltmp5:
0x233: {  	(pc) =	sbr.rel @p0 .LBB2_6-.Ltmp5, $3  }
0x234: {  	_ =	sdelay $0x1  }
0x235: {  	v1 =	vshll.u32 v0, $0x10;
	v0 =	vand.u32 $0xFFFF0000, v0  }
0x236: {  	[tilespmem:s31+$0x160] =	vst v1  }
0x237: {  	[tilespmem:s28+$0x170] =	vst v0  }
0x238: {  	v0 =	vld [tilespmem:s29+$0x13C0];
	_ =	sdelay $0x4  }
0x239: {  	v1 =	vshll.u32 v0, $0x10  }
0x23a: {  	v0 =	vand.u32 $0xFFFF0000, v0;
	[tilespmem:s28+$0x180] =	vst v1  }
0x23b: {  	[tilespmem:s28+$0x190] =	vst v0  }
0x23c: {  	v0 =	vld [tilespmem:s29+$0x13D0];
	_ =	sdelay $0x4  }
0x23d: {  	v61 =	vshll.u32 v0, $0x10  }
0x23e: {  	v0 =	vand.u32 $0xFFFF0000, v0;
	[tilespmem:s28+$0x1A0] =	vst v61  }
0x23f: {  	[tilespmem:s28+$0x1B0] =	vst v0  }
0x240: {  	v0 =	vld [tilespmem:s29+$0x13E0];
	_ =	sdelay $0x4  }
0x241: {  	v62 =	vshll.u32 v0, $0x10  }
0x242: {  	v0 =	vand.u32 $0xFFFF0000, v0;
	[tilespmem:s28+$0x1C0] =	vst v62  }
0x243: {  	[tilespmem:s28+$0x1D0] =	vst v0  }
0x244: {  	v0 =	vld [tilespmem:s29+$0x13F0];
	_ =	sdelay $0x1  }
0x245: {  	p0 =	seq.s32 s24, $0x8  }
.Ltmp6:
0x246: {  	_ = 	snop;
	(pc) =	sbr.rel @p0 .LBB2_9-.Ltmp6, $4  }
0x247: {  	_ = 	snop  }
0x248: {  	v63 =	vshll.u32 v0, $0x10  }
0x249: {  	v0 =	vand.u32 $0xFFFF0000, v0;
	[tilespmem:s28+$0x1E0] =	vst v63  }
0x24a: {  	s26 =	sadd.s32 $0x900, s26;
	[tilespmem:s28+$0x1F0] =	vst v0  }
.Ltmp7:
0x24b: {  	(pc) =	sbr.rel .LBB2_3-.Ltmp7, $4  }
0x24c: {  	s1 =	sadd.s32 $0x100, s25  }
0x24d: {  	[tilespmem:s17], [sflag:$0x1] =	stream.indirect.gather [hbm4b:s5+s16], $0x40, s1, s16, $0xb8;
	[tilespmem:$0x1EB00] =	vst v63  }
0x24e: {  	s24 =	sadd.s32 $0x1, s24  }
0x24f: {  	[spmem:s3] =	stream.indirect.scatter.add.f32 [tilespmem:s20], [sflag:$0x3], $0x80, s26, s16, $0xb8;
	[tilespmem:$0x1EB00] =	vst v63  }
.LBB2_11:
0x250: {  	_ =	sfence.sel $0x180000  }
0x251: {  	[bflag:$0x0] =	sbarrier.arrive $0xFFFF  }
0x252: {  	_ =	strace $0x9000004D  }
0x253: {  	[bflag:$0x2] =	sbarrier.arrive $0xFFFF  }
0x254: {  	p0 =	sne.s32 s0, $0x0;
	s0 =	rddreg [dreg:$0x3]  }
0x255: {  	s0 =	sadd.s32 @!p0 $0x100000, s0  }
0x256: {  	[sflag:s0] =	ssyncadd.tile.s32 @!p0 $0x1;
	_ =	shalt  }
.Lfunc_end2:
_tile_overlayer_lowered:
.L_overlay_start_2:
0x257: {  	(tag) =	ssettag $0x2  }
0x258: {  	s0 =	rddreg [dreg:$0x0];
	s2 =	stileid.u32  }
0x259: {  	s1 =	rddreg [dreg:$0x1];
	p0 =	sne.s32 s2, $0x0  }
0x25a: {  	s3 =	rddreg [dreg:$0x2];
	[bflag:$0x3] =	sbarrier.arrive $0xFFFF;
	s2 =	simm.s32 @!p0 $0x1C04  }
0x25b: {  	[timem:s3], [sflag:s2] =	dma.local @!p0 [hbm:s0], s1  }
0x25c: {  	s0 =	simm.s32 @!p0 $0x4  }
0x25d: {  	_ =	swait.ge @!p0 [sflag:s0], s1  }
0x25e: {  	s1 =	ssub.s32 @!p0 $0x0, s1;
	[sflag:s0] =	ssyncset.done @!p0 $0x0  }
0x25f: {  	[sflag:s0] =	ssyncadd.s32 @!p0 s1  }
0x260: {  	[bflag:$0x3] =	sbarrier.arrive $0xFFFF  }
0x261: {  	_ =	shalt  }

// kernel: kernel.19.cloned.1.call-start
scs
__scs_entry_jumppad:
0x0: {  	(pc) =	sbr.rel $0x88, $3  }
0x1: {  	(tag) =	ssettag $0x0;
	lr =	simm.s32 $0x1  }
0x2: {  	[smem:$0x3F97] =	sst lr;
	_ =	strace $0xD0000000  }
0x3: {  	_ = 	snop  }
0x4: {  	_ = 	snop  }
0x5: {  	_ = 	snop  }
0x6: {  	_ = 	snop  }
0x7: {  	_ = 	snop  }
__scs_overlays_trampoline_lowered:
0x8: {  	[smem:$0x3FA6] =	sst s0  }
0x9: {  	[smem:$0x3FA7] =	sst s1  }
0xa: {  	[smem:$0x3FA8] =	sst s2  }
0xb: {  	[smem:$0x3FA9] =	sst s3  }
0xc: {  	[smem:$0x3FAA] =	sst s4  }
0xd: {  	[smem:$0x3FAB] =	sst s5  }
0xe: {  	[smem:$0x3FAC] =	sst s6  }
0xf: {  	[smem:$0x3FAD] =	sst s7  }
0x10: {  	[smem:$0x3FAE] =	sst s8  }
0x11: {  	[smem:$0x3FAF] =	sst s9;
	s0 =	simm.s32 @!p0 $0x0  }
0x12: {  	s1 =	sld [smem:$0x3F95];
	s0 =	simm.s32 @p0 $0x1  }
0x13: {  	[smem:$0x3FB0] =	sst s0;
	s0 =	simm.s32 @!p1 $0x0  }
0x14: {  	s2 =	sld [smem:$0x3F94];
	s0 =	simm.s32 @p1 $0x1  }
0x15: {  	[smem:$0x3FB1] =	sst s0;
	s0 =	simm.s32 @!p2 $0x0  }
0x16: {  	s3 =	sld [smem:$0x3FDB];
	s0 =	simm.s32 @p2 $0x1  }
0x17: {  	s4 =	simm.s32 $0x1BF5;
	[smem:$0x3FB3] =	sst s0  }
0x18: {  	s0 =	sld [smem:$0x3F96];
	_ =	swait.ge [sflag:s4], $0x0  }
0x19: {  	s7 =	sld [smem:$0x3F97]  }
0x1a: {  	s8 =	sadd.s32 $0xFFFFE003, lr  }
0x1b: {  	s9 =	sadd.s32 $0xFFFFFEF7, lr;
	s5 =	simm.s32 $0xFFFFFFFF;
	p2 =	slt.u32 s8, $0xFFFFF086  }
0x1c: {  	p1 =	slt.u32 s9, $0xF7A;
	s5 =	simm.s32 @!p2 $0x0  }
0x1d: {  	s5 =	simm.s32 @p1 $0x1;
	p0 =	seq.s32 s7, s2  }
0x1e: {  	s7 =	smul.u32 @!p0 $0xF7A, s2;
	p2 =	seq.s32 @!p0 s5, $0x0  }
0x1f: {  	s9 =	smul.u32 $0xF7A, s1;
	s8 =	simm.s32 @!p0 $0x1BF5;
	p2 =	por !p2, p0  }
0x20: {  	[sflag:s8] =	ssyncset.s32 @!p0 $0xFFFFF086;
	s6 =	sadd.s32 @!p0 s3, s7;
	s7 =	simm.s32 @!p0 $0x108  }
0x21: {  	s3 =	sadd.s32 s3, s9;
	s6 =	sadd.s32 @!p0 $0x88, s6;
	s7 =	simm.s32 @p2 $0x1082  }
0x22: {  	[simem:s7], [sflag:s8] =	dma.local @!p0 [hbm:s6], $0xF7A  }
0x23: {  	s9 =	sor.u32 $0xD0000000, s2;
	s6 =	simm.s32 $0x108;
	_ =	swait.ge @!p0 [sflag:s8], $0x0  }
0x24: {  	s3 =	sadd.s32 $0x88, s3;
	s6 =	simm.s32 @!p1 $0x1082;
	[sflag:s4] =	ssyncset.s32 $0xFFFFF086  }
0x25: {  	[simem:s6], [sflag:s4] =	dma.local [hbm:s3], $0xF7A  }
0x26: {  	[smem:$0x3F97] =	sst s1;
	(tag) =	ssettag s2;
	_ =	strace s9  }
0x27: {  	s1 =	sld [smem:$0x3FA7]  }
0x28: {  	s2 =	sld [smem:$0x3FA8]  }
0x29: {  	s4 =	sld [smem:$0x3FAA]  }
0x2a: {  	p0 =	seq.s32 s5, $0x0;
	s5 =	sld [smem:$0x3FAB]  }
0x2b: {  	s6 =	sld [smem:$0x3FAC]  }
0x2c: {  	s7 =	sld [smem:$0x3FAD]  }
0x2d: {  	s3 =	simm.s32 $0x108;
	s8 =	sld [smem:$0x3FAE]  }
0x2e: {  	s3 =	simm.s32 @!p0 $0x1082;
	s9 =	sld [smem:$0x3FAF]  }
0x2f: {  	lr =	sadd.s32 s0, s3;
	s0 =	sld [smem:$0x3FA6]  }
0x30: {  	s3 =	sld [smem:$0x3FA9]  }
0x31: {  	[smem:$0x3FB2] =	sst s10  }
0x32: {  	s10 =	sld [smem:$0x3FB0];
	_ =	sdelay $0x3  }
0x33: {  	p0 =	seq.s32 s10, $0x1;
	s10 =	sld [smem:$0x3FB2];
	_ =	sdelay $0x3  }
0x34: {  	[smem:$0x3FB2] =	sst s10  }
0x35: {  	s10 =	sld [smem:$0x3FB1];
	_ =	sdelay $0x3  }
0x36: {  	p1 =	seq.s32 s10, $0x1;
	s10 =	sld [smem:$0x3FB2];
	_ =	sdelay $0x3  }
0x37: {  	[smem:$0x3FB2] =	sst s10  }
0x38: {  	s10 =	sld [smem:$0x3FB3]  }
0x39: {  	_ = 	snop;
	(pc) =	sbr.ind lr, $3  }
0x3a: {  	_ = 	snop  }
0x3b: {  	_ = 	snop  }
0x3c: {  	p2 =	seq.s32 s10, $0x1;
	s10 =	sld [smem:$0x3FB2]  }
0x3d: {  	_ =	shalt  }
0x3e: {  	_ =	shalt  }
0x3f: {  	_ =	shalt  }
0x40: {  	_ =	shalt  }
0x41: {  	_ =	shalt  }
0x42: {  	_ =	shalt  }
0x43: {  	_ =	shalt  }
0x44: {  	_ =	shalt  }
0x45: {  	_ =	shalt  }
0x46: {  	_ =	shalt  }
0x47: {  	_ =	shalt  }
0x48: {  	_ =	shalt  }
0x49: {  	_ =	shalt  }
0x4a: {  	_ =	shalt  }
0x4b: {  	_ =	shalt  }
0x4c: {  	_ =	shalt  }
0x4d: {  	_ =	shalt  }
0x4e: {  	_ =	shalt  }
0x4f: {  	_ =	shalt  }
0x50: {  	_ =	shalt  }
0x51: {  	_ =	shalt  }
0x52: {  	_ =	shalt  }
0x53: {  	_ =	shalt  }
0x54: {  	_ =	shalt  }
0x55: {  	_ =	shalt  }
0x56: {  	_ =	shalt  }
0x57: {  	_ =	shalt  }
0x58: {  	_ =	shalt  }
0x59: {  	_ =	shalt  }
0x5a: {  	_ =	shalt  }
0x5b: {  	_ =	shalt  }
0x5c: {  	_ =	shalt  }
0x5d: {  	_ =	shalt  }
0x5e: {  	_ =	shalt  }
0x5f: {  	_ =	shalt  }
0x60: {  	_ =	shalt  }
0x61: {  	_ =	shalt  }
0x62: {  	_ =	shalt  }
0x63: {  	_ =	shalt  }
0x64: {  	_ =	shalt  }
0x65: {  	_ =	shalt  }
0x66: {  	_ =	shalt  }
0x67: {  	_ =	shalt  }
0x68: {  	_ =	shalt  }
0x69: {  	_ =	shalt  }
0x6a: {  	_ =	shalt  }
0x6b: {  	_ =	shalt  }
0x6c: {  	_ =	shalt  }
0x6d: {  	_ =	shalt  }
0x6e: {  	_ =	shalt  }
0x6f: {  	_ =	shalt  }
0x70: {  	_ =	shalt  }
0x71: {  	_ =	shalt  }
0x72: {  	_ =	shalt  }
0x73: {  	_ =	shalt  }
0x74: {  	_ =	shalt  }
0x75: {  	_ =	shalt  }
0x76: {  	_ =	shalt  }
0x77: {  	_ =	shalt  }
0x78: {  	_ =	shalt  }
0x79: {  	_ =	shalt  }
0x7a: {  	_ =	shalt  }
0x7b: {  	_ =	shalt  }
0x7c: {  	_ =	shalt  }
0x7d: {  	_ =	shalt  }
0x7e: {  	_ =	shalt  }
0x7f: {  	_ =	shalt  }
0x80: {  	_ =	shalt  }
0x81: {  	_ =	shalt  }
0x82: {  	_ =	shalt  }
0x83: {  	_ =	shalt  }
0x84: {  	_ =	shalt  }
0x85: {  	_ =	shalt  }
0x86: {  	_ =	shalt  }
0x87: {  	_ =	shalt  }
.Lfunc_end0:
.L_simem_size_0:
called_computation.3_lowered:
.L_overlay_start_0:
0x88: {  	s2 =	sld [smem:$0x3FD9]  }
0x89: {  	s3 =	sld [smem:$0x3FFE];
	_ =	sdelay $0x1  }
0x8a: {  	s1 =	srdreg.scid  }
0x8b: {  	s0 =	sand.u32 $0x1, s1  }
0x8c: {  	s17 =	sshll.u32 s0, $0xA;
	s2 =	sadd.s32 s3, s2  }
0x8d: {  	s2 =	sadd.s32 s2, s17  }
0x8e: {  	[smem:$0x3FBE] =	sst s2  }
0x8f: {  	_ = 	snop  }
0x90: {  	s2 =	sld [smem:$0x3FD0];
	(tm) =	ssettm $0x1  }
0x91: {  	s18 =	sld [smem:$0x3FFB];
	_ =	sdelay $0x3  }
0x92: {  	_ =	strace s18  }
0x93: {  	s3 =	sld [smem:$0x3FFC];
	_ =	sdelay $0x3  }
0x94: {  	_ =	strace s3  }
0x95: {  	s3 =	sld [smem:$0x3FFD];
	_ =	sdelay $0x3  }
0x96: {  	_ =	strace s3  }
0x97: {  	_ =	strace $0x8FFFFFFF  }
0x98: {  	s19 =	sld [smem:$0x3FDB];
	_ =	sdelay $0x1  }
0x99: {  	s4 =	simm.s32 $_scs_section_size  }
0x9a: {  	s5 =	simm.s32 $_size__tile_overlayer_lowered;
	s6 =	simm.s32 $_tile_overlayer_lowered  }
0x9b: {  	s22 =	simm.s32 $0x1BFF;
	s21 =	sshll.u32 s6, $0x1;
	s3 =	sadd.s32 s4, s19  }
0x9c: {  	s7 =	simm.s32 $0x0;
	s20 =	sshll.u32 s5, $0x1;
	s5 =	sadd.s32 s21, s3  }
0x9d: {  	[timem:s7], [sflag:s22] =	dma.local [hbm:s5], s20  }
0x9e: {  	_ =	swait.ge [sflag:s22], s20  }
0x9f: {  	s4 =	ssub.s32 $0x0, s20;
	[sflag:s22] =	ssyncset.done $0x0  }
0xa0: {  	[sflag:s22] =	ssyncadd.s32 s4;
	_ =	sdelay $0x1  }
0xa1: {  	s23 =	simm.s32 $0x1B8B  }
0xa2: {  	_ =	swait.ge [sflag:s23], $0x1  }
0xa3: {  	[sflag:s23] =	ssyncset.done $0x0  }
0xa4: {  	s25 =	simm.s32 $0x1B8E;
	s24 =	sld [smem:$0x3FFE];
	[sflag:s23] =	ssyncadd.s32 $0xFFFFFFFF  }
0xa5: {  	s26 =	simm.s32 $execute0_lowered;
	[smem:$0x3FD2] =	sst s25  }
0xa6: {  	s5 =	sshll.u32 s26, $0x1;
	_ =	strace $0x8000004F;
	[dreg:$0x1] =	wrdreg $0xFFFFFFFF  }
0xa7: {  	s28 =	simm.s32 $_size_execute0_lowered;
	s3 =	sadd.s32 s3, s5;
	[dreg:$0x0] =	wrdreg $0x0  }
0xa8: {  	s5 =	sshll.u32 s28, $0x1;
	[dreg:$0x2] =	wrdreg s3  }
0xa9: {  	[dreg:$0x3] =	wrdreg s5  }
0xaa: {  	[dreg:$0x4] =	wrdreg $0xC0  }
0xab: {  	_ =	task [dreg:s7], $0x5FFFF  }
0xac: {  	[dreg:$0x1] =	wrdreg $0xFFFFFFFF  }
0xad: {  	[dreg:$0x0] =	wrdreg $0x60  }
0xae: {  	[dreg:$0x2] =	wrdreg s2  }
0xaf: {  	[dreg:$0x3] =	wrdreg s24  }
0xb0: {  	[dreg:$0x4] =	wrdreg $0x62000  }
0xb1: {  	[dreg:$0x5] =	wrdreg $0x9  }
0xb2: {  	_ =	task.clear_ibuf [dreg:s7], $0x6FFFF;
	_ =	strace $0x9000004F  }
0xb3: {  	s29 =	simm.s32 $0x9;
	_ =	strace $0x80000051  }
0xb4: {  	_ =	swait.ge [sflag:s29], $0x1  }
0xb5: {  	[sflag:s29] =	ssyncadd.s32 $0xFFFFFFFF  }
0xb6: {  	_ =	strace $0x90000051  }
0xb7: {  	_ =	sfence  }
0xb8: {  	s30 =	sld [smem:$0x0];
	_ =	sdelay $0x2  }
0xb9: {  	s31 =	sshll.u32 s1, $0xD;
	s1 =	sshrl.u32 s1, $0x2  }
0xba: {  	s3 =	sand.u32 $0x4000, s31;
	s1 =	sadd.s32 s1, s30  }
0xbb: {  	s0 =	sor.u32 s3, s0;
	s1 =	sshll.u32 s1, $0x11  }
0xbc: {  	s0 =	sor.u32 s1, s0  }
0xbd: {  	s0 =	sadd.s32 $0x8F2B, s0  }
0xbe: {  	[sflag:s0] =	ssyncadd.remote.s32 $0x1  }
0xbf: {  	_ =	sfence.sel $0xFFFF  }
0xc0: {  	[dreg:$0x0] =	wrdreg $0xFFFFFFFF;
	(pc) =	sbr.abs _section_cstart, $3  }
0xc1: {  	[dreg:$0x1] =	wrdreg $0xFFFFFFFF  }
0xc2: {  	_ =	task.clear_ibuf [dreg:s7], $0x2FFFF;
	_ =	strace $0x9FFFFFFF  }
0xc3: {  	(tm) =	ssettm $0x7FFFFFFF  }
tec
execute0_lowered:
.L_overlay_start_1:
0x0: {  	(tag) =	ssettag $0x1  }
0x1: {  	s1 =	rddreg [dreg:$0x0]  }
0x2: {  	s8 =	rddreg [dreg:$0x1];
	s2 =	srdreg.scid  }
0x3: {  	s0 =	stileid.u32;
	s3 =	rddreg [dreg:$0x2]  }
0x4: {  	s4 =	simm.s32 $0x0;
	s15 =	simm.s32 $0x900;
	s16 =	simm.s32 $0x80  }
0x5: {  	s17 =	simm.s32 $0x1200;
	s18 =	simm.s32 $0x1;
	s19 =	simm.s32 $0x2200  }
0x6: {  	s20 =	simm.s32 $0x4200;
	s21 =	simm.s32 $0x2;
	s22 =	simm.s32 $0x3  }
0x7: {  	s10 =	sand.u32 $0x1, s2;
	s9 =	smul.u32 $0x9C80, s0;
	[smem:$0x7FF] =	sst s4  }
0x8: {  	s5 =	sadd.s32 $0xC800, s8;
	s13 =	sshll.u32 s0, $0x6;
	s6 =	smul.u32 $0x9C800, s10  }
0x9: {  	_ =	strace $0x80000050;
	s12 =	ssub.s32 $0x2, s10;
	s10 =	smul.u32 $0x51000, s10  }
.Ltmp0:
0xa: {  	s31 =	sshrl.u32 s12, $0x1;
	s14 =	sadd.s32 s9, s3;
	(pc) =	sbr.rel .LBB2_1-.Ltmp0, $4  }
0xb: {  	s7 =	sadd.s32 s9, s6;
	s6 =	sadd.s32 $0x1E00, s8;
	s12 =	ssub.s32 s12, s31  }
0xc: {  	s9 =	sor.u32 $0x1C04, s13;
	s13 =	sshrl.u32 s14, $0x3;
	s11 =	sshrl.u32 s7, $0x3  }
0xd: {  	s14 =	simm.s32 $0x4;
	s7 =	sadd.s32 $0x6F000, s8;
	s11 =	sadd.s32 s11, s8  }
0xe: {  	s12 =	smax.u32 s12, $0x1;
	s8 =	smul.u32 $0xA2, s0;
	s11 =	sadd.s32 $0x70400, s11  }
.LBB2_10:
0xf: {  	s4 =	sadd.s32 $0x1, s4  }
0x10: {  	p0 =	sne.s32 s4, s12  }
.Ltmp1:
0x11: {  	[bflag:$0x0] =	sbarrier.arrive $0xFFFF;
	(pc) =	sbr.rel @!p0 .LBB2_11-.Ltmp1, $4  }
0x12: {  	[hbm:s11], [sflag:s9] =	dma.local [spmem:s13], $0x1390  }
0x13: {  	_ =	swait.ge [sflag:s14], $0x1390  }
0x14: {  	[sflag:s14] =	ssyncset.done $0x0  }
0x15: {  	[sflag:s14] =	ssyncadd.s32 $0xFFFFEC70  }
.LBB2_1:
0x16: {  	[spmem:s13], [sflag:s9] =	dma.local [hbm:s7], $0x1390  }
.Ltmp2:
0x17: {  	_ =	swait.ge [sflag:s14], $0x1390;
	(pc) =	sbr.rel .LBB2_2-.Ltmp2, $4  }
0x18: {  	[sflag:s14] =	ssyncset.done $0x0  }
0x19: {  	[sflag:s14] =	ssyncadd.s32 $0xFFFFEC70  }
0x1a: {  	[bflag:$0x0] =	sbarrier.arrive $0xFFFF  }
0x1b: {  	s23 =	simm.s32 $0x0  }
.LBB2_9:
0x1c: {  	[spmem:s3] =	stream.indirect.scatter.add.f32 [tilespmem:s20], [sflag:$0x3], $0x40, s26, s16, $0xb8;
	[tilespmem:$0xFE80] =	vst v63  }
0x1d: {  	s23 =	sadd.s32 $0x1, s23  }
0x1e: {  	_ =	swait.ge [sflag:s21], $0x2000;
	p0 =	sne.s32 s23, $0x9  }
.Ltmp3:
0x1f: {  	[sflag:s21] =	ssyncset.done $0x0;
	(pc) =	sbr.rel @!p0 .LBB2_10-.Ltmp3, $4  }
0x20: {  	[sflag:s21] =	ssyncadd.s32 $0xFFFFE000  }
0x21: {  	_ =	swait.ge [sflag:s22], $0x2000  }
0x22: {  	[sflag:s22] =	ssyncset.done $0x0  }
0x23: {  	[sflag:s22] =	ssyncadd.s32 $0xFFFFE000  }
.LBB2_2:
0x24: {  	s24 =	smul.u32 $0x12, s23;
	_ =	sdelay $0x1  }
0x25: {  	s25 =	sadd.s32 s8, s24  }
0x26: {  	s24 =	sshll.u32 s25, $0x7  }
0x27: {  	s24 =	sadd.s32 s10, s24  }
0x28: {  	s24 =	sshrl.u32 s24, $0x3  }
0x29: {  	s26 =	sadd.s32 s5, s24;
	s24 =	simm.s32 $0x0  }
0x2a: {  	[tilespmem:s24], [sflag:$0x4] =	stream.linear.gather [hbm4b:s26+s24], $0x900, $0x38;
	[tilespmem:$0xFE80] =	vst v63  }
0x2b: {  	_ =	swait.ge [sflag:s14], $0x900  }
0x2c: {  	s25 =	sshll.u32 s25, $0x4;
	[sflag:s14] =	ssyncset.done $0x0  }
0x2d: {  	s25 =	sadd.s32 s6, s25;
	[sflag:s14] =	ssyncadd.s32 $0xFFFFF700  }
0x2e: {  	[tilespmem:s15], [sflag:$0x4] =	stream.linear.gather [hbm4b:s25+s24], $0x900, $0x38;
	[tilespmem:$0xFE80] =	vst v63  }
0x2f: {  	_ =	swait.ge [sflag:s14], $0x900  }
0x30: {  	[sflag:s14] =	ssyncset.done $0x0  }
0x31: {  	[sflag:s14] =	ssyncadd.s32 $0xFFFFF700  }
0x32: {  	[tilespmem:s17], [sflag:$0x1] =	stream.indirect.gather [hbm4b:s1+s16], $0x20, s24, s16, $0xb8;
	[tilespmem:$0xFE80] =	vst v63  }
.LBB2_3:
0x33: {  	_ =	swait.ge [sflag:s18], $0x1000  }
0x34: {  	p0 =	seq.s32 s24, $0x0;
	[sflag:s18] =	ssyncset.done $0x0  }
0x35: {  	s25 =	simm.s32 @!p0 $0x2;
	[sflag:s18] =	ssyncadd.s32 $0xFFFFF000  }
0x36: {  	_ =	swait.ge @!p0 [sflag:s25], $0x2000  }
0x37: {  	[sflag:s25] =	ssyncset.done @!p0 $0x0  }
0x38: {  	s26 =	simm.s32 $0x0;
	[sflag:s25] =	ssyncadd.s32 @!p0 $0xFFFFE000  }
0x39: {  	v0 =	vld [tilespmem:s26+$0x1200];
	_ =	sdelay $0x4  }
0x3a: {  	s25 =	simm.s32 $0x2300;
	v1 =	vshll.u32 v0, $0x10  }
0x3b: {  	v0 =	vand.u32 $0xFFFF0000, v0;
	[tilespmem:s25+$0xFFFFFF00] =	vst v1  }
0x3c: {  	[tilespmem:s25+$0xFFFFFF10] =	vst v0  }
0x3d: {  	v0 =	vld [tilespmem:s26+$0x1210];
	_ =	sdelay $0x4  }
0x3e: {  	v1 =	vshll.u32 v0, $0x10  }
0x3f: {  	v0 =	vand.u32 $0xFFFF0000, v0;
	[tilespmem:s25+$0xFFFFFF20] =	vst v1  }
0x40: {  	[tilespmem:s25+$0xFFFFFF30] =	vst v0  }
0x41: {  	v0 =	vld [tilespmem:s26+$0x1220];
	_ =	sdelay $0x4  }
0x42: {  	v1 =	vshll.u32 v0, $0x10  }
0x43: {  	v0 =	vand.u32 $0xFFFF0000, v0;
	[tilespmem:s25+$0xFFFFFF40] =	vst v1  }
0x44: {  	[tilespmem:s25+$0xFFFFFF50] =	vst v0  }
0x45: {  	v0 =	vld [tilespmem:s26+$0x1230];
	_ =	sdelay $0x4  }
0x46: {  	v1 =	vshll.u32 v0, $0x10  }
0x47: {  	v0 =	vand.u32 $0xFFFF0000, v0;
	[tilespmem:s25+$0xFFFFFF60] =	vst v1  }
0x48: {  	[tilespmem:s25+$0xFFFFFF70] =	vst v0  }
0x49: {  	v0 =	vld [tilespmem:s26+$0x1240];
	_ =	sdelay $0x4  }
0x4a: {  	v1 =	vshll.u32 v0, $0x10  }
0x4b: {  	v0 =	vand.u32 $0xFFFF0000, v0;
	[tilespmem:s25+$0xFFFFFF80] =	vst v1  }
0x4c: {  	[tilespmem:s25+$0xFFFFFF90] =	vst v0  }
0x4d: {  	v0 =	vld [tilespmem:s26+$0x1250];
	_ =	sdelay $0x4  }
0x4e: {  	v1 =	vshll.u32 v0, $0x10  }
0x4f: {  	v0 =	vand.u32 $0xFFFF0000, v0;
	[tilespmem:s25+$0xFFFFFFA0] =	vst v1  }
0x50: {  	[tilespmem:s25+$0xFFFFFFB0] =	vst v0  }
0x51: {  	v0 =	vld [tilespmem:s26+$0x1260];
	_ =	sdelay $0x4  }
0x52: {  	v1 =	vshll.u32 v0, $0x10  }
0x53: {  	v0 =	vand.u32 $0xFFFF0000, v0;
	[tilespmem:s25+$0xFFFFFFC0] =	vst v1  }
0x54: {  	[tilespmem:s25+$0xFFFFFFD0] =	vst v0  }
0x55: {  	v0 =	vld [tilespmem:s26+$0x1270];
	_ =	sdelay $0x4  }
0x56: {  	v1 =	vshll.u32 v0, $0x10  }
0x57: {  	v0 =	vand.u32 $0xFFFF0000, v0;
	[tilespmem:s25+$0xFFFFFFE0] =	vst v1  }
0x58: {  	[tilespmem:s25+$0xFFFFFFF0] =	vst v0  }
0x59: {  	v0 =	vld [tilespmem:s26+$0x1280];
	_ =	sdelay $0x4  }
0x5a: {  	v1 =	vshll.u32 v0, $0x10  }
0x5b: {  	v0 =	vand.u32 $0xFFFF0000, v0;
	[tilespmem:s25+$0x0] =	vst v1  }
0x5c: {  	[tilespmem:s25+$0x10] =	vst v0  }
0x5d: {  	v0 =	vld [tilespmem:s26+$0x1290];
	_ =	sdelay $0x4  }
0x5e: {  	v1 =	vshll.u32 v0, $0x10  }
0x5f: {  	v0 =	vand.u32 $0xFFFF0000, v0;
	[tilespmem:s25+$0x20] =	vst v1  }
0x60: {  	[tilespmem:s25+$0x30] =	vst v0  }
0x61: {  	v0 =	vld [tilespmem:s26+$0x12A0];
	_ =	sdelay $0x4  }
0x62: {  	v1 =	vshll.u32 v0, $0x10  }
0x63: {  	v0 =	vand.u32 $0xFFFF0000, v0;
	[tilespmem:s25+$0x40] =	vst v1  }
0x64: {  	[tilespmem:s25+$0x50] =	vst v0  }
0x65: {  	v0 =	vld [tilespmem:s26+$0x12B0];
	_ =	sdelay $0x4  }
0x66: {  	v1 =	vshll.u32 v0, $0x10  }
0x67: {  	v0 =	vand.u32 $0xFFFF0000, v0;
	[tilespmem:s25+$0x60] =	vst v1  }
0x68: {  	[tilespmem:s25+$0x70] =	vst v0  }
0x69: {  	v0 =	vld [tilespmem:s26+$0x12C0];
	_ =	sdelay $0x4  }
0x6a: {  	v1 =	vshll.u32 v0, $0x10  }
0x6b: {  	v0 =	vand.u32 $0xFFFF0000, v0;
	[tilespmem:s25+$0x80] =	vst v1  }
0x6c: {  	[tilespmem:s25+$0x90] =	vst v0  }
0x6d: {  	v0 =	vld [tilespmem:s26+$0x12D0];
	_ =	sdelay $0x4  }
0x6e: {  	v1 =	vshll.u32 v0, $0x10  }
0x6f: {  	s28 =	simm.s32 $0x400;
	s29 =	simm.s32 $0x2300;
	v0 =	vand.u32 $0xFFFF0000, v0;
	[tilespmem:s25+$0xA0] =	vst v1  }
.LBB2_4:
0x70: {  	p1 =	sne.s32 s28, $0x3C00  }
0x71: {  	[tilespmem:s25+$0xB0] =	vst v0;
	s29 =	sadd.s32 $0x200, s29;
	s30 =	smov.u32 s28;
	s28 =	sadd.s32 $0x400, s28  }
0x72: {  	v0 =	vld [tilespmem:s26+$0x12E0];
	_ =	sdelay $0x4  }
0x73: {  	v1 =	vshll.u32 v0, $0x10;
	v0 =	vand.u32 $0xFFFF0000, v0  }
0x74: {  	[tilespmem:s25+$0xC0] =	vst v1  }
0x75: {  	[tilespmem:s25+$0xD0] =	vst v0  }
0x76: {  	v0 =	vld [tilespmem:s26+$0x12F0];
	_ =	sdelay $0x4  }
0x77: {  	v1 =	vshll.u32 v0, $0x10;
	v0 =	vand.u32 $0xFFFF0000, v0  }
0x78: {  	[tilespmem:s25+$0xE0] =	vst v1  }
0x79: {  	s26 =	sshra.s32 s30, $0x2;
	[tilespmem:s25+$0xF0] =	vst v0;
	s25 =	smov.u32 s29  }
0x7a: {  	v0 =	vld [tilespmem:s26+$0x1200];
	_ =	sdelay $0x4  }
0x7b: {  	v1 =	vshll.u32 v0, $0x10;
	v0 =	vand.u32 $0xFFFF0000, v0  }
0x7c: {  	[tilespmem:s29+$0xFFFFFF00] =	vst v1  }
0x7d: {  	[tilespmem:s29+$0xFFFFFF10] =	vst v0  }
0x7e: {  	v0 =	vld [tilespmem:s26+$0x1210];
	_ =	sdelay $0x4  }
0x7f: {  	v1 =	vshll.u32 v0, $0x10;
	v0 =	vand.u32 $0xFFFF0000, v0  }
0x80: {  	[tilespmem:s29+$0xFFFFFF20] =	vst v1  }
0x81: {  	[tilespmem:s29+$0xFFFFFF30] =	vst v0  }
0x82: {  	v0 =	vld [tilespmem:s26+$0x1220];
	_ =	sdelay $0x4  }
0x83: {  	v1 =	vshll.u32 v0, $0x10;
	v0 =	vand.u32 $0xFFFF0000, v0  }
0x84: {  	[tilespmem:s29+$0xFFFFFF40] =	vst v1  }
0x85: {  	[tilespmem:s29+$0xFFFFFF50] =	vst v0  }
0x86: {  	v0 =	vld [tilespmem:s26+$0x1230];
	_ =	sdelay $0x4  }
0x87: {  	v1 =	vshll.u32 v0, $0x10;
	v0 =	vand.u32 $0xFFFF0000, v0  }
0x88: {  	[tilespmem:s29+$0xFFFFFF60] =	vst v1  }
0x89: {  	[tilespmem:s29+$0xFFFFFF70] =	vst v0  }
0x8a: {  	v0 =	vld [tilespmem:s26+$0x1240];
	_ =	sdelay $0x4  }
0x8b: {  	v1 =	vshll.u32 v0, $0x10;
	v0 =	vand.u32 $0xFFFF0000, v0  }
0x8c: {  	[tilespmem:s29+$0xFFFFFF80] =	vst v1  }
0x8d: {  	[tilespmem:s29+$0xFFFFFF90] =	vst v0  }
0x8e: {  	v0 =	vld [tilespmem:s26+$0x1250];
	_ =	sdelay $0x4  }
0x8f: {  	v1 =	vshll.u32 v0, $0x10;
	v0 =	vand.u32 $0xFFFF0000, v0  }
0x90: {  	[tilespmem:s29+$0xFFFFFFA0] =	vst v1  }
0x91: {  	[tilespmem:s29+$0xFFFFFFB0] =	vst v0  }
0x92: {  	v0 =	vld [tilespmem:s26+$0x1260];
	_ =	sdelay $0x4  }
0x93: {  	v1 =	vshll.u32 v0, $0x10;
	v0 =	vand.u32 $0xFFFF0000, v0  }
0x94: {  	[tilespmem:s29+$0xFFFFFFC0] =	vst v1  }
0x95: {  	[tilespmem:s29+$0xFFFFFFD0] =	vst v0  }
0x96: {  	v0 =	vld [tilespmem:s26+$0x1270];
	_ =	sdelay $0x4  }
0x97: {  	v1 =	vshll.u32 v0, $0x10;
	v0 =	vand.u32 $0xFFFF0000, v0  }
0x98: {  	[tilespmem:s29+$0xFFFFFFE0] =	vst v1  }
0x99: {  	[tilespmem:s29+$0xFFFFFFF0] =	vst v0  }
0x9a: {  	v0 =	vld [tilespmem:s26+$0x1280];
	_ =	sdelay $0x4  }
0x9b: {  	v1 =	vshll.u32 v0, $0x10;
	v0 =	vand.u32 $0xFFFF0000, v0  }
0x9c: {  	[tilespmem:s29+$0x0] =	vst v1  }
0x9d: {  	[tilespmem:s29+$0x10] =	vst v0  }
0x9e: {  	v0 =	vld [tilespmem:s26+$0x1290];
	_ =	sdelay $0x4  }
0x9f: {  	v1 =	vshll.u32 v0, $0x10;
	v0 =	vand.u32 $0xFFFF0000, v0  }
0xa0: {  	[tilespmem:s29+$0x20] =	vst v1  }
0xa1: {  	[tilespmem:s29+$0x30] =	vst v0  }
0xa2: {  	v0 =	vld [tilespmem:s26+$0x12A0];
	_ =	sdelay $0x4  }
0xa3: {  	v1 =	vshll.u32 v0, $0x10;
	v0 =	vand.u32 $0xFFFF0000, v0  }
0xa4: {  	[tilespmem:s29+$0x40] =	vst v1  }
0xa5: {  	[tilespmem:s29+$0x50] =	vst v0  }
0xa6: {  	v0 =	vld [tilespmem:s26+$0x12B0];
	_ =	sdelay $0x4  }
0xa7: {  	v1 =	vshll.u32 v0, $0x10;
	v0 =	vand.u32 $0xFFFF0000, v0  }
0xa8: {  	[tilespmem:s29+$0x60] =	vst v1  }
0xa9: {  	[tilespmem:s29+$0x70] =	vst v0  }
0xaa: {  	v0 =	vld [tilespmem:s26+$0x12C0];
	_ =	sdelay $0x4  }
0xab: {  	v1 =	vshll.u32 v0, $0x10;
	v0 =	vand.u32 $0xFFFF0000, v0  }
0xac: {  	[tilespmem:s29+$0x80] =	vst v1  }
0xad: {  	[tilespmem:s29+$0x90] =	vst v0  }
0xae: {  	v0 =	vld [tilespmem:s26+$0x12D0];
	_ =	sdelay $0x1  }
.Ltmp4:
0xaf: {  	(pc) =	sbr.rel @p1 .LBB2_4-.Ltmp4, $3  }
0xb0: {  	_ =	sdelay $0x1  }
0xb1: {  	v1 =	vshll.u32 v0, $0x10;
	v0 =	vand.u32 $0xFFFF0000, v0  }
0xb2: {  	[tilespmem:s29+$0xA0] =	vst v1  }
0xb3: {  	[tilespmem:s25+$0xB0] =	vst v0  }
0xb4: {  	v0 =	vld [tilespmem:s26+$0x12E0];
	_ =	sdelay $0x4  }
0xb5: {  	v1 =	vshll.u32 v0, $0x10  }
0xb6: {  	v0 =	vand.u32 $0xFFFF0000, v0;
	[tilespmem:s25+$0xC0] =	vst v1  }
0xb7: {  	[tilespmem:s25+$0xD0] =	vst v0  }
0xb8: {  	v0 =	vld [tilespmem:s26+$0x12F0];
	_ =	sdelay $0x4  }
0xb9: {  	s2 =	sshll.u32 s24, $0x8;
	v1 =	vshll.u32 v0, $0x10  }
0xba: {  	s26 =	sor.u32 $0x80, s2;
	s2 =	sshll.u32 s24, $0xA;
	v0 =	vand.u32 $0xFFFF0000, v0;
	[tilespmem:s25+$0xE0] =	vst v1  }
0xbb: {  	[tilespmem:s25+$0xF0] =	vst v0;
	s25 =	sshrl.u32 s2, $0x2  }
0xbc: {  	[tilespmem:s17], [sflag:$0x1] =	stream.indirect.gather [hbm4b:s1+s16], $0x20, s26, s16, $0xb8;
	[tilespmem:$0xFE80] =	vst v63  }
0xbd: {  	s28 =	sadd.s32 $0x900, s25  }
0xbe: {  	[spmem:s3] =	stream.indirect.scatter.add.f32 [tilespmem:s19], [sflag:$0x2], $0x40, s28, s16, $0xb8;
	[tilespmem:$0xFE80] =	vst v63  }
0xbf: {  	_ =	swait.ge [sflag:s18], $0x1000  }
0xc0: {  	[sflag:s18] =	ssyncset.done $0x0  }
0xc1: {  	s28 =	simm.s32 @!p0 $0x3;
	[sflag:s18] =	ssyncadd.s32 $0xFFFFF000  }
0xc2: {  	_ =	swait.ge @!p0 [sflag:s28], $0x2000  }
0xc3: {  	[sflag:s28] =	ssyncset.done @!p0 $0x0  }
0xc4: {  	s29 =	simm.s32 $0x0;
	[sflag:s28] =	ssyncadd.s32 @!p0 $0xFFFFE000  }
0xc5: {  	v0 =	vld [tilespmem:s29+$0x1200];
	_ =	sdelay $0x4  }
0xc6: {  	s28 =	simm.s32 $0x4300;
	v1 =	vshll.u32 v0, $0x10  }
0xc7: {  	v0 =	vand.u32 $0xFFFF0000, v0;
	[tilespmem:s28+$0xFFFFFF00] =	vst v1  }
0xc8: {  	[tilespmem:s28+$0xFFFFFF10] =	vst v0  }
0xc9: {  	v0 =	vld [tilespmem:s29+$0x1210];
	_ =	sdelay $0x4  }
0xca: {  	v1 =	vshll.u32 v0, $0x10  }
0xcb: {  	v0 =	vand.u32 $0xFFFF0000, v0;
	[tilespmem:s28+$0xFFFFFF20] =	vst v1  }
0xcc: {  	[tilespmem:s28+$0xFFFFFF30] =	vst v0  }
0xcd: {  	v0 =	vld [tilespmem:s29+$0x1220];
	_ =	sdelay $0x4  }
0xce: {  	v1 =	vshll.u32 v0, $0x10  }
0xcf: {  	v0 =	vand.u32 $0xFFFF0000, v0;
	[tilespmem:s28+$0xFFFFFF40] =	vst v1  }
0xd0: {  	[tilespmem:s28+$0xFFFFFF50] =	vst v0  }
0xd1: {  	v0 =	vld [tilespmem:s29+$0x1230];
	_ =	sdelay $0x4  }
0xd2: {  	v1 =	vshll.u32 v0, $0x10  }
0xd3: {  	v0 =	vand.u32 $0xFFFF0000, v0;
	[tilespmem:s28+$0xFFFFFF60] =	vst v1  }
0xd4: {  	[tilespmem:s28+$0xFFFFFF70] =	vst v0  }
0xd5: {  	v0 =	vld [tilespmem:s29+$0x1240];
	_ =	sdelay $0x4  }
0xd6: {  	v1 =	vshll.u32 v0, $0x10  }
0xd7: {  	v0 =	vand.u32 $0xFFFF0000, v0;
	[tilespmem:s28+$0xFFFFFF80] =	vst v1  }
0xd8: {  	[tilespmem:s28+$0xFFFFFF90] =	vst v0  }
0xd9: {  	v0 =	vld [tilespmem:s29+$0x1250];
	_ =	sdelay $0x4  }
0xda: {  	v1 =	vshll.u32 v0, $0x10  }
0xdb: {  	v0 =	vand.u32 $0xFFFF0000, v0;
	[tilespmem:s28+$0xFFFFFFA0] =	vst v1  }
0xdc: {  	[tilespmem:s28+$0xFFFFFFB0] =	vst v0  }
0xdd: {  	v0 =	vld [tilespmem:s29+$0x1260];
	_ =	sdelay $0x4  }
0xde: {  	v1 =	vshll.u32 v0, $0x10  }
0xdf: {  	v0 =	vand.u32 $0xFFFF0000, v0;
	[tilespmem:s28+$0xFFFFFFC0] =	vst v1  }
0xe0: {  	[tilespmem:s28+$0xFFFFFFD0] =	vst v0  }
0xe1: {  	v0 =	vld [tilespmem:s29+$0x1270];
	_ =	sdelay $0x4  }
0xe2: {  	v1 =	vshll.u32 v0, $0x10  }
0xe3: {  	v0 =	vand.u32 $0xFFFF0000, v0;
	[tilespmem:s28+$0xFFFFFFE0] =	vst v1  }
0xe4: {  	[tilespmem:s28+$0xFFFFFFF0] =	vst v0  }
0xe5: {  	v0 =	vld [tilespmem:s29+$0x1280];
	_ =	sdelay $0x4  }
0xe6: {  	v1 =	vshll.u32 v0, $0x10  }
0xe7: {  	v0 =	vand.u32 $0xFFFF0000, v0;
	[tilespmem:s28+$0x0] =	vst v1  }
0xe8: {  	[tilespmem:s28+$0x10] =	vst v0  }
0xe9: {  	v0 =	vld [tilespmem:s29+$0x1290];
	_ =	sdelay $0x4  }
0xea: {  	v1 =	vshll.u32 v0, $0x10  }
0xeb: {  	v0 =	vand.u32 $0xFFFF0000, v0;
	[tilespmem:s28+$0x20] =	vst v1  }
0xec: {  	[tilespmem:s28+$0x30] =	vst v0  }
0xed: {  	v0 =	vld [tilespmem:s29+$0x12A0];
	_ =	sdelay $0x4  }
0xee: {  	v1 =	vshll.u32 v0, $0x10  }
0xef: {  	v0 =	vand.u32 $0xFFFF0000, v0;
	[tilespmem:s28+$0x40] =	vst v1  }
0xf0: {  	[tilespmem:s28+$0x50] =	vst v0  }
0xf1: {  	v0 =	vld [tilespmem:s29+$0x12B0];
	_ =	sdelay $0x4  }
0xf2: {  	v1 =	vshll.u32 v0, $0x10  }
0xf3: {  	v0 =	vand.u32 $0xFFFF0000, v0;
	[tilespmem:s28+$0x60] =	vst v1  }
0xf4: {  	[tilespmem:s28+$0x70] =	vst v0  }
0xf5: {  	v0 =	vld [tilespmem:s29+$0x12C0];
	_ =	sdelay $0x4  }
0xf6: {  	v1 =	vshll.u32 v0, $0x10  }
0xf7: {  	v0 =	vand.u32 $0xFFFF0000, v0;
	[tilespmem:s28+$0x80] =	vst v1  }
0xf8: {  	[tilespmem:s28+$0x90] =	vst v0  }
0xf9: {  	v0 =	vld [tilespmem:s29+$0x12D0];
	_ =	sdelay $0x4  }
0xfa: {  	v1 =	vshll.u32 v0, $0x10  }
0xfb: {  	s30 =	simm.s32 $0x400;
	s31 =	simm.s32 $0x4300;
	v0 =	vand.u32 $0xFFFF0000, v0;
	[tilespmem:s28+$0xA0] =	vst v1  }
.LBB2_6:
0xfc: {  	p0 =	sne.s32 s30, $0x3C00  }
0xfd: {  	[tilespmem:s28+$0xB0] =	vst v0;
	s31 =	sadd.s32 $0x200, s31;
	s2 =	smov.u32 s30;
	s30 =	sadd.s32 $0x400, s30  }
0xfe: {  	v0 =	vld [tilespmem:s29+$0x12E0];
	_ =	sdelay $0x4  }
0xff: {  	v1 =	vshll.u32 v0, $0x10;
	v0 =	vand.u32 $0xFFFF0000, v0  }
0x100: {  	[tilespmem:s28+$0xC0] =	vst v1  }
0x101: {  	[tilespmem:s28+$0xD0] =	vst v0  }
0x102: {  	v0 =	vld [tilespmem:s29+$0x12F0];
	_ =	sdelay $0x4  }
0x103: {  	v1 =	vshll.u32 v0, $0x10;
	v0 =	vand.u32 $0xFFFF0000, v0  }
0x104: {  	[tilespmem:s28+$0xE0] =	vst v1  }
0x105: {  	s29 =	sshra.s32 s2, $0x2;
	[tilespmem:s28+$0xF0] =	vst v0;
	s28 =	smov.u32 s31  }
0x106: {  	v0 =	vld [tilespmem:s29+$0x1200];
	_ =	sdelay $0x4  }
0x107: {  	v1 =	vshll.u32 v0, $0x10;
	v0 =	vand.u32 $0xFFFF0000, v0  }
0x108: {  	[tilespmem:s31+$0xFFFFFF00] =	vst v1  }
0x109: {  	[tilespmem:s31+$0xFFFFFF10] =	vst v0  }
0x10a: {  	v0 =	vld [tilespmem:s29+$0x1210];
	_ =	sdelay $0x4  }
0x10b: {  	v1 =	vshll.u32 v0, $0x10;
	v0 =	vand.u32 $0xFFFF0000, v0  }
0x10c: {  	[tilespmem:s31+$0xFFFFFF20] =	vst v1  }
0x10d: {  	[tilespmem:s31+$0xFFFFFF30] =	vst v0  }
0x10e: {  	v0 =	vld [tilespmem:s29+$0x1220];
	_ =	sdelay $0x4  }
0x10f: {  	v1 =	vshll.u32 v0, $0x10;
	v0 =	vand.u32 $0xFFFF0000, v0  }
0x110: {  	[tilespmem:s31+$0xFFFFFF40] =	vst v1  }
0x111: {  	[tilespmem:s31+$0xFFFFFF50] =	vst v0  }
0x112: {  	v0 =	vld [tilespmem:s29+$0x1230];
	_ =	sdelay $0x4  }
0x113: {  	v1 =	vshll.u32 v0, $0x10;
	v0 =	vand.u32 $0xFFFF0000, v0  }
0x114: {  	[tilespmem:s31+$0xFFFFFF60] =	vst v1  }
0x115: {  	[tilespmem:s31+$0xFFFFFF70] =	vst v0  }
0x116: {  	v0 =	vld [tilespmem:s29+$0x1240];
	_ =	sdelay $0x4  }
0x117: {  	v1 =	vshll.u32 v0, $0x10;
	v0 =	vand.u32 $0xFFFF0000, v0  }
0x118: {  	[tilespmem:s31+$0xFFFFFF80] =	vst v1  }
0x119: {  	[tilespmem:s31+$0xFFFFFF90] =	vst v0  }
0x11a: {  	v0 =	vld [tilespmem:s29+$0x1250];
	_ =	sdelay $0x4  }
0x11b: {  	v1 =	vshll.u32 v0, $0x10;
	v0 =	vand.u32 $0xFFFF0000, v0  }
0x11c: {  	[tilespmem:s31+$0xFFFFFFA0] =	vst v1  }
0x11d: {  	[tilespmem:s31+$0xFFFFFFB0] =	vst v0  }
0x11e: {  	v0 =	vld [tilespmem:s29+$0x1260];
	_ =	sdelay $0x4  }
0x11f: {  	v1 =	vshll.u32 v0, $0x10;
	v0 =	vand.u32 $0xFFFF0000, v0  }
0x120: {  	[tilespmem:s31+$0xFFFFFFC0] =	vst v1  }
0x121: {  	[tilespmem:s31+$0xFFFFFFD0] =	vst v0  }
0x122: {  	v0 =	vld [tilespmem:s29+$0x1270];
	_ =	sdelay $0x4  }
0x123: {  	v1 =	vshll.u32 v0, $0x10;
	v0 =	vand.u32 $0xFFFF0000, v0  }
0x124: {  	[tilespmem:s31+$0xFFFFFFE0] =	vst v1  }
0x125: {  	[tilespmem:s31+$0xFFFFFFF0] =	vst v0  }
0x126: {  	v0 =	vld [tilespmem:s29+$0x1280];
	_ =	sdelay $0x4  }
0x127: {  	v1 =	vshll.u32 v0, $0x10;
	v0 =	vand.u32 $0xFFFF0000, v0  }
0x128: {  	[tilespmem:s31+$0x0] =	vst v1  }
0x129: {  	[tilespmem:s31+$0x10] =	vst v0  }
0x12a: {  	v0 =	vld [tilespmem:s29+$0x1290];
	_ =	sdelay $0x4  }
0x12b: {  	v1 =	vshll.u32 v0, $0x10;
	v0 =	vand.u32 $0xFFFF0000, v0  }
0x12c: {  	[tilespmem:s31+$0x20] =	vst v1  }
0x12d: {  	[tilespmem:s31+$0x30] =	vst v0  }
0x12e: {  	v0 =	vld [tilespmem:s29+$0x12A0];
	_ =	sdelay $0x4  }
0x12f: {  	v1 =	vshll.u32 v0, $0x10;
	v0 =	vand.u32 $0xFFFF0000, v0  }
0x130: {  	[tilespmem:s31+$0x40] =	vst v1  }
0x131: {  	[tilespmem:s31+$0x50] =	vst v0  }
0x132: {  	v0 =	vld [tilespmem:s29+$0x12B0];
	_ =	sdelay $0x4  }
0x133: {  	v1 =	vshll.u32 v0, $0x10;
	v0 =	vand.u32 $0xFFFF0000, v0  }
0x134: {  	[tilespmem:s31+$0x60] =	vst v1  }
0x135: {  	[tilespmem:s31+$0x70] =	vst v0  }
0x136: {  	v0 =	vld [tilespmem:s29+$0x12C0];
	_ =	sdelay $0x4  }
0x137: {  	v1 =	vshll.u32 v0, $0x10;
	v0 =	vand.u32 $0xFFFF0000, v0  }
0x138: {  	[tilespmem:s31+$0x80] =	vst v1  }
0x139: {  	[tilespmem:s31+$0x90] =	vst v0  }
0x13a: {  	v0 =	vld [tilespmem:s29+$0x12D0];
	_ =	sdelay $0x1  }
.Ltmp5:
0x13b: {  	(pc) =	sbr.rel @p0 .LBB2_6-.Ltmp5, $3  }
0x13c: {  	_ =	sdelay $0x1  }
0x13d: {  	v1 =	vshll.u32 v0, $0x10;
	v0 =	vand.u32 $0xFFFF0000, v0  }
0x13e: {  	[tilespmem:s31+$0xA0] =	vst v1  }
0x13f: {  	[tilespmem:s28+$0xB0] =	vst v0  }
0x140: {  	v0 =	vld [tilespmem:s29+$0x12E0];
	_ =	sdelay $0x4  }
0x141: {  	v1 =	vshll.u32 v0, $0x10  }
0x142: {  	v0 =	vand.u32 $0xFFFF0000, v0;
	[tilespmem:s28+$0xC0] =	vst v1  }
0x143: {  	[tilespmem:s28+$0xD0] =	vst v0  }
0x144: {  	v0 =	vld [tilespmem:s29+$0x12F0];
	_ =	sdelay $0x1  }
0x145: {  	p0 =	seq.s32 s24, $0x8  }
.Ltmp6:
0x146: {  	_ = 	snop;
	(pc) =	sbr.rel @p0 .LBB2_9-.Ltmp6, $4  }
0x147: {  	_ = 	snop  }
0x148: {  	v63 =	vshll.u32 v0, $0x10  }
0x149: {  	v0 =	vand.u32 $0xFFFF0000, v0;
	[tilespmem:s28+$0xE0] =	vst v63  }
0x14a: {  	s26 =	sadd.s32 $0x900, s26;
	[tilespmem:s28+$0xF0] =	vst v0  }
.Ltmp7:
0x14b: {  	(pc) =	sbr.rel .LBB2_3-.Ltmp7, $4  }
0x14c: {  	s2 =	sadd.s32 $0x100, s25  }
0x14d: {  	[tilespmem:s17], [sflag:$0x1] =	stream.indirect.gather [hbm4b:s1+s16], $0x20, s2, s16, $0xb8;
	[tilespmem:$0xFE80] =	vst v63  }
0x14e: {  	s24 =	sadd.s32 $0x1, s24  }
0x14f: {  	[spmem:s3] =	stream.indirect.scatter.add.f32 [tilespmem:s20], [sflag:$0x3], $0x40, s26, s16, $0xb8;
	[tilespmem:$0xFE80] =	vst v63  }
.LBB2_11:
0x150: {  	_ =	sfence.sel $0x180000  }
0x151: {  	[bflag:$0x0] =	sbarrier.arrive $0xFFFF  }
0x152: {  	_ =	strace $0x90000050  }
0x153: {  	[bflag:$0x2] =	sbarrier.arrive $0xFFFF  }
0x154: {  	p0 =	sne.s32 s0, $0x0;
	s0 =	rddreg [dreg:$0x3]  }
0x155: {  	s0 =	sadd.s32 @!p0 $0x100000, s0  }
0x156: {  	[sflag:s0] =	ssyncadd.tile.s32 @!p0 $0x1;
	_ =	shalt  }
.Lfunc_end2:
_tile_overlayer_lowered:
.L_overlay_start_2:
0x157: {  	(tag) =	ssettag $0x2  }
0x158: {  	s0 =	rddreg [dreg:$0x0];
	s2 =	stileid.u32  }
0x159: {  	s1 =	rddreg [dreg:$0x1];
	p0 =	sne.s32 s2, $0x0  }
0x15a: {  	s3 =	rddreg [dreg:$0x2];
	[bflag:$0x3] =	sbarrier.arrive $0xFFFF;
	s2 =	simm.s32 @!p0 $0x1C04  }
0x15b: {  	[timem:s3], [sflag:s2] =	dma.local @!p0 [hbm:s0], s1  }
0x15c: {  	s0 =	simm.s32 @!p0 $0x4  }
0x15d: {  	_ =	swait.ge @!p0 [sflag:s0], s1  }
0x15e: {  	s1 =	ssub.s32 @!p0 $0x0, s1;
	[sflag:s0] =	ssyncset.done @!p0 $0x0  }
0x15f: {  	[sflag:s0] =	ssyncadd.s32 @!p0 s1  }
0x160: {  	[bflag:$0x3] =	sbarrier.arrive $0xFFFF  }
0x161: {  	_ =	shalt  }

</sc_bundles>
